<compile_context>
chip_gen: v7x
topology: tpu7x:2x2x1
jax: 0.10.2.dev20260603
libtpu: 0.0.44.dev20260713+nightly
codegen_flags: <defaults>
</compile_context>

<pallas_src>
import functools

import jax
import jax.numpy as jnp
from jax import lax
from jax.experimental import pallas as pl
from jax.experimental.pallas import tpu as pltpu
from jax.experimental.pallas import tpu_sc as plsc

N_TRAIN = 1000000
NUM_CLASSES = 100
BATCH = 4096
MOMENTUM = 0.9
START_EPOCH = 60

C = NUM_CLASSES
CP = 128
W = 512
NWIN = 1953
BASE64 = NWIN * W
NC_SC, NS_SC = 2, 16
NTILES = NC_SC * NS_SC
PBCAP = 32
WBYTES = C * W * 4


def _tc_pre_body(logits_ref, probs_ref, logp_ref):
  x = logits_ref[...]
  colv = lax.broadcasted_iota(jnp.int32, (BATCH, CP), 1)
  xp = jnp.pad(x, ((0, 0), (0, CP - C)), constant_values=-1e30)
  m = jnp.max(xp, axis=1, keepdims=True)
  z = xp - m
  e = jnp.exp(z)
  s = jnp.sum(e, axis=1, keepdims=True)
  probs_ref[...] = e / s
  logp_ref[...] = jnp.where(colv < C, z - jnp.log(s), 0.0)


_tc_pre = pl.pallas_call(
    _tc_pre_body,
    out_shape=(
        jax.ShapeDtypeStruct((BATCH, CP), jnp.float32),
        jax.ShapeDtypeStruct((BATCH, CP), jnp.float32),
    ),
)


def _make_sc_sweep():
  mesh_sc = plsc.VectorSubcoreMesh(
      core_axis_name="c", subcore_axis_name="s",
      num_cores=NC_SC, num_subcores=NS_SC)

  @functools.partial(
      pl.kernel,
      out_type=(
          jax.ShapeDtypeStruct((C, N_TRAIN), jnp.float32),
          jax.ShapeDtypeStruct((NTILES, 16), jnp.float32),
      ),
      mesh=mesh_sc,
      scratch_types=[
          pltpu.VMEM((BATCH + 16,), jnp.int32),
          pltpu.VMEM((BATCH + 16,), jnp.int32),
          pltpu.VMEM((BATCH + 16,), jnp.int32),
          pltpu.VMEM((C, W), jnp.float32),
          pltpu.VMEM((C, W), jnp.float32),
          pltpu.VMEM((PBCAP, CP), jnp.float32),
          pltpu.VMEM((PBCAP, CP), jnp.float32),
          pltpu.VMEM((16,), jnp.float32),
          pltpu.VMEM((16,), jnp.float32),
          pltpu.SMEM((PBCAP,), jnp.int32),
          pltpu.SemaphoreType.DMA,
          pltpu.SemaphoreType.DMA,
          pltpu.SemaphoreType.DMA,
      ],
      compiler_params=pltpu.CompilerParams(needs_layout_passes=False),
  )
  def sc_sweep(tT_hbm, idx_hbm, probs_hbm, logp_hbm,
               outT_hbm, part_hbm,
               idx_v, my_idx, my_gid, win0_v, win1_v, pb_v, lb_v, st_v,
               acc_v, sl_s, isem, osem, rsem):
    wid = lax.axis_index("s") * NC_SC + lax.axis_index("c")
    lanes = lax.iota(jnp.int32, 16)
    acc_v[...] = jnp.zeros((16,), jnp.float32)
    pltpu.sync_copy(idx_hbm, idx_v.at[pl.ds(0, BATCH)])

    def compact(cc, nm):
      iv = idx_v[pl.ds(cc * 16, 16)]
      mine = jnp.logical_and((iv >> 9) & (NTILES - 1) == wid, iv < BASE64)
      plsc.store_compressed(my_idx.at[pl.ds(nm, 16)], iv, mask=mine)
      plsc.store_compressed(my_gid.at[pl.ds(nm, 16)], cc * 16 + lanes, mask=mine)
      return nm + jnp.max(plsc.all_reduce_population_count(mine))

    nmine = lax.fori_loop(0, BATCH // 16, compact, 0)
    nch = (nmine + 15) >> 4

    nwin_mine = (NWIN - 1 - wid) // NTILES + 1

    def start_in(o_next, buf):
      pltpu.make_async_copy(tT_hbm.at[:, pl.ds(o_next, W)], buf, isem).start()

    def wait_in():
      pltpu.make_async_copy(tT_hbm.at[:, pl.ds(0, W)], win0_v, isem).wait()

    def wait_out():
      pltpu.make_async_copy(tT_hbm.at[:, pl.ds(0, W)], win0_v, osem).wait()

    start_in(wid * W, win0_v)

    def window_body(wi, carry):
      o = (wid + wi * NTILES) * W

      def scan_chunk(cc, k):
        iv = my_idx[pl.ds(cc * 16, 16)]
        gv = my_gid[pl.ds(cc * 16, 16)]
        valid = (cc * 16 + lanes) < nmine
        inwin = jnp.logical_and(
            valid, jnp.logical_and(iv >= o, iv < o + W))
        cnt = jnp.max(plsc.all_reduce_population_count(inwin))

        def lane_loop(_, state):
          k2, m = state
          j = jnp.max(plsc.all_reduce_ffs(m))
          onehot = (lanes == j).astype(jnp.int32)
          val = jnp.sum(iv * onehot)
          gid = jnp.sum(gv * onehot)
          pltpu.make_async_copy(
              probs_hbm.at[pl.ds(gid, 1)],
              pb_v.at[pl.ds(k2, 1)], rsem).start()
          pltpu.make_async_copy(
              logp_hbm.at[pl.ds(gid, 1)],
              lb_v.at[pl.ds(k2, 1)], rsem).start()
          sl_s[k2] = val - o
          return k2 + 1, jnp.logical_and(m, lanes != j)

        k2, _ = lax.fori_loop(0, cnt, lane_loop, (k, inwin))
        return k2

      nb = lax.fori_loop(0, nch, scan_chunk, 0)

      @pl.when(wi + 1 < nwin_mine)
      def _():
        @pl.when(wi >= 1)
        def _():
          wait_out()

        o_next = o + NTILES * W

        @pl.when(wi % 2 == 0)
        def _():
          start_in(o_next, win1_v)

        @pl.when(wi % 2 == 1)
        def _():
          start_in(o_next, win0_v)

      def drain(_, c):
        pltpu.make_async_copy(
            probs_hbm.at[pl.ds(0, 1)], pb_v.at[pl.ds(0, 1)], rsem).wait()
        pltpu.make_async_copy(
            logp_hbm.at[pl.ds(0, 1)], lb_v.at[pl.ds(0, 1)], rsem).wait()
        return c

      lax.fori_loop(0, nb, drain, 0)
      wait_in()

      def run_phase_b(buf):
        def rmw(k, c2):
          col = jnp.full((16,), sl_s[k], dtype=jnp.int32)
          dotv = jnp.zeros((16,), jnp.float32)
          wmax = jnp.full((16,), -jnp.inf, dtype=jnp.float32)
          for cc in range(7):
            rows = cc * 16 + lanes
            msk = rows < C
            old16 = plsc.load_gather(buf, [rows, col], mask=msk)
            pk = pb_v[k, pl.ds(cc * 16, 16)]
            lk = lb_v[k, pl.ds(cc * 16, 16)]
            new16 = MOMENTUM * old16 + (1.0 - MOMENTUM) * pk
            plsc.store_scatter(buf, [rows, col], new16, mask=msk)
            dotv = dotv + new16 * lk * jnp.where(msk, 1.0, 0.0)
            wmax = jnp.maximum(wmax, jnp.where(msk, new16, -jnp.inf))
          acc_v[...] = (acc_v[...]
                        + jnp.where(lanes == 0, -jnp.sum(dotv), 0.0)
                        + jnp.where(lanes == 1, jnp.max(wmax), 0.0))
          return c2

        lax.fori_loop(0, nb, rmw, 0)
        pltpu.make_async_copy(buf, outT_hbm.at[:, pl.ds(o, W)], osem).start()

      @pl.when(wi % 2 == 0)
      def _():
        run_phase_b(win0_v)

      @pl.when(wi % 2 == 1)
      def _():
        run_phase_b(win1_v)

      return carry

    lax.fori_loop(0, nwin_mine, window_body, 0)
    wait_out()
    wait_out()

    st_v[...] = acc_v[...]
    pltpu.sync_copy(st_v, part_hbm.at[wid])

  return sc_sweep


_sc_sweep = _make_sc_sweep()


def _tc_tail_body(alias_ref, tblk_ref, probs_ref, logp_ref, idx_ref,
                  parts_ref, outblk_ref, loss_ref):
  del alias_ref
  blk = tblk_ref[...]
  idxc = idx_ref[...]
  col = lax.broadcasted_iota(jnp.int32, (1, 128), 1) + BASE64
  m_scatter = (idxc == col).astype(jnp.float32)
  old = lax.dot_general(m_scatter, blk, (((1,), (1,)), ((), ())))
  inb = (idxc >= BASE64).astype(jnp.float32)
  new = MOMENTUM * old + (1.0 - MOMENTUM) * probs_ref[:, :C]
  scat = lax.dot_general(new, m_scatter, (((0,), (0,)), ((), ())))
  hit = jnp.max(m_scatter, axis=0, keepdims=True)
  outblk_ref[...] = jnp.where(hit > 0, scat, blk)
  lp = -jnp.sum(new * logp_ref[:, :C], axis=1, keepdims=True)
  wv = jnp.max(new, axis=1, keepdims=True)
  loss_sum = jnp.sum(parts_ref[:, 0:1]) + jnp.sum(lp * inb)
  w_sum = jnp.sum(parts_ref[:, 1:2]) + jnp.sum(wv * inb)
  loss_ref[...] = (loss_sum / w_sum).reshape(1, 1)


_tc_tail = pl.pallas_call(
    _tc_tail_body,
    grid=(1,),
    in_specs=[
        pl.BlockSpec(memory_space=pl.ANY),
        pl.BlockSpec((C, 128), lambda i: (0, BASE64 // 128)),
        pl.BlockSpec((BATCH, CP), lambda i: (0, 0)),
        pl.BlockSpec((BATCH, CP), lambda i: (0, 0)),
        pl.BlockSpec((BATCH, 1), lambda i: (0, 0)),
        pl.BlockSpec((NTILES, 16), lambda i: (0, 0)),
    ],
    out_specs=(
        pl.BlockSpec((C, 128), lambda i: (0, BASE64 // 128)),
        pl.BlockSpec((1, 1), lambda i: (0, 0)),
    ),
    out_shape=(
        jax.ShapeDtypeStruct((C, N_TRAIN), jnp.float32),
        jax.ShapeDtypeStruct((1, 1), jnp.float32),
    ),
    input_output_aliases={0: 0},
)


def kernel(logits, labels, label_idxs, epoch, adaptive_labels):
  def ce_branch(_):
    log_p = jax.nn.log_softmax(logits, axis=1)
    ce = -jnp.take_along_axis(log_p, labels[:, None].astype(jnp.int32),
                              axis=1)[:, 0]
    return jnp.mean(ce), adaptive_labels

  def sat_branch(_):
    probs_pad, logp_pad = _tc_pre(logits)
    tT = jnp.transpose(adaptive_labels)
    outT, parts = _sc_sweep(tT, label_idxs, probs_pad, logp_pad)
    outT2, loss = _tc_tail(outT, tT, probs_pad, logp_pad,
                           label_idxs.reshape(BATCH, 1), parts)
    return loss[0, 0], jnp.transpose(outT2)

  return jax.lax.cond(epoch < START_EPOCH, ce_branch, sat_branch, None)

# --- scband reference (transcript-rebuilt; emitter-appended) ---
"""Pipeline reference for scband-self-adaptive-training-24773371363501 (READ-ONLY COPY).

The authoritative reference and input builder live on the scoring server;
editing this copy changes nothing except your own understanding.
"""

import jax, jax.numpy as jnp
import numpy as np

N_TRAIN = 1000000
NUM_CLASSES = 100
BATCH = 4096
MOMENTUM = 0.9
START_EPOCH = 60


def setup_inputs(seed: int = 0) -> dict:
    key = jax.random.key(seed)
    k1, k2, k3, k4 = jax.random.split(key, 4)
    logits = jax.random.normal(k1, (BATCH, NUM_CLASSES), dtype=jnp.float32)
    labels = jax.random.randint(k2, (BATCH,), 0, NUM_CLASSES, dtype=jnp.int32)
    label_idxs = jax.random.randint(k3, (BATCH,), 0, N_TRAIN, dtype=jnp.int32)
    # Buffer built in __init__: one-hot of all training labels, shape [N_TRAIN, NUM_CLASSES]
    all_labels = jax.random.randint(k4, (N_TRAIN,), 0, NUM_CLASSES, dtype=jnp.int32)
    adaptive_labels = jax.nn.one_hot(all_labels, NUM_CLASSES, dtype=jnp.float32)
    epoch = 100  # >= start_epoch -> self-adaptive path
    return {"logits": logits, "labels": labels, "label_idxs": label_idxs,
            "epoch": epoch, "adaptive_labels": adaptive_labels}


def reference(logits, labels, label_idxs, epoch, adaptive_labels):
    def ce_branch(_):
        # plain cross-entropy fallback
        log_p = jax.nn.log_softmax(logits, axis=1)
        ce = -jnp.take_along_axis(log_p, labels[:, None].astype(jnp.int32), axis=1)[:, 0]
        return jnp.mean(ce), adaptive_labels

    def sat_branch(_):
        # gather current soft labels (memory-bound gather over 1M-row table)
        old_rows = jnp.take(adaptive_labels, label_idxs, axis=0)
        probs = jax.nn.softmax(jax.lax.stop_gradient(logits), axis=1)
        new_rows = MOMENTUM * old_rows + (1.0 - MOMENTUM) * probs
        # scatter-overwrite back into the memory table
        new_table = adaptive_labels.at[label_idxs].set(new_rows)
        # per-sample confidence weights
        w = jnp.max(new_rows, axis=1)
        weights = new_rows.shape[0] / jnp.sum(w)
        # soft-label cross entropy (criterion with y=new_rows, reduction=False)
        log_p = jax.nn.log_softmax(logits, axis=1)
        loss = -jnp.sum(new_rows * log_p, axis=1)
        # cls_weights is None -> reduction(loss * weights)
        return jnp.mean(loss * weights), new_table

    return jax.lax.cond(epoch < START_EPOCH, ce_branch, sat_branch, None)

if __name__ == "__main__":
    import jax
    _d = setup_inputs()
    print(jax.jit(kernel)(*tuple(_d.values())))

</pallas_src>

<mosaic_0001>
#map = affine_map<(d0, d1) -> (0, 0)>
#map1 = affine_map<(d0, d1) -> (0)>
module attributes {stable_mosaic.version = 14 : i64} {
  func.func @sc_sweep(%arg0: i32, %arg1: i32, %arg2: memref<100x1000000xf32, #tpu.memory_space<hbm>>, %arg3: memref<4096xi32, #tpu.memory_space<hbm>>, %arg4: memref<4096x128xf32, #tpu.memory_space<hbm>>, %arg5: memref<4096x128xf32, #tpu.memory_space<hbm>>, %arg6: memref<100x1000000xf32, #tpu.memory_space<hbm>>, %arg7: memref<32x16xf32, #tpu.memory_space<hbm>>, %arg8: memref<4112xi32, #tpu.memory_space<vmem>>, %arg9: memref<4112xi32, #tpu.memory_space<vmem>>, %arg10: memref<4112xi32, #tpu.memory_space<vmem>>, %arg11: memref<100x512xf32, #tpu.memory_space<vmem>>, %arg12: memref<100x512xf32, #tpu.memory_space<vmem>>, %arg13: memref<32x128xf32, #tpu.memory_space<vmem>>, %arg14: memref<32x128xf32, #tpu.memory_space<vmem>>, %arg15: memref<16xf32, #tpu.memory_space<vmem>>, %arg16: memref<16xf32, #tpu.memory_space<vmem>>, %arg17: memref<32xi32, #tpu.memory_space<smem>>, %arg18: memref<!tpu.dma_semaphore, #tpu.memory_space<semaphore_mem>>, %arg19: memref<!tpu.dma_semaphore, #tpu.memory_space<semaphore_mem>>, %arg20: memref<!tpu.dma_semaphore, #tpu.memory_space<semaphore_mem>>) attributes {dimension_semantics = [#tpu.dimension_semantics<core_parallel>, #tpu.dimension_semantics<subcore_parallel>], iteration_bounds = array<i64: 2, 16>, scalar_prefetch = 0 : i64, scratch_operands = 13 : i64, tpu.core_type = #tpu.core_type<sc_vector_subcore>, window_params = [{transform_indices = #map}, {transform_indices = #map1}, {transform_indices = #map}, {transform_indices = #map}, {transform_indices = #map}, {transform_indices = #map}]} {
    %mul3A = arith.constant 2 : i32
    %mul3A_0 = arith.muli %arg1, %mul3A : i32
    %add3A = arith.addi %mul3A_0, %arg0 : i32
    %iota3A = tpu.iota {dimensions = array<i32: 0>} : vector<16xi32>
    %broadcast_in_dim3A = arith.constant 0.000000e+00 : f32
    %broadcast_in_dim3A_1 = vector.broadcast %broadcast_in_dim3A : f32 to vector<16xf32>
    %swap3A = arith.constant 0 : index
    %swap3A_2 = tpu.vector_load %arg16[%swap3A] {strides = array<i32>} : memref<16xf32, #tpu.memory_space<vmem>>, vector<16xf32>,
    tpu.vector_store %arg16[%swap3A], %broadcast_in_dim3A_1 {strides = array<i32>} : memref<16xf32, #tpu.memory_space<vmem>>, vector<16xf32>,
    "tpu.region"() ({
      %run_scoped3A = tpu.sem_alloc : memref<!tpu.dma_semaphore, #tpu.memory_space<semaphore_mem>>
      %dma_start3A_60 = arith.constant 0 : i32
      %dma_start3A_61 = tpu.memref_slice %arg8[%dma_start3A_60] : memref<4112xi32, #tpu.memory_space<vmem>> -> memref<4096xi32, #tpu.memory_space<vmem>>
      %dma_start3A_62 = arith.constant 0 : i32
      %dma_start3A_63 = tpu.memref_slice %arg8[%dma_start3A_62] : memref<4112xi32, #tpu.memory_space<vmem>> -> memref<4096xi32, #tpu.memory_space<vmem>>
      tpu.enqueue_dma source(%arg3 : memref<4096xi32, #tpu.memory_space<hbm>>) target(%dma_start3A_63 : memref<4096xi32, #tpu.memory_space<vmem>>) target_semaphore(%run_scoped3A : memref<!tpu.dma_semaphore, #tpu.memory_space<semaphore_mem>>)
      %dma_wait3A_64 = arith.constant 0 : i32
      %dma_wait3A_65 = tpu.memref_slice %arg8[%dma_wait3A_64] : memref<4112xi32, #tpu.memory_space<vmem>> -> memref<4096xi32, #tpu.memory_space<vmem>>
      %dma_wait3A_66 = arith.constant 0 : i32
      %dma_wait3A_67 = tpu.memref_slice %arg8[%dma_wait3A_66] : memref<4112xi32, #tpu.memory_space<vmem>> -> memref<4096xi32, #tpu.memory_space<vmem>>
      tpu.wait_dma2 semaphore(%run_scoped3A : memref<!tpu.dma_semaphore, #tpu.memory_space<semaphore_mem>>) src(%arg3 : memref<4096xi32, #tpu.memory_space<hbm>>) dst(%dma_wait3A_67 : memref<4096xi32, #tpu.memory_space<vmem>>)
      tpu.yield
    }) : () -> ()
    %scan3A = arith.constant 0 : i32
    %scan3A_3 = arith.constant 0 : i32
    %scan3A_4 = arith.constant 256 : i32
    %scan3A_5 = arith.addi %scan3A_3, %scan3A_4 : i32
    %scan3A_6 = arith.constant 1 : i32
    %scan3A_7 = scf.for %scan3A_60 = %scan3A_3 to %scan3A_5 step %scan3A_6 iter_args(%scan3A_61 = %scan3A) -> (i32)  : i32 {
      %mul3A_62 = arith.constant 16 : i32
      %mul3A_63 = arith.muli %scan3A_60, %mul3A_62 : i32
      %get3A_64 = arith.index_cast %mul3A_63 : i32 to index
      %get3A_65 = tpu.vector_load %arg8[%get3A_64] {strides = array<i32>} : memref<4112xi32, #tpu.memory_space<vmem>>, vector<16xi32>,
      %shift_right_arithmetic3A_66 = arith.constant 9 : i32
      %shift_right_arithmetic3A_67 = vector.broadcast %shift_right_arithmetic3A_66 : i32 to vector<16xi32>
      %shift_right_arithmetic3A_68 = arith.shrsi %get3A_65, %shift_right_arithmetic3A_67 : vector<16xi32>
      %and3A_69 = arith.constant 31 : i32
      %and3A_70 = vector.broadcast %and3A_69 : i32 to vector<16xi32>
      %and3A_71 = arith.andi %shift_right_arithmetic3A_68, %and3A_70 : vector<16xi32>
      %eq3A = vector.broadcast %add3A : i32 to vector<16xi32>
      %eq3A_72 = arith.cmpi eq, %and3A_71, %eq3A : vector<16xi32>
      %lt3A = arith.constant 999936 : i32
      %lt3A_73 = vector.broadcast %lt3A : i32 to vector<16xi32>
      %lt3A_74 = arith.cmpi slt, %get3A_65, %lt3A_73 : vector<16xi32>
      %and3A_75 = arith.andi %eq3A_72, %lt3A_74 : vector<16xi1>
      %swap3A_76 = arith.index_cast %scan3A_61 : i32 to index
      %swap3A_77 = tpu.vector_load %arg9[%swap3A_76] masked %and3A_75 {strides = array<i32>} : memref<4112xi32, #tpu.memory_space<vmem>>, vector<16xi32>, vector<16xi1>
      tpu.vector_store %arg9[%swap3A_76], %get3A_65 masked %and3A_75 {strides = array<i32>} : memref<4112xi32, #tpu.memory_space<vmem>>, vector<16xi32>, vector<16xi1>
      %mul3A_78 = arith.constant 16 : i32
      %mul3A_79 = arith.muli %scan3A_60, %mul3A_78 : i32
      %add3A_80 = vector.broadcast %mul3A_79 : i32 to vector<16xi32>
      %add3A_81 = arith.addi %add3A_80, %iota3A : vector<16xi32>
      %swap3A_82 = arith.index_cast %scan3A_61 : i32 to index
      %swap3A_83 = tpu.vector_load %arg10[%swap3A_82] masked %and3A_75 {strides = array<i32>} : memref<4112xi32, #tpu.memory_space<vmem>>, vector<16xi32>, vector<16xi1>
      tpu.vector_store %arg10[%swap3A_82], %add3A_81 masked %and3A_75 {strides = array<i32>} : memref<4112xi32, #tpu.memory_space<vmem>>, vector<16xi32>, vector<16xi1>
      %all_reduce_population_count3A = tpu.all_reduce %and3A_75 {dim = 0 : i64, kind = #tpu.reduction_kind<sum>} : vector<16xi1> -> vector<16xi32>
      %reduce_max3A = arith.constant true
      %reduce_max3A_84 = vector.broadcast %reduce_max3A : i1 to vector<16xi1>
      %reduce_max3A_85 = arith.constant -2147483648 : i32
      %reduce_max3A_86 = vector.broadcast %reduce_max3A_85 : i32 to vector<16xi32>
      %reduce_max3A_87 = arith.xori %all_reduce_population_count3A, %reduce_max3A_86 : vector<16xi32>
      %reduce_max3A_88 = tpu.scan <max>, %reduce_max3A_87 masked %reduce_max3A_84 : vector<16xi32>, vector<16xi1> -> vector<16xi32>
      %reduce_max3A_89 = arith.xori %reduce_max3A_88, %reduce_max3A_86 : vector<16xi32>
      %reduce_max3A_90 = vector.extract %reduce_max3A_89[15] : i32 from vector<16xi32>
      %add3A_91 = arith.addi %scan3A_61, %reduce_max3A_90 : i32
      scf.yield %add3A_91 : i32
    }
    %scan3A_8 = arith.constant 256 : i32
    %add3A_9 = arith.constant 15 : i32
    %add3A_10 = arith.addi %scan3A_7, %add3A_9 : i32
    %shift_right_arithmetic3A = arith.constant 4 : i32
    %shift_right_arithmetic3A_11 = arith.shrsi %add3A_10, %shift_right_arithmetic3A : i32
    %sub3A = arith.constant 1952 : i32
    %sub3A_12 = arith.subi %sub3A, %add3A : i32
    %jit3A = arith.constant 32 : i32
    %div3A = arith.divsi %sub3A_12, %jit3A : i32
    %sign3A = arith.constant 0 : i32
    %sign3A_13 = arith.cmpi sgt, %sub3A_12, %sign3A : i32
    %sign3A_14 = arith.extui %sign3A_13 : i1 to i32
    %sign3A_15 = arith.constant 0 : i32
    %sign3A_16 = arith.cmpi slt, %sub3A_12, %sign3A_15 : i32
    %sign3A_17 = arith.extui %sign3A_16 : i1 to i32
    %sign3A_18 = arith.subi %sign3A_14, %sign3A_17 : i32
    %sign3A_19 = arith.constant 0 : i32
    %sign3A_20 = arith.cmpi sgt, %jit3A, %sign3A_19 : i32
    %sign3A_21 = arith.extui %sign3A_20 : i1 to i32
    %sign3A_22 = arith.constant 0 : i32
    %sign3A_23 = arith.cmpi slt, %jit3A, %sign3A_22 : i32
    %sign3A_24 = arith.extui %sign3A_23 : i1 to i32
    %sign3A_25 = arith.subi %sign3A_21, %sign3A_24 : i32
    %ne3A = arith.cmpi ne, %sign3A_18, %sign3A_25 : i32
    %rem3A = arith.remsi %sub3A_12, %jit3A : i32
    %ne3A_26 = arith.constant 0 : i32
    %ne3A_27 = arith.cmpi ne, %rem3A, %ne3A_26 : i32
    %and3A = arith.andi %ne3A, %ne3A_27 : i1
    %sub3A_28 = arith.constant 1 : i32
    %sub3A_29 = arith.subi %div3A, %sub3A_28 : i32
    %select_n3A = arith.select %and3A, %sub3A_29, %div3A : i32
    %add3A_30 = arith.constant 1 : i32
    %add3A_31 = arith.addi %select_n3A, %add3A_30 : i32
    %mul3A_32 = arith.constant 512 : i32
    %mul3A_33 = arith.muli %add3A, %mul3A_32 : i32
    %dma_start3A = arith.constant 0 : i32
    %dma_start3A_34 = tpu.memref_slice %arg2[%dma_start3A, %mul3A_33] : memref<100x1000000xf32, #tpu.memory_space<hbm>> -> memref<100x512xf32, #tpu.memory_space<hbm>>
    %dma_start3A_35 = arith.constant 0 : i32
    %dma_start3A_36 = tpu.memref_slice %arg2[%dma_start3A_35, %mul3A_33] : memref<100x1000000xf32, #tpu.memory_space<hbm>> -> memref<100x512xf32, #tpu.memory_space<hbm>>
    tpu.enqueue_dma source(%dma_start3A_36 : memref<100x512xf32, #tpu.memory_space<hbm>>) target(%arg11 : memref<100x512xf32, #tpu.memory_space<vmem>>) target_semaphore(%arg18 : memref<!tpu.dma_semaphore, #tpu.memory_space<semaphore_mem>>)
    %while3A = arith.constant 0 : i32
    %while3A_37 = arith.constant 0 : i32
    %while3A_38 = arith.subi %add3A_31, %while3A_37 : i32
    %while3A_39 = arith.addi %while3A_37, %while3A_38 : i32
    %while3A_40 = arith.constant 1 : i32
    %while3A_41 = arith.divsi %while3A_38, %while3A_40 : i32
    %while3A_42 = arith.muli %while3A_41, %while3A_40 : i32
    %while3A_43 = arith.addi %while3A_37, %while3A_42 : i32
    %while3A_44 = arith.constant 1 : i32
    scf.for %while3A_60 = %while3A_37 to %while3A_43 step %while3A_44  : i32 {
      %mul3A_61 = arith.constant 32 : i32
      %mul3A_62 = arith.muli %while3A_60, %mul3A_61 : i32
      %add3A_63 = arith.addi %add3A, %mul3A_62 : i32
      %mul3A_64 = arith.constant 512 : i32
      %mul3A_65 = arith.muli %add3A_63, %mul3A_64 : i32
      %while3A_66 = arith.constant 0 : i32
      %while3A_67 = arith.constant 0 : i32
      %while3A_68 = arith.subi %shift_right_arithmetic3A_11, %while3A_66 : i32
      %while3A_69 = arith.addi %while3A_66, %while3A_68 : i32
      %while3A_70 = arith.constant 1 : i32
      %while3A_71 = arith.divsi %while3A_68, %while3A_70 : i32
      %while3A_72 = arith.muli %while3A_71, %while3A_70 : i32
      %while3A_73 = arith.addi %while3A_66, %while3A_72 : i32
      %while3A_74 = arith.constant 1 : i32
      %while3A_75 = scf.for %while3A_138 = %while3A_66 to %while3A_73 step %while3A_74 iter_args(%while3A_139 = %while3A_67) -> (i32)  : i32 {
        %mul3A_140 = arith.constant 16 : i32
        %mul3A_141 = arith.muli %while3A_138, %mul3A_140 : i32
        %get3A_142 = arith.index_cast %mul3A_141 : i32 to index
        %get3A_143 = tpu.vector_load %arg9[%get3A_142] {strides = array<i32>} : memref<4112xi32, #tpu.memory_space<vmem>>, vector<16xi32>,
        %mul3A_144 = arith.constant 16 : i32
        %mul3A_145 = arith.muli %while3A_138, %mul3A_144 : i32
        %get3A_146 = arith.index_cast %mul3A_145 : i32 to index
        %get3A_147 = tpu.vector_load %arg10[%get3A_146] {strides = array<i32>} : memref<4112xi32, #tpu.memory_space<vmem>>, vector<16xi32>,
        %mul3A_148 = arith.constant 16 : i32
        %mul3A_149 = arith.muli %while3A_138, %mul3A_148 : i32
        %add3A_150 = vector.broadcast %mul3A_149 : i32 to vector<16xi32>
        %add3A_151 = arith.addi %add3A_150, %iota3A : vector<16xi32>
        %lt3A_152 = vector.broadcast %scan3A_7 : i32 to vector<16xi32>
        %lt3A_153 = arith.cmpi slt, %add3A_151, %lt3A_152 : vector<16xi32>
        %ge3A = vector.broadcast %mul3A_65 : i32 to vector<16xi32>
        %ge3A_154 = arith.cmpi sge, %get3A_143, %ge3A : vector<16xi32>
        %add3A_155 = arith.constant 512 : i32
        %add3A_156 = arith.addi %mul3A_65, %add3A_155 : i32
        %lt3A_157 = vector.broadcast %add3A_156 : i32 to vector<16xi32>
        %lt3A_158 = arith.cmpi slt, %get3A_143, %lt3A_157 : vector<16xi32>
        %and3A_159 = arith.andi %ge3A_154, %lt3A_158 : vector<16xi1>
        %and3A_160 = arith.andi %lt3A_153, %and3A_159 : vector<16xi1>
        %all_reduce_population_count3A = tpu.all_reduce %and3A_160 {dim = 0 : i64, kind = #tpu.reduction_kind<sum>} : vector<16xi1> -> vector<16xi32>
        %reduce_max3A = arith.constant true
        %reduce_max3A_161 = vector.broadcast %reduce_max3A : i1 to vector<16xi1>
        %reduce_max3A_162 = arith.constant -2147483648 : i32
        %reduce_max3A_163 = vector.broadcast %reduce_max3A_162 : i32 to vector<16xi32>
        %reduce_max3A_164 = arith.xori %all_reduce_population_count3A, %reduce_max3A_163 : vector<16xi32>
        %reduce_max3A_165 = tpu.scan <max>, %reduce_max3A_164 masked %reduce_max3A_161 : vector<16xi32>, vector<16xi1> -> vector<16xi32>
        %reduce_max3A_166 = arith.xori %reduce_max3A_165, %reduce_max3A_163 : vector<16xi32>
        %reduce_max3A_167 = vector.extract %reduce_max3A_166[15] : i32 from vector<16xi32>
        %while3A_168 = arith.constant 0 : i32
        %while3A_169 = arith.subi %reduce_max3A_167, %while3A_168 : i32
        %while3A_170 = arith.addi %while3A_168, %while3A_169 : i32
        %while3A_171 = arith.constant 1 : i32
        %while3A_172 = arith.divsi %while3A_169, %while3A_171 : i32
        %while3A_173 = arith.muli %while3A_172, %while3A_171 : i32
        %while3A_174 = arith.addi %while3A_168, %while3A_173 : i32
        %while3A_175 = arith.constant 1 : i32
        %while3A_176:2 = scf.for %while3A_179 = %while3A_168 to %while3A_174 step %while3A_175 iter_args(%while3A_180 = %while3A_139, %while3A_181 = %and3A_160) -> (i32, vector<16xi1>)  : i32 {
          %all_reduce_ffs3A = tpu.all_reduce %while3A_181 {dim = 0 : i64, kind = #tpu.reduction_kind<find_first_set>} : vector<16xi1> -> vector<16xi32>
          %reduce_max3A_182 = arith.constant true
          %reduce_max3A_183 = vector.broadcast %reduce_max3A_182 : i1 to vector<16xi1>
          %reduce_max3A_184 = arith.constant -2147483648 : i32
          %reduce_max3A_185 = vector.broadcast %reduce_max3A_184 : i32 to vector<16xi32>
          %reduce_max3A_186 = arith.xori %all_reduce_ffs3A, %reduce_max3A_185 : vector<16xi32>
          %reduce_max3A_187 = tpu.scan <max>, %reduce_max3A_186 masked %reduce_max3A_183 : vector<16xi32>, vector<16xi1> -> vector<16xi32>
          %reduce_max3A_188 = arith.xori %reduce_max3A_187, %reduce_max3A_185 : vector<16xi32>
          %reduce_max3A_189 = vector.extract %reduce_max3A_188[15] : i32 from vector<16xi32>
          %eq3A_190 = vector.broadcast %reduce_max3A_189 : i32 to vector<16xi32>
          %eq3A_191 = arith.cmpi eq, %iota3A, %eq3A_190 : vector<16xi32>
          %convert_element_type3A_192 = arith.extui %eq3A_191 : vector<16xi1> to vector<16xi32>
          %mul3A_193 = arith.muli %get3A_143, %convert_element_type3A_192 : vector<16xi32>
          %reduce_sum3A = arith.constant true
          %reduce_sum3A_194 = vector.broadcast %reduce_sum3A : i1 to vector<16xi1>
          %reduce_sum3A_195 = tpu.scan <sum>, %mul3A_193 masked %reduce_sum3A_194 : vector<16xi32>, vector<16xi1> -> vector<16xi32>
          %reduce_sum3A_196 = vector.extract %reduce_sum3A_195[15] : i32 from vector<16xi32>
          %mul3A_197 = arith.muli %get3A_147, %convert_element_type3A_192 : vector<16xi32>
          %reduce_sum3A_198 = arith.constant true
          %reduce_sum3A_199 = vector.broadcast %reduce_sum3A_198 : i1 to vector<16xi1>
          %reduce_sum3A_200 = tpu.scan <sum>, %mul3A_197 masked %reduce_sum3A_199 : vector<16xi32>, vector<16xi1> -> vector<16xi32>
          %reduce_sum3A_201 = vector.extract %reduce_sum3A_200[15] : i32 from vector<16xi32>
          %dma_start3A_202 = arith.constant 0 : i32
          %dma_start3A_203 = tpu.memref_slice %arg13[%while3A_180, %dma_start3A_202] : memref<32x128xf32, #tpu.memory_space<vmem>> -> memref<1x128xf32, #tpu.memory_space<vmem>>
          %dma_start3A_204 = arith.constant 0 : i32
          %dma_start3A_205 = tpu.memref_slice %arg4[%reduce_sum3A_201, %dma_start3A_204] : memref<4096x128xf32, #tpu.memory_space<hbm>> -> memref<1x128xf32, #tpu.memory_space<hbm>>
          %dma_start3A_206 = arith.constant 0 : i32
          %dma_start3A_207 = tpu.memref_slice %arg13[%while3A_180, %dma_start3A_206] : memref<32x128xf32, #tpu.memory_space<vmem>> -> memref<1x128xf32, #tpu.memory_space<vmem>>
          %dma_start3A_208 = arith.constant 0 : i32
          %dma_start3A_209 = tpu.memref_slice %arg4[%reduce_sum3A_201, %dma_start3A_208] : memref<4096x128xf32, #tpu.memory_space<hbm>> -> memref<1x128xf32, #tpu.memory_space<hbm>>
          tpu.enqueue_dma source(%dma_start3A_209 : memref<1x128xf32, #tpu.memory_space<hbm>>) target(%dma_start3A_207 : memref<1x128xf32, #tpu.memory_space<vmem>>) target_semaphore(%arg20 : memref<!tpu.dma_semaphore, #tpu.memory_space<semaphore_mem>>)
          %dma_start3A_210 = arith.constant 0 : i32
          %dma_start3A_211 = tpu.memref_slice %arg14[%while3A_180, %dma_start3A_210] : memref<32x128xf32, #tpu.memory_space<vmem>> -> memref<1x128xf32, #tpu.memory_space<vmem>>
          %dma_start3A_212 = arith.constant 0 : i32
          %dma_start3A_213 = tpu.memref_slice %arg5[%reduce_sum3A_201, %dma_start3A_212] : memref<4096x128xf32, #tpu.memory_space<hbm>> -> memref<1x128xf32, #tpu.memory_space<hbm>>
          %dma_start3A_214 = arith.constant 0 : i32
          %dma_start3A_215 = tpu.memref_slice %arg14[%while3A_180, %dma_start3A_214] : memref<32x128xf32, #tpu.memory_space<vmem>> -> memref<1x128xf32, #tpu.memory_space<vmem>>
          %dma_start3A_216 = arith.constant 0 : i32
          %dma_start3A_217 = tpu.memref_slice %arg5[%reduce_sum3A_201, %dma_start3A_216] : memref<4096x128xf32, #tpu.memory_space<hbm>> -> memref<1x128xf32, #tpu.memory_space<hbm>>
          tpu.enqueue_dma source(%dma_start3A_217 : memref<1x128xf32, #tpu.memory_space<hbm>>) target(%dma_start3A_215 : memref<1x128xf32, #tpu.memory_space<vmem>>) target_semaphore(%arg20 : memref<!tpu.dma_semaphore, #tpu.memory_space<semaphore_mem>>)
          %sub3A_218 = arith.subi %reduce_sum3A_196, %mul3A_65 : i32
          %swap3A_219 = arith.index_cast %while3A_180 : i32 to index
          %swap3A_220 = memref.load %arg17[%swap3A_219] : memref<32xi32, #tpu.memory_space<smem>>
          memref.store %sub3A_218, %arg17[%swap3A_219] : memref<32xi32, #tpu.memory_space<smem>>
          %add3A_221 = arith.constant 1 : i32
          %add3A_222 = arith.addi %while3A_180, %add3A_221 : i32
          %ne3A_223 = vector.broadcast %reduce_max3A_189 : i32 to vector<16xi32>
          %ne3A_224 = arith.cmpi ne, %iota3A, %ne3A_223 : vector<16xi32>
          %and3A_225 = arith.andi %while3A_181, %ne3A_224 : vector<16xi1>
          scf.yield %add3A_222, %and3A_225 : i32, vector<16xi1>
        }
        %while3A_177 = arith.constant 1 : i32
        %while3A_178:2 = scf.for %while3A_179 = %while3A_174 to %while3A_170 step %while3A_177 iter_args(%while3A_180 = %while3A_176#0, %while3A_181 = %while3A_176#1) -> (i32, vector<16xi1>)  : i32 {
          %all_reduce_ffs3A = tpu.all_reduce %while3A_181 {dim = 0 : i64, kind = #tpu.reduction_kind<find_first_set>} : vector<16xi1> -> vector<16xi32>
          %reduce_max3A_182 = arith.constant true
          %reduce_max3A_183 = vector.broadcast %reduce_max3A_182 : i1 to vector<16xi1>
          %reduce_max3A_184 = arith.constant -2147483648 : i32
          %reduce_max3A_185 = vector.broadcast %reduce_max3A_184 : i32 to vector<16xi32>
          %reduce_max3A_186 = arith.xori %all_reduce_ffs3A, %reduce_max3A_185 : vector<16xi32>
          %reduce_max3A_187 = tpu.scan <max>, %reduce_max3A_186 masked %reduce_max3A_183 : vector<16xi32>, vector<16xi1> -> vector<16xi32>
          %reduce_max3A_188 = arith.xori %reduce_max3A_187, %reduce_max3A_185 : vector<16xi32>
          %reduce_max3A_189 = vector.extract %reduce_max3A_188[15] : i32 from vector<16xi32>
          %eq3A_190 = vector.broadcast %reduce_max3A_189 : i32 to vector<16xi32>
          %eq3A_191 = arith.cmpi eq, %iota3A, %eq3A_190 : vector<16xi32>
          %convert_element_type3A_192 = arith.extui %eq3A_191 : vector<16xi1> to vector<16xi32>
          %mul3A_193 = arith.muli %get3A_143, %convert_element_type3A_192 : vector<16xi32>
          %reduce_sum3A = arith.constant true
          %reduce_sum3A_194 = vector.broadcast %reduce_sum3A : i1 to vector<16xi1>
          %reduce_sum3A_195 = tpu.scan <sum>, %mul3A_193 masked %reduce_sum3A_194 : vector<16xi32>, vector<16xi1> -> vector<16xi32>
          %reduce_sum3A_196 = vector.extract %reduce_sum3A_195[15] : i32 from vector<16xi32>
          %mul3A_197 = arith.muli %get3A_147, %convert_element_type3A_192 : vector<16xi32>
          %reduce_sum3A_198 = arith.constant true
          %reduce_sum3A_199 = vector.broadcast %reduce_sum3A_198 : i1 to vector<16xi1>
          %reduce_sum3A_200 = tpu.scan <sum>, %mul3A_197 masked %reduce_sum3A_199 : vector<16xi32>, vector<16xi1> -> vector<16xi32>
          %reduce_sum3A_201 = vector.extract %reduce_sum3A_200[15] : i32 from vector<16xi32>
          %dma_start3A_202 = arith.constant 0 : i32
          %dma_start3A_203 = tpu.memref_slice %arg13[%while3A_180, %dma_start3A_202] : memref<32x128xf32, #tpu.memory_space<vmem>> -> memref<1x128xf32, #tpu.memory_space<vmem>>
          %dma_start3A_204 = arith.constant 0 : i32
          %dma_start3A_205 = tpu.memref_slice %arg4[%reduce_sum3A_201, %dma_start3A_204] : memref<4096x128xf32, #tpu.memory_space<hbm>> -> memref<1x128xf32, #tpu.memory_space<hbm>>
          %dma_start3A_206 = arith.constant 0 : i32
          %dma_start3A_207 = tpu.memref_slice %arg13[%while3A_180, %dma_start3A_206] : memref<32x128xf32, #tpu.memory_space<vmem>> -> memref<1x128xf32, #tpu.memory_space<vmem>>
          %dma_start3A_208 = arith.constant 0 : i32
          %dma_start3A_209 = tpu.memref_slice %arg4[%reduce_sum3A_201, %dma_start3A_208] : memref<4096x128xf32, #tpu.memory_space<hbm>> -> memref<1x128xf32, #tpu.memory_space<hbm>>
          tpu.enqueue_dma source(%dma_start3A_209 : memref<1x128xf32, #tpu.memory_space<hbm>>) target(%dma_start3A_207 : memref<1x128xf32, #tpu.memory_space<vmem>>) target_semaphore(%arg20 : memref<!tpu.dma_semaphore, #tpu.memory_space<semaphore_mem>>)
          %dma_start3A_210 = arith.constant 0 : i32
          %dma_start3A_211 = tpu.memref_slice %arg14[%while3A_180, %dma_start3A_210] : memref<32x128xf32, #tpu.memory_space<vmem>> -> memref<1x128xf32, #tpu.memory_space<vmem>>
          %dma_start3A_212 = arith.constant 0 : i32
          %dma_start3A_213 = tpu.memref_slice %arg5[%reduce_sum3A_201, %dma_start3A_212] : memref<4096x128xf32, #tpu.memory_space<hbm>> -> memref<1x128xf32, #tpu.memory_space<hbm>>
          %dma_start3A_214 = arith.constant 0 : i32
          %dma_start3A_215 = tpu.memref_slice %arg14[%while3A_180, %dma_start3A_214] : memref<32x128xf32, #tpu.memory_space<vmem>> -> memref<1x128xf32, #tpu.memory_space<vmem>>
          %dma_start3A_216 = arith.constant 0 : i32
          %dma_start3A_217 = tpu.memref_slice %arg5[%reduce_sum3A_201, %dma_start3A_216] : memref<4096x128xf32, #tpu.memory_space<hbm>> -> memref<1x128xf32, #tpu.memory_space<hbm>>
          tpu.enqueue_dma source(%dma_start3A_217 : memref<1x128xf32, #tpu.memory_space<hbm>>) target(%dma_start3A_215 : memref<1x128xf32, #tpu.memory_space<vmem>>) target_semaphore(%arg20 : memref<!tpu.dma_semaphore, #tpu.memory_space<semaphore_mem>>)
          %sub3A_218 = arith.subi %reduce_sum3A_196, %mul3A_65 : i32
          %swap3A_219 = arith.index_cast %while3A_180 : i32 to index
          %swap3A_220 = memref.load %arg17[%swap3A_219] : memref<32xi32, #tpu.memory_space<smem>>
          memref.store %sub3A_218, %arg17[%swap3A_219] : memref<32xi32, #tpu.memory_space<smem>>
          %add3A_221 = arith.constant 1 : i32
          %add3A_222 = arith.addi %while3A_180, %add3A_221 : i32
          %ne3A_223 = vector.broadcast %reduce_max3A_189 : i32 to vector<16xi32>
          %ne3A_224 = arith.cmpi ne, %iota3A, %ne3A_223 : vector<16xi32>
          %and3A_225 = arith.andi %while3A_181, %ne3A_224 : vector<16xi1>
          scf.yield %add3A_222, %and3A_225 : i32, vector<16xi1>
        }
        scf.yield %while3A_178#0 : i32
      }
      %while3A_76 = arith.constant 1 : i32
      %while3A_77 = scf.for %while3A_138 = %while3A_73 to %while3A_69 step %while3A_76 iter_args(%while3A_139 = %while3A_75) -> (i32)  : i32 {
        %mul3A_140 = arith.constant 16 : i32
        %mul3A_141 = arith.muli %while3A_138, %mul3A_140 : i32
        %get3A_142 = arith.index_cast %mul3A_141 : i32 to index
        %get3A_143 = tpu.vector_load %arg9[%get3A_142] {strides = array<i32>} : memref<4112xi32, #tpu.memory_space<vmem>>, vector<16xi32>,
        %mul3A_144 = arith.constant 16 : i32
        %mul3A_145 = arith.muli %while3A_138, %mul3A_144 : i32
        %get3A_146 = arith.index_cast %mul3A_145 : i32 to index
        %get3A_147 = tpu.vector_load %arg10[%get3A_146] {strides = array<i32>} : memref<4112xi32, #tpu.memory_space<vmem>>, vector<16xi32>,
        %mul3A_148 = arith.constant 16 : i32
        %mul3A_149 = arith.muli %while3A_138, %mul3A_148 : i32
        %add3A_150 = vector.broadcast %mul3A_149 : i32 to vector<16xi32>
        %add3A_151 = arith.addi %add3A_150, %iota3A : vector<16xi32>
        %lt3A_152 = vector.broadcast %scan3A_7 : i32 to vector<16xi32>
        %lt3A_153 = arith.cmpi slt, %add3A_151, %lt3A_152 : vector<16xi32>
        %ge3A = vector.broadcast %mul3A_65 : i32 to vector<16xi32>
        %ge3A_154 = arith.cmpi sge, %get3A_143, %ge3A : vector<16xi32>
        %add3A_155 = arith.constant 512 : i32
        %add3A_156 = arith.addi %mul3A_65, %add3A_155 : i32
        %lt3A_157 = vector.broadcast %add3A_156 : i32 to vector<16xi32>
        %lt3A_158 = arith.cmpi slt, %get3A_143, %lt3A_157 : vector<16xi32>
        %and3A_159 = arith.andi %ge3A_154, %lt3A_158 : vector<16xi1>
        %and3A_160 = arith.andi %lt3A_153, %and3A_159 : vector<16xi1>
        %all_reduce_population_count3A = tpu.all_reduce %and3A_160 {dim = 0 : i64, kind = #tpu.reduction_kind<sum>} : vector<16xi1> -> vector<16xi32>
        %reduce_max3A = arith.constant true
        %reduce_max3A_161 = vector.broadcast %reduce_max3A : i1 to vector<16xi1>
        %reduce_max3A_162 = arith.constant -2147483648 : i32
        %reduce_max3A_163 = vector.broadcast %reduce_max3A_162 : i32 to vector<16xi32>
        %reduce_max3A_164 = arith.xori %all_reduce_population_count3A, %reduce_max3A_163 : vector<16xi32>
        %reduce_max3A_165 = tpu.scan <max>, %reduce_max3A_164 masked %reduce_max3A_161 : vector<16xi32>, vector<16xi1> -> vector<16xi32>
        %reduce_max3A_166 = arith.xori %reduce_max3A_165, %reduce_max3A_163 : vector<16xi32>
        %reduce_max3A_167 = vector.extract %reduce_max3A_166[15] : i32 from vector<16xi32>
        %while3A_168 = arith.constant 0 : i32
        %while3A_169 = arith.subi %reduce_max3A_167, %while3A_168 : i32
        %while3A_170 = arith.addi %while3A_168, %while3A_169 : i32
        %while3A_171 = arith.constant 1 : i32
        %while3A_172 = arith.divsi %while3A_169, %while3A_171 : i32
        %while3A_173 = arith.muli %while3A_172, %while3A_171 : i32
        %while3A_174 = arith.addi %while3A_168, %while3A_173 : i32
        %while3A_175 = arith.constant 1 : i32
        %while3A_176:2 = scf.for %while3A_179 = %while3A_168 to %while3A_174 step %while3A_175 iter_args(%while3A_180 = %while3A_139, %while3A_181 = %and3A_160) -> (i32, vector<16xi1>)  : i32 {
          %all_reduce_ffs3A = tpu.all_reduce %while3A_181 {dim = 0 : i64, kind = #tpu.reduction_kind<find_first_set>} : vector<16xi1> -> vector<16xi32>
          %reduce_max3A_182 = arith.constant true
          %reduce_max3A_183 = vector.broadcast %reduce_max3A_182 : i1 to vector<16xi1>
          %reduce_max3A_184 = arith.constant -2147483648 : i32
          %reduce_max3A_185 = vector.broadcast %reduce_max3A_184 : i32 to vector<16xi32>
          %reduce_max3A_186 = arith.xori %all_reduce_ffs3A, %reduce_max3A_185 : vector<16xi32>
          %reduce_max3A_187 = tpu.scan <max>, %reduce_max3A_186 masked %reduce_max3A_183 : vector<16xi32>, vector<16xi1> -> vector<16xi32>
          %reduce_max3A_188 = arith.xori %reduce_max3A_187, %reduce_max3A_185 : vector<16xi32>
          %reduce_max3A_189 = vector.extract %reduce_max3A_188[15] : i32 from vector<16xi32>
          %eq3A_190 = vector.broadcast %reduce_max3A_189 : i32 to vector<16xi32>
          %eq3A_191 = arith.cmpi eq, %iota3A, %eq3A_190 : vector<16xi32>
          %convert_element_type3A_192 = arith.extui %eq3A_191 : vector<16xi1> to vector<16xi32>
          %mul3A_193 = arith.muli %get3A_143, %convert_element_type3A_192 : vector<16xi32>
          %reduce_sum3A = arith.constant true
          %reduce_sum3A_194 = vector.broadcast %reduce_sum3A : i1 to vector<16xi1>
          %reduce_sum3A_195 = tpu.scan <sum>, %mul3A_193 masked %reduce_sum3A_194 : vector<16xi32>, vector<16xi1> -> vector<16xi32>
          %reduce_sum3A_196 = vector.extract %reduce_sum3A_195[15] : i32 from vector<16xi32>
          %mul3A_197 = arith.muli %get3A_147, %convert_element_type3A_192 : vector<16xi32>
          %reduce_sum3A_198 = arith.constant true
          %reduce_sum3A_199 = vector.broadcast %reduce_sum3A_198 : i1 to vector<16xi1>
          %reduce_sum3A_200 = tpu.scan <sum>, %mul3A_197 masked %reduce_sum3A_199 : vector<16xi32>, vector<16xi1> -> vector<16xi32>
          %reduce_sum3A_201 = vector.extract %reduce_sum3A_200[15] : i32 from vector<16xi32>
          %dma_start3A_202 = arith.constant 0 : i32
          %dma_start3A_203 = tpu.memref_slice %arg13[%while3A_180, %dma_start3A_202] : memref<32x128xf32, #tpu.memory_space<vmem>> -> memref<1x128xf32, #tpu.memory_space<vmem>>
          %dma_start3A_204 = arith.constant 0 : i32
          %dma_start3A_205 = tpu.memref_slice %arg4[%reduce_sum3A_201, %dma_start3A_204] : memref<4096x128xf32, #tpu.memory_space<hbm>> -> memref<1x128xf32, #tpu.memory_space<hbm>>
          %dma_start3A_206 = arith.constant 0 : i32
          %dma_start3A_207 = tpu.memref_slice %arg13[%while3A_180, %dma_start3A_206] : memref<32x128xf32, #tpu.memory_space<vmem>> -> memref<1x128xf32, #tpu.memory_space<vmem>>
          %dma_start3A_208 = arith.constant 0 : i32
          %dma_start3A_209 = tpu.memref_slice %arg4[%reduce_sum3A_201, %dma_start3A_208] : memref<4096x128xf32, #tpu.memory_space<hbm>> -> memref<1x128xf32, #tpu.memory_space<hbm>>
          tpu.enqueue_dma source(%dma_start3A_209 : memref<1x128xf32, #tpu.memory_space<hbm>>) target(%dma_start3A_207 : memref<1x128xf32, #tpu.memory_space<vmem>>) target_semaphore(%arg20 : memref<!tpu.dma_semaphore, #tpu.memory_space<semaphore_mem>>)
          %dma_start3A_210 = arith.constant 0 : i32
          %dma_start3A_211 = tpu.memref_slice %arg14[%while3A_180, %dma_start3A_210] : memref<32x128xf32, #tpu.memory_space<vmem>> -> memref<1x128xf32, #tpu.memory_space<vmem>>
          %dma_start3A_212 = arith.constant 0 : i32
          %dma_start3A_213 = tpu.memref_slice %arg5[%reduce_sum3A_201, %dma_start3A_212] : memref<4096x128xf32, #tpu.memory_space<hbm>> -> memref<1x128xf32, #tpu.memory_space<hbm>>
          %dma_start3A_214 = arith.constant 0 : i32
          %dma_start3A_215 = tpu.memref_slice %arg14[%while3A_180, %dma_start3A_214] : memref<32x128xf32, #tpu.memory_space<vmem>> -> memref<1x128xf32, #tpu.memory_space<vmem>>
          %dma_start3A_216 = arith.constant 0 : i32
          %dma_start3A_217 = tpu.memref_slice %arg5[%reduce_sum3A_201, %dma_start3A_216] : memref<4096x128xf32, #tpu.memory_space<hbm>> -> memref<1x128xf32, #tpu.memory_space<hbm>>
          tpu.enqueue_dma source(%dma_start3A_217 : memref<1x128xf32, #tpu.memory_space<hbm>>) target(%dma_start3A_215 : memref<1x128xf32, #tpu.memory_space<vmem>>) target_semaphore(%arg20 : memref<!tpu.dma_semaphore, #tpu.memory_space<semaphore_mem>>)
          %sub3A_218 = arith.subi %reduce_sum3A_196, %mul3A_65 : i32
          %swap3A_219 = arith.index_cast %while3A_180 : i32 to index
          %swap3A_220 = memref.load %arg17[%swap3A_219] : memref<32xi32, #tpu.memory_space<smem>>
          memref.store %sub3A_218, %arg17[%swap3A_219] : memref<32xi32, #tpu.memory_space<smem>>
          %add3A_221 = arith.constant 1 : i32
          %add3A_222 = arith.addi %while3A_180, %add3A_221 : i32
          %ne3A_223 = vector.broadcast %reduce_max3A_189 : i32 to vector<16xi32>
          %ne3A_224 = arith.cmpi ne, %iota3A, %ne3A_223 : vector<16xi32>
          %and3A_225 = arith.andi %while3A_181, %ne3A_224 : vector<16xi1>
          scf.yield %add3A_222, %and3A_225 : i32, vector<16xi1>
        }
        %while3A_177 = arith.constant 1 : i32
        %while3A_178:2 = scf.for %while3A_179 = %while3A_174 to %while3A_170 step %while3A_177 iter_args(%while3A_180 = %while3A_176#0, %while3A_181 = %while3A_176#1) -> (i32, vector<16xi1>)  : i32 {
          %all_reduce_ffs3A = tpu.all_reduce %while3A_181 {dim = 0 : i64, kind = #tpu.reduction_kind<find_first_set>} : vector<16xi1> -> vector<16xi32>
          %reduce_max3A_182 = arith.constant true
          %reduce_max3A_183 = vector.broadcast %reduce_max3A_182 : i1 to vector<16xi1>
          %reduce_max3A_184 = arith.constant -2147483648 : i32
          %reduce_max3A_185 = vector.broadcast %reduce_max3A_184 : i32 to vector<16xi32>
          %reduce_max3A_186 = arith.xori %all_reduce_ffs3A, %reduce_max3A_185 : vector<16xi32>
          %reduce_max3A_187 = tpu.scan <max>, %reduce_max3A_186 masked %reduce_max3A_183 : vector<16xi32>, vector<16xi1> -> vector<16xi32>
          %reduce_max3A_188 = arith.xori %reduce_max3A_187, %reduce_max3A_185 : vector<16xi32>
          %reduce_max3A_189 = vector.extract %reduce_max3A_188[15] : i32 from vector<16xi32>
          %eq3A_190 = vector.broadcast %reduce_max3A_189 : i32 to vector<16xi32>
          %eq3A_191 = arith.cmpi eq, %iota3A, %eq3A_190 : vector<16xi32>
          %convert_element_type3A_192 = arith.extui %eq3A_191 : vector<16xi1> to vector<16xi32>
          %mul3A_193 = arith.muli %get3A_143, %convert_element_type3A_192 : vector<16xi32>
          %reduce_sum3A = arith.constant true
          %reduce_sum3A_194 = vector.broadcast %reduce_sum3A : i1 to vector<16xi1>
          %reduce_sum3A_195 = tpu.scan <sum>, %mul3A_193 masked %reduce_sum3A_194 : vector<16xi32>, vector<16xi1> -> vector<16xi32>
          %reduce_sum3A_196 = vector.extract %reduce_sum3A_195[15] : i32 from vector<16xi32>
          %mul3A_197 = arith.muli %get3A_147, %convert_element_type3A_192 : vector<16xi32>
          %reduce_sum3A_198 = arith.constant true
          %reduce_sum3A_199 = vector.broadcast %reduce_sum3A_198 : i1 to vector<16xi1>
          %reduce_sum3A_200 = tpu.scan <sum>, %mul3A_197 masked %reduce_sum3A_199 : vector<16xi32>, vector<16xi1> -> vector<16xi32>
          %reduce_sum3A_201 = vector.extract %reduce_sum3A_200[15] : i32 from vector<16xi32>
          %dma_start3A_202 = arith.constant 0 : i32
          %dma_start3A_203 = tpu.memref_slice %arg13[%while3A_180, %dma_start3A_202] : memref<32x128xf32, #tpu.memory_space<vmem>> -> memref<1x128xf32, #tpu.memory_space<vmem>>
          %dma_start3A_204 = arith.constant 0 : i32
          %dma_start3A_205 = tpu.memref_slice %arg4[%reduce_sum3A_201, %dma_start3A_204] : memref<4096x128xf32, #tpu.memory_space<hbm>> -> memref<1x128xf32, #tpu.memory_space<hbm>>
          %dma_start3A_206 = arith.constant 0 : i32
          %dma_start3A_207 = tpu.memref_slice %arg13[%while3A_180, %dma_start3A_206] : memref<32x128xf32, #tpu.memory_space<vmem>> -> memref<1x128xf32, #tpu.memory_space<vmem>>
          %dma_start3A_208 = arith.constant 0 : i32
          %dma_start3A_209 = tpu.memref_slice %arg4[%reduce_sum3A_201, %dma_start3A_208] : memref<4096x128xf32, #tpu.memory_space<hbm>> -> memref<1x128xf32, #tpu.memory_space<hbm>>
          tpu.enqueue_dma source(%dma_start3A_209 : memref<1x128xf32, #tpu.memory_space<hbm>>) target(%dma_start3A_207 : memref<1x128xf32, #tpu.memory_space<vmem>>) target_semaphore(%arg20 : memref<!tpu.dma_semaphore, #tpu.memory_space<semaphore_mem>>)
          %dma_start3A_210 = arith.constant 0 : i32
          %dma_start3A_211 = tpu.memref_slice %arg14[%while3A_180, %dma_start3A_210] : memref<32x128xf32, #tpu.memory_space<vmem>> -> memref<1x128xf32, #tpu.memory_space<vmem>>
          %dma_start3A_212 = arith.constant 0 : i32
          %dma_start3A_213 = tpu.memref_slice %arg5[%reduce_sum3A_201, %dma_start3A_212] : memref<4096x128xf32, #tpu.memory_space<hbm>> -> memref<1x128xf32, #tpu.memory_space<hbm>>
          %dma_start3A_214 = arith.constant 0 : i32
          %dma_start3A_215 = tpu.memref_slice %arg14[%while3A_180, %dma_start3A_214] : memref<32x128xf32, #tpu.memory_space<vmem>> -> memref<1x128xf32, #tpu.memory_space<vmem>>
          %dma_start3A_216 = arith.constant 0 : i32
          %dma_start3A_217 = tpu.memref_slice %arg5[%reduce_sum3A_201, %dma_start3A_216] : memref<4096x128xf32, #tpu.memory_space<hbm>> -> memref<1x128xf32, #tpu.memory_space<hbm>>
          tpu.enqueue_dma source(%dma_start3A_217 : memref<1x128xf32, #tpu.memory_space<hbm>>) target(%dma_start3A_215 : memref<1x128xf32, #tpu.memory_space<vmem>>) target_semaphore(%arg20 : memref<!tpu.dma_semaphore, #tpu.memory_space<semaphore_mem>>)
          %sub3A_218 = arith.subi %reduce_sum3A_196, %mul3A_65 : i32
          %swap3A_219 = arith.index_cast %while3A_180 : i32 to index
          %swap3A_220 = memref.load %arg17[%swap3A_219] : memref<32xi32, #tpu.memory_space<smem>>
          memref.store %sub3A_218, %arg17[%swap3A_219] : memref<32xi32, #tpu.memory_space<smem>>
          %add3A_221 = arith.constant 1 : i32
          %add3A_222 = arith.addi %while3A_180, %add3A_221 : i32
          %ne3A_223 = vector.broadcast %reduce_max3A_189 : i32 to vector<16xi32>
          %ne3A_224 = arith.cmpi ne, %iota3A, %ne3A_223 : vector<16xi32>
          %and3A_225 = arith.andi %while3A_181, %ne3A_224 : vector<16xi1>
          scf.yield %add3A_222, %and3A_225 : i32, vector<16xi1>
        }
        scf.yield %while3A_178#0 : i32
      }
      %add3A_78 = arith.constant 1 : i32
      %add3A_79 = arith.addi %while3A_60, %add3A_78 : i32
      %lt3A = arith.cmpi slt, %add3A_79, %add3A_31 : i32
      %convert_element_type3A = arith.extui %lt3A : i1 to i32
      %cond3A = arith.constant 0 : i32
      %cond3A_80 = arith.cmpi ne, %convert_element_type3A, %cond3A : i32
      scf.if %cond3A_80 {
        %ge3A = arith.constant 1 : i32
        %ge3A_138 = arith.cmpi sge, %while3A_60, %ge3A : i32
        %convert_element_type3A_139 = arith.extui %ge3A_138 : i1 to i32
        %cond3A_140 = arith.constant 0 : i32
        %cond3A_141 = arith.cmpi ne, %convert_element_type3A_139, %cond3A_140 : i32
        scf.if %cond3A_141 {
          %dma_wait3A_186 = arith.constant 0 : i32
          %dma_wait3A_187 = arith.constant 0 : i32
          %dma_wait3A_188 = tpu.memref_slice %arg2[%dma_wait3A_186, %dma_wait3A_187] : memref<100x1000000xf32, #tpu.memory_space<hbm>> -> memref<100x512xf32, #tpu.memory_space<hbm>>
          %dma_wait3A_189 = arith.constant 0 : i32
          %dma_wait3A_190 = arith.constant 0 : i32
          %dma_wait3A_191 = tpu.memref_slice %arg2[%dma_wait3A_189, %dma_wait3A_190] : memref<100x1000000xf32, #tpu.memory_space<hbm>> -> memref<100x512xf32, #tpu.memory_space<hbm>>
          tpu.wait_dma2 semaphore(%arg19 : memref<!tpu.dma_semaphore, #tpu.memory_space<semaphore_mem>>) src(%dma_wait3A_191 : memref<100x512xf32, #tpu.memory_space<hbm>>) dst(%arg11 : memref<100x512xf32, #tpu.memory_space<vmem>>)
        } else {
        }
        %add3A_142 = arith.constant 16384 : i32
        %add3A_143 = arith.addi %mul3A_65, %add3A_142 : i32
        %jit3A_144 = arith.constant 2 : i32
        %eq3A_145 = arith.constant 0 : i32
        %eq3A_146 = arith.cmpi eq, %jit3A_144, %eq3A_145 : i32
        %jit3A_147 = arith.constant 1 : i32
        %select_n3A_148 = arith.select %eq3A_146, %jit3A_147, %jit3A_144 : i32
        %rem3A_149 = arith.remsi %while3A_60, %select_n3A_148 : i32
        %ne3A_150 = arith.constant 0 : i32
        %ne3A_151 = arith.cmpi ne, %rem3A_149, %ne3A_150 : i32
        %lt3A_152 = arith.constant 0 : i32
        %lt3A_153 = arith.cmpi slt, %rem3A_149, %lt3A_152 : i32
        %lt3A_154 = arith.constant 0 : i32
        %lt3A_155 = arith.cmpi slt, %select_n3A_148, %lt3A_154 : i32
        %ne3A_156 = arith.xori %lt3A_153, %lt3A_155 : i1
        %and3A_157 = arith.andi %ne3A_156, %ne3A_151 : i1
        %add3A_158 = arith.addi %rem3A_149, %select_n3A_148 : i32
        %select_n3A_159 = arith.select %and3A_157, %add3A_158, %rem3A_149 : i32
        %eq3A_160 = arith.constant 0 : i32
        %eq3A_161 = arith.cmpi eq, %select_n3A_159, %eq3A_160 : i32
        %convert_element_type3A_162 = arith.extui %eq3A_161 : i1 to i32
        %cond3A_163 = arith.constant 0 : i32
        %cond3A_164 = arith.cmpi ne, %convert_element_type3A_162, %cond3A_163 : i32
        scf.if %cond3A_164 {
          %dma_start3A_186 = arith.constant 0 : i32
          %dma_start3A_187 = tpu.memref_slice %arg2[%dma_start3A_186, %add3A_143] : memref<100x1000000xf32, #tpu.memory_space<hbm>> -> memref<100x512xf32, #tpu.memory_space<hbm>>
          %dma_start3A_188 = arith.constant 0 : i32
          %dma_start3A_189 = tpu.memref_slice %arg2[%dma_start3A_188, %add3A_143] : memref<100x1000000xf32, #tpu.memory_space<hbm>> -> memref<100x512xf32, #tpu.memory_space<hbm>>
          tpu.enqueue_dma source(%dma_start3A_189 : memref<100x512xf32, #tpu.memory_space<hbm>>) target(%arg12 : memref<100x512xf32, #tpu.memory_space<vmem>>) target_semaphore(%arg18 : memref<!tpu.dma_semaphore, #tpu.memory_space<semaphore_mem>>)
        } else {
        }
        %jit3A_165 = arith.constant 2 : i32
        %eq3A_166 = arith.constant 0 : i32
        %eq3A_167 = arith.cmpi eq, %jit3A_165, %eq3A_166 : i32
        %jit3A_168 = arith.constant 1 : i32
        %select_n3A_169 = arith.select %eq3A_167, %jit3A_168, %jit3A_165 : i32
        %rem3A_170 = arith.remsi %while3A_60, %select_n3A_169 : i32
        %ne3A_171 = arith.constant 0 : i32
        %ne3A_172 = arith.cmpi ne, %rem3A_170, %ne3A_171 : i32
        %lt3A_173 = arith.constant 0 : i32
        %lt3A_174 = arith.cmpi slt, %rem3A_170, %lt3A_173 : i32
        %lt3A_175 = arith.constant 0 : i32
        %lt3A_176 = arith.cmpi slt, %select_n3A_169, %lt3A_175 : i32
        %ne3A_177 = arith.xori %lt3A_174, %lt3A_176 : i1
        %and3A_178 = arith.andi %ne3A_177, %ne3A_172 : i1
        %add3A_179 = arith.addi %rem3A_170, %select_n3A_169 : i32
        %select_n3A_180 = arith.select %and3A_178, %add3A_179, %rem3A_170 : i32
        %eq3A_181 = arith.constant 1 : i32
        %eq3A_182 = arith.cmpi eq, %select_n3A_180, %eq3A_181 : i32
        %convert_element_type3A_183 = arith.extui %eq3A_182 : i1 to i32
        %cond3A_184 = arith.constant 0 : i32
        %cond3A_185 = arith.cmpi ne, %convert_element_type3A_183, %cond3A_184 : i32
        scf.if %cond3A_185 {
          %dma_start3A_186 = arith.constant 0 : i32
          %dma_start3A_187 = tpu.memref_slice %arg2[%dma_start3A_186, %add3A_143] : memref<100x1000000xf32, #tpu.memory_space<hbm>> -> memref<100x512xf32, #tpu.memory_space<hbm>>
          %dma_start3A_188 = arith.constant 0 : i32
          %dma_start3A_189 = tpu.memref_slice %arg2[%dma_start3A_188, %add3A_143] : memref<100x1000000xf32, #tpu.memory_space<hbm>> -> memref<100x512xf32, #tpu.memory_space<hbm>>
          tpu.enqueue_dma source(%dma_start3A_189 : memref<100x512xf32, #tpu.memory_space<hbm>>) target(%arg11 : memref<100x512xf32, #tpu.memory_space<vmem>>) target_semaphore(%arg18 : memref<!tpu.dma_semaphore, #tpu.memory_space<semaphore_mem>>)
        } else {
        }
      } else {
      }
      %while3A_81 = arith.constant 0 : i32
      %while3A_82 = arith.constant 0 : i32
      %while3A_83 = arith.subi %while3A_77, %while3A_82 : i32
      %while3A_84 = arith.addi %while3A_82, %while3A_83 : i32
      %while3A_85 = arith.constant 1 : i32
      %while3A_86 = arith.divsi %while3A_83, %while3A_85 : i32
      %while3A_87 = arith.muli %while3A_86, %while3A_85 : i32
      %while3A_88 = arith.addi %while3A_82, %while3A_87 : i32
      %while3A_89 = arith.constant 1 : i32
      scf.for %while3A_138 = %while3A_82 to %while3A_88 step %while3A_89  : i32 {
        %dma_wait3A_139 = arith.constant 0 : i32
        %dma_wait3A_140 = arith.constant 0 : i32
        %dma_wait3A_141 = tpu.memref_slice %arg13[%dma_wait3A_139, %dma_wait3A_140] : memref<32x128xf32, #tpu.memory_space<vmem>> -> memref<1x128xf32, #tpu.memory_space<vmem>>
        %dma_wait3A_142 = arith.constant 0 : i32
        %dma_wait3A_143 = arith.constant 0 : i32
        %dma_wait3A_144 = tpu.memref_slice %arg4[%dma_wait3A_142, %dma_wait3A_143] : memref<4096x128xf32, #tpu.memory_space<hbm>> -> memref<1x128xf32, #tpu.memory_space<hbm>>
        %dma_wait3A_145 = arith.constant 0 : i32
        %dma_wait3A_146 = arith.constant 0 : i32
        %dma_wait3A_147 = tpu.memref_slice %arg13[%dma_wait3A_145, %dma_wait3A_146] : memref<32x128xf32, #tpu.memory_space<vmem>> -> memref<1x128xf32, #tpu.memory_space<vmem>>
        %dma_wait3A_148 = arith.constant 0 : i32
        %dma_wait3A_149 = arith.constant 0 : i32
        %dma_wait3A_150 = tpu.memref_slice %arg4[%dma_wait3A_148, %dma_wait3A_149] : memref<4096x128xf32, #tpu.memory_space<hbm>> -> memref<1x128xf32, #tpu.memory_space<hbm>>
        tpu.wait_dma2 semaphore(%arg20 : memref<!tpu.dma_semaphore, #tpu.memory_space<semaphore_mem>>) src(%dma_wait3A_150 : memref<1x128xf32, #tpu.memory_space<hbm>>) dst(%dma_wait3A_147 : memref<1x128xf32, #tpu.memory_space<vmem>>)
        %dma_wait3A_151 = arith.constant 0 : i32
        %dma_wait3A_152 = arith.constant 0 : i32
        %dma_wait3A_153 = tpu.memref_slice %arg14[%dma_wait3A_151, %dma_wait3A_152] : memref<32x128xf32, #tpu.memory_space<vmem>> -> memref<1x128xf32, #tpu.memory_space<vmem>>
        %dma_wait3A_154 = arith.constant 0 : i32
        %dma_wait3A_155 = arith.constant 0 : i32
        %dma_wait3A_156 = tpu.memref_slice %arg5[%dma_wait3A_154, %dma_wait3A_155] : memref<4096x128xf32, #tpu.memory_space<hbm>> -> memref<1x128xf32, #tpu.memory_space<hbm>>
        %dma_wait3A_157 = arith.constant 0 : i32
        %dma_wait3A_158 = arith.constant 0 : i32
        %dma_wait3A_159 = tpu.memref_slice %arg14[%dma_wait3A_157, %dma_wait3A_158] : memref<32x128xf32, #tpu.memory_space<vmem>> -> memref<1x128xf32, #tpu.memory_space<vmem>>
        %dma_wait3A_160 = arith.constant 0 : i32
        %dma_wait3A_161 = arith.constant 0 : i32
        %dma_wait3A_162 = tpu.memref_slice %arg5[%dma_wait3A_160, %dma_wait3A_161] : memref<4096x128xf32, #tpu.memory_space<hbm>> -> memref<1x128xf32, #tpu.memory_space<hbm>>
        tpu.wait_dma2 semaphore(%arg20 : memref<!tpu.dma_semaphore, #tpu.memory_space<semaphore_mem>>) src(%dma_wait3A_162 : memref<1x128xf32, #tpu.memory_space<hbm>>) dst(%dma_wait3A_159 : memref<1x128xf32, #tpu.memory_space<vmem>>)
      }
      %while3A_90 = arith.constant 1 : i32
      scf.for %while3A_138 = %while3A_88 to %while3A_84 step %while3A_90  : i32 {
        %dma_wait3A_139 = arith.constant 0 : i32
        %dma_wait3A_140 = arith.constant 0 : i32
        %dma_wait3A_141 = tpu.memref_slice %arg13[%dma_wait3A_139, %dma_wait3A_140] : memref<32x128xf32, #tpu.memory_space<vmem>> -> memref<1x128xf32, #tpu.memory_space<vmem>>
        %dma_wait3A_142 = arith.constant 0 : i32
        %dma_wait3A_143 = arith.constant 0 : i32
        %dma_wait3A_144 = tpu.memref_slice %arg4[%dma_wait3A_142, %dma_wait3A_143] : memref<4096x128xf32, #tpu.memory_space<hbm>> -> memref<1x128xf32, #tpu.memory_space<hbm>>
        %dma_wait3A_145 = arith.constant 0 : i32
        %dma_wait3A_146 = arith.constant 0 : i32
        %dma_wait3A_147 = tpu.memref_slice %arg13[%dma_wait3A_145, %dma_wait3A_146] : memref<32x128xf32, #tpu.memory_space<vmem>> -> memref<1x128xf32, #tpu.memory_space<vmem>>
        %dma_wait3A_148 = arith.constant 0 : i32
        %dma_wait3A_149 = arith.constant 0 : i32
        %dma_wait3A_150 = tpu.memref_slice %arg4[%dma_wait3A_148, %dma_wait3A_149] : memref<4096x128xf32, #tpu.memory_space<hbm>> -> memref<1x128xf32, #tpu.memory_space<hbm>>
        tpu.wait_dma2 semaphore(%arg20 : memref<!tpu.dma_semaphore, #tpu.memory_space<semaphore_mem>>) src(%dma_wait3A_150 : memref<1x128xf32, #tpu.memory_space<hbm>>) dst(%dma_wait3A_147 : memref<1x128xf32, #tpu.memory_space<vmem>>)
        %dma_wait3A_151 = arith.constant 0 : i32
        %dma_wait3A_152 = arith.constant 0 : i32
        %dma_wait3A_153 = tpu.memref_slice %arg14[%dma_wait3A_151, %dma_wait3A_152] : memref<32x128xf32, #tpu.memory_space<vmem>> -> memref<1x128xf32, #tpu.memory_space<vmem>>
        %dma_wait3A_154 = arith.constant 0 : i32
        %dma_wait3A_155 = arith.constant 0 : i32
        %dma_wait3A_156 = tpu.memref_slice %arg5[%dma_wait3A_154, %dma_wait3A_155] : memref<4096x128xf32, #tpu.memory_space<hbm>> -> memref<1x128xf32, #tpu.memory_space<hbm>>
        %dma_wait3A_157 = arith.constant 0 : i32
        %dma_wait3A_158 = arith.constant 0 : i32
        %dma_wait3A_159 = tpu.memref_slice %arg14[%dma_wait3A_157, %dma_wait3A_158] : memref<32x128xf32, #tpu.memory_space<vmem>> -> memref<1x128xf32, #tpu.memory_space<vmem>>
        %dma_wait3A_160 = arith.constant 0 : i32
        %dma_wait3A_161 = arith.constant 0 : i32
        %dma_wait3A_162 = tpu.memref_slice %arg5[%dma_wait3A_160, %dma_wait3A_161] : memref<4096x128xf32, #tpu.memory_space<hbm>> -> memref<1x128xf32, #tpu.memory_space<hbm>>
        tpu.wait_dma2 semaphore(%arg20 : memref<!tpu.dma_semaphore, #tpu.memory_space<semaphore_mem>>) src(%dma_wait3A_162 : memref<1x128xf32, #tpu.memory_space<hbm>>) dst(%dma_wait3A_159 : memref<1x128xf32, #tpu.memory_space<vmem>>)
      }
      %dma_wait3A_91 = arith.constant 0 : i32
      %dma_wait3A_92 = arith.constant 0 : i32
      %dma_wait3A_93 = tpu.memref_slice %arg2[%dma_wait3A_91, %dma_wait3A_92] : memref<100x1000000xf32, #tpu.memory_space<hbm>> -> memref<100x512xf32, #tpu.memory_space<hbm>>
      %dma_wait3A_94 = arith.constant 0 : i32
      %dma_wait3A_95 = arith.constant 0 : i32
      %dma_wait3A_96 = tpu.memref_slice %arg2[%dma_wait3A_94, %dma_wait3A_95] : memref<100x1000000xf32, #tpu.memory_space<hbm>> -> memref<100x512xf32, #tpu.memory_space<hbm>>
      tpu.wait_dma2 semaphore(%arg18 : memref<!tpu.dma_semaphore, #tpu.memory_space<semaphore_mem>>) src(%dma_wait3A_96 : memref<100x512xf32, #tpu.memory_space<hbm>>) dst(%arg11 : memref<100x512xf32, #tpu.memory_space<vmem>>)
      %jit3A_97 = arith.constant 2 : i32
      %eq3A = arith.constant 0 : i32
      %eq3A_98 = arith.cmpi eq, %jit3A_97, %eq3A : i32
      %jit3A_99 = arith.constant 1 : i32
      %select_n3A_100 = arith.select %eq3A_98, %jit3A_99, %jit3A_97 : i32
      %rem3A_101 = arith.remsi %while3A_60, %select_n3A_100 : i32
      %ne3A_102 = arith.constant 0 : i32
      %ne3A_103 = arith.cmpi ne, %rem3A_101, %ne3A_102 : i32
      %lt3A_104 = arith.constant 0 : i32
      %lt3A_105 = arith.cmpi slt, %rem3A_101, %lt3A_104 : i32
      %lt3A_106 = arith.constant 0 : i32
      %lt3A_107 = arith.cmpi slt, %select_n3A_100, %lt3A_106 : i32
      %ne3A_108 = arith.xori %lt3A_105, %lt3A_107 : i1
      %and3A_109 = arith.andi %ne3A_108, %ne3A_103 : i1
      %add3A_110 = arith.addi %rem3A_101, %select_n3A_100 : i32
      %select_n3A_111 = arith.select %and3A_109, %add3A_110, %rem3A_101 : i32
      %eq3A_112 = arith.constant 0 : i32
      %eq3A_113 = arith.cmpi eq, %select_n3A_111, %eq3A_112 : i32
      %convert_element_type3A_114 = arith.extui %eq3A_113 : i1 to i32
      %cond3A_115 = arith.constant 0 : i32
      %cond3A_116 = arith.cmpi ne, %convert_element_type3A_114, %cond3A_115 : i32
      scf.if %cond3A_116 {
        %while3A_138 = arith.constant 0 : i32
        %while3A_139 = arith.constant 0 : i32
        %while3A_140 = arith.subi %while3A_77, %while3A_139 : i32
        %while3A_141 = arith.addi %while3A_139, %while3A_140 : i32
        %while3A_142 = arith.constant 1 : i32
        %while3A_143 = arith.divsi %while3A_140, %while3A_142 : i32
        %while3A_144 = arith.muli %while3A_143, %while3A_142 : i32
        %while3A_145 = arith.addi %while3A_139, %while3A_144 : i32
        %while3A_146 = arith.constant 1 : i32
        scf.for %while3A_152 = %while3A_139 to %while3A_145 step %while3A_146  : i32 {
          %get3A_153 = arith.index_cast %while3A_152 : i32 to index
          %get3A_154 = memref.load %arg17[%get3A_153] : memref<32xi32, #tpu.memory_space<smem>>
          %broadcast_in_dim3A_155 = vector.broadcast %get3A_154 : i32 to vector<16xi32>
          %broadcast_in_dim3A_156 = arith.constant 0.000000e+00 : f32
          %broadcast_in_dim3A_157 = vector.broadcast %broadcast_in_dim3A_156 : f32 to vector<16xf32>
          %broadcast_in_dim3A_158 = arith.constant 0xFF800000 : f32
          %broadcast_in_dim3A_159 = vector.broadcast %broadcast_in_dim3A_158 : f32 to vector<16xf32>
          %add3A_160 = arith.constant 0 : i32
          %add3A_161 = vector.broadcast %add3A_160 : i32 to vector<16xi32>
          %add3A_162 = arith.addi %add3A_161, %iota3A : vector<16xi32>
          %lt3A_163 = arith.constant 100 : i32
          %lt3A_164 = vector.broadcast %lt3A_163 : i32 to vector<16xi32>
          %lt3A_165 = arith.cmpi slt, %add3A_162, %lt3A_164 : vector<16xi32>
          %gather3A = tpu.vector_load_idx %arg11[%add3A_162, %broadcast_in_dim3A_155] masked %lt3A_165 : memref<100x512xf32, #tpu.memory_space<vmem>>[vector<16xi32>, vector<16xi32>], vector<16xf32>, vector<16xi1>
          %get3A_166 = arith.index_cast %while3A_152 : i32 to index
          %get3A_167 = arith.constant 0 : index
          %get3A_168 = tpu.vector_load %arg13[%get3A_166, %get3A_167] {strides = array<i32>} : memref<32x128xf32, #tpu.memory_space<vmem>>, vector<16xf32>,
          %get3A_169 = arith.index_cast %while3A_152 : i32 to index
          %get3A_170 = arith.constant 0 : index
          %get3A_171 = tpu.vector_load %arg14[%get3A_169, %get3A_170] {strides = array<i32>} : memref<32x128xf32, #tpu.memory_space<vmem>>, vector<16xf32>,
          %mul3A_172 = arith.constant 0.899999976 : f32
          %mul3A_173 = vector.broadcast %mul3A_172 : f32 to vector<16xf32>
          %mul3A_174 = arith.mulf %mul3A_173, %gather3A : vector<16xf32>
          %mul3A_175 = arith.constant 1.000000e-01 : f32
          %mul3A_176 = vector.broadcast %mul3A_175 : f32 to vector<16xf32>
          %mul3A_177 = arith.mulf %mul3A_176, %get3A_168 : vector<16xf32>
          %add3A_178 = arith.addf %mul3A_174, %mul3A_177 : vector<16xf32>
          tpu.vector_store_idx %arg11[%add3A_162, %broadcast_in_dim3A_155], %add3A_178 masked %lt3A_165 : memref<100x512xf32, #tpu.memory_space<vmem>>[vector<16xi32>, vector<16xi32>], vector<16xf32>, vector<16xi1>
          %mul3A_179 = arith.mulf %add3A_178, %get3A_171 : vector<16xf32>
          %jit3A_180 = arith.constant 1.000000e+00 : f32
          %jit3A_181 = arith.constant 0.000000e+00 : f32
          %broadcast_in_dim3A_182 = vector.broadcast %jit3A_180 : f32 to vector<16xf32>
          %broadcast_in_dim3A_183 = vector.broadcast %jit3A_181 : f32 to vector<16xf32>
          %select_n3A_184 = arith.select %lt3A_165, %broadcast_in_dim3A_182, %broadcast_in_dim3A_183 : vector<16xi1>, vector<16xf32>
          %mul3A_185 = arith.mulf %mul3A_179, %select_n3A_184 : vector<16xf32>
          %add3A_186 = arith.addf %broadcast_in_dim3A_157, %mul3A_185 : vector<16xf32>
          %jit3A_187 = arith.constant 0xFF800000 : f32
          %broadcast_in_dim3A_188 = vector.broadcast %jit3A_187 : f32 to vector<16xf32>
          %select_n3A_189 = arith.select %lt3A_165, %add3A_178, %broadcast_in_dim3A_188 : vector<16xi1>, vector<16xf32>
          %max3A = arith.maximumf %broadcast_in_dim3A_159, %select_n3A_189 : vector<16xf32>
          %add3A_190 = arith.constant 16 : i32
          %add3A_191 = vector.broadcast %add3A_190 : i32 to vector<16xi32>
          %add3A_192 = arith.addi %add3A_191, %iota3A : vector<16xi32>
          %lt3A_193 = arith.constant 100 : i32
          %lt3A_194 = vector.broadcast %lt3A_193 : i32 to vector<16xi32>
          %lt3A_195 = arith.cmpi slt, %add3A_192, %lt3A_194 : vector<16xi32>
          %gather3A_196 = tpu.vector_load_idx %arg11[%add3A_192, %broadcast_in_dim3A_155] masked %lt3A_195 : memref<100x512xf32, #tpu.memory_space<vmem>>[vector<16xi32>, vector<16xi32>], vector<16xf32>, vector<16xi1>
          %get3A_197 = arith.index_cast %while3A_152 : i32 to index
          %get3A_198 = arith.constant 16 : index
          %get3A_199 = tpu.vector_load %arg13[%get3A_197, %get3A_198] {strides = array<i32>} : memref<32x128xf32, #tpu.memory_space<vmem>>, vector<16xf32>,
          %get3A_200 = arith.index_cast %while3A_152 : i32 to index
          %get3A_201 = arith.constant 16 : index
          %get3A_202 = tpu.vector_load %arg14[%get3A_200, %get3A_201] {strides = array<i32>} : memref<32x128xf32, #tpu.memory_space<vmem>>, vector<16xf32>,
          %mul3A_203 = arith.constant 0.899999976 : f32
          %mul3A_204 = vector.broadcast %mul3A_203 : f32 to vector<16xf32>
          %mul3A_205 = arith.mulf %mul3A_204, %gather3A_196 : vector<16xf32>
          %mul3A_206 = arith.constant 1.000000e-01 : f32
          %mul3A_207 = vector.broadcast %mul3A_206 : f32 to vector<16xf32>
          %mul3A_208 = arith.mulf %mul3A_207, %get3A_199 : vector<16xf32>
          %add3A_209 = arith.addf %mul3A_205, %mul3A_208 : vector<16xf32>
          tpu.vector_store_idx %arg11[%add3A_192, %broadcast_in_dim3A_155], %add3A_209 masked %lt3A_195 : memref<100x512xf32, #tpu.memory_space<vmem>>[vector<16xi32>, vector<16xi32>], vector<16xf32>, vector<16xi1>
          %mul3A_210 = arith.mulf %add3A_209, %get3A_202 : vector<16xf32>
          %jit3A_211 = arith.constant 1.000000e+00 : f32
          %jit3A_212 = arith.constant 0.000000e+00 : f32
          %broadcast_in_dim3A_213 = vector.broadcast %jit3A_211 : f32 to vector<16xf32>
          %broadcast_in_dim3A_214 = vector.broadcast %jit3A_212 : f32 to vector<16xf32>
          %select_n3A_215 = arith.select %lt3A_195, %broadcast_in_dim3A_213, %broadcast_in_dim3A_214 : vector<16xi1>, vector<16xf32>
          %mul3A_216 = arith.mulf %mul3A_210, %select_n3A_215 : vector<16xf32>
          %add3A_217 = arith.addf %add3A_186, %mul3A_216 : vector<16xf32>
          %jit3A_218 = arith.constant 0xFF800000 : f32
          %broadcast_in_dim3A_219 = vector.broadcast %jit3A_218 : f32 to vector<16xf32>
          %select_n3A_220 = arith.select %lt3A_195, %add3A_209, %broadcast_in_dim3A_219 : vector<16xi1>, vector<16xf32>
          %max3A_221 = arith.maximumf %max3A, %select_n3A_220 : vector<16xf32>
          %add3A_222 = arith.constant 32 : i32
          %add3A_223 = vector.broadcast %add3A_222 : i32 to vector<16xi32>
          %add3A_224 = arith.addi %add3A_223, %iota3A : vector<16xi32>
          %lt3A_225 = arith.constant 100 : i32
          %lt3A_226 = vector.broadcast %lt3A_225 : i32 to vector<16xi32>
          %lt3A_227 = arith.cmpi slt, %add3A_224, %lt3A_226 : vector<16xi32>
          %gather3A_228 = tpu.vector_load_idx %arg11[%add3A_224, %broadcast_in_dim3A_155] masked %lt3A_227 : memref<100x512xf32, #tpu.memory_space<vmem>>[vector<16xi32>, vector<16xi32>], vector<16xf32>, vector<16xi1>
          %get3A_229 = arith.index_cast %while3A_152 : i32 to index
          %get3A_230 = arith.constant 32 : index
          %get3A_231 = tpu.vector_load %arg13[%get3A_229, %get3A_230] {strides = array<i32>} : memref<32x128xf32, #tpu.memory_space<vmem>>, vector<16xf32>,
          %get3A_232 = arith.index_cast %while3A_152 : i32 to index
          %get3A_233 = arith.constant 32 : index
          %get3A_234 = tpu.vector_load %arg14[%get3A_232, %get3A_233] {strides = array<i32>} : memref<32x128xf32, #tpu.memory_space<vmem>>, vector<16xf32>,
          %mul3A_235 = arith.constant 0.899999976 : f32
          %mul3A_236 = vector.broadcast %mul3A_235 : f32 to vector<16xf32>
          %mul3A_237 = arith.mulf %mul3A_236, %gather3A_228 : vector<16xf32>
          %mul3A_238 = arith.constant 1.000000e-01 : f32
          %mul3A_239 = vector.broadcast %mul3A_238 : f32 to vector<16xf32>
          %mul3A_240 = arith.mulf %mul3A_239, %get3A_231 : vector<16xf32>
          %add3A_241 = arith.addf %mul3A_237, %mul3A_240 : vector<16xf32>
          tpu.vector_store_idx %arg11[%add3A_224, %broadcast_in_dim3A_155], %add3A_241 masked %lt3A_227 : memref<100x512xf32, #tpu.memory_space<vmem>>[vector<16xi32>, vector<16xi32>], vector<16xf32>, vector<16xi1>
          %mul3A_242 = arith.mulf %add3A_241, %get3A_234 : vector<16xf32>
          %jit3A_243 = arith.constant 1.000000e+00 : f32
          %jit3A_244 = arith.constant 0.000000e+00 : f32
          %broadcast_in_dim3A_245 = vector.broadcast %jit3A_243 : f32 to vector<16xf32>
          %broadcast_in_dim3A_246 = vector.broadcast %jit3A_244 : f32 to vector<16xf32>
          %select_n3A_247 = arith.select %lt3A_227, %broadcast_in_dim3A_245, %broadcast_in_dim3A_246 : vector<16xi1>, vector<16xf32>
          %mul3A_248 = arith.mulf %mul3A_242, %select_n3A_247 : vector<16xf32>
          %add3A_249 = arith.addf %add3A_217, %mul3A_248 : vector<16xf32>
          %jit3A_250 = arith.constant 0xFF800000 : f32
          %broadcast_in_dim3A_251 = vector.broadcast %jit3A_250 : f32 to vector<16xf32>
          %select_n3A_252 = arith.select %lt3A_227, %add3A_241, %broadcast_in_dim3A_251 : vector<16xi1>, vector<16xf32>
          %max3A_253 = arith.maximumf %max3A_221, %select_n3A_252 : vector<16xf32>
          %add3A_254 = arith.constant 48 : i32
          %add3A_255 = vector.broadcast %add3A_254 : i32 to vector<16xi32>
          %add3A_256 = arith.addi %add3A_255, %iota3A : vector<16xi32>
          %lt3A_257 = arith.constant 100 : i32
          %lt3A_258 = vector.broadcast %lt3A_257 : i32 to vector<16xi32>
          %lt3A_259 = arith.cmpi slt, %add3A_256, %lt3A_258 : vector<16xi32>
          %gather3A_260 = tpu.vector_load_idx %arg11[%add3A_256, %broadcast_in_dim3A_155] masked %lt3A_259 : memref<100x512xf32, #tpu.memory_space<vmem>>[vector<16xi32>, vector<16xi32>], vector<16xf32>, vector<16xi1>
          %get3A_261 = arith.index_cast %while3A_152 : i32 to index
          %get3A_262 = arith.constant 48 : index
          %get3A_263 = tpu.vector_load %arg13[%get3A_261, %get3A_262] {strides = array<i32>} : memref<32x128xf32, #tpu.memory_space<vmem>>, vector<16xf32>,
          %get3A_264 = arith.index_cast %while3A_152 : i32 to index
          %get3A_265 = arith.constant 48 : index
          %get3A_266 = tpu.vector_load %arg14[%get3A_264, %get3A_265] {strides = array<i32>} : memref<32x128xf32, #tpu.memory_space<vmem>>, vector<16xf32>,
          %mul3A_267 = arith.constant 0.899999976 : f32
          %mul3A_268 = vector.broadcast %mul3A_267 : f32 to vector<16xf32>
          %mul3A_269 = arith.mulf %mul3A_268, %gather3A_260 : vector<16xf32>
          %mul3A_270 = arith.constant 1.000000e-01 : f32
          %mul3A_271 = vector.broadcast %mul3A_270 : f32 to vector<16xf32>
          %mul3A_272 = arith.mulf %mul3A_271, %get3A_263 : vector<16xf32>
          %add3A_273 = arith.addf %mul3A_269, %mul3A_272 : vector<16xf32>
          tpu.vector_store_idx %arg11[%add3A_256, %broadcast_in_dim3A_155], %add3A_273 masked %lt3A_259 : memref<100x512xf32, #tpu.memory_space<vmem>>[vector<16xi32>, vector<16xi32>], vector<16xf32>, vector<16xi1>
          %mul3A_274 = arith.mulf %add3A_273, %get3A_266 : vector<16xf32>
          %jit3A_275 = arith.constant 1.000000e+00 : f32
          %jit3A_276 = arith.constant 0.000000e+00 : f32
          %broadcast_in_dim3A_277 = vector.broadcast %jit3A_275 : f32 to vector<16xf32>
          %broadcast_in_dim3A_278 = vector.broadcast %jit3A_276 : f32 to vector<16xf32>
          %select_n3A_279 = arith.select %lt3A_259, %broadcast_in_dim3A_277, %broadcast_in_dim3A_278 : vector<16xi1>, vector<16xf32>
          %mul3A_280 = arith.mulf %mul3A_274, %select_n3A_279 : vector<16xf32>
          %add3A_281 = arith.addf %add3A_249, %mul3A_280 : vector<16xf32>
          %jit3A_282 = arith.constant 0xFF800000 : f32
          %broadcast_in_dim3A_283 = vector.broadcast %jit3A_282 : f32 to vector<16xf32>
          %select_n3A_284 = arith.select %lt3A_259, %add3A_273, %broadcast_in_dim3A_283 : vector<16xi1>, vector<16xf32>
          %max3A_285 = arith.maximumf %max3A_253, %select_n3A_284 : vector<16xf32>
          %add3A_286 = arith.constant 64 : i32
          %add3A_287 = vector.broadcast %add3A_286 : i32 to vector<16xi32>
          %add3A_288 = arith.addi %add3A_287, %iota3A : vector<16xi32>
          %lt3A_289 = arith.constant 100 : i32
          %lt3A_290 = vector.broadcast %lt3A_289 : i32 to vector<16xi32>
          %lt3A_291 = arith.cmpi slt, %add3A_288, %lt3A_290 : vector<16xi32>
          %gather3A_292 = tpu.vector_load_idx %arg11[%add3A_288, %broadcast_in_dim3A_155] masked %lt3A_291 : memref<100x512xf32, #tpu.memory_space<vmem>>[vector<16xi32>, vector<16xi32>], vector<16xf32>, vector<16xi1>
          %get3A_293 = arith.index_cast %while3A_152 : i32 to index
          %get3A_294 = arith.constant 64 : index
          %get3A_295 = tpu.vector_load %arg13[%get3A_293, %get3A_294] {strides = array<i32>} : memref<32x128xf32, #tpu.memory_space<vmem>>, vector<16xf32>,
          %get3A_296 = arith.index_cast %while3A_152 : i32 to index
          %get3A_297 = arith.constant 64 : index
          %get3A_298 = tpu.vector_load %arg14[%get3A_296, %get3A_297] {strides = array<i32>} : memref<32x128xf32, #tpu.memory_space<vmem>>, vector<16xf32>,
          %mul3A_299 = arith.constant 0.899999976 : f32
          %mul3A_300 = vector.broadcast %mul3A_299 : f32 to vector<16xf32>
          %mul3A_301 = arith.mulf %mul3A_300, %gather3A_292 : vector<16xf32>
          %mul3A_302 = arith.constant 1.000000e-01 : f32
          %mul3A_303 = vector.broadcast %mul3A_302 : f32 to vector<16xf32>
          %mul3A_304 = arith.mulf %mul3A_303, %get3A_295 : vector<16xf32>
          %add3A_305 = arith.addf %mul3A_301, %mul3A_304 : vector<16xf32>
          tpu.vector_store_idx %arg11[%add3A_288, %broadcast_in_dim3A_155], %add3A_305 masked %lt3A_291 : memref<100x512xf32, #tpu.memory_space<vmem>>[vector<16xi32>, vector<16xi32>], vector<16xf32>, vector<16xi1>
          %mul3A_306 = arith.mulf %add3A_305, %get3A_298 : vector<16xf32>
          %jit3A_307 = arith.constant 1.000000e+00 : f32
          %jit3A_308 = arith.constant 0.000000e+00 : f32
          %broadcast_in_dim3A_309 = vector.broadcast %jit3A_307 : f32 to vector<16xf32>
          %broadcast_in_dim3A_310 = vector.broadcast %jit3A_308 : f32 to vector<16xf32>
          %select_n3A_311 = arith.select %lt3A_291, %broadcast_in_dim3A_309, %broadcast_in_dim3A_310 : vector<16xi1>, vector<16xf32>
          %mul3A_312 = arith.mulf %mul3A_306, %select_n3A_311 : vector<16xf32>
          %add3A_313 = arith.addf %add3A_281, %mul3A_312 : vector<16xf32>
          %jit3A_314 = arith.constant 0xFF800000 : f32
          %broadcast_in_dim3A_315 = vector.broadcast %jit3A_314 : f32 to vector<16xf32>
          %select_n3A_316 = arith.select %lt3A_291, %add3A_305, %broadcast_in_dim3A_315 : vector<16xi1>, vector<16xf32>
          %max3A_317 = arith.maximumf %max3A_285, %select_n3A_316 : vector<16xf32>
          %add3A_318 = arith.constant 80 : i32
          %add3A_319 = vector.broadcast %add3A_318 : i32 to vector<16xi32>
          %add3A_320 = arith.addi %add3A_319, %iota3A : vector<16xi32>
          %lt3A_321 = arith.constant 100 : i32
          %lt3A_322 = vector.broadcast %lt3A_321 : i32 to vector<16xi32>
          %lt3A_323 = arith.cmpi slt, %add3A_320, %lt3A_322 : vector<16xi32>
          %gather3A_324 = tpu.vector_load_idx %arg11[%add3A_320, %broadcast_in_dim3A_155] masked %lt3A_323 : memref<100x512xf32, #tpu.memory_space<vmem>>[vector<16xi32>, vector<16xi32>], vector<16xf32>, vector<16xi1>
          %get3A_325 = arith.index_cast %while3A_152 : i32 to index
          %get3A_326 = arith.constant 80 : index
          %get3A_327 = tpu.vector_load %arg13[%get3A_325, %get3A_326] {strides = array<i32>} : memref<32x128xf32, #tpu.memory_space<vmem>>, vector<16xf32>,
          %get3A_328 = arith.index_cast %while3A_152 : i32 to index
          %get3A_329 = arith.constant 80 : index
          %get3A_330 = tpu.vector_load %arg14[%get3A_328, %get3A_329] {strides = array<i32>} : memref<32x128xf32, #tpu.memory_space<vmem>>, vector<16xf32>,
          %mul3A_331 = arith.constant 0.899999976 : f32
          %mul3A_332 = vector.broadcast %mul3A_331 : f32 to vector<16xf32>
          %mul3A_333 = arith.mulf %mul3A_332, %gather3A_324 : vector<16xf32>
          %mul3A_334 = arith.constant 1.000000e-01 : f32
          %mul3A_335 = vector.broadcast %mul3A_334 : f32 to vector<16xf32>
          %mul3A_336 = arith.mulf %mul3A_335, %get3A_327 : vector<16xf32>
          %add3A_337 = arith.addf %mul3A_333, %mul3A_336 : vector<16xf32>
          tpu.vector_store_idx %arg11[%add3A_320, %broadcast_in_dim3A_155], %add3A_337 masked %lt3A_323 : memref<100x512xf32, #tpu.memory_space<vmem>>[vector<16xi32>, vector<16xi32>], vector<16xf32>, vector<16xi1>
          %mul3A_338 = arith.mulf %add3A_337, %get3A_330 : vector<16xf32>
          %jit3A_339 = arith.constant 1.000000e+00 : f32
          %jit3A_340 = arith.constant 0.000000e+00 : f32
          %broadcast_in_dim3A_341 = vector.broadcast %jit3A_339 : f32 to vector<16xf32>
          %broadcast_in_dim3A_342 = vector.broadcast %jit3A_340 : f32 to vector<16xf32>
          %select_n3A_343 = arith.select %lt3A_323, %broadcast_in_dim3A_341, %broadcast_in_dim3A_342 : vector<16xi1>, vector<16xf32>
          %mul3A_344 = arith.mulf %mul3A_338, %select_n3A_343 : vector<16xf32>
          %add3A_345 = arith.addf %add3A_313, %mul3A_344 : vector<16xf32>
          %jit3A_346 = arith.constant 0xFF800000 : f32
          %broadcast_in_dim3A_347 = vector.broadcast %jit3A_346 : f32 to vector<16xf32>
          %select_n3A_348 = arith.select %lt3A_323, %add3A_337, %broadcast_in_dim3A_347 : vector<16xi1>, vector<16xf32>
          %max3A_349 = arith.maximumf %max3A_317, %select_n3A_348 : vector<16xf32>
          %add3A_350 = arith.constant 96 : i32
          %add3A_351 = vector.broadcast %add3A_350 : i32 to vector<16xi32>
          %add3A_352 = arith.addi %add3A_351, %iota3A : vector<16xi32>
          %lt3A_353 = arith.constant 100 : i32
          %lt3A_354 = vector.broadcast %lt3A_353 : i32 to vector<16xi32>
          %lt3A_355 = arith.cmpi slt, %add3A_352, %lt3A_354 : vector<16xi32>
          %gather3A_356 = tpu.vector_load_idx %arg11[%add3A_352, %broadcast_in_dim3A_155] masked %lt3A_355 : memref<100x512xf32, #tpu.memory_space<vmem>>[vector<16xi32>, vector<16xi32>], vector<16xf32>, vector<16xi1>
          %get3A_357 = arith.index_cast %while3A_152 : i32 to index
          %get3A_358 = arith.constant 96 : index
          %get3A_359 = tpu.vector_load %arg13[%get3A_357, %get3A_358] {strides = array<i32>} : memref<32x128xf32, #tpu.memory_space<vmem>>, vector<16xf32>,
          %get3A_360 = arith.index_cast %while3A_152 : i32 to index
          %get3A_361 = arith.constant 96 : index
          %get3A_362 = tpu.vector_load %arg14[%get3A_360, %get3A_361] {strides = array<i32>} : memref<32x128xf32, #tpu.memory_space<vmem>>, vector<16xf32>,
          %mul3A_363 = arith.constant 0.899999976 : f32
          %mul3A_364 = vector.broadcast %mul3A_363 : f32 to vector<16xf32>
          %mul3A_365 = arith.mulf %mul3A_364, %gather3A_356 : vector<16xf32>
          %mul3A_366 = arith.constant 1.000000e-01 : f32
          %mul3A_367 = vector.broadcast %mul3A_366 : f32 to vector<16xf32>
          %mul3A_368 = arith.mulf %mul3A_367, %get3A_359 : vector<16xf32>
          %add3A_369 = arith.addf %mul3A_365, %mul3A_368 : vector<16xf32>
          tpu.vector_store_idx %arg11[%add3A_352, %broadcast_in_dim3A_155], %add3A_369 masked %lt3A_355 : memref<100x512xf32, #tpu.memory_space<vmem>>[vector<16xi32>, vector<16xi32>], vector<16xf32>, vector<16xi1>
          %mul3A_370 = arith.mulf %add3A_369, %get3A_362 : vector<16xf32>
          %jit3A_371 = arith.constant 1.000000e+00 : f32
          %jit3A_372 = arith.constant 0.000000e+00 : f32
          %broadcast_in_dim3A_373 = vector.broadcast %jit3A_371 : f32 to vector<16xf32>
          %broadcast_in_dim3A_374 = vector.broadcast %jit3A_372 : f32 to vector<16xf32>
          %select_n3A_375 = arith.select %lt3A_355, %broadcast_in_dim3A_373, %broadcast_in_dim3A_374 : vector<16xi1>, vector<16xf32>
          %mul3A_376 = arith.mulf %mul3A_370, %select_n3A_375 : vector<16xf32>
          %add3A_377 = arith.addf %add3A_345, %mul3A_376 : vector<16xf32>
          %jit3A_378 = arith.constant 0xFF800000 : f32
          %broadcast_in_dim3A_379 = vector.broadcast %jit3A_378 : f32 to vector<16xf32>
          %select_n3A_380 = arith.select %lt3A_355, %add3A_369, %broadcast_in_dim3A_379 : vector<16xi1>, vector<16xf32>
          %max3A_381 = arith.maximumf %max3A_349, %select_n3A_380 : vector<16xf32>
          %get3A_382 = arith.constant 0 : index
          %get3A_383 = tpu.vector_load %arg16[%get3A_382] {strides = array<i32>} : memref<16xf32, #tpu.memory_space<vmem>>, vector<16xf32>,
          %eq3A_384 = arith.constant 0 : i32
          %eq3A_385 = vector.broadcast %eq3A_384 : i32 to vector<16xi32>
          %eq3A_386 = arith.cmpi eq, %iota3A, %eq3A_385 : vector<16xi32>
          %reduce_sum3A = arith.constant true
          %reduce_sum3A_387 = vector.broadcast %reduce_sum3A : i1 to vector<16xi1>
          %reduce_sum3A_388 = tpu.scan <sum>, %add3A_377 masked %reduce_sum3A_387 : vector<16xf32>, vector<16xi1> -> vector<16xf32>
          %reduce_sum3A_389 = vector.extract %reduce_sum3A_388[15] : f32 from vector<16xf32>
          %neg3A = arith.constant 0.000000e+00 : f32
          %neg3A_390 = arith.subf %neg3A, %reduce_sum3A_389 : f32
          %jit3A_391 = arith.constant 0.000000e+00 : f32
          %broadcast_in_dim3A_392 = vector.broadcast %neg3A_390 : f32 to vector<16xf32>
          %broadcast_in_dim3A_393 = vector.broadcast %jit3A_391 : f32 to vector<16xf32>
          %select_n3A_394 = arith.select %eq3A_386, %broadcast_in_dim3A_392, %broadcast_in_dim3A_393 : vector<16xi1>, vector<16xf32>
          %add3A_395 = arith.addf %get3A_383, %select_n3A_394 : vector<16xf32>
          %eq3A_396 = arith.constant 1 : i32
          %eq3A_397 = vector.broadcast %eq3A_396 : i32 to vector<16xi32>
          %eq3A_398 = arith.cmpi eq, %iota3A, %eq3A_397 : vector<16xi32>
          %reduce_max3A = arith.constant true
          %reduce_max3A_399 = vector.broadcast %reduce_max3A : i1 to vector<16xi1>
          %reduce_max3A_400 = tpu.scan <max>, %max3A_381 masked %reduce_max3A_399 : vector<16xf32>, vector<16xi1> -> vector<16xf32>
          %reduce_max3A_401 = vector.extract %reduce_max3A_400[15] : f32 from vector<16xf32>
          %jit3A_402 = arith.constant 0.000000e+00 : f32
          %broadcast_in_dim3A_403 = vector.broadcast %reduce_max3A_401 : f32 to vector<16xf32>
          %broadcast_in_dim3A_404 = vector.broadcast %jit3A_402 : f32 to vector<16xf32>
          %select_n3A_405 = arith.select %eq3A_398, %broadcast_in_dim3A_403, %broadcast_in_dim3A_404 : vector<16xi1>, vector<16xf32>
          %add3A_406 = arith.addf %add3A_395, %select_n3A_405 : vector<16xf32>
          %swap3A_407 = arith.constant 0 : index
          %swap3A_408 = tpu.vector_load %arg16[%swap3A_407] {strides = array<i32>} : memref<16xf32, #tpu.memory_space<vmem>>, vector<16xf32>,
          tpu.vector_store %arg16[%swap3A_407], %add3A_406 {strides = array<i32>} : memref<16xf32, #tpu.memory_space<vmem>>, vector<16xf32>,
        }
        %while3A_147 = arith.constant 1 : i32
        scf.for %while3A_152 = %while3A_145 to %while3A_141 step %while3A_147  : i32 {
          %get3A_153 = arith.index_cast %while3A_152 : i32 to index
          %get3A_154 = memref.load %arg17[%get3A_153] : memref<32xi32, #tpu.memory_space<smem>>
          %broadcast_in_dim3A_155 = vector.broadcast %get3A_154 : i32 to vector<16xi32>
          %broadcast_in_dim3A_156 = arith.constant 0.000000e+00 : f32
          %broadcast_in_dim3A_157 = vector.broadcast %broadcast_in_dim3A_156 : f32 to vector<16xf32>
          %broadcast_in_dim3A_158 = arith.constant 0xFF800000 : f32
          %broadcast_in_dim3A_159 = vector.broadcast %broadcast_in_dim3A_158 : f32 to vector<16xf32>
          %add3A_160 = arith.constant 0 : i32
          %add3A_161 = vector.broadcast %add3A_160 : i32 to vector<16xi32>
          %add3A_162 = arith.addi %add3A_161, %iota3A : vector<16xi32>
          %lt3A_163 = arith.constant 100 : i32
          %lt3A_164 = vector.broadcast %lt3A_163 : i32 to vector<16xi32>
          %lt3A_165 = arith.cmpi slt, %add3A_162, %lt3A_164 : vector<16xi32>
          %gather3A = tpu.vector_load_idx %arg11[%add3A_162, %broadcast_in_dim3A_155] masked %lt3A_165 : memref<100x512xf32, #tpu.memory_space<vmem>>[vector<16xi32>, vector<16xi32>], vector<16xf32>, vector<16xi1>
          %get3A_166 = arith.index_cast %while3A_152 : i32 to index
          %get3A_167 = arith.constant 0 : index
          %get3A_168 = tpu.vector_load %arg13[%get3A_166, %get3A_167] {strides = array<i32>} : memref<32x128xf32, #tpu.memory_space<vmem>>, vector<16xf32>,
          %get3A_169 = arith.index_cast %while3A_152 : i32 to index
          %get3A_170 = arith.constant 0 : index
          %get3A_171 = tpu.vector_load %arg14[%get3A_169, %get3A_170] {strides = array<i32>} : memref<32x128xf32, #tpu.memory_space<vmem>>, vector<16xf32>,
          %mul3A_172 = arith.constant 0.899999976 : f32
          %mul3A_173 = vector.broadcast %mul3A_172 : f32 to vector<16xf32>
          %mul3A_174 = arith.mulf %mul3A_173, %gather3A : vector<16xf32>
          %mul3A_175 = arith.constant 1.000000e-01 : f32
          %mul3A_176 = vector.broadcast %mul3A_175 : f32 to vector<16xf32>
          %mul3A_177 = arith.mulf %mul3A_176, %get3A_168 : vector<16xf32>
          %add3A_178 = arith.addf %mul3A_174, %mul3A_177 : vector<16xf32>
          tpu.vector_store_idx %arg11[%add3A_162, %broadcast_in_dim3A_155], %add3A_178 masked %lt3A_165 : memref<100x512xf32, #tpu.memory_space<vmem>>[vector<16xi32>, vector<16xi32>], vector<16xf32>, vector<16xi1>
          %mul3A_179 = arith.mulf %add3A_178, %get3A_171 : vector<16xf32>
          %jit3A_180 = arith.constant 1.000000e+00 : f32
          %jit3A_181 = arith.constant 0.000000e+00 : f32
          %broadcast_in_dim3A_182 = vector.broadcast %jit3A_180 : f32 to vector<16xf32>
          %broadcast_in_dim3A_183 = vector.broadcast %jit3A_181 : f32 to vector<16xf32>
          %select_n3A_184 = arith.select %lt3A_165, %broadcast_in_dim3A_182, %broadcast_in_dim3A_183 : vector<16xi1>, vector<16xf32>
          %mul3A_185 = arith.mulf %mul3A_179, %select_n3A_184 : vector<16xf32>
          %add3A_186 = arith.addf %broadcast_in_dim3A_157, %mul3A_185 : vector<16xf32>
          %jit3A_187 = arith.constant 0xFF800000 : f32
          %broadcast_in_dim3A_188 = vector.broadcast %jit3A_187 : f32 to vector<16xf32>
          %select_n3A_189 = arith.select %lt3A_165, %add3A_178, %broadcast_in_dim3A_188 : vector<16xi1>, vector<16xf32>
          %max3A = arith.maximumf %broadcast_in_dim3A_159, %select_n3A_189 : vector<16xf32>
          %add3A_190 = arith.constant 16 : i32
          %add3A_191 = vector.broadcast %add3A_190 : i32 to vector<16xi32>
          %add3A_192 = arith.addi %add3A_191, %iota3A : vector<16xi32>
          %lt3A_193 = arith.constant 100 : i32
          %lt3A_194 = vector.broadcast %lt3A_193 : i32 to vector<16xi32>
          %lt3A_195 = arith.cmpi slt, %add3A_192, %lt3A_194 : vector<16xi32>
          %gather3A_196 = tpu.vector_load_idx %arg11[%add3A_192, %broadcast_in_dim3A_155] masked %lt3A_195 : memref<100x512xf32, #tpu.memory_space<vmem>>[vector<16xi32>, vector<16xi32>], vector<16xf32>, vector<16xi1>
          %get3A_197 = arith.index_cast %while3A_152 : i32 to index
          %get3A_198 = arith.constant 16 : index
          %get3A_199 = tpu.vector_load %arg13[%get3A_197, %get3A_198] {strides = array<i32>} : memref<32x128xf32, #tpu.memory_space<vmem>>, vector<16xf32>,
          %get3A_200 = arith.index_cast %while3A_152 : i32 to index
          %get3A_201 = arith.constant 16 : index
          %get3A_202 = tpu.vector_load %arg14[%get3A_200, %get3A_201] {strides = array<i32>} : memref<32x128xf32, #tpu.memory_space<vmem>>, vector<16xf32>,
          %mul3A_203 = arith.constant 0.899999976 : f32
          %mul3A_204 = vector.broadcast %mul3A_203 : f32 to vector<16xf32>
          %mul3A_205 = arith.mulf %mul3A_204, %gather3A_196 : vector<16xf32>
          %mul3A_206 = arith.constant 1.000000e-01 : f32
          %mul3A_207 = vector.broadcast %mul3A_206 : f32 to vector<16xf32>
          %mul3A_208 = arith.mulf %mul3A_207, %get3A_199 : vector<16xf32>
          %add3A_209 = arith.addf %mul3A_205, %mul3A_208 : vector<16xf32>
          tpu.vector_store_idx %arg11[%add3A_192, %broadcast_in_dim3A_155], %add3A_209 masked %lt3A_195 : memref<100x512xf32, #tpu.memory_space<vmem>>[vector<16xi32>, vector<16xi32>], vector<16xf32>, vector<16xi1>
          %mul3A_210 = arith.mulf %add3A_209, %get3A_202 : vector<16xf32>
          %jit3A_211 = arith.constant 1.000000e+00 : f32
          %jit3A_212 = arith.constant 0.000000e+00 : f32
          %broadcast_in_dim3A_213 = vector.broadcast %jit3A_211 : f32 to vector<16xf32>
          %broadcast_in_dim3A_214 = vector.broadcast %jit3A_212 : f32 to vector<16xf32>
          %select_n3A_215 = arith.select %lt3A_195, %broadcast_in_dim3A_213, %broadcast_in_dim3A_214 : vector<16xi1>, vector<16xf32>
          %mul3A_216 = arith.mulf %mul3A_210, %select_n3A_215 : vector<16xf32>
          %add3A_217 = arith.addf %add3A_186, %mul3A_216 : vector<16xf32>
          %jit3A_218 = arith.constant 0xFF800000 : f32
          %broadcast_in_dim3A_219 = vector.broadcast %jit3A_218 : f32 to vector<16xf32>
          %select_n3A_220 = arith.select %lt3A_195, %add3A_209, %broadcast_in_dim3A_219 : vector<16xi1>, vector<16xf32>
          %max3A_221 = arith.maximumf %max3A, %select_n3A_220 : vector<16xf32>
          %add3A_222 = arith.constant 32 : i32
          %add3A_223 = vector.broadcast %add3A_222 : i32 to vector<16xi32>
          %add3A_224 = arith.addi %add3A_223, %iota3A : vector<16xi32>
          %lt3A_225 = arith.constant 100 : i32
          %lt3A_226 = vector.broadcast %lt3A_225 : i32 to vector<16xi32>
          %lt3A_227 = arith.cmpi slt, %add3A_224, %lt3A_226 : vector<16xi32>
          %gather3A_228 = tpu.vector_load_idx %arg11[%add3A_224, %broadcast_in_dim3A_155] masked %lt3A_227 : memref<100x512xf32, #tpu.memory_space<vmem>>[vector<16xi32>, vector<16xi32>], vector<16xf32>, vector<16xi1>
          %get3A_229 = arith.index_cast %while3A_152 : i32 to index
          %get3A_230 = arith.constant 32 : index
          %get3A_231 = tpu.vector_load %arg13[%get3A_229, %get3A_230] {strides = array<i32>} : memref<32x128xf32, #tpu.memory_space<vmem>>, vector<16xf32>,
          %get3A_232 = arith.index_cast %while3A_152 : i32 to index
          %get3A_233 = arith.constant 32 : index
          %get3A_234 = tpu.vector_load %arg14[%get3A_232, %get3A_233] {strides = array<i32>} : memref<32x128xf32, #tpu.memory_space<vmem>>, vector<16xf32>,
          %mul3A_235 = arith.constant 0.899999976 : f32
          %mul3A_236 = vector.broadcast %mul3A_235 : f32 to vector<16xf32>
          %mul3A_237 = arith.mulf %mul3A_236, %gather3A_228 : vector<16xf32>
          %mul3A_238 = arith.constant 1.000000e-01 : f32
          %mul3A_239 = vector.broadcast %mul3A_238 : f32 to vector<16xf32>
          %mul3A_240 = arith.mulf %mul3A_239, %get3A_231 : vector<16xf32>
          %add3A_241 = arith.addf %mul3A_237, %mul3A_240 : vector<16xf32>
          tpu.vector_store_idx %arg11[%add3A_224, %broadcast_in_dim3A_155], %add3A_241 masked %lt3A_227 : memref<100x512xf32, #tpu.memory_space<vmem>>[vector<16xi32>, vector<16xi32>], vector<16xf32>, vector<16xi1>
          %mul3A_242 = arith.mulf %add3A_241, %get3A_234 : vector<16xf32>
          %jit3A_243 = arith.constant 1.000000e+00 : f32
          %jit3A_244 = arith.constant 0.000000e+00 : f32
          %broadcast_in_dim3A_245 = vector.broadcast %jit3A_243 : f32 to vector<16xf32>
          %broadcast_in_dim3A_246 = vector.broadcast %jit3A_244 : f32 to vector<16xf32>
          %select_n3A_247 = arith.select %lt3A_227, %broadcast_in_dim3A_245, %broadcast_in_dim3A_246 : vector<16xi1>, vector<16xf32>
          %mul3A_248 = arith.mulf %mul3A_242, %select_n3A_247 : vector<16xf32>
          %add3A_249 = arith.addf %add3A_217, %mul3A_248 : vector<16xf32>
          %jit3A_250 = arith.constant 0xFF800000 : f32
          %broadcast_in_dim3A_251 = vector.broadcast %jit3A_250 : f32 to vector<16xf32>
          %select_n3A_252 = arith.select %lt3A_227, %add3A_241, %broadcast_in_dim3A_251 : vector<16xi1>, vector<16xf32>
          %max3A_253 = arith.maximumf %max3A_221, %select_n3A_252 : vector<16xf32>
          %add3A_254 = arith.constant 48 : i32
          %add3A_255 = vector.broadcast %add3A_254 : i32 to vector<16xi32>
          %add3A_256 = arith.addi %add3A_255, %iota3A : vector<16xi32>
          %lt3A_257 = arith.constant 100 : i32
          %lt3A_258 = vector.broadcast %lt3A_257 : i32 to vector<16xi32>
          %lt3A_259 = arith.cmpi slt, %add3A_256, %lt3A_258 : vector<16xi32>
          %gather3A_260 = tpu.vector_load_idx %arg11[%add3A_256, %broadcast_in_dim3A_155] masked %lt3A_259 : memref<100x512xf32, #tpu.memory_space<vmem>>[vector<16xi32>, vector<16xi32>], vector<16xf32>, vector<16xi1>
          %get3A_261 = arith.index_cast %while3A_152 : i32 to index
          %get3A_262 = arith.constant 48 : index
          %get3A_263 = tpu.vector_load %arg13[%get3A_261, %get3A_262] {strides = array<i32>} : memref<32x128xf32, #tpu.memory_space<vmem>>, vector<16xf32>,
          %get3A_264 = arith.index_cast %while3A_152 : i32 to index
          %get3A_265 = arith.constant 48 : index
          %get3A_266 = tpu.vector_load %arg14[%get3A_264, %get3A_265] {strides = array<i32>} : memref<32x128xf32, #tpu.memory_space<vmem>>, vector<16xf32>,
          %mul3A_267 = arith.constant 0.899999976 : f32
          %mul3A_268 = vector.broadcast %mul3A_267 : f32 to vector<16xf32>
          %mul3A_269 = arith.mulf %mul3A_268, %gather3A_260 : vector<16xf32>
          %mul3A_270 = arith.constant 1.000000e-01 : f32
          %mul3A_271 = vector.broadcast %mul3A_270 : f32 to vector<16xf32>
          %mul3A_272 = arith.mulf %mul3A_271, %get3A_263 : vector<16xf32>
          %add3A_273 = arith.addf %mul3A_269, %mul3A_272 : vector<16xf32>
          tpu.vector_store_idx %arg11[%add3A_256, %broadcast_in_dim3A_155], %add3A_273 masked %lt3A_259 : memref<100x512xf32, #tpu.memory_space<vmem>>[vector<16xi32>, vector<16xi32>], vector<16xf32>, vector<16xi1>
          %mul3A_274 = arith.mulf %add3A_273, %get3A_266 : vector<16xf32>
          %jit3A_275 = arith.constant 1.000000e+00 : f32
          %jit3A_276 = arith.constant 0.000000e+00 : f32
          %broadcast_in_dim3A_277 = vector.broadcast %jit3A_275 : f32 to vector<16xf32>
          %broadcast_in_dim3A_278 = vector.broadcast %jit3A_276 : f32 to vector<16xf32>
          %select_n3A_279 = arith.select %lt3A_259, %broadcast_in_dim3A_277, %broadcast_in_dim3A_278 : vector<16xi1>, vector<16xf32>
          %mul3A_280 = arith.mulf %mul3A_274, %select_n3A_279 : vector<16xf32>
          %add3A_281 = arith.addf %add3A_249, %mul3A_280 : vector<16xf32>
          %jit3A_282 = arith.constant 0xFF800000 : f32
          %broadcast_in_dim3A_283 = vector.broadcast %jit3A_282 : f32 to vector<16xf32>
          %select_n3A_284 = arith.select %lt3A_259, %add3A_273, %broadcast_in_dim3A_283 : vector<16xi1>, vector<16xf32>
          %max3A_285 = arith.maximumf %max3A_253, %select_n3A_284 : vector<16xf32>
          %add3A_286 = arith.constant 64 : i32
          %add3A_287 = vector.broadcast %add3A_286 : i32 to vector<16xi32>
          %add3A_288 = arith.addi %add3A_287, %iota3A : vector<16xi32>
          %lt3A_289 = arith.constant 100 : i32
          %lt3A_290 = vector.broadcast %lt3A_289 : i32 to vector<16xi32>
          %lt3A_291 = arith.cmpi slt, %add3A_288, %lt3A_290 : vector<16xi32>
          %gather3A_292 = tpu.vector_load_idx %arg11[%add3A_288, %broadcast_in_dim3A_155] masked %lt3A_291 : memref<100x512xf32, #tpu.memory_space<vmem>>[vector<16xi32>, vector<16xi32>], vector<16xf32>, vector<16xi1>
          %get3A_293 = arith.index_cast %while3A_152 : i32 to index
          %get3A_294 = arith.constant 64 : index
          %get3A_295 = tpu.vector_load %arg13[%get3A_293, %get3A_294] {strides = array<i32>} : memref<32x128xf32, #tpu.memory_space<vmem>>, vector<16xf32>,
          %get3A_296 = arith.index_cast %while3A_152 : i32 to index
          %get3A_297 = arith.constant 64 : index
          %get3A_298 = tpu.vector_load %arg14[%get3A_296, %get3A_297] {strides = array<i32>} : memref<32x128xf32, #tpu.memory_space<vmem>>, vector<16xf32>,
          %mul3A_299 = arith.constant 0.899999976 : f32
          %mul3A_300 = vector.broadcast %mul3A_299 : f32 to vector<16xf32>
          %mul3A_301 = arith.mulf %mul3A_300, %gather3A_292 : vector<16xf32>
          %mul3A_302 = arith.constant 1.000000e-01 : f32
          %mul3A_303 = vector.broadcast %mul3A_302 : f32 to vector<16xf32>
          %mul3A_304 = arith.mulf %mul3A_303, %get3A_295 : vector<16xf32>
          %add3A_305 = arith.addf %mul3A_301, %mul3A_304 : vector<16xf32>
          tpu.vector_store_idx %arg11[%add3A_288, %broadcast_in_dim3A_155], %add3A_305 masked %lt3A_291 : memref<100x512xf32, #tpu.memory_space<vmem>>[vector<16xi32>, vector<16xi32>], vector<16xf32>, vector<16xi1>
          %mul3A_306 = arith.mulf %add3A_305, %get3A_298 : vector<16xf32>
          %jit3A_307 = arith.constant 1.000000e+00 : f32
          %jit3A_308 = arith.constant 0.000000e+00 : f32
          %broadcast_in_dim3A_309 = vector.broadcast %jit3A_307 : f32 to vector<16xf32>
          %broadcast_in_dim3A_310 = vector.broadcast %jit3A_308 : f32 to vector<16xf32>
          %select_n3A_311 = arith.select %lt3A_291, %broadcast_in_dim3A_309, %broadcast_in_dim3A_310 : vector<16xi1>, vector<16xf32>
          %mul3A_312 = arith.mulf %mul3A_306, %select_n3A_311 : vector<16xf32>
          %add3A_313 = arith.addf %add3A_281, %mul3A_312 : vector<16xf32>
          %jit3A_314 = arith.constant 0xFF800000 : f32
          %broadcast_in_dim3A_315 = vector.broadcast %jit3A_314 : f32 to vector<16xf32>
          %select_n3A_316 = arith.select %lt3A_291, %add3A_305, %broadcast_in_dim3A_315 : vector<16xi1>, vector<16xf32>
          %max3A_317 = arith.maximumf %max3A_285, %select_n3A_316 : vector<16xf32>
          %add3A_318 = arith.constant 80 : i32
          %add3A_319 = vector.broadcast %add3A_318 : i32 to vector<16xi32>
          %add3A_320 = arith.addi %add3A_319, %iota3A : vector<16xi32>
          %lt3A_321 = arith.constant 100 : i32
          %lt3A_322 = vector.broadcast %lt3A_321 : i32 to vector<16xi32>
          %lt3A_323 = arith.cmpi slt, %add3A_320, %lt3A_322 : vector<16xi32>
          %gather3A_324 = tpu.vector_load_idx %arg11[%add3A_320, %broadcast_in_dim3A_155] masked %lt3A_323 : memref<100x512xf32, #tpu.memory_space<vmem>>[vector<16xi32>, vector<16xi32>], vector<16xf32>, vector<16xi1>
          %get3A_325 = arith.index_cast %while3A_152 : i32 to index
          %get3A_326 = arith.constant 80 : index
          %get3A_327 = tpu.vector_load %arg13[%get3A_325, %get3A_326] {strides = array<i32>} : memref<32x128xf32, #tpu.memory_space<vmem>>, vector<16xf32>,
          %get3A_328 = arith.index_cast %while3A_152 : i32 to index
          %get3A_329 = arith.constant 80 : index
          %get3A_330 = tpu.vector_load %arg14[%get3A_328, %get3A_329] {strides = array<i32>} : memref<32x128xf32, #tpu.memory_space<vmem>>, vector<16xf32>,
          %mul3A_331 = arith.constant 0.899999976 : f32
          %mul3A_332 = vector.broadcast %mul3A_331 : f32 to vector<16xf32>
          %mul3A_333 = arith.mulf %mul3A_332, %gather3A_324 : vector<16xf32>
          %mul3A_334 = arith.constant 1.000000e-01 : f32
          %mul3A_335 = vector.broadcast %mul3A_334 : f32 to vector<16xf32>
          %mul3A_336 = arith.mulf %mul3A_335, %get3A_327 : vector<16xf32>
          %add3A_337 = arith.addf %mul3A_333, %mul3A_336 : vector<16xf32>
          tpu.vector_store_idx %arg11[%add3A_320, %broadcast_in_dim3A_155], %add3A_337 masked %lt3A_323 : memref<100x512xf32, #tpu.memory_space<vmem>>[vector<16xi32>, vector<16xi32>], vector<16xf32>, vector<16xi1>
          %mul3A_338 = arith.mulf %add3A_337, %get3A_330 : vector<16xf32>
          %jit3A_339 = arith.constant 1.000000e+00 : f32
          %jit3A_340 = arith.constant 0.000000e+00 : f32
          %broadcast_in_dim3A_341 = vector.broadcast %jit3A_339 : f32 to vector<16xf32>
          %broadcast_in_dim3A_342 = vector.broadcast %jit3A_340 : f32 to vector<16xf32>
          %select_n3A_343 = arith.select %lt3A_323, %broadcast_in_dim3A_341, %broadcast_in_dim3A_342 : vector<16xi1>, vector<16xf32>
          %mul3A_344 = arith.mulf %mul3A_338, %select_n3A_343 : vector<16xf32>
          %add3A_345 = arith.addf %add3A_313, %mul3A_344 : vector<16xf32>
          %jit3A_346 = arith.constant 0xFF800000 : f32
          %broadcast_in_dim3A_347 = vector.broadcast %jit3A_346 : f32 to vector<16xf32>
          %select_n3A_348 = arith.select %lt3A_323, %add3A_337, %broadcast_in_dim3A_347 : vector<16xi1>, vector<16xf32>
          %max3A_349 = arith.maximumf %max3A_317, %select_n3A_348 : vector<16xf32>
          %add3A_350 = arith.constant 96 : i32
          %add3A_351 = vector.broadcast %add3A_350 : i32 to vector<16xi32>
          %add3A_352 = arith.addi %add3A_351, %iota3A : vector<16xi32>
          %lt3A_353 = arith.constant 100 : i32
          %lt3A_354 = vector.broadcast %lt3A_353 : i32 to vector<16xi32>
          %lt3A_355 = arith.cmpi slt, %add3A_352, %lt3A_354 : vector<16xi32>
          %gather3A_356 = tpu.vector_load_idx %arg11[%add3A_352, %broadcast_in_dim3A_155] masked %lt3A_355 : memref<100x512xf32, #tpu.memory_space<vmem>>[vector<16xi32>, vector<16xi32>], vector<16xf32>, vector<16xi1>
          %get3A_357 = arith.index_cast %while3A_152 : i32 to index
          %get3A_358 = arith.constant 96 : index
          %get3A_359 = tpu.vector_load %arg13[%get3A_357, %get3A_358] {strides = array<i32>} : memref<32x128xf32, #tpu.memory_space<vmem>>, vector<16xf32>,
          %get3A_360 = arith.index_cast %while3A_152 : i32 to index
          %get3A_361 = arith.constant 96 : index
          %get3A_362 = tpu.vector_load %arg14[%get3A_360, %get3A_361] {strides = array<i32>} : memref<32x128xf32, #tpu.memory_space<vmem>>, vector<16xf32>,
          %mul3A_363 = arith.constant 0.899999976 : f32
          %mul3A_364 = vector.broadcast %mul3A_363 : f32 to vector<16xf32>
          %mul3A_365 = arith.mulf %mul3A_364, %gather3A_356 : vector<16xf32>
          %mul3A_366 = arith.constant 1.000000e-01 : f32
          %mul3A_367 = vector.broadcast %mul3A_366 : f32 to vector<16xf32>
          %mul3A_368 = arith.mulf %mul3A_367, %get3A_359 : vector<16xf32>
          %add3A_369 = arith.addf %mul3A_365, %mul3A_368 : vector<16xf32>
          tpu.vector_store_idx %arg11[%add3A_352, %broadcast_in_dim3A_155], %add3A_369 masked %lt3A_355 : memref<100x512xf32, #tpu.memory_space<vmem>>[vector<16xi32>, vector<16xi32>], vector<16xf32>, vector<16xi1>
          %mul3A_370 = arith.mulf %add3A_369, %get3A_362 : vector<16xf32>
          %jit3A_371 = arith.constant 1.000000e+00 : f32
          %jit3A_372 = arith.constant 0.000000e+00 : f32
          %broadcast_in_dim3A_373 = vector.broadcast %jit3A_371 : f32 to vector<16xf32>
          %broadcast_in_dim3A_374 = vector.broadcast %jit3A_372 : f32 to vector<16xf32>
          %select_n3A_375 = arith.select %lt3A_355, %broadcast_in_dim3A_373, %broadcast_in_dim3A_374 : vector<16xi1>, vector<16xf32>
          %mul3A_376 = arith.mulf %mul3A_370, %select_n3A_375 : vector<16xf32>
          %add3A_377 = arith.addf %add3A_345, %mul3A_376 : vector<16xf32>
          %jit3A_378 = arith.constant 0xFF800000 : f32
          %broadcast_in_dim3A_379 = vector.broadcast %jit3A_378 : f32 to vector<16xf32>
          %select_n3A_380 = arith.select %lt3A_355, %add3A_369, %broadcast_in_dim3A_379 : vector<16xi1>, vector<16xf32>
          %max3A_381 = arith.maximumf %max3A_349, %select_n3A_380 : vector<16xf32>
          %get3A_382 = arith.constant 0 : index
          %get3A_383 = tpu.vector_load %arg16[%get3A_382] {strides = array<i32>} : memref<16xf32, #tpu.memory_space<vmem>>, vector<16xf32>,
          %eq3A_384 = arith.constant 0 : i32
          %eq3A_385 = vector.broadcast %eq3A_384 : i32 to vector<16xi32>
          %eq3A_386 = arith.cmpi eq, %iota3A, %eq3A_385 : vector<16xi32>
          %reduce_sum3A = arith.constant true
          %reduce_sum3A_387 = vector.broadcast %reduce_sum3A : i1 to vector<16xi1>
          %reduce_sum3A_388 = tpu.scan <sum>, %add3A_377 masked %reduce_sum3A_387 : vector<16xf32>, vector<16xi1> -> vector<16xf32>
          %reduce_sum3A_389 = vector.extract %reduce_sum3A_388[15] : f32 from vector<16xf32>
          %neg3A = arith.constant 0.000000e+00 : f32
          %neg3A_390 = arith.subf %neg3A, %reduce_sum3A_389 : f32
          %jit3A_391 = arith.constant 0.000000e+00 : f32
          %broadcast_in_dim3A_392 = vector.broadcast %neg3A_390 : f32 to vector<16xf32>
          %broadcast_in_dim3A_393 = vector.broadcast %jit3A_391 : f32 to vector<16xf32>
          %select_n3A_394 = arith.select %eq3A_386, %broadcast_in_dim3A_392, %broadcast_in_dim3A_393 : vector<16xi1>, vector<16xf32>
          %add3A_395 = arith.addf %get3A_383, %select_n3A_394 : vector<16xf32>
          %eq3A_396 = arith.constant 1 : i32
          %eq3A_397 = vector.broadcast %eq3A_396 : i32 to vector<16xi32>
          %eq3A_398 = arith.cmpi eq, %iota3A, %eq3A_397 : vector<16xi32>
          %reduce_max3A = arith.constant true
          %reduce_max3A_399 = vector.broadcast %reduce_max3A : i1 to vector<16xi1>
          %reduce_max3A_400 = tpu.scan <max>, %max3A_381 masked %reduce_max3A_399 : vector<16xf32>, vector<16xi1> -> vector<16xf32>
          %reduce_max3A_401 = vector.extract %reduce_max3A_400[15] : f32 from vector<16xf32>
          %jit3A_402 = arith.constant 0.000000e+00 : f32
          %broadcast_in_dim3A_403 = vector.broadcast %reduce_max3A_401 : f32 to vector<16xf32>
          %broadcast_in_dim3A_404 = vector.broadcast %jit3A_402 : f32 to vector<16xf32>
          %select_n3A_405 = arith.select %eq3A_398, %broadcast_in_dim3A_403, %broadcast_in_dim3A_404 : vector<16xi1>, vector<16xf32>
          %add3A_406 = arith.addf %add3A_395, %select_n3A_405 : vector<16xf32>
          %swap3A_407 = arith.constant 0 : index
          %swap3A_408 = tpu.vector_load %arg16[%swap3A_407] {strides = array<i32>} : memref<16xf32, #tpu.memory_space<vmem>>, vector<16xf32>,
          tpu.vector_store %arg16[%swap3A_407], %add3A_406 {strides = array<i32>} : memref<16xf32, #tpu.memory_space<vmem>>, vector<16xf32>,
        }
        %dma_start3A_148 = arith.constant 0 : i32
        %dma_start3A_149 = tpu.memref_slice %arg6[%dma_start3A_148, %mul3A_65] : memref<100x1000000xf32, #tpu.memory_space<hbm>> -> memref<100x512xf32, #tpu.memory_space<hbm>>
        %dma_start3A_150 = arith.constant 0 : i32
        %dma_start3A_151 = tpu.memref_slice %arg6[%dma_start3A_150, %mul3A_65] : memref<100x1000000xf32, #tpu.memory_space<hbm>> -> memref<100x512xf32, #tpu.memory_space<hbm>>
        tpu.enqueue_dma source(%arg11 : memref<100x512xf32, #tpu.memory_space<vmem>>) target(%dma_start3A_151 : memref<100x512xf32, #tpu.memory_space<hbm>>) target_semaphore(%arg19 : memref<!tpu.dma_semaphore, #tpu.memory_space<semaphore_mem>>)
      } else {
      }
      %jit3A_117 = arith.constant 2 : i32
      %eq3A_118 = arith.constant 0 : i32
      %eq3A_119 = arith.cmpi eq, %jit3A_117, %eq3A_118 : i32
      %jit3A_120 = arith.constant 1 : i32
      %select_n3A_121 = arith.select %eq3A_119, %jit3A_120, %jit3A_117 : i32
      %rem3A_122 = arith.remsi %while3A_60, %select_n3A_121 : i32
      %ne3A_123 = arith.constant 0 : i32
      %ne3A_124 = arith.cmpi ne, %rem3A_122, %ne3A_123 : i32
      %lt3A_125 = arith.constant 0 : i32
      %lt3A_126 = arith.cmpi slt, %rem3A_122, %lt3A_125 : i32
      %lt3A_127 = arith.constant 0 : i32
      %lt3A_128 = arith.cmpi slt, %select_n3A_121, %lt3A_127 : i32
      %ne3A_129 = arith.xori %lt3A_126, %lt3A_128 : i1
      %and3A_130 = arith.andi %ne3A_129, %ne3A_124 : i1
      %add3A_131 = arith.addi %rem3A_122, %select_n3A_121 : i32
      %select_n3A_132 = arith.select %and3A_130, %add3A_131, %rem3A_122 : i32
      %eq3A_133 = arith.constant 1 : i32
      %eq3A_134 = arith.cmpi eq, %select_n3A_132, %eq3A_133 : i32
      %convert_element_type3A_135 = arith.extui %eq3A_134 : i1 to i32
      %cond3A_136 = arith.constant 0 : i32
      %cond3A_137 = arith.cmpi ne, %convert_element_type3A_135, %cond3A_136 : i32
      scf.if %cond3A_137 {
        %while3A_138 = arith.constant 0 : i32
        %while3A_139 = arith.constant 0 : i32
        %while3A_140 = arith.subi %while3A_77, %while3A_139 : i32
        %while3A_141 = arith.addi %while3A_139, %while3A_140 : i32
        %while3A_142 = arith.constant 1 : i32
        %while3A_143 = arith.divsi %while3A_140, %while3A_142 : i32
        %while3A_144 = arith.muli %while3A_143, %while3A_142 : i32
        %while3A_145 = arith.addi %while3A_139, %while3A_144 : i32
        %while3A_146 = arith.constant 1 : i32
        scf.for %while3A_152 = %while3A_139 to %while3A_145 step %while3A_146  : i32 {
          %get3A_153 = arith.index_cast %while3A_152 : i32 to index
          %get3A_154 = memref.load %arg17[%get3A_153] : memref<32xi32, #tpu.memory_space<smem>>
          %broadcast_in_dim3A_155 = vector.broadcast %get3A_154 : i32 to vector<16xi32>
          %broadcast_in_dim3A_156 = arith.constant 0.000000e+00 : f32
          %broadcast_in_dim3A_157 = vector.broadcast %broadcast_in_dim3A_156 : f32 to vector<16xf32>
          %broadcast_in_dim3A_158 = arith.constant 0xFF800000 : f32
          %broadcast_in_dim3A_159 = vector.broadcast %broadcast_in_dim3A_158 : f32 to vector<16xf32>
          %add3A_160 = arith.constant 0 : i32
          %add3A_161 = vector.broadcast %add3A_160 : i32 to vector<16xi32>
          %add3A_162 = arith.addi %add3A_161, %iota3A : vector<16xi32>
          %lt3A_163 = arith.constant 100 : i32
          %lt3A_164 = vector.broadcast %lt3A_163 : i32 to vector<16xi32>
          %lt3A_165 = arith.cmpi slt, %add3A_162, %lt3A_164 : vector<16xi32>
          %gather3A = tpu.vector_load_idx %arg12[%add3A_162, %broadcast_in_dim3A_155] masked %lt3A_165 : memref<100x512xf32, #tpu.memory_space<vmem>>[vector<16xi32>, vector<16xi32>], vector<16xf32>, vector<16xi1>
          %get3A_166 = arith.index_cast %while3A_152 : i32 to index
          %get3A_167 = arith.constant 0 : index
          %get3A_168 = tpu.vector_load %arg13[%get3A_166, %get3A_167] {strides = array<i32>} : memref<32x128xf32, #tpu.memory_space<vmem>>, vector<16xf32>,
          %get3A_169 = arith.index_cast %while3A_152 : i32 to index
          %get3A_170 = arith.constant 0 : index
          %get3A_171 = tpu.vector_load %arg14[%get3A_169, %get3A_170] {strides = array<i32>} : memref<32x128xf32, #tpu.memory_space<vmem>>, vector<16xf32>,
          %mul3A_172 = arith.constant 0.899999976 : f32
          %mul3A_173 = vector.broadcast %mul3A_172 : f32 to vector<16xf32>
          %mul3A_174 = arith.mulf %mul3A_173, %gather3A : vector<16xf32>
          %mul3A_175 = arith.constant 1.000000e-01 : f32
          %mul3A_176 = vector.broadcast %mul3A_175 : f32 to vector<16xf32>
          %mul3A_177 = arith.mulf %mul3A_176, %get3A_168 : vector<16xf32>
          %add3A_178 = arith.addf %mul3A_174, %mul3A_177 : vector<16xf32>
          tpu.vector_store_idx %arg12[%add3A_162, %broadcast_in_dim3A_155], %add3A_178 masked %lt3A_165 : memref<100x512xf32, #tpu.memory_space<vmem>>[vector<16xi32>, vector<16xi32>], vector<16xf32>, vector<16xi1>
          %mul3A_179 = arith.mulf %add3A_178, %get3A_171 : vector<16xf32>
          %jit3A_180 = arith.constant 1.000000e+00 : f32
          %jit3A_181 = arith.constant 0.000000e+00 : f32
          %broadcast_in_dim3A_182 = vector.broadcast %jit3A_180 : f32 to vector<16xf32>
          %broadcast_in_dim3A_183 = vector.broadcast %jit3A_181 : f32 to vector<16xf32>
          %select_n3A_184 = arith.select %lt3A_165, %broadcast_in_dim3A_182, %broadcast_in_dim3A_183 : vector<16xi1>, vector<16xf32>
          %mul3A_185 = arith.mulf %mul3A_179, %select_n3A_184 : vector<16xf32>
          %add3A_186 = arith.addf %broadcast_in_dim3A_157, %mul3A_185 : vector<16xf32>
          %jit3A_187 = arith.constant 0xFF800000 : f32
          %broadcast_in_dim3A_188 = vector.broadcast %jit3A_187 : f32 to vector<16xf32>
          %select_n3A_189 = arith.select %lt3A_165, %add3A_178, %broadcast_in_dim3A_188 : vector<16xi1>, vector<16xf32>
          %max3A = arith.maximumf %broadcast_in_dim3A_159, %select_n3A_189 : vector<16xf32>
          %add3A_190 = arith.constant 16 : i32
          %add3A_191 = vector.broadcast %add3A_190 : i32 to vector<16xi32>
          %add3A_192 = arith.addi %add3A_191, %iota3A : vector<16xi32>
          %lt3A_193 = arith.constant 100 : i32
          %lt3A_194 = vector.broadcast %lt3A_193 : i32 to vector<16xi32>
          %lt3A_195 = arith.cmpi slt, %add3A_192, %lt3A_194 : vector<16xi32>
          %gather3A_196 = tpu.vector_load_idx %arg12[%add3A_192, %broadcast_in_dim3A_155] masked %lt3A_195 : memref<100x512xf32, #tpu.memory_space<vmem>>[vector<16xi32>, vector<16xi32>], vector<16xf32>, vector<16xi1>
          %get3A_197 = arith.index_cast %while3A_152 : i32 to index
          %get3A_198 = arith.constant 16 : index
          %get3A_199 = tpu.vector_load %arg13[%get3A_197, %get3A_198] {strides = array<i32>} : memref<32x128xf32, #tpu.memory_space<vmem>>, vector<16xf32>,
          %get3A_200 = arith.index_cast %while3A_152 : i32 to index
          %get3A_201 = arith.constant 16 : index
          %get3A_202 = tpu.vector_load %arg14[%get3A_200, %get3A_201] {strides = array<i32>} : memref<32x128xf32, #tpu.memory_space<vmem>>, vector<16xf32>,
          %mul3A_203 = arith.constant 0.899999976 : f32
          %mul3A_204 = vector.broadcast %mul3A_203 : f32 to vector<16xf32>
          %mul3A_205 = arith.mulf %mul3A_204, %gather3A_196 : vector<16xf32>
          %mul3A_206 = arith.constant 1.000000e-01 : f32
          %mul3A_207 = vector.broadcast %mul3A_206 : f32 to vector<16xf32>
          %mul3A_208 = arith.mulf %mul3A_207, %get3A_199 : vector<16xf32>
          %add3A_209 = arith.addf %mul3A_205, %mul3A_208 : vector<16xf32>
          tpu.vector_store_idx %arg12[%add3A_192, %broadcast_in_dim3A_155], %add3A_209 masked %lt3A_195 : memref<100x512xf32, #tpu.memory_space<vmem>>[vector<16xi32>, vector<16xi32>], vector<16xf32>, vector<16xi1>
          %mul3A_210 = arith.mulf %add3A_209, %get3A_202 : vector<16xf32>
          %jit3A_211 = arith.constant 1.000000e+00 : f32
          %jit3A_212 = arith.constant 0.000000e+00 : f32
          %broadcast_in_dim3A_213 = vector.broadcast %jit3A_211 : f32 to vector<16xf32>
          %broadcast_in_dim3A_214 = vector.broadcast %jit3A_212 : f32 to vector<16xf32>
          %select_n3A_215 = arith.select %lt3A_195, %broadcast_in_dim3A_213, %broadcast_in_dim3A_214 : vector<16xi1>, vector<16xf32>
          %mul3A_216 = arith.mulf %mul3A_210, %select_n3A_215 : vector<16xf32>
          %add3A_217 = arith.addf %add3A_186, %mul3A_216 : vector<16xf32>
          %jit3A_218 = arith.constant 0xFF800000 : f32
          %broadcast_in_dim3A_219 = vector.broadcast %jit3A_218 : f32 to vector<16xf32>
          %select_n3A_220 = arith.select %lt3A_195, %add3A_209, %broadcast_in_dim3A_219 : vector<16xi1>, vector<16xf32>
          %max3A_221 = arith.maximumf %max3A, %select_n3A_220 : vector<16xf32>
          %add3A_222 = arith.constant 32 : i32
          %add3A_223 = vector.broadcast %add3A_222 : i32 to vector<16xi32>
          %add3A_224 = arith.addi %add3A_223, %iota3A : vector<16xi32>
          %lt3A_225 = arith.constant 100 : i32
          %lt3A_226 = vector.broadcast %lt3A_225 : i32 to vector<16xi32>
          %lt3A_227 = arith.cmpi slt, %add3A_224, %lt3A_226 : vector<16xi32>
          %gather3A_228 = tpu.vector_load_idx %arg12[%add3A_224, %broadcast_in_dim3A_155] masked %lt3A_227 : memref<100x512xf32, #tpu.memory_space<vmem>>[vector<16xi32>, vector<16xi32>], vector<16xf32>, vector<16xi1>
          %get3A_229 = arith.index_cast %while3A_152 : i32 to index
          %get3A_230 = arith.constant 32 : index
          %get3A_231 = tpu.vector_load %arg13[%get3A_229, %get3A_230] {strides = array<i32>} : memref<32x128xf32, #tpu.memory_space<vmem>>, vector<16xf32>,
          %get3A_232 = arith.index_cast %while3A_152 : i32 to index
          %get3A_233 = arith.constant 32 : index
          %get3A_234 = tpu.vector_load %arg14[%get3A_232, %get3A_233] {strides = array<i32>} : memref<32x128xf32, #tpu.memory_space<vmem>>, vector<16xf32>,
          %mul3A_235 = arith.constant 0.899999976 : f32
          %mul3A_236 = vector.broadcast %mul3A_235 : f32 to vector<16xf32>
          %mul3A_237 = arith.mulf %mul3A_236, %gather3A_228 : vector<16xf32>
          %mul3A_238 = arith.constant 1.000000e-01 : f32
          %mul3A_239 = vector.broadcast %mul3A_238 : f32 to vector<16xf32>
          %mul3A_240 = arith.mulf %mul3A_239, %get3A_231 : vector<16xf32>
          %add3A_241 = arith.addf %mul3A_237, %mul3A_240 : vector<16xf32>
          tpu.vector_store_idx %arg12[%add3A_224, %broadcast_in_dim3A_155], %add3A_241 masked %lt3A_227 : memref<100x512xf32, #tpu.memory_space<vmem>>[vector<16xi32>, vector<16xi32>], vector<16xf32>, vector<16xi1>
          %mul3A_242 = arith.mulf %add3A_241, %get3A_234 : vector<16xf32>
          %jit3A_243 = arith.constant 1.000000e+00 : f32
          %jit3A_244 = arith.constant 0.000000e+00 : f32
          %broadcast_in_dim3A_245 = vector.broadcast %jit3A_243 : f32 to vector<16xf32>
          %broadcast_in_dim3A_246 = vector.broadcast %jit3A_244 : f32 to vector<16xf32>
          %select_n3A_247 = arith.select %lt3A_227, %broadcast_in_dim3A_245, %broadcast_in_dim3A_246 : vector<16xi1>, vector<16xf32>
          %mul3A_248 = arith.mulf %mul3A_242, %select_n3A_247 : vector<16xf32>
          %add3A_249 = arith.addf %add3A_217, %mul3A_248 : vector<16xf32>
          %jit3A_250 = arith.constant 0xFF800000 : f32
          %broadcast_in_dim3A_251 = vector.broadcast %jit3A_250 : f32 to vector<16xf32>
          %select_n3A_252 = arith.select %lt3A_227, %add3A_241, %broadcast_in_dim3A_251 : vector<16xi1>, vector<16xf32>
          %max3A_253 = arith.maximumf %max3A_221, %select_n3A_252 : vector<16xf32>
          %add3A_254 = arith.constant 48 : i32
          %add3A_255 = vector.broadcast %add3A_254 : i32 to vector<16xi32>
          %add3A_256 = arith.addi %add3A_255, %iota3A : vector<16xi32>
          %lt3A_257 = arith.constant 100 : i32
          %lt3A_258 = vector.broadcast %lt3A_257 : i32 to vector<16xi32>
          %lt3A_259 = arith.cmpi slt, %add3A_256, %lt3A_258 : vector<16xi32>
          %gather3A_260 = tpu.vector_load_idx %arg12[%add3A_256, %broadcast_in_dim3A_155] masked %lt3A_259 : memref<100x512xf32, #tpu.memory_space<vmem>>[vector<16xi32>, vector<16xi32>], vector<16xf32>, vector<16xi1>
          %get3A_261 = arith.index_cast %while3A_152 : i32 to index
          %get3A_262 = arith.constant 48 : index
          %get3A_263 = tpu.vector_load %arg13[%get3A_261, %get3A_262] {strides = array<i32>} : memref<32x128xf32, #tpu.memory_space<vmem>>, vector<16xf32>,
          %get3A_264 = arith.index_cast %while3A_152 : i32 to index
          %get3A_265 = arith.constant 48 : index
          %get3A_266 = tpu.vector_load %arg14[%get3A_264, %get3A_265] {strides = array<i32>} : memref<32x128xf32, #tpu.memory_space<vmem>>, vector<16xf32>,
          %mul3A_267 = arith.constant 0.899999976 : f32
          %mul3A_268 = vector.broadcast %mul3A_267 : f32 to vector<16xf32>
          %mul3A_269 = arith.mulf %mul3A_268, %gather3A_260 : vector<16xf32>
          %mul3A_270 = arith.constant 1.000000e-01 : f32
          %mul3A_271 = vector.broadcast %mul3A_270 : f32 to vector<16xf32>
          %mul3A_272 = arith.mulf %mul3A_271, %get3A_263 : vector<16xf32>
          %add3A_273 = arith.addf %mul3A_269, %mul3A_272 : vector<16xf32>
          tpu.vector_store_idx %arg12[%add3A_256, %broadcast_in_dim3A_155], %add3A_273 masked %lt3A_259 : memref<100x512xf32, #tpu.memory_space<vmem>>[vector<16xi32>, vector<16xi32>], vector<16xf32>, vector<16xi1>
          %mul3A_274 = arith.mulf %add3A_273, %get3A_266 : vector<16xf32>
          %jit3A_275 = arith.constant 1.000000e+00 : f32
          %jit3A_276 = arith.constant 0.000000e+00 : f32
          %broadcast_in_dim3A_277 = vector.broadcast %jit3A_275 : f32 to vector<16xf32>
          %broadcast_in_dim3A_278 = vector.broadcast %jit3A_276 : f32 to vector<16xf32>
          %select_n3A_279 = arith.select %lt3A_259, %broadcast_in_dim3A_277, %broadcast_in_dim3A_278 : vector<16xi1>, vector<16xf32>
          %mul3A_280 = arith.mulf %mul3A_274, %select_n3A_279 : vector<16xf32>
          %add3A_281 = arith.addf %add3A_249, %mul3A_280 : vector<16xf32>
          %jit3A_282 = arith.constant 0xFF800000 : f32
          %broadcast_in_dim3A_283 = vector.broadcast %jit3A_282 : f32 to vector<16xf32>
          %select_n3A_284 = arith.select %lt3A_259, %add3A_273, %broadcast_in_dim3A_283 : vector<16xi1>, vector<16xf32>
          %max3A_285 = arith.maximumf %max3A_253, %select_n3A_284 : vector<16xf32>
          %add3A_286 = arith.constant 64 : i32
          %add3A_287 = vector.broadcast %add3A_286 : i32 to vector<16xi32>
          %add3A_288 = arith.addi %add3A_287, %iota3A : vector<16xi32>
          %lt3A_289 = arith.constant 100 : i32
          %lt3A_290 = vector.broadcast %lt3A_289 : i32 to vector<16xi32>
          %lt3A_291 = arith.cmpi slt, %add3A_288, %lt3A_290 : vector<16xi32>
          %gather3A_292 = tpu.vector_load_idx %arg12[%add3A_288, %broadcast_in_dim3A_155] masked %lt3A_291 : memref<100x512xf32, #tpu.memory_space<vmem>>[vector<16xi32>, vector<16xi32>], vector<16xf32>, vector<16xi1>
          %get3A_293 = arith.index_cast %while3A_152 : i32 to index
          %get3A_294 = arith.constant 64 : index
          %get3A_295 = tpu.vector_load %arg13[%get3A_293, %get3A_294] {strides = array<i32>} : memref<32x128xf32, #tpu.memory_space<vmem>>, vector<16xf32>,
          %get3A_296 = arith.index_cast %while3A_152 : i32 to index
          %get3A_297 = arith.constant 64 : index
          %get3A_298 = tpu.vector_load %arg14[%get3A_296, %get3A_297] {strides = array<i32>} : memref<32x128xf32, #tpu.memory_space<vmem>>, vector<16xf32>,
          %mul3A_299 = arith.constant 0.899999976 : f32
          %mul3A_300 = vector.broadcast %mul3A_299 : f32 to vector<16xf32>
          %mul3A_301 = arith.mulf %mul3A_300, %gather3A_292 : vector<16xf32>
          %mul3A_302 = arith.constant 1.000000e-01 : f32
          %mul3A_303 = vector.broadcast %mul3A_302 : f32 to vector<16xf32>
          %mul3A_304 = arith.mulf %mul3A_303, %get3A_295 : vector<16xf32>
          %add3A_305 = arith.addf %mul3A_301, %mul3A_304 : vector<16xf32>
          tpu.vector_store_idx %arg12[%add3A_288, %broadcast_in_dim3A_155], %add3A_305 masked %lt3A_291 : memref<100x512xf32, #tpu.memory_space<vmem>>[vector<16xi32>, vector<16xi32>], vector<16xf32>, vector<16xi1>
          %mul3A_306 = arith.mulf %add3A_305, %get3A_298 : vector<16xf32>
          %jit3A_307 = arith.constant 1.000000e+00 : f32
          %jit3A_308 = arith.constant 0.000000e+00 : f32
          %broadcast_in_dim3A_309 = vector.broadcast %jit3A_307 : f32 to vector<16xf32>
          %broadcast_in_dim3A_310 = vector.broadcast %jit3A_308 : f32 to vector<16xf32>
          %select_n3A_311 = arith.select %lt3A_291, %broadcast_in_dim3A_309, %broadcast_in_dim3A_310 : vector<16xi1>, vector<16xf32>
          %mul3A_312 = arith.mulf %mul3A_306, %select_n3A_311 : vector<16xf32>
          %add3A_313 = arith.addf %add3A_281, %mul3A_312 : vector<16xf32>
          %jit3A_314 = arith.constant 0xFF800000 : f32
          %broadcast_in_dim3A_315 = vector.broadcast %jit3A_314 : f32 to vector<16xf32>
          %select_n3A_316 = arith.select %lt3A_291, %add3A_305, %broadcast_in_dim3A_315 : vector<16xi1>, vector<16xf32>
          %max3A_317 = arith.maximumf %max3A_285, %select_n3A_316 : vector<16xf32>
          %add3A_318 = arith.constant 80 : i32
          %add3A_319 = vector.broadcast %add3A_318 : i32 to vector<16xi32>
          %add3A_320 = arith.addi %add3A_319, %iota3A : vector<16xi32>
          %lt3A_321 = arith.constant 100 : i32
          %lt3A_322 = vector.broadcast %lt3A_321 : i32 to vector<16xi32>
          %lt3A_323 = arith.cmpi slt, %add3A_320, %lt3A_322 : vector<16xi32>
          %gather3A_324 = tpu.vector_load_idx %arg12[%add3A_320, %broadcast_in_dim3A_155] masked %lt3A_323 : memref<100x512xf32, #tpu.memory_space<vmem>>[vector<16xi32>, vector<16xi32>], vector<16xf32>, vector<16xi1>
          %get3A_325 = arith.index_cast %while3A_152 : i32 to index
          %get3A_326 = arith.constant 80 : index
          %get3A_327 = tpu.vector_load %arg13[%get3A_325, %get3A_326] {strides = array<i32>} : memref<32x128xf32, #tpu.memory_space<vmem>>, vector<16xf32>,
          %get3A_328 = arith.index_cast %while3A_152 : i32 to index
          %get3A_329 = arith.constant 80 : index
          %get3A_330 = tpu.vector_load %arg14[%get3A_328, %get3A_329] {strides = array<i32>} : memref<32x128xf32, #tpu.memory_space<vmem>>, vector<16xf32>,
          %mul3A_331 = arith.constant 0.899999976 : f32
          %mul3A_332 = vector.broadcast %mul3A_331 : f32 to vector<16xf32>
          %mul3A_333 = arith.mulf %mul3A_332, %gather3A_324 : vector<16xf32>
          %mul3A_334 = arith.constant 1.000000e-01 : f32
          %mul3A_335 = vector.broadcast %mul3A_334 : f32 to vector<16xf32>
          %mul3A_336 = arith.mulf %mul3A_335, %get3A_327 : vector<16xf32>
          %add3A_337 = arith.addf %mul3A_333, %mul3A_336 : vector<16xf32>
          tpu.vector_store_idx %arg12[%add3A_320, %broadcast_in_dim3A_155], %add3A_337 masked %lt3A_323 : memref<100x512xf32, #tpu.memory_space<vmem>>[vector<16xi32>, vector<16xi32>], vector<16xf32>, vector<16xi1>
          %mul3A_338 = arith.mulf %add3A_337, %get3A_330 : vector<16xf32>
          %jit3A_339 = arith.constant 1.000000e+00 : f32
          %jit3A_340 = arith.constant 0.000000e+00 : f32
          %broadcast_in_dim3A_341 = vector.broadcast %jit3A_339 : f32 to vector<16xf32>
          %broadcast_in_dim3A_342 = vector.broadcast %jit3A_340 : f32 to vector<16xf32>
          %select_n3A_343 = arith.select %lt3A_323, %broadcast_in_dim3A_341, %broadcast_in_dim3A_342 : vector<16xi1>, vector<16xf32>
          %mul3A_344 = arith.mulf %mul3A_338, %select_n3A_343 : vector<16xf32>
          %add3A_345 = arith.addf %add3A_313, %mul3A_344 : vector<16xf32>
          %jit3A_346 = arith.constant 0xFF800000 : f32
          %broadcast_in_dim3A_347 = vector.broadcast %jit3A_346 : f32 to vector<16xf32>
          %select_n3A_348 = arith.select %lt3A_323, %add3A_337, %broadcast_in_dim3A_347 : vector<16xi1>, vector<16xf32>
          %max3A_349 = arith.maximumf %max3A_317, %select_n3A_348 : vector<16xf32>
          %add3A_350 = arith.constant 96 : i32
          %add3A_351 = vector.broadcast %add3A_350 : i32 to vector<16xi32>
          %add3A_352 = arith.addi %add3A_351, %iota3A : vector<16xi32>
          %lt3A_353 = arith.constant 100 : i32
          %lt3A_354 = vector.broadcast %lt3A_353 : i32 to vector<16xi32>
          %lt3A_355 = arith.cmpi slt, %add3A_352, %lt3A_354 : vector<16xi32>
          %gather3A_356 = tpu.vector_load_idx %arg12[%add3A_352, %broadcast_in_dim3A_155] masked %lt3A_355 : memref<100x512xf32, #tpu.memory_space<vmem>>[vector<16xi32>, vector<16xi32>], vector<16xf32>, vector<16xi1>
          %get3A_357 = arith.index_cast %while3A_152 : i32 to index
          %get3A_358 = arith.constant 96 : index
          %get3A_359 = tpu.vector_load %arg13[%get3A_357, %get3A_358] {strides = array<i32>} : memref<32x128xf32, #tpu.memory_space<vmem>>, vector<16xf32>,
          %get3A_360 = arith.index_cast %while3A_152 : i32 to index
          %get3A_361 = arith.constant 96 : index
          %get3A_362 = tpu.vector_load %arg14[%get3A_360, %get3A_361] {strides = array<i32>} : memref<32x128xf32, #tpu.memory_space<vmem>>, vector<16xf32>,
          %mul3A_363 = arith.constant 0.899999976 : f32
          %mul3A_364 = vector.broadcast %mul3A_363 : f32 to vector<16xf32>
          %mul3A_365 = arith.mulf %mul3A_364, %gather3A_356 : vector<16xf32>
          %mul3A_366 = arith.constant 1.000000e-01 : f32
          %mul3A_367 = vector.broadcast %mul3A_366 : f32 to vector<16xf32>
          %mul3A_368 = arith.mulf %mul3A_367, %get3A_359 : vector<16xf32>
          %add3A_369 = arith.addf %mul3A_365, %mul3A_368 : vector<16xf32>
          tpu.vector_store_idx %arg12[%add3A_352, %broadcast_in_dim3A_155], %add3A_369 masked %lt3A_355 : memref<100x512xf32, #tpu.memory_space<vmem>>[vector<16xi32>, vector<16xi32>], vector<16xf32>, vector<16xi1>
          %mul3A_370 = arith.mulf %add3A_369, %get3A_362 : vector<16xf32>
          %jit3A_371 = arith.constant 1.000000e+00 : f32
          %jit3A_372 = arith.constant 0.000000e+00 : f32
          %broadcast_in_dim3A_373 = vector.broadcast %jit3A_371 : f32 to vector<16xf32>
          %broadcast_in_dim3A_374 = vector.broadcast %jit3A_372 : f32 to vector<16xf32>
          %select_n3A_375 = arith.select %lt3A_355, %broadcast_in_dim3A_373, %broadcast_in_dim3A_374 : vector<16xi1>, vector<16xf32>
          %mul3A_376 = arith.mulf %mul3A_370, %select_n3A_375 : vector<16xf32>
          %add3A_377 = arith.addf %add3A_345, %mul3A_376 : vector<16xf32>
          %jit3A_378 = arith.constant 0xFF800000 : f32
          %broadcast_in_dim3A_379 = vector.broadcast %jit3A_378 : f32 to vector<16xf32>
          %select_n3A_380 = arith.select %lt3A_355, %add3A_369, %broadcast_in_dim3A_379 : vector<16xi1>, vector<16xf32>
          %max3A_381 = arith.maximumf %max3A_349, %select_n3A_380 : vector<16xf32>
          %get3A_382 = arith.constant 0 : index
          %get3A_383 = tpu.vector_load %arg16[%get3A_382] {strides = array<i32>} : memref<16xf32, #tpu.memory_space<vmem>>, vector<16xf32>,
          %eq3A_384 = arith.constant 0 : i32
          %eq3A_385 = vector.broadcast %eq3A_384 : i32 to vector<16xi32>
          %eq3A_386 = arith.cmpi eq, %iota3A, %eq3A_385 : vector<16xi32>
          %reduce_sum3A = arith.constant true
          %reduce_sum3A_387 = vector.broadcast %reduce_sum3A : i1 to vector<16xi1>
          %reduce_sum3A_388 = tpu.scan <sum>, %add3A_377 masked %reduce_sum3A_387 : vector<16xf32>, vector<16xi1> -> vector<16xf32>
          %reduce_sum3A_389 = vector.extract %reduce_sum3A_388[15] : f32 from vector<16xf32>
          %neg3A = arith.constant 0.000000e+00 : f32
          %neg3A_390 = arith.subf %neg3A, %reduce_sum3A_389 : f32
          %jit3A_391 = arith.constant 0.000000e+00 : f32
          %broadcast_in_dim3A_392 = vector.broadcast %neg3A_390 : f32 to vector<16xf32>
          %broadcast_in_dim3A_393 = vector.broadcast %jit3A_391 : f32 to vector<16xf32>
          %select_n3A_394 = arith.select %eq3A_386, %broadcast_in_dim3A_392, %broadcast_in_dim3A_393 : vector<16xi1>, vector<16xf32>
          %add3A_395 = arith.addf %get3A_383, %select_n3A_394 : vector<16xf32>
          %eq3A_396 = arith.constant 1 : i32
          %eq3A_397 = vector.broadcast %eq3A_396 : i32 to vector<16xi32>
          %eq3A_398 = arith.cmpi eq, %iota3A, %eq3A_397 : vector<16xi32>
          %reduce_max3A = arith.constant true
          %reduce_max3A_399 = vector.broadcast %reduce_max3A : i1 to vector<16xi1>
          %reduce_max3A_400 = tpu.scan <max>, %max3A_381 masked %reduce_max3A_399 : vector<16xf32>, vector<16xi1> -> vector<16xf32>
          %reduce_max3A_401 = vector.extract %reduce_max3A_400[15] : f32 from vector<16xf32>
          %jit3A_402 = arith.constant 0.000000e+00 : f32
          %broadcast_in_dim3A_403 = vector.broadcast %reduce_max3A_401 : f32 to vector<16xf32>
          %broadcast_in_dim3A_404 = vector.broadcast %jit3A_402 : f32 to vector<16xf32>
          %select_n3A_405 = arith.select %eq3A_398, %broadcast_in_dim3A_403, %broadcast_in_dim3A_404 : vector<16xi1>, vector<16xf32>
          %add3A_406 = arith.addf %add3A_395, %select_n3A_405 : vector<16xf32>
          %swap3A_407 = arith.constant 0 : index
          %swap3A_408 = tpu.vector_load %arg16[%swap3A_407] {strides = array<i32>} : memref<16xf32, #tpu.memory_space<vmem>>, vector<16xf32>,
          tpu.vector_store %arg16[%swap3A_407], %add3A_406 {strides = array<i32>} : memref<16xf32, #tpu.memory_space<vmem>>, vector<16xf32>,
        }
        %while3A_147 = arith.constant 1 : i32
        scf.for %while3A_152 = %while3A_145 to %while3A_141 step %while3A_147  : i32 {
          %get3A_153 = arith.index_cast %while3A_152 : i32 to index
          %get3A_154 = memref.load %arg17[%get3A_153] : memref<32xi32, #tpu.memory_space<smem>>
          %broadcast_in_dim3A_155 = vector.broadcast %get3A_154 : i32 to vector<16xi32>
          %broadcast_in_dim3A_156 = arith.constant 0.000000e+00 : f32
          %broadcast_in_dim3A_157 = vector.broadcast %broadcast_in_dim3A_156 : f32 to vector<16xf32>
          %broadcast_in_dim3A_158 = arith.constant 0xFF800000 : f32
          %broadcast_in_dim3A_159 = vector.broadcast %broadcast_in_dim3A_158 : f32 to vector<16xf32>
          %add3A_160 = arith.constant 0 : i32
          %add3A_161 = vector.broadcast %add3A_160 : i32 to vector<16xi32>
          %add3A_162 = arith.addi %add3A_161, %iota3A : vector<16xi32>
          %lt3A_163 = arith.constant 100 : i32
          %lt3A_164 = vector.broadcast %lt3A_163 : i32 to vector<16xi32>
          %lt3A_165 = arith.cmpi slt, %add3A_162, %lt3A_164 : vector<16xi32>
          %gather3A = tpu.vector_load_idx %arg12[%add3A_162, %broadcast_in_dim3A_155] masked %lt3A_165 : memref<100x512xf32, #tpu.memory_space<vmem>>[vector<16xi32>, vector<16xi32>], vector<16xf32>, vector<16xi1>
          %get3A_166 = arith.index_cast %while3A_152 : i32 to index
          %get3A_167 = arith.constant 0 : index
          %get3A_168 = tpu.vector_load %arg13[%get3A_166, %get3A_167] {strides = array<i32>} : memref<32x128xf32, #tpu.memory_space<vmem>>, vector<16xf32>,
          %get3A_169 = arith.index_cast %while3A_152 : i32 to index
          %get3A_170 = arith.constant 0 : index
          %get3A_171 = tpu.vector_load %arg14[%get3A_169, %get3A_170] {strides = array<i32>} : memref<32x128xf32, #tpu.memory_space<vmem>>, vector<16xf32>,
          %mul3A_172 = arith.constant 0.899999976 : f32
          %mul3A_173 = vector.broadcast %mul3A_172 : f32 to vector<16xf32>
          %mul3A_174 = arith.mulf %mul3A_173, %gather3A : vector<16xf32>
          %mul3A_175 = arith.constant 1.000000e-01 : f32
          %mul3A_176 = vector.broadcast %mul3A_175 : f32 to vector<16xf32>
          %mul3A_177 = arith.mulf %mul3A_176, %get3A_168 : vector<16xf32>
          %add3A_178 = arith.addf %mul3A_174, %mul3A_177 : vector<16xf32>
          tpu.vector_store_idx %arg12[%add3A_162, %broadcast_in_dim3A_155], %add3A_178 masked %lt3A_165 : memref<100x512xf32, #tpu.memory_space<vmem>>[vector<16xi32>, vector<16xi32>], vector<16xf32>, vector<16xi1>
          %mul3A_179 = arith.mulf %add3A_178, %get3A_171 : vector<16xf32>
          %jit3A_180 = arith.constant 1.000000e+00 : f32
          %jit3A_181 = arith.constant 0.000000e+00 : f32
          %broadcast_in_dim3A_182 = vector.broadcast %jit3A_180 : f32 to vector<16xf32>
          %broadcast_in_dim3A_183 = vector.broadcast %jit3A_181 : f32 to vector<16xf32>
          %select_n3A_184 = arith.select %lt3A_165, %broadcast_in_dim3A_182, %broadcast_in_dim3A_183 : vector<16xi1>, vector<16xf32>
          %mul3A_185 = arith.mulf %mul3A_179, %select_n3A_184 : vector<16xf32>
          %add3A_186 = arith.addf %broadcast_in_dim3A_157, %mul3A_185 : vector<16xf32>
          %jit3A_187 = arith.constant 0xFF800000 : f32
          %broadcast_in_dim3A_188 = vector.broadcast %jit3A_187 : f32 to vector<16xf32>
          %select_n3A_189 = arith.select %lt3A_165, %add3A_178, %broadcast_in_dim3A_188 : vector<16xi1>, vector<16xf32>
          %max3A = arith.maximumf %broadcast_in_dim3A_159, %select_n3A_189 : vector<16xf32>
          %add3A_190 = arith.constant 16 : i32
          %add3A_191 = vector.broadcast %add3A_190 : i32 to vector<16xi32>
          %add3A_192 = arith.addi %add3A_191, %iota3A : vector<16xi32>
          %lt3A_193 = arith.constant 100 : i32
          %lt3A_194 = vector.broadcast %lt3A_193 : i32 to vector<16xi32>
          %lt3A_195 = arith.cmpi slt, %add3A_192, %lt3A_194 : vector<16xi32>
          %gather3A_196 = tpu.vector_load_idx %arg12[%add3A_192, %broadcast_in_dim3A_155] masked %lt3A_195 : memref<100x512xf32, #tpu.memory_space<vmem>>[vector<16xi32>, vector<16xi32>], vector<16xf32>, vector<16xi1>
          %get3A_197 = arith.index_cast %while3A_152 : i32 to index
          %get3A_198 = arith.constant 16 : index
          %get3A_199 = tpu.vector_load %arg13[%get3A_197, %get3A_198] {strides = array<i32>} : memref<32x128xf32, #tpu.memory_space<vmem>>, vector<16xf32>,
          %get3A_200 = arith.index_cast %while3A_152 : i32 to index
          %get3A_201 = arith.constant 16 : index
          %get3A_202 = tpu.vector_load %arg14[%get3A_200, %get3A_201] {strides = array<i32>} : memref<32x128xf32, #tpu.memory_space<vmem>>, vector<16xf32>,
          %mul3A_203 = arith.constant 0.899999976 : f32
          %mul3A_204 = vector.broadcast %mul3A_203 : f32 to vector<16xf32>
          %mul3A_205 = arith.mulf %mul3A_204, %gather3A_196 : vector<16xf32>
          %mul3A_206 = arith.constant 1.000000e-01 : f32
          %mul3A_207 = vector.broadcast %mul3A_206 : f32 to vector<16xf32>
          %mul3A_208 = arith.mulf %mul3A_207, %get3A_199 : vector<16xf32>
          %add3A_209 = arith.addf %mul3A_205, %mul3A_208 : vector<16xf32>
          tpu.vector_store_idx %arg12[%add3A_192, %broadcast_in_dim3A_155], %add3A_209 masked %lt3A_195 : memref<100x512xf32, #tpu.memory_space<vmem>>[vector<16xi32>, vector<16xi32>], vector<16xf32>, vector<16xi1>
          %mul3A_210 = arith.mulf %add3A_209, %get3A_202 : vector<16xf32>
          %jit3A_211 = arith.constant 1.000000e+00 : f32
          %jit3A_212 = arith.constant 0.000000e+00 : f32
          %broadcast_in_dim3A_213 = vector.broadcast %jit3A_211 : f32 to vector<16xf32>
          %broadcast_in_dim3A_214 = vector.broadcast %jit3A_212 : f32 to vector<16xf32>
          %select_n3A_215 = arith.select %lt3A_195, %broadcast_in_dim3A_213, %broadcast_in_dim3A_214 : vector<16xi1>, vector<16xf32>
          %mul3A_216 = arith.mulf %mul3A_210, %select_n3A_215 : vector<16xf32>
          %add3A_217 = arith.addf %add3A_186, %mul3A_216 : vector<16xf32>
          %jit3A_218 = arith.constant 0xFF800000 : f32
          %broadcast_in_dim3A_219 = vector.broadcast %jit3A_218 : f32 to vector<16xf32>
          %select_n3A_220 = arith.select %lt3A_195, %add3A_209, %broadcast_in_dim3A_219 : vector<16xi1>, vector<16xf32>
          %max3A_221 = arith.maximumf %max3A, %select_n3A_220 : vector<16xf32>
          %add3A_222 = arith.constant 32 : i32
          %add3A_223 = vector.broadcast %add3A_222 : i32 to vector<16xi32>
          %add3A_224 = arith.addi %add3A_223, %iota3A : vector<16xi32>
          %lt3A_225 = arith.constant 100 : i32
          %lt3A_226 = vector.broadcast %lt3A_225 : i32 to vector<16xi32>
          %lt3A_227 = arith.cmpi slt, %add3A_224, %lt3A_226 : vector<16xi32>
          %gather3A_228 = tpu.vector_load_idx %arg12[%add3A_224, %broadcast_in_dim3A_155] masked %lt3A_227 : memref<100x512xf32, #tpu.memory_space<vmem>>[vector<16xi32>, vector<16xi32>], vector<16xf32>, vector<16xi1>
          %get3A_229 = arith.index_cast %while3A_152 : i32 to index
          %get3A_230 = arith.constant 32 : index
          %get3A_231 = tpu.vector_load %arg13[%get3A_229, %get3A_230] {strides = array<i32>} : memref<32x128xf32, #tpu.memory_space<vmem>>, vector<16xf32>,
          %get3A_232 = arith.index_cast %while3A_152 : i32 to index
          %get3A_233 = arith.constant 32 : index
          %get3A_234 = tpu.vector_load %arg14[%get3A_232, %get3A_233] {strides = array<i32>} : memref<32x128xf32, #tpu.memory_space<vmem>>, vector<16xf32>,
          %mul3A_235 = arith.constant 0.899999976 : f32
          %mul3A_236 = vector.broadcast %mul3A_235 : f32 to vector<16xf32>
          %mul3A_237 = arith.mulf %mul3A_236, %gather3A_228 : vector<16xf32>
          %mul3A_238 = arith.constant 1.000000e-01 : f32
          %mul3A_239 = vector.broadcast %mul3A_238 : f32 to vector<16xf32>
          %mul3A_240 = arith.mulf %mul3A_239, %get3A_231 : vector<16xf32>
          %add3A_241 = arith.addf %mul3A_237, %mul3A_240 : vector<16xf32>
          tpu.vector_store_idx %arg12[%add3A_224, %broadcast_in_dim3A_155], %add3A_241 masked %lt3A_227 : memref<100x512xf32, #tpu.memory_space<vmem>>[vector<16xi32>, vector<16xi32>], vector<16xf32>, vector<16xi1>
          %mul3A_242 = arith.mulf %add3A_241, %get3A_234 : vector<16xf32>
          %jit3A_243 = arith.constant 1.000000e+00 : f32
          %jit3A_244 = arith.constant 0.000000e+00 : f32
          %broadcast_in_dim3A_245 = vector.broadcast %jit3A_243 : f32 to vector<16xf32>
          %broadcast_in_dim3A_246 = vector.broadcast %jit3A_244 : f32 to vector<16xf32>
          %select_n3A_247 = arith.select %lt3A_227, %broadcast_in_dim3A_245, %broadcast_in_dim3A_246 : vector<16xi1>, vector<16xf32>
          %mul3A_248 = arith.mulf %mul3A_242, %select_n3A_247 : vector<16xf32>
          %add3A_249 = arith.addf %add3A_217, %mul3A_248 : vector<16xf32>
          %jit3A_250 = arith.constant 0xFF800000 : f32
          %broadcast_in_dim3A_251 = vector.broadcast %jit3A_250 : f32 to vector<16xf32>
          %select_n3A_252 = arith.select %lt3A_227, %add3A_241, %broadcast_in_dim3A_251 : vector<16xi1>, vector<16xf32>
          %max3A_253 = arith.maximumf %max3A_221, %select_n3A_252 : vector<16xf32>
          %add3A_254 = arith.constant 48 : i32
          %add3A_255 = vector.broadcast %add3A_254 : i32 to vector<16xi32>
          %add3A_256 = arith.addi %add3A_255, %iota3A : vector<16xi32>
          %lt3A_257 = arith.constant 100 : i32
          %lt3A_258 = vector.broadcast %lt3A_257 : i32 to vector<16xi32>
          %lt3A_259 = arith.cmpi slt, %add3A_256, %lt3A_258 : vector<16xi32>
          %gather3A_260 = tpu.vector_load_idx %arg12[%add3A_256, %broadcast_in_dim3A_155] masked %lt3A_259 : memref<100x512xf32, #tpu.memory_space<vmem>>[vector<16xi32>, vector<16xi32>], vector<16xf32>, vector<16xi1>
          %get3A_261 = arith.index_cast %while3A_152 : i32 to index
          %get3A_262 = arith.constant 48 : index
          %get3A_263 = tpu.vector_load %arg13[%get3A_261, %get3A_262] {strides = array<i32>} : memref<32x128xf32, #tpu.memory_space<vmem>>, vector<16xf32>,
          %get3A_264 = arith.index_cast %while3A_152 : i32 to index
          %get3A_265 = arith.constant 48 : index
          %get3A_266 = tpu.vector_load %arg14[%get3A_264, %get3A_265] {strides = array<i32>} : memref<32x128xf32, #tpu.memory_space<vmem>>, vector<16xf32>,
          %mul3A_267 = arith.constant 0.899999976 : f32
          %mul3A_268 = vector.broadcast %mul3A_267 : f32 to vector<16xf32>
          %mul3A_269 = arith.mulf %mul3A_268, %gather3A_260 : vector<16xf32>
          %mul3A_270 = arith.constant 1.000000e-01 : f32
          %mul3A_271 = vector.broadcast %mul3A_270 : f32 to vector<16xf32>
          %mul3A_272 = arith.mulf %mul3A_271, %get3A_263 : vector<16xf32>
          %add3A_273 = arith.addf %mul3A_269, %mul3A_272 : vector<16xf32>
          tpu.vector_store_idx %arg12[%add3A_256, %broadcast_in_dim3A_155], %add3A_273 masked %lt3A_259 : memref<100x512xf32, #tpu.memory_space<vmem>>[vector<16xi32>, vector<16xi32>], vector<16xf32>, vector<16xi1>
          %mul3A_274 = arith.mulf %add3A_273, %get3A_266 : vector<16xf32>
          %jit3A_275 = arith.constant 1.000000e+00 : f32
          %jit3A_276 = arith.constant 0.000000e+00 : f32
          %broadcast_in_dim3A_277 = vector.broadcast %jit3A_275 : f32 to vector<16xf32>
          %broadcast_in_dim3A_278 = vector.broadcast %jit3A_276 : f32 to vector<16xf32>
          %select_n3A_279 = arith.select %lt3A_259, %broadcast_in_dim3A_277, %broadcast_in_dim3A_278 : vector<16xi1>, vector<16xf32>
          %mul3A_280 = arith.mulf %mul3A_274, %select_n3A_279 : vector<16xf32>
          %add3A_281 = arith.addf %add3A_249, %mul3A_280 : vector<16xf32>
          %jit3A_282 = arith.constant 0xFF800000 : f32
          %broadcast_in_dim3A_283 = vector.broadcast %jit3A_282 : f32 to vector<16xf32>
          %select_n3A_284 = arith.select %lt3A_259, %add3A_273, %broadcast_in_dim3A_283 : vector<16xi1>, vector<16xf32>
          %max3A_285 = arith.maximumf %max3A_253, %select_n3A_284 : vector<16xf32>
          %add3A_286 = arith.constant 64 : i32
          %add3A_287 = vector.broadcast %add3A_286 : i32 to vector<16xi32>
          %add3A_288 = arith.addi %add3A_287, %iota3A : vector<16xi32>
          %lt3A_289 = arith.constant 100 : i32
          %lt3A_290 = vector.broadcast %lt3A_289 : i32 to vector<16xi32>
          %lt3A_291 = arith.cmpi slt, %add3A_288, %lt3A_290 : vector<16xi32>
          %gather3A_292 = tpu.vector_load_idx %arg12[%add3A_288, %broadcast_in_dim3A_155] masked %lt3A_291 : memref<100x512xf32, #tpu.memory_space<vmem>>[vector<16xi32>, vector<16xi32>], vector<16xf32>, vector<16xi1>
          %get3A_293 = arith.index_cast %while3A_152 : i32 to index
          %get3A_294 = arith.constant 64 : index
          %get3A_295 = tpu.vector_load %arg13[%get3A_293, %get3A_294] {strides = array<i32>} : memref<32x128xf32, #tpu.memory_space<vmem>>, vector<16xf32>,
          %get3A_296 = arith.index_cast %while3A_152 : i32 to index
          %get3A_297 = arith.constant 64 : index
          %get3A_298 = tpu.vector_load %arg14[%get3A_296, %get3A_297] {strides = array<i32>} : memref<32x128xf32, #tpu.memory_space<vmem>>, vector<16xf32>,
          %mul3A_299 = arith.constant 0.899999976 : f32
          %mul3A_300 = vector.broadcast %mul3A_299 : f32 to vector<16xf32>
          %mul3A_301 = arith.mulf %mul3A_300, %gather3A_292 : vector<16xf32>
          %mul3A_302 = arith.constant 1.000000e-01 : f32
          %mul3A_303 = vector.broadcast %mul3A_302 : f32 to vector<16xf32>
          %mul3A_304 = arith.mulf %mul3A_303, %get3A_295 : vector<16xf32>
          %add3A_305 = arith.addf %mul3A_301, %mul3A_304 : vector<16xf32>
          tpu.vector_store_idx %arg12[%add3A_288, %broadcast_in_dim3A_155], %add3A_305 masked %lt3A_291 : memref<100x512xf32, #tpu.memory_space<vmem>>[vector<16xi32>, vector<16xi32>], vector<16xf32>, vector<16xi1>
          %mul3A_306 = arith.mulf %add3A_305, %get3A_298 : vector<16xf32>
          %jit3A_307 = arith.constant 1.000000e+00 : f32
          %jit3A_308 = arith.constant 0.000000e+00 : f32
          %broadcast_in_dim3A_309 = vector.broadcast %jit3A_307 : f32 to vector<16xf32>
          %broadcast_in_dim3A_310 = vector.broadcast %jit3A_308 : f32 to vector<16xf32>
          %select_n3A_311 = arith.select %lt3A_291, %broadcast_in_dim3A_309, %broadcast_in_dim3A_310 : vector<16xi1>, vector<16xf32>
          %mul3A_312 = arith.mulf %mul3A_306, %select_n3A_311 : vector<16xf32>
          %add3A_313 = arith.addf %add3A_281, %mul3A_312 : vector<16xf32>
          %jit3A_314 = arith.constant 0xFF800000 : f32
          %broadcast_in_dim3A_315 = vector.broadcast %jit3A_314 : f32 to vector<16xf32>
          %select_n3A_316 = arith.select %lt3A_291, %add3A_305, %broadcast_in_dim3A_315 : vector<16xi1>, vector<16xf32>
          %max3A_317 = arith.maximumf %max3A_285, %select_n3A_316 : vector<16xf32>
          %add3A_318 = arith.constant 80 : i32
          %add3A_319 = vector.broadcast %add3A_318 : i32 to vector<16xi32>
          %add3A_320 = arith.addi %add3A_319, %iota3A : vector<16xi32>
          %lt3A_321 = arith.constant 100 : i32
          %lt3A_322 = vector.broadcast %lt3A_321 : i32 to vector<16xi32>
          %lt3A_323 = arith.cmpi slt, %add3A_320, %lt3A_322 : vector<16xi32>
          %gather3A_324 = tpu.vector_load_idx %arg12[%add3A_320, %broadcast_in_dim3A_155] masked %lt3A_323 : memref<100x512xf32, #tpu.memory_space<vmem>>[vector<16xi32>, vector<16xi32>], vector<16xf32>, vector<16xi1>
          %get3A_325 = arith.index_cast %while3A_152 : i32 to index
          %get3A_326 = arith.constant 80 : index
          %get3A_327 = tpu.vector_load %arg13[%get3A_325, %get3A_326] {strides = array<i32>} : memref<32x128xf32, #tpu.memory_space<vmem>>, vector<16xf32>,
          %get3A_328 = arith.index_cast %while3A_152 : i32 to index
          %get3A_329 = arith.constant 80 : index
          %get3A_330 = tpu.vector_load %arg14[%get3A_328, %get3A_329] {strides = array<i32>} : memref<32x128xf32, #tpu.memory_space<vmem>>, vector<16xf32>,
          %mul3A_331 = arith.constant 0.899999976 : f32
          %mul3A_332 = vector.broadcast %mul3A_331 : f32 to vector<16xf32>
          %mul3A_333 = arith.mulf %mul3A_332, %gather3A_324 : vector<16xf32>
          %mul3A_334 = arith.constant 1.000000e-01 : f32
          %mul3A_335 = vector.broadcast %mul3A_334 : f32 to vector<16xf32>
          %mul3A_336 = arith.mulf %mul3A_335, %get3A_327 : vector<16xf32>
          %add3A_337 = arith.addf %mul3A_333, %mul3A_336 : vector<16xf32>
          tpu.vector_store_idx %arg12[%add3A_320, %broadcast_in_dim3A_155], %add3A_337 masked %lt3A_323 : memref<100x512xf32, #tpu.memory_space<vmem>>[vector<16xi32>, vector<16xi32>], vector<16xf32>, vector<16xi1>
          %mul3A_338 = arith.mulf %add3A_337, %get3A_330 : vector<16xf32>
          %jit3A_339 = arith.constant 1.000000e+00 : f32
          %jit3A_340 = arith.constant 0.000000e+00 : f32
          %broadcast_in_dim3A_341 = vector.broadcast %jit3A_339 : f32 to vector<16xf32>
          %broadcast_in_dim3A_342 = vector.broadcast %jit3A_340 : f32 to vector<16xf32>
          %select_n3A_343 = arith.select %lt3A_323, %broadcast_in_dim3A_341, %broadcast_in_dim3A_342 : vector<16xi1>, vector<16xf32>
          %mul3A_344 = arith.mulf %mul3A_338, %select_n3A_343 : vector<16xf32>
          %add3A_345 = arith.addf %add3A_313, %mul3A_344 : vector<16xf32>
          %jit3A_346 = arith.constant 0xFF800000 : f32
          %broadcast_in_dim3A_347 = vector.broadcast %jit3A_346 : f32 to vector<16xf32>
          %select_n3A_348 = arith.select %lt3A_323, %add3A_337, %broadcast_in_dim3A_347 : vector<16xi1>, vector<16xf32>
          %max3A_349 = arith.maximumf %max3A_317, %select_n3A_348 : vector<16xf32>
          %add3A_350 = arith.constant 96 : i32
          %add3A_351 = vector.broadcast %add3A_350 : i32 to vector<16xi32>
          %add3A_352 = arith.addi %add3A_351, %iota3A : vector<16xi32>
          %lt3A_353 = arith.constant 100 : i32
          %lt3A_354 = vector.broadcast %lt3A_353 : i32 to vector<16xi32>
          %lt3A_355 = arith.cmpi slt, %add3A_352, %lt3A_354 : vector<16xi32>
          %gather3A_356 = tpu.vector_load_idx %arg12[%add3A_352, %broadcast_in_dim3A_155] masked %lt3A_355 : memref<100x512xf32, #tpu.memory_space<vmem>>[vector<16xi32>, vector<16xi32>], vector<16xf32>, vector<16xi1>
          %get3A_357 = arith.index_cast %while3A_152 : i32 to index
          %get3A_358 = arith.constant 96 : index
          %get3A_359 = tpu.vector_load %arg13[%get3A_357, %get3A_358] {strides = array<i32>} : memref<32x128xf32, #tpu.memory_space<vmem>>, vector<16xf32>,
          %get3A_360 = arith.index_cast %while3A_152 : i32 to index
          %get3A_361 = arith.constant 96 : index
          %get3A_362 = tpu.vector_load %arg14[%get3A_360, %get3A_361] {strides = array<i32>} : memref<32x128xf32, #tpu.memory_space<vmem>>, vector<16xf32>,
          %mul3A_363 = arith.constant 0.899999976 : f32
          %mul3A_364 = vector.broadcast %mul3A_363 : f32 to vector<16xf32>
          %mul3A_365 = arith.mulf %mul3A_364, %gather3A_356 : vector<16xf32>
          %mul3A_366 = arith.constant 1.000000e-01 : f32
          %mul3A_367 = vector.broadcast %mul3A_366 : f32 to vector<16xf32>
          %mul3A_368 = arith.mulf %mul3A_367, %get3A_359 : vector<16xf32>
          %add3A_369 = arith.addf %mul3A_365, %mul3A_368 : vector<16xf32>
          tpu.vector_store_idx %arg12[%add3A_352, %broadcast_in_dim3A_155], %add3A_369 masked %lt3A_355 : memref<100x512xf32, #tpu.memory_space<vmem>>[vector<16xi32>, vector<16xi32>], vector<16xf32>, vector<16xi1>
          %mul3A_370 = arith.mulf %add3A_369, %get3A_362 : vector<16xf32>
          %jit3A_371 = arith.constant 1.000000e+00 : f32
          %jit3A_372 = arith.constant 0.000000e+00 : f32
          %broadcast_in_dim3A_373 = vector.broadcast %jit3A_371 : f32 to vector<16xf32>
          %broadcast_in_dim3A_374 = vector.broadcast %jit3A_372 : f32 to vector<16xf32>
          %select_n3A_375 = arith.select %lt3A_355, %broadcast_in_dim3A_373, %broadcast_in_dim3A_374 : vector<16xi1>, vector<16xf32>
          %mul3A_376 = arith.mulf %mul3A_370, %select_n3A_375 : vector<16xf32>
          %add3A_377 = arith.addf %add3A_345, %mul3A_376 : vector<16xf32>
          %jit3A_378 = arith.constant 0xFF800000 : f32
          %broadcast_in_dim3A_379 = vector.broadcast %jit3A_378 : f32 to vector<16xf32>
          %select_n3A_380 = arith.select %lt3A_355, %add3A_369, %broadcast_in_dim3A_379 : vector<16xi1>, vector<16xf32>
          %max3A_381 = arith.maximumf %max3A_349, %select_n3A_380 : vector<16xf32>
          %get3A_382 = arith.constant 0 : index
          %get3A_383 = tpu.vector_load %arg16[%get3A_382] {strides = array<i32>} : memref<16xf32, #tpu.memory_space<vmem>>, vector<16xf32>,
          %eq3A_384 = arith.constant 0 : i32
          %eq3A_385 = vector.broadcast %eq3A_384 : i32 to vector<16xi32>
          %eq3A_386 = arith.cmpi eq, %iota3A, %eq3A_385 : vector<16xi32>
          %reduce_sum3A = arith.constant true
          %reduce_sum3A_387 = vector.broadcast %reduce_sum3A : i1 to vector<16xi1>
          %reduce_sum3A_388 = tpu.scan <sum>, %add3A_377 masked %reduce_sum3A_387 : vector<16xf32>, vector<16xi1> -> vector<16xf32>
          %reduce_sum3A_389 = vector.extract %reduce_sum3A_388[15] : f32 from vector<16xf32>
          %neg3A = arith.constant 0.000000e+00 : f32
          %neg3A_390 = arith.subf %neg3A, %reduce_sum3A_389 : f32
          %jit3A_391 = arith.constant 0.000000e+00 : f32
          %broadcast_in_dim3A_392 = vector.broadcast %neg3A_390 : f32 to vector<16xf32>
          %broadcast_in_dim3A_393 = vector.broadcast %jit3A_391 : f32 to vector<16xf32>
          %select_n3A_394 = arith.select %eq3A_386, %broadcast_in_dim3A_392, %broadcast_in_dim3A_393 : vector<16xi1>, vector<16xf32>
          %add3A_395 = arith.addf %get3A_383, %select_n3A_394 : vector<16xf32>
          %eq3A_396 = arith.constant 1 : i32
          %eq3A_397 = vector.broadcast %eq3A_396 : i32 to vector<16xi32>
          %eq3A_398 = arith.cmpi eq, %iota3A, %eq3A_397 : vector<16xi32>
          %reduce_max3A = arith.constant true
          %reduce_max3A_399 = vector.broadcast %reduce_max3A : i1 to vector<16xi1>
          %reduce_max3A_400 = tpu.scan <max>, %max3A_381 masked %reduce_max3A_399 : vector<16xf32>, vector<16xi1> -> vector<16xf32>
          %reduce_max3A_401 = vector.extract %reduce_max3A_400[15] : f32 from vector<16xf32>
          %jit3A_402 = arith.constant 0.000000e+00 : f32
          %broadcast_in_dim3A_403 = vector.broadcast %reduce_max3A_401 : f32 to vector<16xf32>
          %broadcast_in_dim3A_404 = vector.broadcast %jit3A_402 : f32 to vector<16xf32>
          %select_n3A_405 = arith.select %eq3A_398, %broadcast_in_dim3A_403, %broadcast_in_dim3A_404 : vector<16xi1>, vector<16xf32>
          %add3A_406 = arith.addf %add3A_395, %select_n3A_405 : vector<16xf32>
          %swap3A_407 = arith.constant 0 : index
          %swap3A_408 = tpu.vector_load %arg16[%swap3A_407] {strides = array<i32>} : memref<16xf32, #tpu.memory_space<vmem>>, vector<16xf32>,
          tpu.vector_store %arg16[%swap3A_407], %add3A_406 {strides = array<i32>} : memref<16xf32, #tpu.memory_space<vmem>>, vector<16xf32>,
        }
        %dma_start3A_148 = arith.constant 0 : i32
        %dma_start3A_149 = tpu.memref_slice %arg6[%dma_start3A_148, %mul3A_65] : memref<100x1000000xf32, #tpu.memory_space<hbm>> -> memref<100x512xf32, #tpu.memory_space<hbm>>
        %dma_start3A_150 = arith.constant 0 : i32
        %dma_start3A_151 = tpu.memref_slice %arg6[%dma_start3A_150, %mul3A_65] : memref<100x1000000xf32, #tpu.memory_space<hbm>> -> memref<100x512xf32, #tpu.memory_space<hbm>>
        tpu.enqueue_dma source(%arg12 : memref<100x512xf32, #tpu.memory_space<vmem>>) target(%dma_start3A_151 : memref<100x512xf32, #tpu.memory_space<hbm>>) target_semaphore(%arg19 : memref<!tpu.dma_semaphore, #tpu.memory_space<semaphore_mem>>)
      } else {
      }
    }
    %while3A_45 = arith.constant 1 : i32
    scf.for %while3A_60 = %while3A_43 to %while3A_39 step %while3A_45  : i32 {
      %mul3A_61 = arith.constant 32 : i32
      %mul3A_62 = arith.muli %while3A_60, %mul3A_61 : i32
      %add3A_63 = arith.addi %add3A, %mul3A_62 : i32
      %mul3A_64 = arith.constant 512 : i32
      %mul3A_65 = arith.muli %add3A_63, %mul3A_64 : i32
      %while3A_66 = arith.constant 0 : i32
      %while3A_67 = arith.constant 0 : i32
      %while3A_68 = arith.subi %shift_right_arithmetic3A_11, %while3A_66 : i32
      %while3A_69 = arith.addi %while3A_66, %while3A_68 : i32
      %while3A_70 = arith.constant 1 : i32
      %while3A_71 = arith.divsi %while3A_68, %while3A_70 : i32
      %while3A_72 = arith.muli %while3A_71, %while3A_70 : i32
      %while3A_73 = arith.addi %while3A_66, %while3A_72 : i32
      %while3A_74 = arith.constant 1 : i32
      %while3A_75 = scf.for %while3A_138 = %while3A_66 to %while3A_73 step %while3A_74 iter_args(%while3A_139 = %while3A_67) -> (i32)  : i32 {
        %mul3A_140 = arith.constant 16 : i32
        %mul3A_141 = arith.muli %while3A_138, %mul3A_140 : i32
        %get3A_142 = arith.index_cast %mul3A_141 : i32 to index
        %get3A_143 = tpu.vector_load %arg9[%get3A_142] {strides = array<i32>} : memref<4112xi32, #tpu.memory_space<vmem>>, vector<16xi32>,
        %mul3A_144 = arith.constant 16 : i32
        %mul3A_145 = arith.muli %while3A_138, %mul3A_144 : i32
        %get3A_146 = arith.index_cast %mul3A_145 : i32 to index
        %get3A_147 = tpu.vector_load %arg10[%get3A_146] {strides = array<i32>} : memref<4112xi32, #tpu.memory_space<vmem>>, vector<16xi32>,
        %mul3A_148 = arith.constant 16 : i32
        %mul3A_149 = arith.muli %while3A_138, %mul3A_148 : i32
        %add3A_150 = vector.broadcast %mul3A_149 : i32 to vector<16xi32>
        %add3A_151 = arith.addi %add3A_150, %iota3A : vector<16xi32>
        %lt3A_152 = vector.broadcast %scan3A_7 : i32 to vector<16xi32>
        %lt3A_153 = arith.cmpi slt, %add3A_151, %lt3A_152 : vector<16xi32>
        %ge3A = vector.broadcast %mul3A_65 : i32 to vector<16xi32>
        %ge3A_154 = arith.cmpi sge, %get3A_143, %ge3A : vector<16xi32>
        %add3A_155 = arith.constant 512 : i32
        %add3A_156 = arith.addi %mul3A_65, %add3A_155 : i32
        %lt3A_157 = vector.broadcast %add3A_156 : i32 to vector<16xi32>
        %lt3A_158 = arith.cmpi slt, %get3A_143, %lt3A_157 : vector<16xi32>
        %and3A_159 = arith.andi %ge3A_154, %lt3A_158 : vector<16xi1>
        %and3A_160 = arith.andi %lt3A_153, %and3A_159 : vector<16xi1>
        %all_reduce_population_count3A = tpu.all_reduce %and3A_160 {dim = 0 : i64, kind = #tpu.reduction_kind<sum>} : vector<16xi1> -> vector<16xi32>
        %reduce_max3A = arith.constant true
        %reduce_max3A_161 = vector.broadcast %reduce_max3A : i1 to vector<16xi1>
        %reduce_max3A_162 = arith.constant -2147483648 : i32
        %reduce_max3A_163 = vector.broadcast %reduce_max3A_162 : i32 to vector<16xi32>
        %reduce_max3A_164 = arith.xori %all_reduce_population_count3A, %reduce_max3A_163 : vector<16xi32>
        %reduce_max3A_165 = tpu.scan <max>, %reduce_max3A_164 masked %reduce_max3A_161 : vector<16xi32>, vector<16xi1> -> vector<16xi32>
        %reduce_max3A_166 = arith.xori %reduce_max3A_165, %reduce_max3A_163 : vector<16xi32>
        %reduce_max3A_167 = vector.extract %reduce_max3A_166[15] : i32 from vector<16xi32>
        %while3A_168 = arith.constant 0 : i32
        %while3A_169 = arith.subi %reduce_max3A_167, %while3A_168 : i32
        %while3A_170 = arith.addi %while3A_168, %while3A_169 : i32
        %while3A_171 = arith.constant 1 : i32
        %while3A_172 = arith.divsi %while3A_169, %while3A_171 : i32
        %while3A_173 = arith.muli %while3A_172, %while3A_171 : i32
        %while3A_174 = arith.addi %while3A_168, %while3A_173 : i32
        %while3A_175 = arith.constant 1 : i32
        %while3A_176:2 = scf.for %while3A_179 = %while3A_168 to %while3A_174 step %while3A_175 iter_args(%while3A_180 = %while3A_139, %while3A_181 = %and3A_160) -> (i32, vector<16xi1>)  : i32 {
          %all_reduce_ffs3A = tpu.all_reduce %while3A_181 {dim = 0 : i64, kind = #tpu.reduction_kind<find_first_set>} : vector<16xi1> -> vector<16xi32>
          %reduce_max3A_182 = arith.constant true
          %reduce_max3A_183 = vector.broadcast %reduce_max3A_182 : i1 to vector<16xi1>
          %reduce_max3A_184 = arith.constant -2147483648 : i32
          %reduce_max3A_185 = vector.broadcast %reduce_max3A_184 : i32 to vector<16xi32>
          %reduce_max3A_186 = arith.xori %all_reduce_ffs3A, %reduce_max3A_185 : vector<16xi32>
          %reduce_max3A_187 = tpu.scan <max>, %reduce_max3A_186 masked %reduce_max3A_183 : vector<16xi32>, vector<16xi1> -> vector<16xi32>
          %reduce_max3A_188 = arith.xori %reduce_max3A_187, %reduce_max3A_185 : vector<16xi32>
          %reduce_max3A_189 = vector.extract %reduce_max3A_188[15] : i32 from vector<16xi32>
          %eq3A_190 = vector.broadcast %reduce_max3A_189 : i32 to vector<16xi32>
          %eq3A_191 = arith.cmpi eq, %iota3A, %eq3A_190 : vector<16xi32>
          %convert_element_type3A_192 = arith.extui %eq3A_191 : vector<16xi1> to vector<16xi32>
          %mul3A_193 = arith.muli %get3A_143, %convert_element_type3A_192 : vector<16xi32>
          %reduce_sum3A = arith.constant true
          %reduce_sum3A_194 = vector.broadcast %reduce_sum3A : i1 to vector<16xi1>
          %reduce_sum3A_195 = tpu.scan <sum>, %mul3A_193 masked %reduce_sum3A_194 : vector<16xi32>, vector<16xi1> -> vector<16xi32>
          %reduce_sum3A_196 = vector.extract %reduce_sum3A_195[15] : i32 from vector<16xi32>
          %mul3A_197 = arith.muli %get3A_147, %convert_element_type3A_192 : vector<16xi32>
          %reduce_sum3A_198 = arith.constant true
          %reduce_sum3A_199 = vector.broadcast %reduce_sum3A_198 : i1 to vector<16xi1>
          %reduce_sum3A_200 = tpu.scan <sum>, %mul3A_197 masked %reduce_sum3A_199 : vector<16xi32>, vector<16xi1> -> vector<16xi32>
          %reduce_sum3A_201 = vector.extract %reduce_sum3A_200[15] : i32 from vector<16xi32>
          %dma_start3A_202 = arith.constant 0 : i32
          %dma_start3A_203 = tpu.memref_slice %arg13[%while3A_180, %dma_start3A_202] : memref<32x128xf32, #tpu.memory_space<vmem>> -> memref<1x128xf32, #tpu.memory_space<vmem>>
          %dma_start3A_204 = arith.constant 0 : i32
          %dma_start3A_205 = tpu.memref_slice %arg4[%reduce_sum3A_201, %dma_start3A_204] : memref<4096x128xf32, #tpu.memory_space<hbm>> -> memref<1x128xf32, #tpu.memory_space<hbm>>
          %dma_start3A_206 = arith.constant 0 : i32
          %dma_start3A_207 = tpu.memref_slice %arg13[%while3A_180, %dma_start3A_206] : memref<32x128xf32, #tpu.memory_space<vmem>> -> memref<1x128xf32, #tpu.memory_space<vmem>>
          %dma_start3A_208 = arith.constant 0 : i32
          %dma_start3A_209 = tpu.memref_slice %arg4[%reduce_sum3A_201, %dma_start3A_208] : memref<4096x128xf32, #tpu.memory_space<hbm>> -> memref<1x128xf32, #tpu.memory_space<hbm>>
          tpu.enqueue_dma source(%dma_start3A_209 : memref<1x128xf32, #tpu.memory_space<hbm>>) target(%dma_start3A_207 : memref<1x128xf32, #tpu.memory_space<vmem>>) target_semaphore(%arg20 : memref<!tpu.dma_semaphore, #tpu.memory_space<semaphore_mem>>)
          %dma_start3A_210 = arith.constant 0 : i32
          %dma_start3A_211 = tpu.memref_slice %arg14[%while3A_180, %dma_start3A_210] : memref<32x128xf32, #tpu.memory_space<vmem>> -> memref<1x128xf32, #tpu.memory_space<vmem>>
          %dma_start3A_212 = arith.constant 0 : i32
          %dma_start3A_213 = tpu.memref_slice %arg5[%reduce_sum3A_201, %dma_start3A_212] : memref<4096x128xf32, #tpu.memory_space<hbm>> -> memref<1x128xf32, #tpu.memory_space<hbm>>
          %dma_start3A_214 = arith.constant 0 : i32
          %dma_start3A_215 = tpu.memref_slice %arg14[%while3A_180, %dma_start3A_214] : memref<32x128xf32, #tpu.memory_space<vmem>> -> memref<1x128xf32, #tpu.memory_space<vmem>>
          %dma_start3A_216 = arith.constant 0 : i32
          %dma_start3A_217 = tpu.memref_slice %arg5[%reduce_sum3A_201, %dma_start3A_216] : memref<4096x128xf32, #tpu.memory_space<hbm>> -> memref<1x128xf32, #tpu.memory_space<hbm>>
          tpu.enqueue_dma source(%dma_start3A_217 : memref<1x128xf32, #tpu.memory_space<hbm>>) target(%dma_start3A_215 : memref<1x128xf32, #tpu.memory_space<vmem>>) target_semaphore(%arg20 : memref<!tpu.dma_semaphore, #tpu.memory_space<semaphore_mem>>)
          %sub3A_218 = arith.subi %reduce_sum3A_196, %mul3A_65 : i32
          %swap3A_219 = arith.index_cast %while3A_180 : i32 to index
          %swap3A_220 = memref.load %arg17[%swap3A_219] : memref<32xi32, #tpu.memory_space<smem>>
          memref.store %sub3A_218, %arg17[%swap3A_219] : memref<32xi32, #tpu.memory_space<smem>>
          %add3A_221 = arith.constant 1 : i32
          %add3A_222 = arith.addi %while3A_180, %add3A_221 : i32
          %ne3A_223 = vector.broadcast %reduce_max3A_189 : i32 to vector<16xi32>
          %ne3A_224 = arith.cmpi ne, %iota3A, %ne3A_223 : vector<16xi32>
          %and3A_225 = arith.andi %while3A_181, %ne3A_224 : vector<16xi1>
          scf.yield %add3A_222, %and3A_225 : i32, vector<16xi1>
        }
        %while3A_177 = arith.constant 1 : i32
        %while3A_178:2 = scf.for %while3A_179 = %while3A_174 to %while3A_170 step %while3A_177 iter_args(%while3A_180 = %while3A_176#0, %while3A_181 = %while3A_176#1) -> (i32, vector<16xi1>)  : i32 {
          %all_reduce_ffs3A = tpu.all_reduce %while3A_181 {dim = 0 : i64, kind = #tpu.reduction_kind<find_first_set>} : vector<16xi1> -> vector<16xi32>
          %reduce_max3A_182 = arith.constant true
          %reduce_max3A_183 = vector.broadcast %reduce_max3A_182 : i1 to vector<16xi1>
          %reduce_max3A_184 = arith.constant -2147483648 : i32
          %reduce_max3A_185 = vector.broadcast %reduce_max3A_184 : i32 to vector<16xi32>
          %reduce_max3A_186 = arith.xori %all_reduce_ffs3A, %reduce_max3A_185 : vector<16xi32>
          %reduce_max3A_187 = tpu.scan <max>, %reduce_max3A_186 masked %reduce_max3A_183 : vector<16xi32>, vector<16xi1> -> vector<16xi32>
          %reduce_max3A_188 = arith.xori %reduce_max3A_187, %reduce_max3A_185 : vector<16xi32>
          %reduce_max3A_189 = vector.extract %reduce_max3A_188[15] : i32 from vector<16xi32>
          %eq3A_190 = vector.broadcast %reduce_max3A_189 : i32 to vector<16xi32>
          %eq3A_191 = arith.cmpi eq, %iota3A, %eq3A_190 : vector<16xi32>
          %convert_element_type3A_192 = arith.extui %eq3A_191 : vector<16xi1> to vector<16xi32>
          %mul3A_193 = arith.muli %get3A_143, %convert_element_type3A_192 : vector<16xi32>
          %reduce_sum3A = arith.constant true
          %reduce_sum3A_194 = vector.broadcast %reduce_sum3A : i1 to vector<16xi1>
          %reduce_sum3A_195 = tpu.scan <sum>, %mul3A_193 masked %reduce_sum3A_194 : vector<16xi32>, vector<16xi1> -> vector<16xi32>
          %reduce_sum3A_196 = vector.extract %reduce_sum3A_195[15] : i32 from vector<16xi32>
          %mul3A_197 = arith.muli %get3A_147, %convert_element_type3A_192 : vector<16xi32>
          %reduce_sum3A_198 = arith.constant true
          %reduce_sum3A_199 = vector.broadcast %reduce_sum3A_198 : i1 to vector<16xi1>
          %reduce_sum3A_200 = tpu.scan <sum>, %mul3A_197 masked %reduce_sum3A_199 : vector<16xi32>, vector<16xi1> -> vector<16xi32>
          %reduce_sum3A_201 = vector.extract %reduce_sum3A_200[15] : i32 from vector<16xi32>
          %dma_start3A_202 = arith.constant 0 : i32
          %dma_start3A_203 = tpu.memref_slice %arg13[%while3A_180, %dma_start3A_202] : memref<32x128xf32, #tpu.memory_space<vmem>> -> memref<1x128xf32, #tpu.memory_space<vmem>>
          %dma_start3A_204 = arith.constant 0 : i32
          %dma_start3A_205 = tpu.memref_slice %arg4[%reduce_sum3A_201, %dma_start3A_204] : memref<4096x128xf32, #tpu.memory_space<hbm>> -> memref<1x128xf32, #tpu.memory_space<hbm>>
          %dma_start3A_206 = arith.constant 0 : i32
          %dma_start3A_207 = tpu.memref_slice %arg13[%while3A_180, %dma_start3A_206] : memref<32x128xf32, #tpu.memory_space<vmem>> -> memref<1x128xf32, #tpu.memory_space<vmem>>
          %dma_start3A_208 = arith.constant 0 : i32
          %dma_start3A_209 = tpu.memref_slice %arg4[%reduce_sum3A_201, %dma_start3A_208] : memref<4096x128xf32, #tpu.memory_space<hbm>> -> memref<1x128xf32, #tpu.memory_space<hbm>>
          tpu.enqueue_dma source(%dma_start3A_209 : memref<1x128xf32, #tpu.memory_space<hbm>>) target(%dma_start3A_207 : memref<1x128xf32, #tpu.memory_space<vmem>>) target_semaphore(%arg20 : memref<!tpu.dma_semaphore, #tpu.memory_space<semaphore_mem>>)
          %dma_start3A_210 = arith.constant 0 : i32
          %dma_start3A_211 = tpu.memref_slice %arg14[%while3A_180, %dma_start3A_210] : memref<32x128xf32, #tpu.memory_space<vmem>> -> memref<1x128xf32, #tpu.memory_space<vmem>>
          %dma_start3A_212 = arith.constant 0 : i32
          %dma_start3A_213 = tpu.memref_slice %arg5[%reduce_sum3A_201, %dma_start3A_212] : memref<4096x128xf32, #tpu.memory_space<hbm>> -> memref<1x128xf32, #tpu.memory_space<hbm>>
          %dma_start3A_214 = arith.constant 0 : i32
          %dma_start3A_215 = tpu.memref_slice %arg14[%while3A_180, %dma_start3A_214] : memref<32x128xf32, #tpu.memory_space<vmem>> -> memref<1x128xf32, #tpu.memory_space<vmem>>
          %dma_start3A_216 = arith.constant 0 : i32
          %dma_start3A_217 = tpu.memref_slice %arg5[%reduce_sum3A_201, %dma_start3A_216] : memref<4096x128xf32, #tpu.memory_space<hbm>> -> memref<1x128xf32, #tpu.memory_space<hbm>>
          tpu.enqueue_dma source(%dma_start3A_217 : memref<1x128xf32, #tpu.memory_space<hbm>>) target(%dma_start3A_215 : memref<1x128xf32, #tpu.memory_space<vmem>>) target_semaphore(%arg20 : memref<!tpu.dma_semaphore, #tpu.memory_space<semaphore_mem>>)
          %sub3A_218 = arith.subi %reduce_sum3A_196, %mul3A_65 : i32
          %swap3A_219 = arith.index_cast %while3A_180 : i32 to index
          %swap3A_220 = memref.load %arg17[%swap3A_219] : memref<32xi32, #tpu.memory_space<smem>>
          memref.store %sub3A_218, %arg17[%swap3A_219] : memref<32xi32, #tpu.memory_space<smem>>
          %add3A_221 = arith.constant 1 : i32
          %add3A_222 = arith.addi %while3A_180, %add3A_221 : i32
          %ne3A_223 = vector.broadcast %reduce_max3A_189 : i32 to vector<16xi32>
          %ne3A_224 = arith.cmpi ne, %iota3A, %ne3A_223 : vector<16xi32>
          %and3A_225 = arith.andi %while3A_181, %ne3A_224 : vector<16xi1>
          scf.yield %add3A_222, %and3A_225 : i32, vector<16xi1>
        }
        scf.yield %while3A_178#0 : i32
      }
      %while3A_76 = arith.constant 1 : i32
      %while3A_77 = scf.for %while3A_138 = %while3A_73 to %while3A_69 step %while3A_76 iter_args(%while3A_139 = %while3A_75) -> (i32)  : i32 {
        %mul3A_140 = arith.constant 16 : i32
        %mul3A_141 = arith.muli %while3A_138, %mul3A_140 : i32
        %get3A_142 = arith.index_cast %mul3A_141 : i32 to index
        %get3A_143 = tpu.vector_load %arg9[%get3A_142] {strides = array<i32>} : memref<4112xi32, #tpu.memory_space<vmem>>, vector<16xi32>,
        %mul3A_144 = arith.constant 16 : i32
        %mul3A_145 = arith.muli %while3A_138, %mul3A_144 : i32
        %get3A_146 = arith.index_cast %mul3A_145 : i32 to index
        %get3A_147 = tpu.vector_load %arg10[%get3A_146] {strides = array<i32>} : memref<4112xi32, #tpu.memory_space<vmem>>, vector<16xi32>,
        %mul3A_148 = arith.constant 16 : i32
        %mul3A_149 = arith.muli %while3A_138, %mul3A_148 : i32
        %add3A_150 = vector.broadcast %mul3A_149 : i32 to vector<16xi32>
        %add3A_151 = arith.addi %add3A_150, %iota3A : vector<16xi32>
        %lt3A_152 = vector.broadcast %scan3A_7 : i32 to vector<16xi32>
        %lt3A_153 = arith.cmpi slt, %add3A_151, %lt3A_152 : vector<16xi32>
        %ge3A = vector.broadcast %mul3A_65 : i32 to vector<16xi32>
        %ge3A_154 = arith.cmpi sge, %get3A_143, %ge3A : vector<16xi32>
        %add3A_155 = arith.constant 512 : i32
        %add3A_156 = arith.addi %mul3A_65, %add3A_155 : i32
        %lt3A_157 = vector.broadcast %add3A_156 : i32 to vector<16xi32>
        %lt3A_158 = arith.cmpi slt, %get3A_143, %lt3A_157 : vector<16xi32>
        %and3A_159 = arith.andi %ge3A_154, %lt3A_158 : vector<16xi1>
        %and3A_160 = arith.andi %lt3A_153, %and3A_159 : vector<16xi1>
        %all_reduce_population_count3A = tpu.all_reduce %and3A_160 {dim = 0 : i64, kind = #tpu.reduction_kind<sum>} : vector<16xi1> -> vector<16xi32>
        %reduce_max3A = arith.constant true
        %reduce_max3A_161 = vector.broadcast %reduce_max3A : i1 to vector<16xi1>
        %reduce_max3A_162 = arith.constant -2147483648 : i32
        %reduce_max3A_163 = vector.broadcast %reduce_max3A_162 : i32 to vector<16xi32>
        %reduce_max3A_164 = arith.xori %all_reduce_population_count3A, %reduce_max3A_163 : vector<16xi32>
        %reduce_max3A_165 = tpu.scan <max>, %reduce_max3A_164 masked %reduce_max3A_161 : vector<16xi32>, vector<16xi1> -> vector<16xi32>
        %reduce_max3A_166 = arith.xori %reduce_max3A_165, %reduce_max3A_163 : vector<16xi32>
        %reduce_max3A_167 = vector.extract %reduce_max3A_166[15] : i32 from vector<16xi32>
        %while3A_168 = arith.constant 0 : i32
        %while3A_169 = arith.subi %reduce_max3A_167, %while3A_168 : i32
        %while3A_170 = arith.addi %while3A_168, %while3A_169 : i32
        %while3A_171 = arith.constant 1 : i32
        %while3A_172 = arith.divsi %while3A_169, %while3A_171 : i32
        %while3A_173 = arith.muli %while3A_172, %while3A_171 : i32
        %while3A_174 = arith.addi %while3A_168, %while3A_173 : i32
        %while3A_175 = arith.constant 1 : i32
        %while3A_176:2 = scf.for %while3A_179 = %while3A_168 to %while3A_174 step %while3A_175 iter_args(%while3A_180 = %while3A_139, %while3A_181 = %and3A_160) -> (i32, vector<16xi1>)  : i32 {
          %all_reduce_ffs3A = tpu.all_reduce %while3A_181 {dim = 0 : i64, kind = #tpu.reduction_kind<find_first_set>} : vector<16xi1> -> vector<16xi32>
          %reduce_max3A_182 = arith.constant true
          %reduce_max3A_183 = vector.broadcast %reduce_max3A_182 : i1 to vector<16xi1>
          %reduce_max3A_184 = arith.constant -2147483648 : i32
          %reduce_max3A_185 = vector.broadcast %reduce_max3A_184 : i32 to vector<16xi32>
          %reduce_max3A_186 = arith.xori %all_reduce_ffs3A, %reduce_max3A_185 : vector<16xi32>
          %reduce_max3A_187 = tpu.scan <max>, %reduce_max3A_186 masked %reduce_max3A_183 : vector<16xi32>, vector<16xi1> -> vector<16xi32>
          %reduce_max3A_188 = arith.xori %reduce_max3A_187, %reduce_max3A_185 : vector<16xi32>
          %reduce_max3A_189 = vector.extract %reduce_max3A_188[15] : i32 from vector<16xi32>
          %eq3A_190 = vector.broadcast %reduce_max3A_189 : i32 to vector<16xi32>
          %eq3A_191 = arith.cmpi eq, %iota3A, %eq3A_190 : vector<16xi32>
          %convert_element_type3A_192 = arith.extui %eq3A_191 : vector<16xi1> to vector<16xi32>
          %mul3A_193 = arith.muli %get3A_143, %convert_element_type3A_192 : vector<16xi32>
          %reduce_sum3A = arith.constant true
          %reduce_sum3A_194 = vector.broadcast %reduce_sum3A : i1 to vector<16xi1>
          %reduce_sum3A_195 = tpu.scan <sum>, %mul3A_193 masked %reduce_sum3A_194 : vector<16xi32>, vector<16xi1> -> vector<16xi32>
          %reduce_sum3A_196 = vector.extract %reduce_sum3A_195[15] : i32 from vector<16xi32>
          %mul3A_197 = arith.muli %get3A_147, %convert_element_type3A_192 : vector<16xi32>
          %reduce_sum3A_198 = arith.constant true
          %reduce_sum3A_199 = vector.broadcast %reduce_sum3A_198 : i1 to vector<16xi1>
          %reduce_sum3A_200 = tpu.scan <sum>, %mul3A_197 masked %reduce_sum3A_199 : vector<16xi32>, vector<16xi1> -> vector<16xi32>
          %reduce_sum3A_201 = vector.extract %reduce_sum3A_200[15] : i32 from vector<16xi32>
          %dma_start3A_202 = arith.constant 0 : i32
          %dma_start3A_203 = tpu.memref_slice %arg13[%while3A_180, %dma_start3A_202] : memref<32x128xf32, #tpu.memory_space<vmem>> -> memref<1x128xf32, #tpu.memory_space<vmem>>
          %dma_start3A_204 = arith.constant 0 : i32
          %dma_start3A_205 = tpu.memref_slice %arg4[%reduce_sum3A_201, %dma_start3A_204] : memref<4096x128xf32, #tpu.memory_space<hbm>> -> memref<1x128xf32, #tpu.memory_space<hbm>>
          %dma_start3A_206 = arith.constant 0 : i32
          %dma_start3A_207 = tpu.memref_slice %arg13[%while3A_180, %dma_start3A_206] : memref<32x128xf32, #tpu.memory_space<vmem>> -> memref<1x128xf32, #tpu.memory_space<vmem>>
          %dma_start3A_208 = arith.constant 0 : i32
          %dma_start3A_209 = tpu.memref_slice %arg4[%reduce_sum3A_201, %dma_start3A_208] : memref<4096x128xf32, #tpu.memory_space<hbm>> -> memref<1x128xf32, #tpu.memory_space<hbm>>
          tpu.enqueue_dma source(%dma_start3A_209 : memref<1x128xf32, #tpu.memory_space<hbm>>) target(%dma_start3A_207 : memref<1x128xf32, #tpu.memory_space<vmem>>) target_semaphore(%arg20 : memref<!tpu.dma_semaphore, #tpu.memory_space<semaphore_mem>>)
          %dma_start3A_210 = arith.constant 0 : i32
          %dma_start3A_211 = tpu.memref_slice %arg14[%while3A_180, %dma_start3A_210] : memref<32x128xf32, #tpu.memory_space<vmem>> -> memref<1x128xf32, #tpu.memory_space<vmem>>
          %dma_start3A_212 = arith.constant 0 : i32
          %dma_start3A_213 = tpu.memref_slice %arg5[%reduce_sum3A_201, %dma_start3A_212] : memref<4096x128xf32, #tpu.memory_space<hbm>> -> memref<1x128xf32, #tpu.memory_space<hbm>>
          %dma_start3A_214 = arith.constant 0 : i32
          %dma_start3A_215 = tpu.memref_slice %arg14[%while3A_180, %dma_start3A_214] : memref<32x128xf32, #tpu.memory_space<vmem>> -> memref<1x128xf32, #tpu.memory_space<vmem>>
          %dma_start3A_216 = arith.constant 0 : i32
          %dma_start3A_217 = tpu.memref_slice %arg5[%reduce_sum3A_201, %dma_start3A_216] : memref<4096x128xf32, #tpu.memory_space<hbm>> -> memref<1x128xf32, #tpu.memory_space<hbm>>
          tpu.enqueue_dma source(%dma_start3A_217 : memref<1x128xf32, #tpu.memory_space<hbm>>) target(%dma_start3A_215 : memref<1x128xf32, #tpu.memory_space<vmem>>) target_semaphore(%arg20 : memref<!tpu.dma_semaphore, #tpu.memory_space<semaphore_mem>>)
          %sub3A_218 = arith.subi %reduce_sum3A_196, %mul3A_65 : i32
          %swap3A_219 = arith.index_cast %while3A_180 : i32 to index
          %swap3A_220 = memref.load %arg17[%swap3A_219] : memref<32xi32, #tpu.memory_space<smem>>
          memref.store %sub3A_218, %arg17[%swap3A_219] : memref<32xi32, #tpu.memory_space<smem>>
          %add3A_221 = arith.constant 1 : i32
          %add3A_222 = arith.addi %while3A_180, %add3A_221 : i32
          %ne3A_223 = vector.broadcast %reduce_max3A_189 : i32 to vector<16xi32>
          %ne3A_224 = arith.cmpi ne, %iota3A, %ne3A_223 : vector<16xi32>
          %and3A_225 = arith.andi %while3A_181, %ne3A_224 : vector<16xi1>
          scf.yield %add3A_222, %and3A_225 : i32, vector<16xi1>
        }
        %while3A_177 = arith.constant 1 : i32
        %while3A_178:2 = scf.for %while3A_179 = %while3A_174 to %while3A_170 step %while3A_177 iter_args(%while3A_180 = %while3A_176#0, %while3A_181 = %while3A_176#1) -> (i32, vector<16xi1>)  : i32 {
          %all_reduce_ffs3A = tpu.all_reduce %while3A_181 {dim = 0 : i64, kind = #tpu.reduction_kind<find_first_set>} : vector<16xi1> -> vector<16xi32>
          %reduce_max3A_182 = arith.constant true
          %reduce_max3A_183 = vector.broadcast %reduce_max3A_182 : i1 to vector<16xi1>
          %reduce_max3A_184 = arith.constant -2147483648 : i32
          %reduce_max3A_185 = vector.broadcast %reduce_max3A_184 : i32 to vector<16xi32>
          %reduce_max3A_186 = arith.xori %all_reduce_ffs3A, %reduce_max3A_185 : vector<16xi32>
          %reduce_max3A_187 = tpu.scan <max>, %reduce_max3A_186 masked %reduce_max3A_183 : vector<16xi32>, vector<16xi1> -> vector<16xi32>
          %reduce_max3A_188 = arith.xori %reduce_max3A_187, %reduce_max3A_185 : vector<16xi32>
          %reduce_max3A_189 = vector.extract %reduce_max3A_188[15] : i32 from vector<16xi32>
          %eq3A_190 = vector.broadcast %reduce_max3A_189 : i32 to vector<16xi32>
          %eq3A_191 = arith.cmpi eq, %iota3A, %eq3A_190 : vector<16xi32>
          %convert_element_type3A_192 = arith.extui %eq3A_191 : vector<16xi1> to vector<16xi32>
          %mul3A_193 = arith.muli %get3A_143, %convert_element_type3A_192 : vector<16xi32>
          %reduce_sum3A = arith.constant true
          %reduce_sum3A_194 = vector.broadcast %reduce_sum3A : i1 to vector<16xi1>
          %reduce_sum3A_195 = tpu.scan <sum>, %mul3A_193 masked %reduce_sum3A_194 : vector<16xi32>, vector<16xi1> -> vector<16xi32>
          %reduce_sum3A_196 = vector.extract %reduce_sum3A_195[15] : i32 from vector<16xi32>
          %mul3A_197 = arith.muli %get3A_147, %convert_element_type3A_192 : vector<16xi32>
          %reduce_sum3A_198 = arith.constant true
          %reduce_sum3A_199 = vector.broadcast %reduce_sum3A_198 : i1 to vector<16xi1>
          %reduce_sum3A_200 = tpu.scan <sum>, %mul3A_197 masked %reduce_sum3A_199 : vector<16xi32>, vector<16xi1> -> vector<16xi32>
          %reduce_sum3A_201 = vector.extract %reduce_sum3A_200[15] : i32 from vector<16xi32>
          %dma_start3A_202 = arith.constant 0 : i32
          %dma_start3A_203 = tpu.memref_slice %arg13[%while3A_180, %dma_start3A_202] : memref<32x128xf32, #tpu.memory_space<vmem>> -> memref<1x128xf32, #tpu.memory_space<vmem>>
          %dma_start3A_204 = arith.constant 0 : i32
          %dma_start3A_205 = tpu.memref_slice %arg4[%reduce_sum3A_201, %dma_start3A_204] : memref<4096x128xf32, #tpu.memory_space<hbm>> -> memref<1x128xf32, #tpu.memory_space<hbm>>
          %dma_start3A_206 = arith.constant 0 : i32
          %dma_start3A_207 = tpu.memref_slice %arg13[%while3A_180, %dma_start3A_206] : memref<32x128xf32, #tpu.memory_space<vmem>> -> memref<1x128xf32, #tpu.memory_space<vmem>>
          %dma_start3A_208 = arith.constant 0 : i32
          %dma_start3A_209 = tpu.memref_slice %arg4[%reduce_sum3A_201, %dma_start3A_208] : memref<4096x128xf32, #tpu.memory_space<hbm>> -> memref<1x128xf32, #tpu.memory_space<hbm>>
          tpu.enqueue_dma source(%dma_start3A_209 : memref<1x128xf32, #tpu.memory_space<hbm>>) target(%dma_start3A_207 : memref<1x128xf32, #tpu.memory_space<vmem>>) target_semaphore(%arg20 : memref<!tpu.dma_semaphore, #tpu.memory_space<semaphore_mem>>)
          %dma_start3A_210 = arith.constant 0 : i32
          %dma_start3A_211 = tpu.memref_slice %arg14[%while3A_180, %dma_start3A_210] : memref<32x128xf32, #tpu.memory_space<vmem>> -> memref<1x128xf32, #tpu.memory_space<vmem>>
          %dma_start3A_212 = arith.constant 0 : i32
          %dma_start3A_213 = tpu.memref_slice %arg5[%reduce_sum3A_201, %dma_start3A_212] : memref<4096x128xf32, #tpu.memory_space<hbm>> -> memref<1x128xf32, #tpu.memory_space<hbm>>
          %dma_start3A_214 = arith.constant 0 : i32
          %dma_start3A_215 = tpu.memref_slice %arg14[%while3A_180, %dma_start3A_214] : memref<32x128xf32, #tpu.memory_space<vmem>> -> memref<1x128xf32, #tpu.memory_space<vmem>>
          %dma_start3A_216 = arith.constant 0 : i32
          %dma_start3A_217 = tpu.memref_slice %arg5[%reduce_sum3A_201, %dma_start3A_216] : memref<4096x128xf32, #tpu.memory_space<hbm>> -> memref<1x128xf32, #tpu.memory_space<hbm>>
          tpu.enqueue_dma source(%dma_start3A_217 : memref<1x128xf32, #tpu.memory_space<hbm>>) target(%dma_start3A_215 : memref<1x128xf32, #tpu.memory_space<vmem>>) target_semaphore(%arg20 : memref<!tpu.dma_semaphore, #tpu.memory_space<semaphore_mem>>)
          %sub3A_218 = arith.subi %reduce_sum3A_196, %mul3A_65 : i32
          %swap3A_219 = arith.index_cast %while3A_180 : i32 to index
          %swap3A_220 = memref.load %arg17[%swap3A_219] : memref<32xi32, #tpu.memory_space<smem>>
          memref.store %sub3A_218, %arg17[%swap3A_219] : memref<32xi32, #tpu.memory_space<smem>>
          %add3A_221 = arith.constant 1 : i32
          %add3A_222 = arith.addi %while3A_180, %add3A_221 : i32
          %ne3A_223 = vector.broadcast %reduce_max3A_189 : i32 to vector<16xi32>
          %ne3A_224 = arith.cmpi ne, %iota3A, %ne3A_223 : vector<16xi32>
          %and3A_225 = arith.andi %while3A_181, %ne3A_224 : vector<16xi1>
          scf.yield %add3A_222, %and3A_225 : i32, vector<16xi1>
        }
        scf.yield %while3A_178#0 : i32
      }
      %add3A_78 = arith.constant 1 : i32
      %add3A_79 = arith.addi %while3A_60, %add3A_78 : i32
      %lt3A = arith.cmpi slt, %add3A_79, %add3A_31 : i32
      %convert_element_type3A = arith.extui %lt3A : i1 to i32
      %cond3A = arith.constant 0 : i32
      %cond3A_80 = arith.cmpi ne, %convert_element_type3A, %cond3A : i32
      scf.if %cond3A_80 {
        %ge3A = arith.constant 1 : i32
        %ge3A_138 = arith.cmpi sge, %while3A_60, %ge3A : i32
        %convert_element_type3A_139 = arith.extui %ge3A_138 : i1 to i32
        %cond3A_140 = arith.constant 0 : i32
        %cond3A_141 = arith.cmpi ne, %convert_element_type3A_139, %cond3A_140 : i32
        scf.if %cond3A_141 {
          %dma_wait3A_186 = arith.constant 0 : i32
          %dma_wait3A_187 = arith.constant 0 : i32
          %dma_wait3A_188 = tpu.memref_slice %arg2[%dma_wait3A_186, %dma_wait3A_187] : memref<100x1000000xf32, #tpu.memory_space<hbm>> -> memref<100x512xf32, #tpu.memory_space<hbm>>
          %dma_wait3A_189 = arith.constant 0 : i32
          %dma_wait3A_190 = arith.constant 0 : i32
          %dma_wait3A_191 = tpu.memref_slice %arg2[%dma_wait3A_189, %dma_wait3A_190] : memref<100x1000000xf32, #tpu.memory_space<hbm>> -> memref<100x512xf32, #tpu.memory_space<hbm>>
          tpu.wait_dma2 semaphore(%arg19 : memref<!tpu.dma_semaphore, #tpu.memory_space<semaphore_mem>>) src(%dma_wait3A_191 : memref<100x512xf32, #tpu.memory_space<hbm>>) dst(%arg11 : memref<100x512xf32, #tpu.memory_space<vmem>>)
        } else {
        }
        %add3A_142 = arith.constant 16384 : i32
        %add3A_143 = arith.addi %mul3A_65, %add3A_142 : i32
        %jit3A_144 = arith.constant 2 : i32
        %eq3A_145 = arith.constant 0 : i32
        %eq3A_146 = arith.cmpi eq, %jit3A_144, %eq3A_145 : i32
        %jit3A_147 = arith.constant 1 : i32
        %select_n3A_148 = arith.select %eq3A_146, %jit3A_147, %jit3A_144 : i32
        %rem3A_149 = arith.remsi %while3A_60, %select_n3A_148 : i32
        %ne3A_150 = arith.constant 0 : i32
        %ne3A_151 = arith.cmpi ne, %rem3A_149, %ne3A_150 : i32
        %lt3A_152 = arith.constant 0 : i32
        %lt3A_153 = arith.cmpi slt, %rem3A_149, %lt3A_152 : i32
        %lt3A_154 = arith.constant 0 : i32
        %lt3A_155 = arith.cmpi slt, %select_n3A_148, %lt3A_154 : i32
        %ne3A_156 = arith.xori %lt3A_153, %lt3A_155 : i1
        %and3A_157 = arith.andi %ne3A_156, %ne3A_151 : i1
        %add3A_158 = arith.addi %rem3A_149, %select_n3A_148 : i32
        %select_n3A_159 = arith.select %and3A_157, %add3A_158, %rem3A_149 : i32
        %eq3A_160 = arith.constant 0 : i32
        %eq3A_161 = arith.cmpi eq, %select_n3A_159, %eq3A_160 : i32
        %convert_element_type3A_162 = arith.extui %eq3A_161 : i1 to i32
        %cond3A_163 = arith.constant 0 : i32
        %cond3A_164 = arith.cmpi ne, %convert_element_type3A_162, %cond3A_163 : i32
        scf.if %cond3A_164 {
          %dma_start3A_186 = arith.constant 0 : i32
          %dma_start3A_187 = tpu.memref_slice %arg2[%dma_start3A_186, %add3A_143] : memref<100x1000000xf32, #tpu.memory_space<hbm>> -> memref<100x512xf32, #tpu.memory_space<hbm>>
          %dma_start3A_188 = arith.constant 0 : i32
          %dma_start3A_189 = tpu.memref_slice %arg2[%dma_start3A_188, %add3A_143] : memref<100x1000000xf32, #tpu.memory_space<hbm>> -> memref<100x512xf32, #tpu.memory_space<hbm>>
          tpu.enqueue_dma source(%dma_start3A_189 : memref<100x512xf32, #tpu.memory_space<hbm>>) target(%arg12 : memref<100x512xf32, #tpu.memory_space<vmem>>) target_semaphore(%arg18 : memref<!tpu.dma_semaphore, #tpu.memory_space<semaphore_mem>>)
        } else {
        }
        %jit3A_165 = arith.constant 2 : i32
        %eq3A_166 = arith.constant 0 : i32
        %eq3A_167 = arith.cmpi eq, %jit3A_165, %eq3A_166 : i32
        %jit3A_168 = arith.constant 1 : i32
        %select_n3A_169 = arith.select %eq3A_167, %jit3A_168, %jit3A_165 : i32
        %rem3A_170 = arith.remsi %while3A_60, %select_n3A_169 : i32
        %ne3A_171 = arith.constant 0 : i32
        %ne3A_172 = arith.cmpi ne, %rem3A_170, %ne3A_171 : i32
        %lt3A_173 = arith.constant 0 : i32
        %lt3A_174 = arith.cmpi slt, %rem3A_170, %lt3A_173 : i32
        %lt3A_175 = arith.constant 0 : i32
        %lt3A_176 = arith.cmpi slt, %select_n3A_169, %lt3A_175 : i32
        %ne3A_177 = arith.xori %lt3A_174, %lt3A_176 : i1
        %and3A_178 = arith.andi %ne3A_177, %ne3A_172 : i1
        %add3A_179 = arith.addi %rem3A_170, %select_n3A_169 : i32
        %select_n3A_180 = arith.select %and3A_178, %add3A_179, %rem3A_170 : i32
        %eq3A_181 = arith.constant 1 : i32
        %eq3A_182 = arith.cmpi eq, %select_n3A_180, %eq3A_181 : i32
        %convert_element_type3A_183 = arith.extui %eq3A_182 : i1 to i32
        %cond3A_184 = arith.constant 0 : i32
        %cond3A_185 = arith.cmpi ne, %convert_element_type3A_183, %cond3A_184 : i32
        scf.if %cond3A_185 {
          %dma_start3A_186 = arith.constant 0 : i32
          %dma_start3A_187 = tpu.memref_slice %arg2[%dma_start3A_186, %add3A_143] : memref<100x1000000xf32, #tpu.memory_space<hbm>> -> memref<100x512xf32, #tpu.memory_space<hbm>>
          %dma_start3A_188 = arith.constant 0 : i32
          %dma_start3A_189 = tpu.memref_slice %arg2[%dma_start3A_188, %add3A_143] : memref<100x1000000xf32, #tpu.memory_space<hbm>> -> memref<100x512xf32, #tpu.memory_space<hbm>>
          tpu.enqueue_dma source(%dma_start3A_189 : memref<100x512xf32, #tpu.memory_space<hbm>>) target(%arg11 : memref<100x512xf32, #tpu.memory_space<vmem>>) target_semaphore(%arg18 : memref<!tpu.dma_semaphore, #tpu.memory_space<semaphore_mem>>)
        } else {
        }
      } else {
      }
      %while3A_81 = arith.constant 0 : i32
      %while3A_82 = arith.constant 0 : i32
      %while3A_83 = arith.subi %while3A_77, %while3A_82 : i32
      %while3A_84 = arith.addi %while3A_82, %while3A_83 : i32
      %while3A_85 = arith.constant 1 : i32
      %while3A_86 = arith.divsi %while3A_83, %while3A_85 : i32
      %while3A_87 = arith.muli %while3A_86, %while3A_85 : i32
      %while3A_88 = arith.addi %while3A_82, %while3A_87 : i32
      %while3A_89 = arith.constant 1 : i32
      scf.for %while3A_138 = %while3A_82 to %while3A_88 step %while3A_89  : i32 {
        %dma_wait3A_139 = arith.constant 0 : i32
        %dma_wait3A_140 = arith.constant 0 : i32
        %dma_wait3A_141 = tpu.memref_slice %arg13[%dma_wait3A_139, %dma_wait3A_140] : memref<32x128xf32, #tpu.memory_space<vmem>> -> memref<1x128xf32, #tpu.memory_space<vmem>>
        %dma_wait3A_142 = arith.constant 0 : i32
        %dma_wait3A_143 = arith.constant 0 : i32
        %dma_wait3A_144 = tpu.memref_slice %arg4[%dma_wait3A_142, %dma_wait3A_143] : memref<4096x128xf32, #tpu.memory_space<hbm>> -> memref<1x128xf32, #tpu.memory_space<hbm>>
        %dma_wait3A_145 = arith.constant 0 : i32
        %dma_wait3A_146 = arith.constant 0 : i32
        %dma_wait3A_147 = tpu.memref_slice %arg13[%dma_wait3A_145, %dma_wait3A_146] : memref<32x128xf32, #tpu.memory_space<vmem>> -> memref<1x128xf32, #tpu.memory_space<vmem>>
        %dma_wait3A_148 = arith.constant 0 : i32
        %dma_wait3A_149 = arith.constant 0 : i32
        %dma_wait3A_150 = tpu.memref_slice %arg4[%dma_wait3A_148, %dma_wait3A_149] : memref<4096x128xf32, #tpu.memory_space<hbm>> -> memref<1x128xf32, #tpu.memory_space<hbm>>
        tpu.wait_dma2 semaphore(%arg20 : memref<!tpu.dma_semaphore, #tpu.memory_space<semaphore_mem>>) src(%dma_wait3A_150 : memref<1x128xf32, #tpu.memory_space<hbm>>) dst(%dma_wait3A_147 : memref<1x128xf32, #tpu.memory_space<vmem>>)
        %dma_wait3A_151 = arith.constant 0 : i32
        %dma_wait3A_152 = arith.constant 0 : i32
        %dma_wait3A_153 = tpu.memref_slice %arg14[%dma_wait3A_151, %dma_wait3A_152] : memref<32x128xf32, #tpu.memory_space<vmem>> -> memref<1x128xf32, #tpu.memory_space<vmem>>
        %dma_wait3A_154 = arith.constant 0 : i32
        %dma_wait3A_155 = arith.constant 0 : i32
        %dma_wait3A_156 = tpu.memref_slice %arg5[%dma_wait3A_154, %dma_wait3A_155] : memref<4096x128xf32, #tpu.memory_space<hbm>> -> memref<1x128xf32, #tpu.memory_space<hbm>>
        %dma_wait3A_157 = arith.constant 0 : i32
        %dma_wait3A_158 = arith.constant 0 : i32
        %dma_wait3A_159 = tpu.memref_slice %arg14[%dma_wait3A_157, %dma_wait3A_158] : memref<32x128xf32, #tpu.memory_space<vmem>> -> memref<1x128xf32, #tpu.memory_space<vmem>>
        %dma_wait3A_160 = arith.constant 0 : i32
        %dma_wait3A_161 = arith.constant 0 : i32
        %dma_wait3A_162 = tpu.memref_slice %arg5[%dma_wait3A_160, %dma_wait3A_161] : memref<4096x128xf32, #tpu.memory_space<hbm>> -> memref<1x128xf32, #tpu.memory_space<hbm>>
        tpu.wait_dma2 semaphore(%arg20 : memref<!tpu.dma_semaphore, #tpu.memory_space<semaphore_mem>>) src(%dma_wait3A_162 : memref<1x128xf32, #tpu.memory_space<hbm>>) dst(%dma_wait3A_159 : memref<1x128xf32, #tpu.memory_space<vmem>>)
      }
      %while3A_90 = arith.constant 1 : i32
      scf.for %while3A_138 = %while3A_88 to %while3A_84 step %while3A_90  : i32 {
        %dma_wait3A_139 = arith.constant 0 : i32
        %dma_wait3A_140 = arith.constant 0 : i32
        %dma_wait3A_141 = tpu.memref_slice %arg13[%dma_wait3A_139, %dma_wait3A_140] : memref<32x128xf32, #tpu.memory_space<vmem>> -> memref<1x128xf32, #tpu.memory_space<vmem>>
        %dma_wait3A_142 = arith.constant 0 : i32
        %dma_wait3A_143 = arith.constant 0 : i32
        %dma_wait3A_144 = tpu.memref_slice %arg4[%dma_wait3A_142, %dma_wait3A_143] : memref<4096x128xf32, #tpu.memory_space<hbm>> -> memref<1x128xf32, #tpu.memory_space<hbm>>
        %dma_wait3A_145 = arith.constant 0 : i32
        %dma_wait3A_146 = arith.constant 0 : i32
        %dma_wait3A_147 = tpu.memref_slice %arg13[%dma_wait3A_145, %dma_wait3A_146] : memref<32x128xf32, #tpu.memory_space<vmem>> -> memref<1x128xf32, #tpu.memory_space<vmem>>
        %dma_wait3A_148 = arith.constant 0 : i32
        %dma_wait3A_149 = arith.constant 0 : i32
        %dma_wait3A_150 = tpu.memref_slice %arg4[%dma_wait3A_148, %dma_wait3A_149] : memref<4096x128xf32, #tpu.memory_space<hbm>> -> memref<1x128xf32, #tpu.memory_space<hbm>>
        tpu.wait_dma2 semaphore(%arg20 : memref<!tpu.dma_semaphore, #tpu.memory_space<semaphore_mem>>) src(%dma_wait3A_150 : memref<1x128xf32, #tpu.memory_space<hbm>>) dst(%dma_wait3A_147 : memref<1x128xf32, #tpu.memory_space<vmem>>)
        %dma_wait3A_151 = arith.constant 0 : i32
        %dma_wait3A_152 = arith.constant 0 : i32
        %dma_wait3A_153 = tpu.memref_slice %arg14[%dma_wait3A_151, %dma_wait3A_152] : memref<32x128xf32, #tpu.memory_space<vmem>> -> memref<1x128xf32, #tpu.memory_space<vmem>>
        %dma_wait3A_154 = arith.constant 0 : i32
        %dma_wait3A_155 = arith.constant 0 : i32
        %dma_wait3A_156 = tpu.memref_slice %arg5[%dma_wait3A_154, %dma_wait3A_155] : memref<4096x128xf32, #tpu.memory_space<hbm>> -> memref<1x128xf32, #tpu.memory_space<hbm>>
        %dma_wait3A_157 = arith.constant 0 : i32
        %dma_wait3A_158 = arith.constant 0 : i32
        %dma_wait3A_159 = tpu.memref_slice %arg14[%dma_wait3A_157, %dma_wait3A_158] : memref<32x128xf32, #tpu.memory_space<vmem>> -> memref<1x128xf32, #tpu.memory_space<vmem>>
        %dma_wait3A_160 = arith.constant 0 : i32
        %dma_wait3A_161 = arith.constant 0 : i32
        %dma_wait3A_162 = tpu.memref_slice %arg5[%dma_wait3A_160, %dma_wait3A_161] : memref<4096x128xf32, #tpu.memory_space<hbm>> -> memref<1x128xf32, #tpu.memory_space<hbm>>
        tpu.wait_dma2 semaphore(%arg20 : memref<!tpu.dma_semaphore, #tpu.memory_space<semaphore_mem>>) src(%dma_wait3A_162 : memref<1x128xf32, #tpu.memory_space<hbm>>) dst(%dma_wait3A_159 : memref<1x128xf32, #tpu.memory_space<vmem>>)
      }
      %dma_wait3A_91 = arith.constant 0 : i32
      %dma_wait3A_92 = arith.constant 0 : i32
      %dma_wait3A_93 = tpu.memref_slice %arg2[%dma_wait3A_91, %dma_wait3A_92] : memref<100x1000000xf32, #tpu.memory_space<hbm>> -> memref<100x512xf32, #tpu.memory_space<hbm>>
      %dma_wait3A_94 = arith.constant 0 : i32
      %dma_wait3A_95 = arith.constant 0 : i32
      %dma_wait3A_96 = tpu.memref_slice %arg2[%dma_wait3A_94, %dma_wait3A_95] : memref<100x1000000xf32, #tpu.memory_space<hbm>> -> memref<100x512xf32, #tpu.memory_space<hbm>>
      tpu.wait_dma2 semaphore(%arg18 : memref<!tpu.dma_semaphore, #tpu.memory_space<semaphore_mem>>) src(%dma_wait3A_96 : memref<100x512xf32, #tpu.memory_space<hbm>>) dst(%arg11 : memref<100x512xf32, #tpu.memory_space<vmem>>)
      %jit3A_97 = arith.constant 2 : i32
      %eq3A = arith.constant 0 : i32
      %eq3A_98 = arith.cmpi eq, %jit3A_97, %eq3A : i32
      %jit3A_99 = arith.constant 1 : i32
      %select_n3A_100 = arith.select %eq3A_98, %jit3A_99, %jit3A_97 : i32
      %rem3A_101 = arith.remsi %while3A_60, %select_n3A_100 : i32
      %ne3A_102 = arith.constant 0 : i32
      %ne3A_103 = arith.cmpi ne, %rem3A_101, %ne3A_102 : i32
      %lt3A_104 = arith.constant 0 : i32
      %lt3A_105 = arith.cmpi slt, %rem3A_101, %lt3A_104 : i32
      %lt3A_106 = arith.constant 0 : i32
      %lt3A_107 = arith.cmpi slt, %select_n3A_100, %lt3A_106 : i32
      %ne3A_108 = arith.xori %lt3A_105, %lt3A_107 : i1
      %and3A_109 = arith.andi %ne3A_108, %ne3A_103 : i1
      %add3A_110 = arith.addi %rem3A_101, %select_n3A_100 : i32
      %select_n3A_111 = arith.select %and3A_109, %add3A_110, %rem3A_101 : i32
      %eq3A_112 = arith.constant 0 : i32
      %eq3A_113 = arith.cmpi eq, %select_n3A_111, %eq3A_112 : i32
      %convert_element_type3A_114 = arith.extui %eq3A_113 : i1 to i32
      %cond3A_115 = arith.constant 0 : i32
      %cond3A_116 = arith.cmpi ne, %convert_element_type3A_114, %cond3A_115 : i32
      scf.if %cond3A_116 {
        %while3A_138 = arith.constant 0 : i32
        %while3A_139 = arith.constant 0 : i32
        %while3A_140 = arith.subi %while3A_77, %while3A_139 : i32
        %while3A_141 = arith.addi %while3A_139, %while3A_140 : i32
        %while3A_142 = arith.constant 1 : i32
        %while3A_143 = arith.divsi %while3A_140, %while3A_142 : i32
        %while3A_144 = arith.muli %while3A_143, %while3A_142 : i32
        %while3A_145 = arith.addi %while3A_139, %while3A_144 : i32
        %while3A_146 = arith.constant 1 : i32
        scf.for %while3A_152 = %while3A_139 to %while3A_145 step %while3A_146  : i32 {
          %get3A_153 = arith.index_cast %while3A_152 : i32 to index
          %get3A_154 = memref.load %arg17[%get3A_153] : memref<32xi32, #tpu.memory_space<smem>>
          %broadcast_in_dim3A_155 = vector.broadcast %get3A_154 : i32 to vector<16xi32>
          %broadcast_in_dim3A_156 = arith.constant 0.000000e+00 : f32
          %broadcast_in_dim3A_157 = vector.broadcast %broadcast_in_dim3A_156 : f32 to vector<16xf32>
          %broadcast_in_dim3A_158 = arith.constant 0xFF800000 : f32
          %broadcast_in_dim3A_159 = vector.broadcast %broadcast_in_dim3A_158 : f32 to vector<16xf32>
          %add3A_160 = arith.constant 0 : i32
          %add3A_161 = vector.broadcast %add3A_160 : i32 to vector<16xi32>
          %add3A_162 = arith.addi %add3A_161, %iota3A : vector<16xi32>
          %lt3A_163 = arith.constant 100 : i32
          %lt3A_164 = vector.broadcast %lt3A_163 : i32 to vector<16xi32>
          %lt3A_165 = arith.cmpi slt, %add3A_162, %lt3A_164 : vector<16xi32>
          %gather3A = tpu.vector_load_idx %arg11[%add3A_162, %broadcast_in_dim3A_155] masked %lt3A_165 : memref<100x512xf32, #tpu.memory_space<vmem>>[vector<16xi32>, vector<16xi32>], vector<16xf32>, vector<16xi1>
          %get3A_166 = arith.index_cast %while3A_152 : i32 to index
          %get3A_167 = arith.constant 0 : index
          %get3A_168 = tpu.vector_load %arg13[%get3A_166, %get3A_167] {strides = array<i32>} : memref<32x128xf32, #tpu.memory_space<vmem>>, vector<16xf32>,
          %get3A_169 = arith.index_cast %while3A_152 : i32 to index
          %get3A_170 = arith.constant 0 : index
          %get3A_171 = tpu.vector_load %arg14[%get3A_169, %get3A_170] {strides = array<i32>} : memref<32x128xf32, #tpu.memory_space<vmem>>, vector<16xf32>,
          %mul3A_172 = arith.constant 0.899999976 : f32
          %mul3A_173 = vector.broadcast %mul3A_172 : f32 to vector<16xf32>
          %mul3A_174 = arith.mulf %mul3A_173, %gather3A : vector<16xf32>
          %mul3A_175 = arith.constant 1.000000e-01 : f32
          %mul3A_176 = vector.broadcast %mul3A_175 : f32 to vector<16xf32>
          %mul3A_177 = arith.mulf %mul3A_176, %get3A_168 : vector<16xf32>
          %add3A_178 = arith.addf %mul3A_174, %mul3A_177 : vector<16xf32>
          tpu.vector_store_idx %arg11[%add3A_162, %broadcast_in_dim3A_155], %add3A_178 masked %lt3A_165 : memref<100x512xf32, #tpu.memory_space<vmem>>[vector<16xi32>, vector<16xi32>], vector<16xf32>, vector<16xi1>
          %mul3A_179 = arith.mulf %add3A_178, %get3A_171 : vector<16xf32>
          %jit3A_180 = arith.constant 1.000000e+00 : f32
          %jit3A_181 = arith.constant 0.000000e+00 : f32
          %broadcast_in_dim3A_182 = vector.broadcast %jit3A_180 : f32 to vector<16xf32>
          %broadcast_in_dim3A_183 = vector.broadcast %jit3A_181 : f32 to vector<16xf32>
          %select_n3A_184 = arith.select %lt3A_165, %broadcast_in_dim3A_182, %broadcast_in_dim3A_183 : vector<16xi1>, vector<16xf32>
          %mul3A_185 = arith.mulf %mul3A_179, %select_n3A_184 : vector<16xf32>
          %add3A_186 = arith.addf %broadcast_in_dim3A_157, %mul3A_185 : vector<16xf32>
          %jit3A_187 = arith.constant 0xFF800000 : f32
          %broadcast_in_dim3A_188 = vector.broadcast %jit3A_187 : f32 to vector<16xf32>
          %select_n3A_189 = arith.select %lt3A_165, %add3A_178, %broadcast_in_dim3A_188 : vector<16xi1>, vector<16xf32>
          %max3A = arith.maximumf %broadcast_in_dim3A_159, %select_n3A_189 : vector<16xf32>
          %add3A_190 = arith.constant 16 : i32
          %add3A_191 = vector.broadcast %add3A_190 : i32 to vector<16xi32>
          %add3A_192 = arith.addi %add3A_191, %iota3A : vector<16xi32>
          %lt3A_193 = arith.constant 100 : i32
          %lt3A_194 = vector.broadcast %lt3A_193 : i32 to vector<16xi32>
          %lt3A_195 = arith.cmpi slt, %add3A_192, %lt3A_194 : vector<16xi32>
          %gather3A_196 = tpu.vector_load_idx %arg11[%add3A_192, %broadcast_in_dim3A_155] masked %lt3A_195 : memref<100x512xf32, #tpu.memory_space<vmem>>[vector<16xi32>, vector<16xi32>], vector<16xf32>, vector<16xi1>
          %get3A_197 = arith.index_cast %while3A_152 : i32 to index
          %get3A_198 = arith.constant 16 : index
          %get3A_199 = tpu.vector_load %arg13[%get3A_197, %get3A_198] {strides = array<i32>} : memref<32x128xf32, #tpu.memory_space<vmem>>, vector<16xf32>,
          %get3A_200 = arith.index_cast %while3A_152 : i32 to index
          %get3A_201 = arith.constant 16 : index
          %get3A_202 = tpu.vector_load %arg14[%get3A_200, %get3A_201] {strides = array<i32>} : memref<32x128xf32, #tpu.memory_space<vmem>>, vector<16xf32>,
          %mul3A_203 = arith.constant 0.899999976 : f32
          %mul3A_204 = vector.broadcast %mul3A_203 : f32 to vector<16xf32>
          %mul3A_205 = arith.mulf %mul3A_204, %gather3A_196 : vector<16xf32>
          %mul3A_206 = arith.constant 1.000000e-01 : f32
          %mul3A_207 = vector.broadcast %mul3A_206 : f32 to vector<16xf32>
          %mul3A_208 = arith.mulf %mul3A_207, %get3A_199 : vector<16xf32>
          %add3A_209 = arith.addf %mul3A_205, %mul3A_208 : vector<16xf32>
          tpu.vector_store_idx %arg11[%add3A_192, %broadcast_in_dim3A_155], %add3A_209 masked %lt3A_195 : memref<100x512xf32, #tpu.memory_space<vmem>>[vector<16xi32>, vector<16xi32>], vector<16xf32>, vector<16xi1>
          %mul3A_210 = arith.mulf %add3A_209, %get3A_202 : vector<16xf32>
          %jit3A_211 = arith.constant 1.000000e+00 : f32
          %jit3A_212 = arith.constant 0.000000e+00 : f32
          %broadcast_in_dim3A_213 = vector.broadcast %jit3A_211 : f32 to vector<16xf32>
          %broadcast_in_dim3A_214 = vector.broadcast %jit3A_212 : f32 to vector<16xf32>
          %select_n3A_215 = arith.select %lt3A_195, %broadcast_in_dim3A_213, %broadcast_in_dim3A_214 : vector<16xi1>, vector<16xf32>
          %mul3A_216 = arith.mulf %mul3A_210, %select_n3A_215 : vector<16xf32>
          %add3A_217 = arith.addf %add3A_186, %mul3A_216 : vector<16xf32>
          %jit3A_218 = arith.constant 0xFF800000 : f32
          %broadcast_in_dim3A_219 = vector.broadcast %jit3A_218 : f32 to vector<16xf32>
          %select_n3A_220 = arith.select %lt3A_195, %add3A_209, %broadcast_in_dim3A_219 : vector<16xi1>, vector<16xf32>
          %max3A_221 = arith.maximumf %max3A, %select_n3A_220 : vector<16xf32>
          %add3A_222 = arith.constant 32 : i32
          %add3A_223 = vector.broadcast %add3A_222 : i32 to vector<16xi32>
          %add3A_224 = arith.addi %add3A_223, %iota3A : vector<16xi32>
          %lt3A_225 = arith.constant 100 : i32
          %lt3A_226 = vector.broadcast %lt3A_225 : i32 to vector<16xi32>
          %lt3A_227 = arith.cmpi slt, %add3A_224, %lt3A_226 : vector<16xi32>
          %gather3A_228 = tpu.vector_load_idx %arg11[%add3A_224, %broadcast_in_dim3A_155] masked %lt3A_227 : memref<100x512xf32, #tpu.memory_space<vmem>>[vector<16xi32>, vector<16xi32>], vector<16xf32>, vector<16xi1>
          %get3A_229 = arith.index_cast %while3A_152 : i32 to index
          %get3A_230 = arith.constant 32 : index
          %get3A_231 = tpu.vector_load %arg13[%get3A_229, %get3A_230] {strides = array<i32>} : memref<32x128xf32, #tpu.memory_space<vmem>>, vector<16xf32>,
          %get3A_232 = arith.index_cast %while3A_152 : i32 to index
          %get3A_233 = arith.constant 32 : index
          %get3A_234 = tpu.vector_load %arg14[%get3A_232, %get3A_233] {strides = array<i32>} : memref<32x128xf32, #tpu.memory_space<vmem>>, vector<16xf32>,
          %mul3A_235 = arith.constant 0.899999976 : f32
          %mul3A_236 = vector.broadcast %mul3A_235 : f32 to vector<16xf32>
          %mul3A_237 = arith.mulf %mul3A_236, %gather3A_228 : vector<16xf32>
          %mul3A_238 = arith.constant 1.000000e-01 : f32
          %mul3A_239 = vector.broadcast %mul3A_238 : f32 to vector<16xf32>
          %mul3A_240 = arith.mulf %mul3A_239, %get3A_231 : vector<16xf32>
          %add3A_241 = arith.addf %mul3A_237, %mul3A_240 : vector<16xf32>
          tpu.vector_store_idx %arg11[%add3A_224, %broadcast_in_dim3A_155], %add3A_241 masked %lt3A_227 : memref<100x512xf32, #tpu.memory_space<vmem>>[vector<16xi32>, vector<16xi32>], vector<16xf32>, vector<16xi1>
          %mul3A_242 = arith.mulf %add3A_241, %get3A_234 : vector<16xf32>
          %jit3A_243 = arith.constant 1.000000e+00 : f32
          %jit3A_244 = arith.constant 0.000000e+00 : f32
          %broadcast_in_dim3A_245 = vector.broadcast %jit3A_243 : f32 to vector<16xf32>
          %broadcast_in_dim3A_246 = vector.broadcast %jit3A_244 : f32 to vector<16xf32>
          %select_n3A_247 = arith.select %lt3A_227, %broadcast_in_dim3A_245, %broadcast_in_dim3A_246 : vector<16xi1>, vector<16xf32>
          %mul3A_248 = arith.mulf %mul3A_242, %select_n3A_247 : vector<16xf32>
          %add3A_249 = arith.addf %add3A_217, %mul3A_248 : vector<16xf32>
          %jit3A_250 = arith.constant 0xFF800000 : f32
          %broadcast_in_dim3A_251 = vector.broadcast %jit3A_250 : f32 to vector<16xf32>
          %select_n3A_252 = arith.select %lt3A_227, %add3A_241, %broadcast_in_dim3A_251 : vector<16xi1>, vector<16xf32>
          %max3A_253 = arith.maximumf %max3A_221, %select_n3A_252 : vector<16xf32>
          %add3A_254 = arith.constant 48 : i32
          %add3A_255 = vector.broadcast %add3A_254 : i32 to vector<16xi32>
          %add3A_256 = arith.addi %add3A_255, %iota3A : vector<16xi32>
          %lt3A_257 = arith.constant 100 : i32
          %lt3A_258 = vector.broadcast %lt3A_257 : i32 to vector<16xi32>
          %lt3A_259 = arith.cmpi slt, %add3A_256, %lt3A_258 : vector<16xi32>
          %gather3A_260 = tpu.vector_load_idx %arg11[%add3A_256, %broadcast_in_dim3A_155] masked %lt3A_259 : memref<100x512xf32, #tpu.memory_space<vmem>>[vector<16xi32>, vector<16xi32>], vector<16xf32>, vector<16xi1>
          %get3A_261 = arith.index_cast %while3A_152 : i32 to index
          %get3A_262 = arith.constant 48 : index
          %get3A_263 = tpu.vector_load %arg13[%get3A_261, %get3A_262] {strides = array<i32>} : memref<32x128xf32, #tpu.memory_space<vmem>>, vector<16xf32>,
          %get3A_264 = arith.index_cast %while3A_152 : i32 to index
          %get3A_265 = arith.constant 48 : index
          %get3A_266 = tpu.vector_load %arg14[%get3A_264, %get3A_265] {strides = array<i32>} : memref<32x128xf32, #tpu.memory_space<vmem>>, vector<16xf32>,
          %mul3A_267 = arith.constant 0.899999976 : f32
          %mul3A_268 = vector.broadcast %mul3A_267 : f32 to vector<16xf32>
          %mul3A_269 = arith.mulf %mul3A_268, %gather3A_260 : vector<16xf32>
          %mul3A_270 = arith.constant 1.000000e-01 : f32
          %mul3A_271 = vector.broadcast %mul3A_270 : f32 to vector<16xf32>
          %mul3A_272 = arith.mulf %mul3A_271, %get3A_263 : vector<16xf32>
          %add3A_273 = arith.addf %mul3A_269, %mul3A_272 : vector<16xf32>
          tpu.vector_store_idx %arg11[%add3A_256, %broadcast_in_dim3A_155], %add3A_273 masked %lt3A_259 : memref<100x512xf32, #tpu.memory_space<vmem>>[vector<16xi32>, vector<16xi32>], vector<16xf32>, vector<16xi1>
          %mul3A_274 = arith.mulf %add3A_273, %get3A_266 : vector<16xf32>
          %jit3A_275 = arith.constant 1.000000e+00 : f32
          %jit3A_276 = arith.constant 0.000000e+00 : f32
          %broadcast_in_dim3A_277 = vector.broadcast %jit3A_275 : f32 to vector<16xf32>
          %broadcast_in_dim3A_278 = vector.broadcast %jit3A_276 : f32 to vector<16xf32>
          %select_n3A_279 = arith.select %lt3A_259, %broadcast_in_dim3A_277, %broadcast_in_dim3A_278 : vector<16xi1>, vector<16xf32>
          %mul3A_280 = arith.mulf %mul3A_274, %select_n3A_279 : vector<16xf32>
          %add3A_281 = arith.addf %add3A_249, %mul3A_280 : vector<16xf32>
          %jit3A_282 = arith.constant 0xFF800000 : f32
          %broadcast_in_dim3A_283 = vector.broadcast %jit3A_282 : f32 to vector<16xf32>
          %select_n3A_284 = arith.select %lt3A_259, %add3A_273, %broadcast_in_dim3A_283 : vector<16xi1>, vector<16xf32>
          %max3A_285 = arith.maximumf %max3A_253, %select_n3A_284 : vector<16xf32>
          %add3A_286 = arith.constant 64 : i32
          %add3A_287 = vector.broadcast %add3A_286 : i32 to vector<16xi32>
          %add3A_288 = arith.addi %add3A_287, %iota3A : vector<16xi32>
          %lt3A_289 = arith.constant 100 : i32
          %lt3A_290 = vector.broadcast %lt3A_289 : i32 to vector<16xi32>
          %lt3A_291 = arith.cmpi slt, %add3A_288, %lt3A_290 : vector<16xi32>
          %gather3A_292 = tpu.vector_load_idx %arg11[%add3A_288, %broadcast_in_dim3A_155] masked %lt3A_291 : memref<100x512xf32, #tpu.memory_space<vmem>>[vector<16xi32>, vector<16xi32>], vector<16xf32>, vector<16xi1>
          %get3A_293 = arith.index_cast %while3A_152 : i32 to index
          %get3A_294 = arith.constant 64 : index
          %get3A_295 = tpu.vector_load %arg13[%get3A_293, %get3A_294] {strides = array<i32>} : memref<32x128xf32, #tpu.memory_space<vmem>>, vector<16xf32>,
          %get3A_296 = arith.index_cast %while3A_152 : i32 to index
          %get3A_297 = arith.constant 64 : index
          %get3A_298 = tpu.vector_load %arg14[%get3A_296, %get3A_297] {strides = array<i32>} : memref<32x128xf32, #tpu.memory_space<vmem>>, vector<16xf32>,
          %mul3A_299 = arith.constant 0.899999976 : f32
          %mul3A_300 = vector.broadcast %mul3A_299 : f32 to vector<16xf32>
          %mul3A_301 = arith.mulf %mul3A_300, %gather3A_292 : vector<16xf32>
          %mul3A_302 = arith.constant 1.000000e-01 : f32
          %mul3A_303 = vector.broadcast %mul3A_302 : f32 to vector<16xf32>
          %mul3A_304 = arith.mulf %mul3A_303, %get3A_295 : vector<16xf32>
          %add3A_305 = arith.addf %mul3A_301, %mul3A_304 : vector<16xf32>
          tpu.vector_store_idx %arg11[%add3A_288, %broadcast_in_dim3A_155], %add3A_305 masked %lt3A_291 : memref<100x512xf32, #tpu.memory_space<vmem>>[vector<16xi32>, vector<16xi32>], vector<16xf32>, vector<16xi1>
          %mul3A_306 = arith.mulf %add3A_305, %get3A_298 : vector<16xf32>
          %jit3A_307 = arith.constant 1.000000e+00 : f32
          %jit3A_308 = arith.constant 0.000000e+00 : f32
          %broadcast_in_dim3A_309 = vector.broadcast %jit3A_307 : f32 to vector<16xf32>
          %broadcast_in_dim3A_310 = vector.broadcast %jit3A_308 : f32 to vector<16xf32>
          %select_n3A_311 = arith.select %lt3A_291, %broadcast_in_dim3A_309, %broadcast_in_dim3A_310 : vector<16xi1>, vector<16xf32>
          %mul3A_312 = arith.mulf %mul3A_306, %select_n3A_311 : vector<16xf32>
          %add3A_313 = arith.addf %add3A_281, %mul3A_312 : vector<16xf32>
          %jit3A_314 = arith.constant 0xFF800000 : f32
          %broadcast_in_dim3A_315 = vector.broadcast %jit3A_314 : f32 to vector<16xf32>
          %select_n3A_316 = arith.select %lt3A_291, %add3A_305, %broadcast_in_dim3A_315 : vector<16xi1>, vector<16xf32>
          %max3A_317 = arith.maximumf %max3A_285, %select_n3A_316 : vector<16xf32>
          %add3A_318 = arith.constant 80 : i32
          %add3A_319 = vector.broadcast %add3A_318 : i32 to vector<16xi32>
          %add3A_320 = arith.addi %add3A_319, %iota3A : vector<16xi32>
          %lt3A_321 = arith.constant 100 : i32
          %lt3A_322 = vector.broadcast %lt3A_321 : i32 to vector<16xi32>
          %lt3A_323 = arith.cmpi slt, %add3A_320, %lt3A_322 : vector<16xi32>
          %gather3A_324 = tpu.vector_load_idx %arg11[%add3A_320, %broadcast_in_dim3A_155] masked %lt3A_323 : memref<100x512xf32, #tpu.memory_space<vmem>>[vector<16xi32>, vector<16xi32>], vector<16xf32>, vector<16xi1>
          %get3A_325 = arith.index_cast %while3A_152 : i32 to index
          %get3A_326 = arith.constant 80 : index
          %get3A_327 = tpu.vector_load %arg13[%get3A_325, %get3A_326] {strides = array<i32>} : memref<32x128xf32, #tpu.memory_space<vmem>>, vector<16xf32>,
          %get3A_328 = arith.index_cast %while3A_152 : i32 to index
          %get3A_329 = arith.constant 80 : index
          %get3A_330 = tpu.vector_load %arg14[%get3A_328, %get3A_329] {strides = array<i32>} : memref<32x128xf32, #tpu.memory_space<vmem>>, vector<16xf32>,
          %mul3A_331 = arith.constant 0.899999976 : f32
          %mul3A_332 = vector.broadcast %mul3A_331 : f32 to vector<16xf32>
          %mul3A_333 = arith.mulf %mul3A_332, %gather3A_324 : vector<16xf32>
          %mul3A_334 = arith.constant 1.000000e-01 : f32
          %mul3A_335 = vector.broadcast %mul3A_334 : f32 to vector<16xf32>
          %mul3A_336 = arith.mulf %mul3A_335, %get3A_327 : vector<16xf32>
          %add3A_337 = arith.addf %mul3A_333, %mul3A_336 : vector<16xf32>
          tpu.vector_store_idx %arg11[%add3A_320, %broadcast_in_dim3A_155], %add3A_337 masked %lt3A_323 : memref<100x512xf32, #tpu.memory_space<vmem>>[vector<16xi32>, vector<16xi32>], vector<16xf32>, vector<16xi1>
          %mul3A_338 = arith.mulf %add3A_337, %get3A_330 : vector<16xf32>
          %jit3A_339 = arith.constant 1.000000e+00 : f32
          %jit3A_340 = arith.constant 0.000000e+00 : f32
          %broadcast_in_dim3A_341 = vector.broadcast %jit3A_339 : f32 to vector<16xf32>
          %broadcast_in_dim3A_342 = vector.broadcast %jit3A_340 : f32 to vector<16xf32>
          %select_n3A_343 = arith.select %lt3A_323, %broadcast_in_dim3A_341, %broadcast_in_dim3A_342 : vector<16xi1>, vector<16xf32>
          %mul3A_344 = arith.mulf %mul3A_338, %select_n3A_343 : vector<16xf32>
          %add3A_345 = arith.addf %add3A_313, %mul3A_344 : vector<16xf32>
          %jit3A_346 = arith.constant 0xFF800000 : f32
          %broadcast_in_dim3A_347 = vector.broadcast %jit3A_346 : f32 to vector<16xf32>
          %select_n3A_348 = arith.select %lt3A_323, %add3A_337, %broadcast_in_dim3A_347 : vector<16xi1>, vector<16xf32>
          %max3A_349 = arith.maximumf %max3A_317, %select_n3A_348 : vector<16xf32>
          %add3A_350 = arith.constant 96 : i32
          %add3A_351 = vector.broadcast %add3A_350 : i32 to vector<16xi32>
          %add3A_352 = arith.addi %add3A_351, %iota3A : vector<16xi32>
          %lt3A_353 = arith.constant 100 : i32
          %lt3A_354 = vector.broadcast %lt3A_353 : i32 to vector<16xi32>
          %lt3A_355 = arith.cmpi slt, %add3A_352, %lt3A_354 : vector<16xi32>
          %gather3A_356 = tpu.vector_load_idx %arg11[%add3A_352, %broadcast_in_dim3A_155] masked %lt3A_355 : memref<100x512xf32, #tpu.memory_space<vmem>>[vector<16xi32>, vector<16xi32>], vector<16xf32>, vector<16xi1>
          %get3A_357 = arith.index_cast %while3A_152 : i32 to index
          %get3A_358 = arith.constant 96 : index
          %get3A_359 = tpu.vector_load %arg13[%get3A_357, %get3A_358] {strides = array<i32>} : memref<32x128xf32, #tpu.memory_space<vmem>>, vector<16xf32>,
          %get3A_360 = arith.index_cast %while3A_152 : i32 to index
          %get3A_361 = arith.constant 96 : index
          %get3A_362 = tpu.vector_load %arg14[%get3A_360, %get3A_361] {strides = array<i32>} : memref<32x128xf32, #tpu.memory_space<vmem>>, vector<16xf32>,
          %mul3A_363 = arith.constant 0.899999976 : f32
          %mul3A_364 = vector.broadcast %mul3A_363 : f32 to vector<16xf32>
          %mul3A_365 = arith.mulf %mul3A_364, %gather3A_356 : vector<16xf32>
          %mul3A_366 = arith.constant 1.000000e-01 : f32
          %mul3A_367 = vector.broadcast %mul3A_366 : f32 to vector<16xf32>
          %mul3A_368 = arith.mulf %mul3A_367, %get3A_359 : vector<16xf32>
          %add3A_369 = arith.addf %mul3A_365, %mul3A_368 : vector<16xf32>
          tpu.vector_store_idx %arg11[%add3A_352, %broadcast_in_dim3A_155], %add3A_369 masked %lt3A_355 : memref<100x512xf32, #tpu.memory_space<vmem>>[vector<16xi32>, vector<16xi32>], vector<16xf32>, vector<16xi1>
          %mul3A_370 = arith.mulf %add3A_369, %get3A_362 : vector<16xf32>
          %jit3A_371 = arith.constant 1.000000e+00 : f32
          %jit3A_372 = arith.constant 0.000000e+00 : f32
          %broadcast_in_dim3A_373 = vector.broadcast %jit3A_371 : f32 to vector<16xf32>
          %broadcast_in_dim3A_374 = vector.broadcast %jit3A_372 : f32 to vector<16xf32>
          %select_n3A_375 = arith.select %lt3A_355, %broadcast_in_dim3A_373, %broadcast_in_dim3A_374 : vector<16xi1>, vector<16xf32>
          %mul3A_376 = arith.mulf %mul3A_370, %select_n3A_375 : vector<16xf32>
          %add3A_377 = arith.addf %add3A_345, %mul3A_376 : vector<16xf32>
          %jit3A_378 = arith.constant 0xFF800000 : f32
          %broadcast_in_dim3A_379 = vector.broadcast %jit3A_378 : f32 to vector<16xf32>
          %select_n3A_380 = arith.select %lt3A_355, %add3A_369, %broadcast_in_dim3A_379 : vector<16xi1>, vector<16xf32>
          %max3A_381 = arith.maximumf %max3A_349, %select_n3A_380 : vector<16xf32>
          %get3A_382 = arith.constant 0 : index
          %get3A_383 = tpu.vector_load %arg16[%get3A_382] {strides = array<i32>} : memref<16xf32, #tpu.memory_space<vmem>>, vector<16xf32>,
          %eq3A_384 = arith.constant 0 : i32
          %eq3A_385 = vector.broadcast %eq3A_384 : i32 to vector<16xi32>
          %eq3A_386 = arith.cmpi eq, %iota3A, %eq3A_385 : vector<16xi32>
          %reduce_sum3A = arith.constant true
          %reduce_sum3A_387 = vector.broadcast %reduce_sum3A : i1 to vector<16xi1>
          %reduce_sum3A_388 = tpu.scan <sum>, %add3A_377 masked %reduce_sum3A_387 : vector<16xf32>, vector<16xi1> -> vector<16xf32>
          %reduce_sum3A_389 = vector.extract %reduce_sum3A_388[15] : f32 from vector<16xf32>
          %neg3A = arith.constant 0.000000e+00 : f32
          %neg3A_390 = arith.subf %neg3A, %reduce_sum3A_389 : f32
          %jit3A_391 = arith.constant 0.000000e+00 : f32
          %broadcast_in_dim3A_392 = vector.broadcast %neg3A_390 : f32 to vector<16xf32>
          %broadcast_in_dim3A_393 = vector.broadcast %jit3A_391 : f32 to vector<16xf32>
          %select_n3A_394 = arith.select %eq3A_386, %broadcast_in_dim3A_392, %broadcast_in_dim3A_393 : vector<16xi1>, vector<16xf32>
          %add3A_395 = arith.addf %get3A_383, %select_n3A_394 : vector<16xf32>
          %eq3A_396 = arith.constant 1 : i32
          %eq3A_397 = vector.broadcast %eq3A_396 : i32 to vector<16xi32>
          %eq3A_398 = arith.cmpi eq, %iota3A, %eq3A_397 : vector<16xi32>
          %reduce_max3A = arith.constant true
          %reduce_max3A_399 = vector.broadcast %reduce_max3A : i1 to vector<16xi1>
          %reduce_max3A_400 = tpu.scan <max>, %max3A_381 masked %reduce_max3A_399 : vector<16xf32>, vector<16xi1> -> vector<16xf32>
          %reduce_max3A_401 = vector.extract %reduce_max3A_400[15] : f32 from vector<16xf32>
          %jit3A_402 = arith.constant 0.000000e+00 : f32
          %broadcast_in_dim3A_403 = vector.broadcast %reduce_max3A_401 : f32 to vector<16xf32>
          %broadcast_in_dim3A_404 = vector.broadcast %jit3A_402 : f32 to vector<16xf32>
          %select_n3A_405 = arith.select %eq3A_398, %broadcast_in_dim3A_403, %broadcast_in_dim3A_404 : vector<16xi1>, vector<16xf32>
          %add3A_406 = arith.addf %add3A_395, %select_n3A_405 : vector<16xf32>
          %swap3A_407 = arith.constant 0 : index
          %swap3A_408 = tpu.vector_load %arg16[%swap3A_407] {strides = array<i32>} : memref<16xf32, #tpu.memory_space<vmem>>, vector<16xf32>,
          tpu.vector_store %arg16[%swap3A_407], %add3A_406 {strides = array<i32>} : memref<16xf32, #tpu.memory_space<vmem>>, vector<16xf32>,
        }
        %while3A_147 = arith.constant 1 : i32
        scf.for %while3A_152 = %while3A_145 to %while3A_141 step %while3A_147  : i32 {
          %get3A_153 = arith.index_cast %while3A_152 : i32 to index
          %get3A_154 = memref.load %arg17[%get3A_153] : memref<32xi32, #tpu.memory_space<smem>>
          %broadcast_in_dim3A_155 = vector.broadcast %get3A_154 : i32 to vector<16xi32>
          %broadcast_in_dim3A_156 = arith.constant 0.000000e+00 : f32
          %broadcast_in_dim3A_157 = vector.broadcast %broadcast_in_dim3A_156 : f32 to vector<16xf32>
          %broadcast_in_dim3A_158 = arith.constant 0xFF800000 : f32
          %broadcast_in_dim3A_159 = vector.broadcast %broadcast_in_dim3A_158 : f32 to vector<16xf32>
          %add3A_160 = arith.constant 0 : i32
          %add3A_161 = vector.broadcast %add3A_160 : i32 to vector<16xi32>
          %add3A_162 = arith.addi %add3A_161, %iota3A : vector<16xi32>
          %lt3A_163 = arith.constant 100 : i32
          %lt3A_164 = vector.broadcast %lt3A_163 : i32 to vector<16xi32>
          %lt3A_165 = arith.cmpi slt, %add3A_162, %lt3A_164 : vector<16xi32>
          %gather3A = tpu.vector_load_idx %arg11[%add3A_162, %broadcast_in_dim3A_155] masked %lt3A_165 : memref<100x512xf32, #tpu.memory_space<vmem>>[vector<16xi32>, vector<16xi32>], vector<16xf32>, vector<16xi1>
          %get3A_166 = arith.index_cast %while3A_152 : i32 to index
          %get3A_167 = arith.constant 0 : index
          %get3A_168 = tpu.vector_load %arg13[%get3A_166, %get3A_167] {strides = array<i32>} : memref<32x128xf32, #tpu.memory_space<vmem>>, vector<16xf32>,
          %get3A_169 = arith.index_cast %while3A_152 : i32 to index
          %get3A_170 = arith.constant 0 : index
          %get3A_171 = tpu.vector_load %arg14[%get3A_169, %get3A_170] {strides = array<i32>} : memref<32x128xf32, #tpu.memory_space<vmem>>, vector<16xf32>,
          %mul3A_172 = arith.constant 0.899999976 : f32
          %mul3A_173 = vector.broadcast %mul3A_172 : f32 to vector<16xf32>
          %mul3A_174 = arith.mulf %mul3A_173, %gather3A : vector<16xf32>
          %mul3A_175 = arith.constant 1.000000e-01 : f32
          %mul3A_176 = vector.broadcast %mul3A_175 : f32 to vector<16xf32>
          %mul3A_177 = arith.mulf %mul3A_176, %get3A_168 : vector<16xf32>
          %add3A_178 = arith.addf %mul3A_174, %mul3A_177 : vector<16xf32>
          tpu.vector_store_idx %arg11[%add3A_162, %broadcast_in_dim3A_155], %add3A_178 masked %lt3A_165 : memref<100x512xf32, #tpu.memory_space<vmem>>[vector<16xi32>, vector<16xi32>], vector<16xf32>, vector<16xi1>
          %mul3A_179 = arith.mulf %add3A_178, %get3A_171 : vector<16xf32>
          %jit3A_180 = arith.constant 1.000000e+00 : f32
          %jit3A_181 = arith.constant 0.000000e+00 : f32
          %broadcast_in_dim3A_182 = vector.broadcast %jit3A_180 : f32 to vector<16xf32>
          %broadcast_in_dim3A_183 = vector.broadcast %jit3A_181 : f32 to vector<16xf32>
          %select_n3A_184 = arith.select %lt3A_165, %broadcast_in_dim3A_182, %broadcast_in_dim3A_183 : vector<16xi1>, vector<16xf32>
          %mul3A_185 = arith.mulf %mul3A_179, %select_n3A_184 : vector<16xf32>
          %add3A_186 = arith.addf %broadcast_in_dim3A_157, %mul3A_185 : vector<16xf32>
          %jit3A_187 = arith.constant 0xFF800000 : f32
          %broadcast_in_dim3A_188 = vector.broadcast %jit3A_187 : f32 to vector<16xf32>
          %select_n3A_189 = arith.select %lt3A_165, %add3A_178, %broadcast_in_dim3A_188 : vector<16xi1>, vector<16xf32>
          %max3A = arith.maximumf %broadcast_in_dim3A_159, %select_n3A_189 : vector<16xf32>
          %add3A_190 = arith.constant 16 : i32
          %add3A_191 = vector.broadcast %add3A_190 : i32 to vector<16xi32>
          %add3A_192 = arith.addi %add3A_191, %iota3A : vector<16xi32>
          %lt3A_193 = arith.constant 100 : i32
          %lt3A_194 = vector.broadcast %lt3A_193 : i32 to vector<16xi32>
          %lt3A_195 = arith.cmpi slt, %add3A_192, %lt3A_194 : vector<16xi32>
          %gather3A_196 = tpu.vector_load_idx %arg11[%add3A_192, %broadcast_in_dim3A_155] masked %lt3A_195 : memref<100x512xf32, #tpu.memory_space<vmem>>[vector<16xi32>, vector<16xi32>], vector<16xf32>, vector<16xi1>
          %get3A_197 = arith.index_cast %while3A_152 : i32 to index
          %get3A_198 = arith.constant 16 : index
          %get3A_199 = tpu.vector_load %arg13[%get3A_197, %get3A_198] {strides = array<i32>} : memref<32x128xf32, #tpu.memory_space<vmem>>, vector<16xf32>,
          %get3A_200 = arith.index_cast %while3A_152 : i32 to index
          %get3A_201 = arith.constant 16 : index
          %get3A_202 = tpu.vector_load %arg14[%get3A_200, %get3A_201] {strides = array<i32>} : memref<32x128xf32, #tpu.memory_space<vmem>>, vector<16xf32>,
          %mul3A_203 = arith.constant 0.899999976 : f32
          %mul3A_204 = vector.broadcast %mul3A_203 : f32 to vector<16xf32>
          %mul3A_205 = arith.mulf %mul3A_204, %gather3A_196 : vector<16xf32>
          %mul3A_206 = arith.constant 1.000000e-01 : f32
          %mul3A_207 = vector.broadcast %mul3A_206 : f32 to vector<16xf32>
          %mul3A_208 = arith.mulf %mul3A_207, %get3A_199 : vector<16xf32>
          %add3A_209 = arith.addf %mul3A_205, %mul3A_208 : vector<16xf32>
          tpu.vector_store_idx %arg11[%add3A_192, %broadcast_in_dim3A_155], %add3A_209 masked %lt3A_195 : memref<100x512xf32, #tpu.memory_space<vmem>>[vector<16xi32>, vector<16xi32>], vector<16xf32>, vector<16xi1>
          %mul3A_210 = arith.mulf %add3A_209, %get3A_202 : vector<16xf32>
          %jit3A_211 = arith.constant 1.000000e+00 : f32
          %jit3A_212 = arith.constant 0.000000e+00 : f32
          %broadcast_in_dim3A_213 = vector.broadcast %jit3A_211 : f32 to vector<16xf32>
          %broadcast_in_dim3A_214 = vector.broadcast %jit3A_212 : f32 to vector<16xf32>
          %select_n3A_215 = arith.select %lt3A_195, %broadcast_in_dim3A_213, %broadcast_in_dim3A_214 : vector<16xi1>, vector<16xf32>
          %mul3A_216 = arith.mulf %mul3A_210, %select_n3A_215 : vector<16xf32>
          %add3A_217 = arith.addf %add3A_186, %mul3A_216 : vector<16xf32>
          %jit3A_218 = arith.constant 0xFF800000 : f32
          %broadcast_in_dim3A_219 = vector.broadcast %jit3A_218 : f32 to vector<16xf32>
          %select_n3A_220 = arith.select %lt3A_195, %add3A_209, %broadcast_in_dim3A_219 : vector<16xi1>, vector<16xf32>
          %max3A_221 = arith.maximumf %max3A, %select_n3A_220 : vector<16xf32>
          %add3A_222 = arith.constant 32 : i32
          %add3A_223 = vector.broadcast %add3A_222 : i32 to vector<16xi32>
          %add3A_224 = arith.addi %add3A_223, %iota3A : vector<16xi32>
          %lt3A_225 = arith.constant 100 : i32
          %lt3A_226 = vector.broadcast %lt3A_225 : i32 to vector<16xi32>
          %lt3A_227 = arith.cmpi slt, %add3A_224, %lt3A_226 : vector<16xi32>
          %gather3A_228 = tpu.vector_load_idx %arg11[%add3A_224, %broadcast_in_dim3A_155] masked %lt3A_227 : memref<100x512xf32, #tpu.memory_space<vmem>>[vector<16xi32>, vector<16xi32>], vector<16xf32>, vector<16xi1>
          %get3A_229 = arith.index_cast %while3A_152 : i32 to index
          %get3A_230 = arith.constant 32 : index
          %get3A_231 = tpu.vector_load %arg13[%get3A_229, %get3A_230] {strides = array<i32>} : memref<32x128xf32, #tpu.memory_space<vmem>>, vector<16xf32>,
          %get3A_232 = arith.index_cast %while3A_152 : i32 to index
          %get3A_233 = arith.constant 32 : index
          %get3A_234 = tpu.vector_load %arg14[%get3A_232, %get3A_233] {strides = array<i32>} : memref<32x128xf32, #tpu.memory_space<vmem>>, vector<16xf32>,
          %mul3A_235 = arith.constant 0.899999976 : f32
          %mul3A_236 = vector.broadcast %mul3A_235 : f32 to vector<16xf32>
          %mul3A_237 = arith.mulf %mul3A_236, %gather3A_228 : vector<16xf32>
          %mul3A_238 = arith.constant 1.000000e-01 : f32
          %mul3A_239 = vector.broadcast %mul3A_238 : f32 to vector<16xf32>
          %mul3A_240 = arith.mulf %mul3A_239, %get3A_231 : vector<16xf32>
          %add3A_241 = arith.addf %mul3A_237, %mul3A_240 : vector<16xf32>
          tpu.vector_store_idx %arg11[%add3A_224, %broadcast_in_dim3A_155], %add3A_241 masked %lt3A_227 : memref<100x512xf32, #tpu.memory_space<vmem>>[vector<16xi32>, vector<16xi32>], vector<16xf32>, vector<16xi1>
          %mul3A_242 = arith.mulf %add3A_241, %get3A_234 : vector<16xf32>
          %jit3A_243 = arith.constant 1.000000e+00 : f32
          %jit3A_244 = arith.constant 0.000000e+00 : f32
          %broadcast_in_dim3A_245 = vector.broadcast %jit3A_243 : f32 to vector<16xf32>
          %broadcast_in_dim3A_246 = vector.broadcast %jit3A_244 : f32 to vector<16xf32>
          %select_n3A_247 = arith.select %lt3A_227, %broadcast_in_dim3A_245, %broadcast_in_dim3A_246 : vector<16xi1>, vector<16xf32>
          %mul3A_248 = arith.mulf %mul3A_242, %select_n3A_247 : vector<16xf32>
          %add3A_249 = arith.addf %add3A_217, %mul3A_248 : vector<16xf32>
          %jit3A_250 = arith.constant 0xFF800000 : f32
          %broadcast_in_dim3A_251 = vector.broadcast %jit3A_250 : f32 to vector<16xf32>
          %select_n3A_252 = arith.select %lt3A_227, %add3A_241, %broadcast_in_dim3A_251 : vector<16xi1>, vector<16xf32>
          %max3A_253 = arith.maximumf %max3A_221, %select_n3A_252 : vector<16xf32>
          %add3A_254 = arith.constant 48 : i32
          %add3A_255 = vector.broadcast %add3A_254 : i32 to vector<16xi32>
          %add3A_256 = arith.addi %add3A_255, %iota3A : vector<16xi32>
          %lt3A_257 = arith.constant 100 : i32
          %lt3A_258 = vector.broadcast %lt3A_257 : i32 to vector<16xi32>
          %lt3A_259 = arith.cmpi slt, %add3A_256, %lt3A_258 : vector<16xi32>
          %gather3A_260 = tpu.vector_load_idx %arg11[%add3A_256, %broadcast_in_dim3A_155] masked %lt3A_259 : memref<100x512xf32, #tpu.memory_space<vmem>>[vector<16xi32>, vector<16xi32>], vector<16xf32>, vector<16xi1>
          %get3A_261 = arith.index_cast %while3A_152 : i32 to index
          %get3A_262 = arith.constant 48 : index
          %get3A_263 = tpu.vector_load %arg13[%get3A_261, %get3A_262] {strides = array<i32>} : memref<32x128xf32, #tpu.memory_space<vmem>>, vector<16xf32>,
          %get3A_264 = arith.index_cast %while3A_152 : i32 to index
          %get3A_265 = arith.constant 48 : index
          %get3A_266 = tpu.vector_load %arg14[%get3A_264, %get3A_265] {strides = array<i32>} : memref<32x128xf32, #tpu.memory_space<vmem>>, vector<16xf32>,
          %mul3A_267 = arith.constant 0.899999976 : f32
          %mul3A_268 = vector.broadcast %mul3A_267 : f32 to vector<16xf32>
          %mul3A_269 = arith.mulf %mul3A_268, %gather3A_260 : vector<16xf32>
          %mul3A_270 = arith.constant 1.000000e-01 : f32
          %mul3A_271 = vector.broadcast %mul3A_270 : f32 to vector<16xf32>
          %mul3A_272 = arith.mulf %mul3A_271, %get3A_263 : vector<16xf32>
          %add3A_273 = arith.addf %mul3A_269, %mul3A_272 : vector<16xf32>
          tpu.vector_store_idx %arg11[%add3A_256, %broadcast_in_dim3A_155], %add3A_273 masked %lt3A_259 : memref<100x512xf32, #tpu.memory_space<vmem>>[vector<16xi32>, vector<16xi32>], vector<16xf32>, vector<16xi1>
          %mul3A_274 = arith.mulf %add3A_273, %get3A_266 : vector<16xf32>
          %jit3A_275 = arith.constant 1.000000e+00 : f32
          %jit3A_276 = arith.constant 0.000000e+00 : f32
          %broadcast_in_dim3A_277 = vector.broadcast %jit3A_275 : f32 to vector<16xf32>
          %broadcast_in_dim3A_278 = vector.broadcast %jit3A_276 : f32 to vector<16xf32>
          %select_n3A_279 = arith.select %lt3A_259, %broadcast_in_dim3A_277, %broadcast_in_dim3A_278 : vector<16xi1>, vector<16xf32>
          %mul3A_280 = arith.mulf %mul3A_274, %select_n3A_279 : vector<16xf32>
          %add3A_281 = arith.addf %add3A_249, %mul3A_280 : vector<16xf32>
          %jit3A_282 = arith.constant 0xFF800000 : f32
          %broadcast_in_dim3A_283 = vector.broadcast %jit3A_282 : f32 to vector<16xf32>
          %select_n3A_284 = arith.select %lt3A_259, %add3A_273, %broadcast_in_dim3A_283 : vector<16xi1>, vector<16xf32>
          %max3A_285 = arith.maximumf %max3A_253, %select_n3A_284 : vector<16xf32>
          %add3A_286 = arith.constant 64 : i32
          %add3A_287 = vector.broadcast %add3A_286 : i32 to vector<16xi32>
          %add3A_288 = arith.addi %add3A_287, %iota3A : vector<16xi32>
          %lt3A_289 = arith.constant 100 : i32
          %lt3A_290 = vector.broadcast %lt3A_289 : i32 to vector<16xi32>
          %lt3A_291 = arith.cmpi slt, %add3A_288, %lt3A_290 : vector<16xi32>
          %gather3A_292 = tpu.vector_load_idx %arg11[%add3A_288, %broadcast_in_dim3A_155] masked %lt3A_291 : memref<100x512xf32, #tpu.memory_space<vmem>>[vector<16xi32>, vector<16xi32>], vector<16xf32>, vector<16xi1>
          %get3A_293 = arith.index_cast %while3A_152 : i32 to index
          %get3A_294 = arith.constant 64 : index
          %get3A_295 = tpu.vector_load %arg13[%get3A_293, %get3A_294] {strides = array<i32>} : memref<32x128xf32, #tpu.memory_space<vmem>>, vector<16xf32>,
          %get3A_296 = arith.index_cast %while3A_152 : i32 to index
          %get3A_297 = arith.constant 64 : index
          %get3A_298 = tpu.vector_load %arg14[%get3A_296, %get3A_297] {strides = array<i32>} : memref<32x128xf32, #tpu.memory_space<vmem>>, vector<16xf32>,
          %mul3A_299 = arith.constant 0.899999976 : f32
          %mul3A_300 = vector.broadcast %mul3A_299 : f32 to vector<16xf32>
          %mul3A_301 = arith.mulf %mul3A_300, %gather3A_292 : vector<16xf32>
          %mul3A_302 = arith.constant 1.000000e-01 : f32
          %mul3A_303 = vector.broadcast %mul3A_302 : f32 to vector<16xf32>
          %mul3A_304 = arith.mulf %mul3A_303, %get3A_295 : vector<16xf32>
          %add3A_305 = arith.addf %mul3A_301, %mul3A_304 : vector<16xf32>
          tpu.vector_store_idx %arg11[%add3A_288, %broadcast_in_dim3A_155], %add3A_305 masked %lt3A_291 : memref<100x512xf32, #tpu.memory_space<vmem>>[vector<16xi32>, vector<16xi32>], vector<16xf32>, vector<16xi1>
          %mul3A_306 = arith.mulf %add3A_305, %get3A_298 : vector<16xf32>
          %jit3A_307 = arith.constant 1.000000e+00 : f32
          %jit3A_308 = arith.constant 0.000000e+00 : f32
          %broadcast_in_dim3A_309 = vector.broadcast %jit3A_307 : f32 to vector<16xf32>
          %broadcast_in_dim3A_310 = vector.broadcast %jit3A_308 : f32 to vector<16xf32>
          %select_n3A_311 = arith.select %lt3A_291, %broadcast_in_dim3A_309, %broadcast_in_dim3A_310 : vector<16xi1>, vector<16xf32>
          %mul3A_312 = arith.mulf %mul3A_306, %select_n3A_311 : vector<16xf32>
          %add3A_313 = arith.addf %add3A_281, %mul3A_312 : vector<16xf32>
          %jit3A_314 = arith.constant 0xFF800000 : f32
          %broadcast_in_dim3A_315 = vector.broadcast %jit3A_314 : f32 to vector<16xf32>
          %select_n3A_316 = arith.select %lt3A_291, %add3A_305, %broadcast_in_dim3A_315 : vector<16xi1>, vector<16xf32>
          %max3A_317 = arith.maximumf %max3A_285, %select_n3A_316 : vector<16xf32>
          %add3A_318 = arith.constant 80 : i32
          %add3A_319 = vector.broadcast %add3A_318 : i32 to vector<16xi32>
          %add3A_320 = arith.addi %add3A_319, %iota3A : vector<16xi32>
          %lt3A_321 = arith.constant 100 : i32
          %lt3A_322 = vector.broadcast %lt3A_321 : i32 to vector<16xi32>
          %lt3A_323 = arith.cmpi slt, %add3A_320, %lt3A_322 : vector<16xi32>
          %gather3A_324 = tpu.vector_load_idx %arg11[%add3A_320, %broadcast_in_dim3A_155] masked %lt3A_323 : memref<100x512xf32, #tpu.memory_space<vmem>>[vector<16xi32>, vector<16xi32>], vector<16xf32>, vector<16xi1>
          %get3A_325 = arith.index_cast %while3A_152 : i32 to index
          %get3A_326 = arith.constant 80 : index
          %get3A_327 = tpu.vector_load %arg13[%get3A_325, %get3A_326] {strides = array<i32>} : memref<32x128xf32, #tpu.memory_space<vmem>>, vector<16xf32>,
          %get3A_328 = arith.index_cast %while3A_152 : i32 to index
          %get3A_329 = arith.constant 80 : index
          %get3A_330 = tpu.vector_load %arg14[%get3A_328, %get3A_329] {strides = array<i32>} : memref<32x128xf32, #tpu.memory_space<vmem>>, vector<16xf32>,
          %mul3A_331 = arith.constant 0.899999976 : f32
          %mul3A_332 = vector.broadcast %mul3A_331 : f32 to vector<16xf32>
          %mul3A_333 = arith.mulf %mul3A_332, %gather3A_324 : vector<16xf32>
          %mul3A_334 = arith.constant 1.000000e-01 : f32
          %mul3A_335 = vector.broadcast %mul3A_334 : f32 to vector<16xf32>
          %mul3A_336 = arith.mulf %mul3A_335, %get3A_327 : vector<16xf32>
          %add3A_337 = arith.addf %mul3A_333, %mul3A_336 : vector<16xf32>
          tpu.vector_store_idx %arg11[%add3A_320, %broadcast_in_dim3A_155], %add3A_337 masked %lt3A_323 : memref<100x512xf32, #tpu.memory_space<vmem>>[vector<16xi32>, vector<16xi32>], vector<16xf32>, vector<16xi1>
          %mul3A_338 = arith.mulf %add3A_337, %get3A_330 : vector<16xf32>
          %jit3A_339 = arith.constant 1.000000e+00 : f32
          %jit3A_340 = arith.constant 0.000000e+00 : f32
          %broadcast_in_dim3A_341 = vector.broadcast %jit3A_339 : f32 to vector<16xf32>
          %broadcast_in_dim3A_342 = vector.broadcast %jit3A_340 : f32 to vector<16xf32>
          %select_n3A_343 = arith.select %lt3A_323, %broadcast_in_dim3A_341, %broadcast_in_dim3A_342 : vector<16xi1>, vector<16xf32>
          %mul3A_344 = arith.mulf %mul3A_338, %select_n3A_343 : vector<16xf32>
          %add3A_345 = arith.addf %add3A_313, %mul3A_344 : vector<16xf32>
          %jit3A_346 = arith.constant 0xFF800000 : f32
          %broadcast_in_dim3A_347 = vector.broadcast %jit3A_346 : f32 to vector<16xf32>
          %select_n3A_348 = arith.select %lt3A_323, %add3A_337, %broadcast_in_dim3A_347 : vector<16xi1>, vector<16xf32>
          %max3A_349 = arith.maximumf %max3A_317, %select_n3A_348 : vector<16xf32>
          %add3A_350 = arith.constant 96 : i32
          %add3A_351 = vector.broadcast %add3A_350 : i32 to vector<16xi32>
          %add3A_352 = arith.addi %add3A_351, %iota3A : vector<16xi32>
          %lt3A_353 = arith.constant 100 : i32
          %lt3A_354 = vector.broadcast %lt3A_353 : i32 to vector<16xi32>
          %lt3A_355 = arith.cmpi slt, %add3A_352, %lt3A_354 : vector<16xi32>
          %gather3A_356 = tpu.vector_load_idx %arg11[%add3A_352, %broadcast_in_dim3A_155] masked %lt3A_355 : memref<100x512xf32, #tpu.memory_space<vmem>>[vector<16xi32>, vector<16xi32>], vector<16xf32>, vector<16xi1>
          %get3A_357 = arith.index_cast %while3A_152 : i32 to index
          %get3A_358 = arith.constant 96 : index
          %get3A_359 = tpu.vector_load %arg13[%get3A_357, %get3A_358] {strides = array<i32>} : memref<32x128xf32, #tpu.memory_space<vmem>>, vector<16xf32>,
          %get3A_360 = arith.index_cast %while3A_152 : i32 to index
          %get3A_361 = arith.constant 96 : index
          %get3A_362 = tpu.vector_load %arg14[%get3A_360, %get3A_361] {strides = array<i32>} : memref<32x128xf32, #tpu.memory_space<vmem>>, vector<16xf32>,
          %mul3A_363 = arith.constant 0.899999976 : f32
          %mul3A_364 = vector.broadcast %mul3A_363 : f32 to vector<16xf32>
          %mul3A_365 = arith.mulf %mul3A_364, %gather3A_356 : vector<16xf32>
          %mul3A_366 = arith.constant 1.000000e-01 : f32
          %mul3A_367 = vector.broadcast %mul3A_366 : f32 to vector<16xf32>
          %mul3A_368 = arith.mulf %mul3A_367, %get3A_359 : vector<16xf32>
          %add3A_369 = arith.addf %mul3A_365, %mul3A_368 : vector<16xf32>
          tpu.vector_store_idx %arg11[%add3A_352, %broadcast_in_dim3A_155], %add3A_369 masked %lt3A_355 : memref<100x512xf32, #tpu.memory_space<vmem>>[vector<16xi32>, vector<16xi32>], vector<16xf32>, vector<16xi1>
          %mul3A_370 = arith.mulf %add3A_369, %get3A_362 : vector<16xf32>
          %jit3A_371 = arith.constant 1.000000e+00 : f32
          %jit3A_372 = arith.constant 0.000000e+00 : f32
          %broadcast_in_dim3A_373 = vector.broadcast %jit3A_371 : f32 to vector<16xf32>
          %broadcast_in_dim3A_374 = vector.broadcast %jit3A_372 : f32 to vector<16xf32>
          %select_n3A_375 = arith.select %lt3A_355, %broadcast_in_dim3A_373, %broadcast_in_dim3A_374 : vector<16xi1>, vector<16xf32>
          %mul3A_376 = arith.mulf %mul3A_370, %select_n3A_375 : vector<16xf32>
          %add3A_377 = arith.addf %add3A_345, %mul3A_376 : vector<16xf32>
          %jit3A_378 = arith.constant 0xFF800000 : f32
          %broadcast_in_dim3A_379 = vector.broadcast %jit3A_378 : f32 to vector<16xf32>
          %select_n3A_380 = arith.select %lt3A_355, %add3A_369, %broadcast_in_dim3A_379 : vector<16xi1>, vector<16xf32>
          %max3A_381 = arith.maximumf %max3A_349, %select_n3A_380 : vector<16xf32>
          %get3A_382 = arith.constant 0 : index
          %get3A_383 = tpu.vector_load %arg16[%get3A_382] {strides = array<i32>} : memref<16xf32, #tpu.memory_space<vmem>>, vector<16xf32>,
          %eq3A_384 = arith.constant 0 : i32
          %eq3A_385 = vector.broadcast %eq3A_384 : i32 to vector<16xi32>
          %eq3A_386 = arith.cmpi eq, %iota3A, %eq3A_385 : vector<16xi32>
          %reduce_sum3A = arith.constant true
          %reduce_sum3A_387 = vector.broadcast %reduce_sum3A : i1 to vector<16xi1>
          %reduce_sum3A_388 = tpu.scan <sum>, %add3A_377 masked %reduce_sum3A_387 : vector<16xf32>, vector<16xi1> -> vector<16xf32>
          %reduce_sum3A_389 = vector.extract %reduce_sum3A_388[15] : f32 from vector<16xf32>
          %neg3A = arith.constant 0.000000e+00 : f32
          %neg3A_390 = arith.subf %neg3A, %reduce_sum3A_389 : f32
          %jit3A_391 = arith.constant 0.000000e+00 : f32
          %broadcast_in_dim3A_392 = vector.broadcast %neg3A_390 : f32 to vector<16xf32>
          %broadcast_in_dim3A_393 = vector.broadcast %jit3A_391 : f32 to vector<16xf32>
          %select_n3A_394 = arith.select %eq3A_386, %broadcast_in_dim3A_392, %broadcast_in_dim3A_393 : vector<16xi1>, vector<16xf32>
          %add3A_395 = arith.addf %get3A_383, %select_n3A_394 : vector<16xf32>
          %eq3A_396 = arith.constant 1 : i32
          %eq3A_397 = vector.broadcast %eq3A_396 : i32 to vector<16xi32>
          %eq3A_398 = arith.cmpi eq, %iota3A, %eq3A_397 : vector<16xi32>
          %reduce_max3A = arith.constant true
          %reduce_max3A_399 = vector.broadcast %reduce_max3A : i1 to vector<16xi1>
          %reduce_max3A_400 = tpu.scan <max>, %max3A_381 masked %reduce_max3A_399 : vector<16xf32>, vector<16xi1> -> vector<16xf32>
          %reduce_max3A_401 = vector.extract %reduce_max3A_400[15] : f32 from vector<16xf32>
          %jit3A_402 = arith.constant 0.000000e+00 : f32
          %broadcast_in_dim3A_403 = vector.broadcast %reduce_max3A_401 : f32 to vector<16xf32>
          %broadcast_in_dim3A_404 = vector.broadcast %jit3A_402 : f32 to vector<16xf32>
          %select_n3A_405 = arith.select %eq3A_398, %broadcast_in_dim3A_403, %broadcast_in_dim3A_404 : vector<16xi1>, vector<16xf32>
          %add3A_406 = arith.addf %add3A_395, %select_n3A_405 : vector<16xf32>
          %swap3A_407 = arith.constant 0 : index
          %swap3A_408 = tpu.vector_load %arg16[%swap3A_407] {strides = array<i32>} : memref<16xf32, #tpu.memory_space<vmem>>, vector<16xf32>,
          tpu.vector_store %arg16[%swap3A_407], %add3A_406 {strides = array<i32>} : memref<16xf32, #tpu.memory_space<vmem>>, vector<16xf32>,
        }
        %dma_start3A_148 = arith.constant 0 : i32
        %dma_start3A_149 = tpu.memref_slice %arg6[%dma_start3A_148, %mul3A_65] : memref<100x1000000xf32, #tpu.memory_space<hbm>> -> memref<100x512xf32, #tpu.memory_space<hbm>>
        %dma_start3A_150 = arith.constant 0 : i32
        %dma_start3A_151 = tpu.memref_slice %arg6[%dma_start3A_150, %mul3A_65] : memref<100x1000000xf32, #tpu.memory_space<hbm>> -> memref<100x512xf32, #tpu.memory_space<hbm>>
        tpu.enqueue_dma source(%arg11 : memref<100x512xf32, #tpu.memory_space<vmem>>) target(%dma_start3A_151 : memref<100x512xf32, #tpu.memory_space<hbm>>) target_semaphore(%arg19 : memref<!tpu.dma_semaphore, #tpu.memory_space<semaphore_mem>>)
      } else {
      }
      %jit3A_117 = arith.constant 2 : i32
      %eq3A_118 = arith.constant 0 : i32
      %eq3A_119 = arith.cmpi eq, %jit3A_117, %eq3A_118 : i32
      %jit3A_120 = arith.constant 1 : i32
      %select_n3A_121 = arith.select %eq3A_119, %jit3A_120, %jit3A_117 : i32
      %rem3A_122 = arith.remsi %while3A_60, %select_n3A_121 : i32
      %ne3A_123 = arith.constant 0 : i32
      %ne3A_124 = arith.cmpi ne, %rem3A_122, %ne3A_123 : i32
      %lt3A_125 = arith.constant 0 : i32
      %lt3A_126 = arith.cmpi slt, %rem3A_122, %lt3A_125 : i32
      %lt3A_127 = arith.constant 0 : i32
      %lt3A_128 = arith.cmpi slt, %select_n3A_121, %lt3A_127 : i32
      %ne3A_129 = arith.xori %lt3A_126, %lt3A_128 : i1
      %and3A_130 = arith.andi %ne3A_129, %ne3A_124 : i1
      %add3A_131 = arith.addi %rem3A_122, %select_n3A_121 : i32
      %select_n3A_132 = arith.select %and3A_130, %add3A_131, %rem3A_122 : i32
      %eq3A_133 = arith.constant 1 : i32
      %eq3A_134 = arith.cmpi eq, %select_n3A_132, %eq3A_133 : i32
      %convert_element_type3A_135 = arith.extui %eq3A_134 : i1 to i32
      %cond3A_136 = arith.constant 0 : i32
      %cond3A_137 = arith.cmpi ne, %convert_element_type3A_135, %cond3A_136 : i32
      scf.if %cond3A_137 {
        %while3A_138 = arith.constant 0 : i32
        %while3A_139 = arith.constant 0 : i32
        %while3A_140 = arith.subi %while3A_77, %while3A_139 : i32
        %while3A_141 = arith.addi %while3A_139, %while3A_140 : i32
        %while3A_142 = arith.constant 1 : i32
        %while3A_143 = arith.divsi %while3A_140, %while3A_142 : i32
        %while3A_144 = arith.muli %while3A_143, %while3A_142 : i32
        %while3A_145 = arith.addi %while3A_139, %while3A_144 : i32
        %while3A_146 = arith.constant 1 : i32
        scf.for %while3A_152 = %while3A_139 to %while3A_145 step %while3A_146  : i32 {
          %get3A_153 = arith.index_cast %while3A_152 : i32 to index
          %get3A_154 = memref.load %arg17[%get3A_153] : memref<32xi32, #tpu.memory_space<smem>>
          %broadcast_in_dim3A_155 = vector.broadcast %get3A_154 : i32 to vector<16xi32>
          %broadcast_in_dim3A_156 = arith.constant 0.000000e+00 : f32
          %broadcast_in_dim3A_157 = vector.broadcast %broadcast_in_dim3A_156 : f32 to vector<16xf32>
          %broadcast_in_dim3A_158 = arith.constant 0xFF800000 : f32
          %broadcast_in_dim3A_159 = vector.broadcast %broadcast_in_dim3A_158 : f32 to vector<16xf32>
          %add3A_160 = arith.constant 0 : i32
          %add3A_161 = vector.broadcast %add3A_160 : i32 to vector<16xi32>
          %add3A_162 = arith.addi %add3A_161, %iota3A : vector<16xi32>
          %lt3A_163 = arith.constant 100 : i32
          %lt3A_164 = vector.broadcast %lt3A_163 : i32 to vector<16xi32>
          %lt3A_165 = arith.cmpi slt, %add3A_162, %lt3A_164 : vector<16xi32>
          %gather3A = tpu.vector_load_idx %arg12[%add3A_162, %broadcast_in_dim3A_155] masked %lt3A_165 : memref<100x512xf32, #tpu.memory_space<vmem>>[vector<16xi32>, vector<16xi32>], vector<16xf32>, vector<16xi1>
          %get3A_166 = arith.index_cast %while3A_152 : i32 to index
          %get3A_167 = arith.constant 0 : index
          %get3A_168 = tpu.vector_load %arg13[%get3A_166, %get3A_167] {strides = array<i32>} : memref<32x128xf32, #tpu.memory_space<vmem>>, vector<16xf32>,
          %get3A_169 = arith.index_cast %while3A_152 : i32 to index
          %get3A_170 = arith.constant 0 : index
          %get3A_171 = tpu.vector_load %arg14[%get3A_169, %get3A_170] {strides = array<i32>} : memref<32x128xf32, #tpu.memory_space<vmem>>, vector<16xf32>,
          %mul3A_172 = arith.constant 0.899999976 : f32
          %mul3A_173 = vector.broadcast %mul3A_172 : f32 to vector<16xf32>
          %mul3A_174 = arith.mulf %mul3A_173, %gather3A : vector<16xf32>
          %mul3A_175 = arith.constant 1.000000e-01 : f32
          %mul3A_176 = vector.broadcast %mul3A_175 : f32 to vector<16xf32>
          %mul3A_177 = arith.mulf %mul3A_176, %get3A_168 : vector<16xf32>
          %add3A_178 = arith.addf %mul3A_174, %mul3A_177 : vector<16xf32>
          tpu.vector_store_idx %arg12[%add3A_162, %broadcast_in_dim3A_155], %add3A_178 masked %lt3A_165 : memref<100x512xf32, #tpu.memory_space<vmem>>[vector<16xi32>, vector<16xi32>], vector<16xf32>, vector<16xi1>
          %mul3A_179 = arith.mulf %add3A_178, %get3A_171 : vector<16xf32>
          %jit3A_180 = arith.constant 1.000000e+00 : f32
          %jit3A_181 = arith.constant 0.000000e+00 : f32
          %broadcast_in_dim3A_182 = vector.broadcast %jit3A_180 : f32 to vector<16xf32>
          %broadcast_in_dim3A_183 = vector.broadcast %jit3A_181 : f32 to vector<16xf32>
          %select_n3A_184 = arith.select %lt3A_165, %broadcast_in_dim3A_182, %broadcast_in_dim3A_183 : vector<16xi1>, vector<16xf32>
          %mul3A_185 = arith.mulf %mul3A_179, %select_n3A_184 : vector<16xf32>
          %add3A_186 = arith.addf %broadcast_in_dim3A_157, %mul3A_185 : vector<16xf32>
          %jit3A_187 = arith.constant 0xFF800000 : f32
          %broadcast_in_dim3A_188 = vector.broadcast %jit3A_187 : f32 to vector<16xf32>
          %select_n3A_189 = arith.select %lt3A_165, %add3A_178, %broadcast_in_dim3A_188 : vector<16xi1>, vector<16xf32>
          %max3A = arith.maximumf %broadcast_in_dim3A_159, %select_n3A_189 : vector<16xf32>
          %add3A_190 = arith.constant 16 : i32
          %add3A_191 = vector.broadcast %add3A_190 : i32 to vector<16xi32>
          %add3A_192 = arith.addi %add3A_191, %iota3A : vector<16xi32>
          %lt3A_193 = arith.constant 100 : i32
          %lt3A_194 = vector.broadcast %lt3A_193 : i32 to vector<16xi32>
          %lt3A_195 = arith.cmpi slt, %add3A_192, %lt3A_194 : vector<16xi32>
          %gather3A_196 = tpu.vector_load_idx %arg12[%add3A_192, %broadcast_in_dim3A_155] masked %lt3A_195 : memref<100x512xf32, #tpu.memory_space<vmem>>[vector<16xi32>, vector<16xi32>], vector<16xf32>, vector<16xi1>
          %get3A_197 = arith.index_cast %while3A_152 : i32 to index
          %get3A_198 = arith.constant 16 : index
          %get3A_199 = tpu.vector_load %arg13[%get3A_197, %get3A_198] {strides = array<i32>} : memref<32x128xf32, #tpu.memory_space<vmem>>, vector<16xf32>,
          %get3A_200 = arith.index_cast %while3A_152 : i32 to index
          %get3A_201 = arith.constant 16 : index
          %get3A_202 = tpu.vector_load %arg14[%get3A_200, %get3A_201] {strides = array<i32>} : memref<32x128xf32, #tpu.memory_space<vmem>>, vector<16xf32>,
          %mul3A_203 = arith.constant 0.899999976 : f32
          %mul3A_204 = vector.broadcast %mul3A_203 : f32 to vector<16xf32>
          %mul3A_205 = arith.mulf %mul3A_204, %gather3A_196 : vector<16xf32>
          %mul3A_206 = arith.constant 1.000000e-01 : f32
          %mul3A_207 = vector.broadcast %mul3A_206 : f32 to vector<16xf32>
          %mul3A_208 = arith.mulf %mul3A_207, %get3A_199 : vector<16xf32>
          %add3A_209 = arith.addf %mul3A_205, %mul3A_208 : vector<16xf32>
          tpu.vector_store_idx %arg12[%add3A_192, %broadcast_in_dim3A_155], %add3A_209 masked %lt3A_195 : memref<100x512xf32, #tpu.memory_space<vmem>>[vector<16xi32>, vector<16xi32>], vector<16xf32>, vector<16xi1>
          %mul3A_210 = arith.mulf %add3A_209, %get3A_202 : vector<16xf32>
          %jit3A_211 = arith.constant 1.000000e+00 : f32
          %jit3A_212 = arith.constant 0.000000e+00 : f32
          %broadcast_in_dim3A_213 = vector.broadcast %jit3A_211 : f32 to vector<16xf32>
          %broadcast_in_dim3A_214 = vector.broadcast %jit3A_212 : f32 to vector<16xf32>
          %select_n3A_215 = arith.select %lt3A_195, %broadcast_in_dim3A_213, %broadcast_in_dim3A_214 : vector<16xi1>, vector<16xf32>
          %mul3A_216 = arith.mulf %mul3A_210, %select_n3A_215 : vector<16xf32>
          %add3A_217 = arith.addf %add3A_186, %mul3A_216 : vector<16xf32>
          %jit3A_218 = arith.constant 0xFF800000 : f32
          %broadcast_in_dim3A_219 = vector.broadcast %jit3A_218 : f32 to vector<16xf32>
          %select_n3A_220 = arith.select %lt3A_195, %add3A_209, %broadcast_in_dim3A_219 : vector<16xi1>, vector<16xf32>
          %max3A_221 = arith.maximumf %max3A, %select_n3A_220 : vector<16xf32>
          %add3A_222 = arith.constant 32 : i32
          %add3A_223 = vector.broadcast %add3A_222 : i32 to vector<16xi32>
          %add3A_224 = arith.addi %add3A_223, %iota3A : vector<16xi32>
          %lt3A_225 = arith.constant 100 : i32
          %lt3A_226 = vector.broadcast %lt3A_225 : i32 to vector<16xi32>
          %lt3A_227 = arith.cmpi slt, %add3A_224, %lt3A_226 : vector<16xi32>
          %gather3A_228 = tpu.vector_load_idx %arg12[%add3A_224, %broadcast_in_dim3A_155] masked %lt3A_227 : memref<100x512xf32, #tpu.memory_space<vmem>>[vector<16xi32>, vector<16xi32>], vector<16xf32>, vector<16xi1>
          %get3A_229 = arith.index_cast %while3A_152 : i32 to index
          %get3A_230 = arith.constant 32 : index
          %get3A_231 = tpu.vector_load %arg13[%get3A_229, %get3A_230] {strides = array<i32>} : memref<32x128xf32, #tpu.memory_space<vmem>>, vector<16xf32>,
          %get3A_232 = arith.index_cast %while3A_152 : i32 to index
          %get3A_233 = arith.constant 32 : index
          %get3A_234 = tpu.vector_load %arg14[%get3A_232, %get3A_233] {strides = array<i32>} : memref<32x128xf32, #tpu.memory_space<vmem>>, vector<16xf32>,
          %mul3A_235 = arith.constant 0.899999976 : f32
          %mul3A_236 = vector.broadcast %mul3A_235 : f32 to vector<16xf32>
          %mul3A_237 = arith.mulf %mul3A_236, %gather3A_228 : vector<16xf32>
          %mul3A_238 = arith.constant 1.000000e-01 : f32
          %mul3A_239 = vector.broadcast %mul3A_238 : f32 to vector<16xf32>
          %mul3A_240 = arith.mulf %mul3A_239, %get3A_231 : vector<16xf32>
          %add3A_241 = arith.addf %mul3A_237, %mul3A_240 : vector<16xf32>
          tpu.vector_store_idx %arg12[%add3A_224, %broadcast_in_dim3A_155], %add3A_241 masked %lt3A_227 : memref<100x512xf32, #tpu.memory_space<vmem>>[vector<16xi32>, vector<16xi32>], vector<16xf32>, vector<16xi1>
          %mul3A_242 = arith.mulf %add3A_241, %get3A_234 : vector<16xf32>
          %jit3A_243 = arith.constant 1.000000e+00 : f32
          %jit3A_244 = arith.constant 0.000000e+00 : f32
          %broadcast_in_dim3A_245 = vector.broadcast %jit3A_243 : f32 to vector<16xf32>
          %broadcast_in_dim3A_246 = vector.broadcast %jit3A_244 : f32 to vector<16xf32>
          %select_n3A_247 = arith.select %lt3A_227, %broadcast_in_dim3A_245, %broadcast_in_dim3A_246 : vector<16xi1>, vector<16xf32>
          %mul3A_248 = arith.mulf %mul3A_242, %select_n3A_247 : vector<16xf32>
          %add3A_249 = arith.addf %add3A_217, %mul3A_248 : vector<16xf32>
          %jit3A_250 = arith.constant 0xFF800000 : f32
          %broadcast_in_dim3A_251 = vector.broadcast %jit3A_250 : f32 to vector<16xf32>
          %select_n3A_252 = arith.select %lt3A_227, %add3A_241, %broadcast_in_dim3A_251 : vector<16xi1>, vector<16xf32>
          %max3A_253 = arith.maximumf %max3A_221, %select_n3A_252 : vector<16xf32>
          %add3A_254 = arith.constant 48 : i32
          %add3A_255 = vector.broadcast %add3A_254 : i32 to vector<16xi32>
          %add3A_256 = arith.addi %add3A_255, %iota3A : vector<16xi32>
          %lt3A_257 = arith.constant 100 : i32
          %lt3A_258 = vector.broadcast %lt3A_257 : i32 to vector<16xi32>
          %lt3A_259 = arith.cmpi slt, %add3A_256, %lt3A_258 : vector<16xi32>
          %gather3A_260 = tpu.vector_load_idx %arg12[%add3A_256, %broadcast_in_dim3A_155] masked %lt3A_259 : memref<100x512xf32, #tpu.memory_space<vmem>>[vector<16xi32>, vector<16xi32>], vector<16xf32>, vector<16xi1>
          %get3A_261 = arith.index_cast %while3A_152 : i32 to index
          %get3A_262 = arith.constant 48 : index
          %get3A_263 = tpu.vector_load %arg13[%get3A_261, %get3A_262] {strides = array<i32>} : memref<32x128xf32, #tpu.memory_space<vmem>>, vector<16xf32>,
          %get3A_264 = arith.index_cast %while3A_152 : i32 to index
          %get3A_265 = arith.constant 48 : index
          %get3A_266 = tpu.vector_load %arg14[%get3A_264, %get3A_265] {strides = array<i32>} : memref<32x128xf32, #tpu.memory_space<vmem>>, vector<16xf32>,
          %mul3A_267 = arith.constant 0.899999976 : f32
          %mul3A_268 = vector.broadcast %mul3A_267 : f32 to vector<16xf32>
          %mul3A_269 = arith.mulf %mul3A_268, %gather3A_260 : vector<16xf32>
          %mul3A_270 = arith.constant 1.000000e-01 : f32
          %mul3A_271 = vector.broadcast %mul3A_270 : f32 to vector<16xf32>
          %mul3A_272 = arith.mulf %mul3A_271, %get3A_263 : vector<16xf32>
          %add3A_273 = arith.addf %mul3A_269, %mul3A_272 : vector<16xf32>
          tpu.vector_store_idx %arg12[%add3A_256, %broadcast_in_dim3A_155], %add3A_273 masked %lt3A_259 : memref<100x512xf32, #tpu.memory_space<vmem>>[vector<16xi32>, vector<16xi32>], vector<16xf32>, vector<16xi1>
          %mul3A_274 = arith.mulf %add3A_273, %get3A_266 : vector<16xf32>
          %jit3A_275 = arith.constant 1.000000e+00 : f32
          %jit3A_276 = arith.constant 0.000000e+00 : f32
          %broadcast_in_dim3A_277 = vector.broadcast %jit3A_275 : f32 to vector<16xf32>
          %broadcast_in_dim3A_278 = vector.broadcast %jit3A_276 : f32 to vector<16xf32>
          %select_n3A_279 = arith.select %lt3A_259, %broadcast_in_dim3A_277, %broadcast_in_dim3A_278 : vector<16xi1>, vector<16xf32>
          %mul3A_280 = arith.mulf %mul3A_274, %select_n3A_279 : vector<16xf32>
          %add3A_281 = arith.addf %add3A_249, %mul3A_280 : vector<16xf32>
          %jit3A_282 = arith.constant 0xFF800000 : f32
          %broadcast_in_dim3A_283 = vector.broadcast %jit3A_282 : f32 to vector<16xf32>
          %select_n3A_284 = arith.select %lt3A_259, %add3A_273, %broadcast_in_dim3A_283 : vector<16xi1>, vector<16xf32>
          %max3A_285 = arith.maximumf %max3A_253, %select_n3A_284 : vector<16xf32>
          %add3A_286 = arith.constant 64 : i32
          %add3A_287 = vector.broadcast %add3A_286 : i32 to vector<16xi32>
          %add3A_288 = arith.addi %add3A_287, %iota3A : vector<16xi32>
          %lt3A_289 = arith.constant 100 : i32
          %lt3A_290 = vector.broadcast %lt3A_289 : i32 to vector<16xi32>
          %lt3A_291 = arith.cmpi slt, %add3A_288, %lt3A_290 : vector<16xi32>
          %gather3A_292 = tpu.vector_load_idx %arg12[%add3A_288, %broadcast_in_dim3A_155] masked %lt3A_291 : memref<100x512xf32, #tpu.memory_space<vmem>>[vector<16xi32>, vector<16xi32>], vector<16xf32>, vector<16xi1>
          %get3A_293 = arith.index_cast %while3A_152 : i32 to index
          %get3A_294 = arith.constant 64 : index
          %get3A_295 = tpu.vector_load %arg13[%get3A_293, %get3A_294] {strides = array<i32>} : memref<32x128xf32, #tpu.memory_space<vmem>>, vector<16xf32>,
          %get3A_296 = arith.index_cast %while3A_152 : i32 to index
          %get3A_297 = arith.constant 64 : index
          %get3A_298 = tpu.vector_load %arg14[%get3A_296, %get3A_297] {strides = array<i32>} : memref<32x128xf32, #tpu.memory_space<vmem>>, vector<16xf32>,
          %mul3A_299 = arith.constant 0.899999976 : f32
          %mul3A_300 = vector.broadcast %mul3A_299 : f32 to vector<16xf32>
          %mul3A_301 = arith.mulf %mul3A_300, %gather3A_292 : vector<16xf32>
          %mul3A_302 = arith.constant 1.000000e-01 : f32
          %mul3A_303 = vector.broadcast %mul3A_302 : f32 to vector<16xf32>
          %mul3A_304 = arith.mulf %mul3A_303, %get3A_295 : vector<16xf32>
          %add3A_305 = arith.addf %mul3A_301, %mul3A_304 : vector<16xf32>
          tpu.vector_store_idx %arg12[%add3A_288, %broadcast_in_dim3A_155], %add3A_305 masked %lt3A_291 : memref<100x512xf32, #tpu.memory_space<vmem>>[vector<16xi32>, vector<16xi32>], vector<16xf32>, vector<16xi1>
          %mul3A_306 = arith.mulf %add3A_305, %get3A_298 : vector<16xf32>
          %jit3A_307 = arith.constant 1.000000e+00 : f32
          %jit3A_308 = arith.constant 0.000000e+00 : f32
          %broadcast_in_dim3A_309 = vector.broadcast %jit3A_307 : f32 to vector<16xf32>
          %broadcast_in_dim3A_310 = vector.broadcast %jit3A_308 : f32 to vector<16xf32>
          %select_n3A_311 = arith.select %lt3A_291, %broadcast_in_dim3A_309, %broadcast_in_dim3A_310 : vector<16xi1>, vector<16xf32>
          %mul3A_312 = arith.mulf %mul3A_306, %select_n3A_311 : vector<16xf32>
          %add3A_313 = arith.addf %add3A_281, %mul3A_312 : vector<16xf32>
          %jit3A_314 = arith.constant 0xFF800000 : f32
          %broadcast_in_dim3A_315 = vector.broadcast %jit3A_314 : f32 to vector<16xf32>
          %select_n3A_316 = arith.select %lt3A_291, %add3A_305, %broadcast_in_dim3A_315 : vector<16xi1>, vector<16xf32>
          %max3A_317 = arith.maximumf %max3A_285, %select_n3A_316 : vector<16xf32>
          %add3A_318 = arith.constant 80 : i32
          %add3A_319 = vector.broadcast %add3A_318 : i32 to vector<16xi32>
          %add3A_320 = arith.addi %add3A_319, %iota3A : vector<16xi32>
          %lt3A_321 = arith.constant 100 : i32
          %lt3A_322 = vector.broadcast %lt3A_321 : i32 to vector<16xi32>
          %lt3A_323 = arith.cmpi slt, %add3A_320, %lt3A_322 : vector<16xi32>
          %gather3A_324 = tpu.vector_load_idx %arg12[%add3A_320, %broadcast_in_dim3A_155] masked %lt3A_323 : memref<100x512xf32, #tpu.memory_space<vmem>>[vector<16xi32>, vector<16xi32>], vector<16xf32>, vector<16xi1>
          %get3A_325 = arith.index_cast %while3A_152 : i32 to index
          %get3A_326 = arith.constant 80 : index
          %get3A_327 = tpu.vector_load %arg13[%get3A_325, %get3A_326] {strides = array<i32>} : memref<32x128xf32, #tpu.memory_space<vmem>>, vector<16xf32>,
          %get3A_328 = arith.index_cast %while3A_152 : i32 to index
          %get3A_329 = arith.constant 80 : index
          %get3A_330 = tpu.vector_load %arg14[%get3A_328, %get3A_329] {strides = array<i32>} : memref<32x128xf32, #tpu.memory_space<vmem>>, vector<16xf32>,
          %mul3A_331 = arith.constant 0.899999976 : f32
          %mul3A_332 = vector.broadcast %mul3A_331 : f32 to vector<16xf32>
          %mul3A_333 = arith.mulf %mul3A_332, %gather3A_324 : vector<16xf32>
          %mul3A_334 = arith.constant 1.000000e-01 : f32
          %mul3A_335 = vector.broadcast %mul3A_334 : f32 to vector<16xf32>
          %mul3A_336 = arith.mulf %mul3A_335, %get3A_327 : vector<16xf32>
          %add3A_337 = arith.addf %mul3A_333, %mul3A_336 : vector<16xf32>
          tpu.vector_store_idx %arg12[%add3A_320, %broadcast_in_dim3A_155], %add3A_337 masked %lt3A_323 : memref<100x512xf32, #tpu.memory_space<vmem>>[vector<16xi32>, vector<16xi32>], vector<16xf32>, vector<16xi1>
          %mul3A_338 = arith.mulf %add3A_337, %get3A_330 : vector<16xf32>
          %jit3A_339 = arith.constant 1.000000e+00 : f32
          %jit3A_340 = arith.constant 0.000000e+00 : f32
          %broadcast_in_dim3A_341 = vector.broadcast %jit3A_339 : f32 to vector<16xf32>
          %broadcast_in_dim3A_342 = vector.broadcast %jit3A_340 : f32 to vector<16xf32>
          %select_n3A_343 = arith.select %lt3A_323, %broadcast_in_dim3A_341, %broadcast_in_dim3A_342 : vector<16xi1>, vector<16xf32>
          %mul3A_344 = arith.mulf %mul3A_338, %select_n3A_343 : vector<16xf32>
          %add3A_345 = arith.addf %add3A_313, %mul3A_344 : vector<16xf32>
          %jit3A_346 = arith.constant 0xFF800000 : f32
          %broadcast_in_dim3A_347 = vector.broadcast %jit3A_346 : f32 to vector<16xf32>
          %select_n3A_348 = arith.select %lt3A_323, %add3A_337, %broadcast_in_dim3A_347 : vector<16xi1>, vector<16xf32>
          %max3A_349 = arith.maximumf %max3A_317, %select_n3A_348 : vector<16xf32>
          %add3A_350 = arith.constant 96 : i32
          %add3A_351 = vector.broadcast %add3A_350 : i32 to vector<16xi32>
          %add3A_352 = arith.addi %add3A_351, %iota3A : vector<16xi32>
          %lt3A_353 = arith.constant 100 : i32
          %lt3A_354 = vector.broadcast %lt3A_353 : i32 to vector<16xi32>
          %lt3A_355 = arith.cmpi slt, %add3A_352, %lt3A_354 : vector<16xi32>
          %gather3A_356 = tpu.vector_load_idx %arg12[%add3A_352, %broadcast_in_dim3A_155] masked %lt3A_355 : memref<100x512xf32, #tpu.memory_space<vmem>>[vector<16xi32>, vector<16xi32>], vector<16xf32>, vector<16xi1>
          %get3A_357 = arith.index_cast %while3A_152 : i32 to index
          %get3A_358 = arith.constant 96 : index
          %get3A_359 = tpu.vector_load %arg13[%get3A_357, %get3A_358] {strides = array<i32>} : memref<32x128xf32, #tpu.memory_space<vmem>>, vector<16xf32>,
          %get3A_360 = arith.index_cast %while3A_152 : i32 to index
          %get3A_361 = arith.constant 96 : index
          %get3A_362 = tpu.vector_load %arg14[%get3A_360, %get3A_361] {strides = array<i32>} : memref<32x128xf32, #tpu.memory_space<vmem>>, vector<16xf32>,
          %mul3A_363 = arith.constant 0.899999976 : f32
          %mul3A_364 = vector.broadcast %mul3A_363 : f32 to vector<16xf32>
          %mul3A_365 = arith.mulf %mul3A_364, %gather3A_356 : vector<16xf32>
          %mul3A_366 = arith.constant 1.000000e-01 : f32
          %mul3A_367 = vector.broadcast %mul3A_366 : f32 to vector<16xf32>
          %mul3A_368 = arith.mulf %mul3A_367, %get3A_359 : vector<16xf32>
          %add3A_369 = arith.addf %mul3A_365, %mul3A_368 : vector<16xf32>
          tpu.vector_store_idx %arg12[%add3A_352, %broadcast_in_dim3A_155], %add3A_369 masked %lt3A_355 : memref<100x512xf32, #tpu.memory_space<vmem>>[vector<16xi32>, vector<16xi32>], vector<16xf32>, vector<16xi1>
          %mul3A_370 = arith.mulf %add3A_369, %get3A_362 : vector<16xf32>
          %jit3A_371 = arith.constant 1.000000e+00 : f32
          %jit3A_372 = arith.constant 0.000000e+00 : f32
          %broadcast_in_dim3A_373 = vector.broadcast %jit3A_371 : f32 to vector<16xf32>
          %broadcast_in_dim3A_374 = vector.broadcast %jit3A_372 : f32 to vector<16xf32>
          %select_n3A_375 = arith.select %lt3A_355, %broadcast_in_dim3A_373, %broadcast_in_dim3A_374 : vector<16xi1>, vector<16xf32>
          %mul3A_376 = arith.mulf %mul3A_370, %select_n3A_375 : vector<16xf32>
          %add3A_377 = arith.addf %add3A_345, %mul3A_376 : vector<16xf32>
          %jit3A_378 = arith.constant 0xFF800000 : f32
          %broadcast_in_dim3A_379 = vector.broadcast %jit3A_378 : f32 to vector<16xf32>
          %select_n3A_380 = arith.select %lt3A_355, %add3A_369, %broadcast_in_dim3A_379 : vector<16xi1>, vector<16xf32>
          %max3A_381 = arith.maximumf %max3A_349, %select_n3A_380 : vector<16xf32>
          %get3A_382 = arith.constant 0 : index
          %get3A_383 = tpu.vector_load %arg16[%get3A_382] {strides = array<i32>} : memref<16xf32, #tpu.memory_space<vmem>>, vector<16xf32>,
          %eq3A_384 = arith.constant 0 : i32
          %eq3A_385 = vector.broadcast %eq3A_384 : i32 to vector<16xi32>
          %eq3A_386 = arith.cmpi eq, %iota3A, %eq3A_385 : vector<16xi32>
          %reduce_sum3A = arith.constant true
          %reduce_sum3A_387 = vector.broadcast %reduce_sum3A : i1 to vector<16xi1>
          %reduce_sum3A_388 = tpu.scan <sum>, %add3A_377 masked %reduce_sum3A_387 : vector<16xf32>, vector<16xi1> -> vector<16xf32>
          %reduce_sum3A_389 = vector.extract %reduce_sum3A_388[15] : f32 from vector<16xf32>
          %neg3A = arith.constant 0.000000e+00 : f32
          %neg3A_390 = arith.subf %neg3A, %reduce_sum3A_389 : f32
          %jit3A_391 = arith.constant 0.000000e+00 : f32
          %broadcast_in_dim3A_392 = vector.broadcast %neg3A_390 : f32 to vector<16xf32>
          %broadcast_in_dim3A_393 = vector.broadcast %jit3A_391 : f32 to vector<16xf32>
          %select_n3A_394 = arith.select %eq3A_386, %broadcast_in_dim3A_392, %broadcast_in_dim3A_393 : vector<16xi1>, vector<16xf32>
          %add3A_395 = arith.addf %get3A_383, %select_n3A_394 : vector<16xf32>
          %eq3A_396 = arith.constant 1 : i32
          %eq3A_397 = vector.broadcast %eq3A_396 : i32 to vector<16xi32>
          %eq3A_398 = arith.cmpi eq, %iota3A, %eq3A_397 : vector<16xi32>
          %reduce_max3A = arith.constant true
          %reduce_max3A_399 = vector.broadcast %reduce_max3A : i1 to vector<16xi1>
          %reduce_max3A_400 = tpu.scan <max>, %max3A_381 masked %reduce_max3A_399 : vector<16xf32>, vector<16xi1> -> vector<16xf32>
          %reduce_max3A_401 = vector.extract %reduce_max3A_400[15] : f32 from vector<16xf32>
          %jit3A_402 = arith.constant 0.000000e+00 : f32
          %broadcast_in_dim3A_403 = vector.broadcast %reduce_max3A_401 : f32 to vector<16xf32>
          %broadcast_in_dim3A_404 = vector.broadcast %jit3A_402 : f32 to vector<16xf32>
          %select_n3A_405 = arith.select %eq3A_398, %broadcast_in_dim3A_403, %broadcast_in_dim3A_404 : vector<16xi1>, vector<16xf32>
          %add3A_406 = arith.addf %add3A_395, %select_n3A_405 : vector<16xf32>
          %swap3A_407 = arith.constant 0 : index
          %swap3A_408 = tpu.vector_load %arg16[%swap3A_407] {strides = array<i32>} : memref<16xf32, #tpu.memory_space<vmem>>, vector<16xf32>,
          tpu.vector_store %arg16[%swap3A_407], %add3A_406 {strides = array<i32>} : memref<16xf32, #tpu.memory_space<vmem>>, vector<16xf32>,
        }
        %while3A_147 = arith.constant 1 : i32
        scf.for %while3A_152 = %while3A_145 to %while3A_141 step %while3A_147  : i32 {
          %get3A_153 = arith.index_cast %while3A_152 : i32 to index
          %get3A_154 = memref.load %arg17[%get3A_153] : memref<32xi32, #tpu.memory_space<smem>>
          %broadcast_in_dim3A_155 = vector.broadcast %get3A_154 : i32 to vector<16xi32>
          %broadcast_in_dim3A_156 = arith.constant 0.000000e+00 : f32
          %broadcast_in_dim3A_157 = vector.broadcast %broadcast_in_dim3A_156 : f32 to vector<16xf32>
          %broadcast_in_dim3A_158 = arith.constant 0xFF800000 : f32
          %broadcast_in_dim3A_159 = vector.broadcast %broadcast_in_dim3A_158 : f32 to vector<16xf32>
          %add3A_160 = arith.constant 0 : i32
          %add3A_161 = vector.broadcast %add3A_160 : i32 to vector<16xi32>
          %add3A_162 = arith.addi %add3A_161, %iota3A : vector<16xi32>
          %lt3A_163 = arith.constant 100 : i32
          %lt3A_164 = vector.broadcast %lt3A_163 : i32 to vector<16xi32>
          %lt3A_165 = arith.cmpi slt, %add3A_162, %lt3A_164 : vector<16xi32>
          %gather3A = tpu.vector_load_idx %arg12[%add3A_162, %broadcast_in_dim3A_155] masked %lt3A_165 : memref<100x512xf32, #tpu.memory_space<vmem>>[vector<16xi32>, vector<16xi32>], vector<16xf32>, vector<16xi1>
          %get3A_166 = arith.index_cast %while3A_152 : i32 to index
          %get3A_167 = arith.constant 0 : index
          %get3A_168 = tpu.vector_load %arg13[%get3A_166, %get3A_167] {strides = array<i32>} : memref<32x128xf32, #tpu.memory_space<vmem>>, vector<16xf32>,
          %get3A_169 = arith.index_cast %while3A_152 : i32 to index
          %get3A_170 = arith.constant 0 : index
          %get3A_171 = tpu.vector_load %arg14[%get3A_169, %get3A_170] {strides = array<i32>} : memref<32x128xf32, #tpu.memory_space<vmem>>, vector<16xf32>,
          %mul3A_172 = arith.constant 0.899999976 : f32
          %mul3A_173 = vector.broadcast %mul3A_172 : f32 to vector<16xf32>
          %mul3A_174 = arith.mulf %mul3A_173, %gather3A : vector<16xf32>
          %mul3A_175 = arith.constant 1.000000e-01 : f32
          %mul3A_176 = vector.broadcast %mul3A_175 : f32 to vector<16xf32>
          %mul3A_177 = arith.mulf %mul3A_176, %get3A_168 : vector<16xf32>
          %add3A_178 = arith.addf %mul3A_174, %mul3A_177 : vector<16xf32>
          tpu.vector_store_idx %arg12[%add3A_162, %broadcast_in_dim3A_155], %add3A_178 masked %lt3A_165 : memref<100x512xf32, #tpu.memory_space<vmem>>[vector<16xi32>, vector<16xi32>], vector<16xf32>, vector<16xi1>
          %mul3A_179 = arith.mulf %add3A_178, %get3A_171 : vector<16xf32>
          %jit3A_180 = arith.constant 1.000000e+00 : f32
          %jit3A_181 = arith.constant 0.000000e+00 : f32
          %broadcast_in_dim3A_182 = vector.broadcast %jit3A_180 : f32 to vector<16xf32>
          %broadcast_in_dim3A_183 = vector.broadcast %jit3A_181 : f32 to vector<16xf32>
          %select_n3A_184 = arith.select %lt3A_165, %broadcast_in_dim3A_182, %broadcast_in_dim3A_183 : vector<16xi1>, vector<16xf32>
          %mul3A_185 = arith.mulf %mul3A_179, %select_n3A_184 : vector<16xf32>
          %add3A_186 = arith.addf %broadcast_in_dim3A_157, %mul3A_185 : vector<16xf32>
          %jit3A_187 = arith.constant 0xFF800000 : f32
          %broadcast_in_dim3A_188 = vector.broadcast %jit3A_187 : f32 to vector<16xf32>
          %select_n3A_189 = arith.select %lt3A_165, %add3A_178, %broadcast_in_dim3A_188 : vector<16xi1>, vector<16xf32>
          %max3A = arith.maximumf %broadcast_in_dim3A_159, %select_n3A_189 : vector<16xf32>
          %add3A_190 = arith.constant 16 : i32
          %add3A_191 = vector.broadcast %add3A_190 : i32 to vector<16xi32>
          %add3A_192 = arith.addi %add3A_191, %iota3A : vector<16xi32>
          %lt3A_193 = arith.constant 100 : i32
          %lt3A_194 = vector.broadcast %lt3A_193 : i32 to vector<16xi32>
          %lt3A_195 = arith.cmpi slt, %add3A_192, %lt3A_194 : vector<16xi32>
          %gather3A_196 = tpu.vector_load_idx %arg12[%add3A_192, %broadcast_in_dim3A_155] masked %lt3A_195 : memref<100x512xf32, #tpu.memory_space<vmem>>[vector<16xi32>, vector<16xi32>], vector<16xf32>, vector<16xi1>
          %get3A_197 = arith.index_cast %while3A_152 : i32 to index
          %get3A_198 = arith.constant 16 : index
          %get3A_199 = tpu.vector_load %arg13[%get3A_197, %get3A_198] {strides = array<i32>} : memref<32x128xf32, #tpu.memory_space<vmem>>, vector<16xf32>,
          %get3A_200 = arith.index_cast %while3A_152 : i32 to index
          %get3A_201 = arith.constant 16 : index
          %get3A_202 = tpu.vector_load %arg14[%get3A_200, %get3A_201] {strides = array<i32>} : memref<32x128xf32, #tpu.memory_space<vmem>>, vector<16xf32>,
          %mul3A_203 = arith.constant 0.899999976 : f32
          %mul3A_204 = vector.broadcast %mul3A_203 : f32 to vector<16xf32>
          %mul3A_205 = arith.mulf %mul3A_204, %gather3A_196 : vector<16xf32>
          %mul3A_206 = arith.constant 1.000000e-01 : f32
          %mul3A_207 = vector.broadcast %mul3A_206 : f32 to vector<16xf32>
          %mul3A_208 = arith.mulf %mul3A_207, %get3A_199 : vector<16xf32>
          %add3A_209 = arith.addf %mul3A_205, %mul3A_208 : vector<16xf32>
          tpu.vector_store_idx %arg12[%add3A_192, %broadcast_in_dim3A_155], %add3A_209 masked %lt3A_195 : memref<100x512xf32, #tpu.memory_space<vmem>>[vector<16xi32>, vector<16xi32>], vector<16xf32>, vector<16xi1>
          %mul3A_210 = arith.mulf %add3A_209, %get3A_202 : vector<16xf32>
          %jit3A_211 = arith.constant 1.000000e+00 : f32
          %jit3A_212 = arith.constant 0.000000e+00 : f32
          %broadcast_in_dim3A_213 = vector.broadcast %jit3A_211 : f32 to vector<16xf32>
          %broadcast_in_dim3A_214 = vector.broadcast %jit3A_212 : f32 to vector<16xf32>
          %select_n3A_215 = arith.select %lt3A_195, %broadcast_in_dim3A_213, %broadcast_in_dim3A_214 : vector<16xi1>, vector<16xf32>
          %mul3A_216 = arith.mulf %mul3A_210, %select_n3A_215 : vector<16xf32>
          %add3A_217 = arith.addf %add3A_186, %mul3A_216 : vector<16xf32>
          %jit3A_218 = arith.constant 0xFF800000 : f32
          %broadcast_in_dim3A_219 = vector.broadcast %jit3A_218 : f32 to vector<16xf32>
          %select_n3A_220 = arith.select %lt3A_195, %add3A_209, %broadcast_in_dim3A_219 : vector<16xi1>, vector<16xf32>
          %max3A_221 = arith.maximumf %max3A, %select_n3A_220 : vector<16xf32>
          %add3A_222 = arith.constant 32 : i32
          %add3A_223 = vector.broadcast %add3A_222 : i32 to vector<16xi32>
          %add3A_224 = arith.addi %add3A_223, %iota3A : vector<16xi32>
          %lt3A_225 = arith.constant 100 : i32
          %lt3A_226 = vector.broadcast %lt3A_225 : i32 to vector<16xi32>
          %lt3A_227 = arith.cmpi slt, %add3A_224, %lt3A_226 : vector<16xi32>
          %gather3A_228 = tpu.vector_load_idx %arg12[%add3A_224, %broadcast_in_dim3A_155] masked %lt3A_227 : memref<100x512xf32, #tpu.memory_space<vmem>>[vector<16xi32>, vector<16xi32>], vector<16xf32>, vector<16xi1>
          %get3A_229 = arith.index_cast %while3A_152 : i32 to index
          %get3A_230 = arith.constant 32 : index
          %get3A_231 = tpu.vector_load %arg13[%get3A_229, %get3A_230] {strides = array<i32>} : memref<32x128xf32, #tpu.memory_space<vmem>>, vector<16xf32>,
          %get3A_232 = arith.index_cast %while3A_152 : i32 to index
          %get3A_233 = arith.constant 32 : index
          %get3A_234 = tpu.vector_load %arg14[%get3A_232, %get3A_233] {strides = array<i32>} : memref<32x128xf32, #tpu.memory_space<vmem>>, vector<16xf32>,
          %mul3A_235 = arith.constant 0.899999976 : f32
          %mul3A_236 = vector.broadcast %mul3A_235 : f32 to vector<16xf32>
          %mul3A_237 = arith.mulf %mul3A_236, %gather3A_228 : vector<16xf32>
          %mul3A_238 = arith.constant 1.000000e-01 : f32
          %mul3A_239 = vector.broadcast %mul3A_238 : f32 to vector<16xf32>
          %mul3A_240 = arith.mulf %mul3A_239, %get3A_231 : vector<16xf32>
          %add3A_241 = arith.addf %mul3A_237, %mul3A_240 : vector<16xf32>
          tpu.vector_store_idx %arg12[%add3A_224, %broadcast_in_dim3A_155], %add3A_241 masked %lt3A_227 : memref<100x512xf32, #tpu.memory_space<vmem>>[vector<16xi32>, vector<16xi32>], vector<16xf32>, vector<16xi1>
          %mul3A_242 = arith.mulf %add3A_241, %get3A_234 : vector<16xf32>
          %jit3A_243 = arith.constant 1.000000e+00 : f32
          %jit3A_244 = arith.constant 0.000000e+00 : f32
          %broadcast_in_dim3A_245 = vector.broadcast %jit3A_243 : f32 to vector<16xf32>
          %broadcast_in_dim3A_246 = vector.broadcast %jit3A_244 : f32 to vector<16xf32>
          %select_n3A_247 = arith.select %lt3A_227, %broadcast_in_dim3A_245, %broadcast_in_dim3A_246 : vector<16xi1>, vector<16xf32>
          %mul3A_248 = arith.mulf %mul3A_242, %select_n3A_247 : vector<16xf32>
          %add3A_249 = arith.addf %add3A_217, %mul3A_248 : vector<16xf32>
          %jit3A_250 = arith.constant 0xFF800000 : f32
          %broadcast_in_dim3A_251 = vector.broadcast %jit3A_250 : f32 to vector<16xf32>
          %select_n3A_252 = arith.select %lt3A_227, %add3A_241, %broadcast_in_dim3A_251 : vector<16xi1>, vector<16xf32>
          %max3A_253 = arith.maximumf %max3A_221, %select_n3A_252 : vector<16xf32>
          %add3A_254 = arith.constant 48 : i32
          %add3A_255 = vector.broadcast %add3A_254 : i32 to vector<16xi32>
          %add3A_256 = arith.addi %add3A_255, %iota3A : vector<16xi32>
          %lt3A_257 = arith.constant 100 : i32
          %lt3A_258 = vector.broadcast %lt3A_257 : i32 to vector<16xi32>
          %lt3A_259 = arith.cmpi slt, %add3A_256, %lt3A_258 : vector<16xi32>
          %gather3A_260 = tpu.vector_load_idx %arg12[%add3A_256, %broadcast_in_dim3A_155] masked %lt3A_259 : memref<100x512xf32, #tpu.memory_space<vmem>>[vector<16xi32>, vector<16xi32>], vector<16xf32>, vector<16xi1>
          %get3A_261 = arith.index_cast %while3A_152 : i32 to index
          %get3A_262 = arith.constant 48 : index
          %get3A_263 = tpu.vector_load %arg13[%get3A_261, %get3A_262] {strides = array<i32>} : memref<32x128xf32, #tpu.memory_space<vmem>>, vector<16xf32>,
          %get3A_264 = arith.index_cast %while3A_152 : i32 to index
          %get3A_265 = arith.constant 48 : index
          %get3A_266 = tpu.vector_load %arg14[%get3A_264, %get3A_265] {strides = array<i32>} : memref<32x128xf32, #tpu.memory_space<vmem>>, vector<16xf32>,
          %mul3A_267 = arith.constant 0.899999976 : f32
          %mul3A_268 = vector.broadcast %mul3A_267 : f32 to vector<16xf32>
          %mul3A_269 = arith.mulf %mul3A_268, %gather3A_260 : vector<16xf32>
          %mul3A_270 = arith.constant 1.000000e-01 : f32
          %mul3A_271 = vector.broadcast %mul3A_270 : f32 to vector<16xf32>
          %mul3A_272 = arith.mulf %mul3A_271, %get3A_263 : vector<16xf32>
          %add3A_273 = arith.addf %mul3A_269, %mul3A_272 : vector<16xf32>
          tpu.vector_store_idx %arg12[%add3A_256, %broadcast_in_dim3A_155], %add3A_273 masked %lt3A_259 : memref<100x512xf32, #tpu.memory_space<vmem>>[vector<16xi32>, vector<16xi32>], vector<16xf32>, vector<16xi1>
          %mul3A_274 = arith.mulf %add3A_273, %get3A_266 : vector<16xf32>
          %jit3A_275 = arith.constant 1.000000e+00 : f32
          %jit3A_276 = arith.constant 0.000000e+00 : f32
          %broadcast_in_dim3A_277 = vector.broadcast %jit3A_275 : f32 to vector<16xf32>
          %broadcast_in_dim3A_278 = vector.broadcast %jit3A_276 : f32 to vector<16xf32>
          %select_n3A_279 = arith.select %lt3A_259, %broadcast_in_dim3A_277, %broadcast_in_dim3A_278 : vector<16xi1>, vector<16xf32>
          %mul3A_280 = arith.mulf %mul3A_274, %select_n3A_279 : vector<16xf32>
          %add3A_281 = arith.addf %add3A_249, %mul3A_280 : vector<16xf32>
          %jit3A_282 = arith.constant 0xFF800000 : f32
          %broadcast_in_dim3A_283 = vector.broadcast %jit3A_282 : f32 to vector<16xf32>
          %select_n3A_284 = arith.select %lt3A_259, %add3A_273, %broadcast_in_dim3A_283 : vector<16xi1>, vector<16xf32>
          %max3A_285 = arith.maximumf %max3A_253, %select_n3A_284 : vector<16xf32>
          %add3A_286 = arith.constant 64 : i32
          %add3A_287 = vector.broadcast %add3A_286 : i32 to vector<16xi32>
          %add3A_288 = arith.addi %add3A_287, %iota3A : vector<16xi32>
          %lt3A_289 = arith.constant 100 : i32
          %lt3A_290 = vector.broadcast %lt3A_289 : i32 to vector<16xi32>
          %lt3A_291 = arith.cmpi slt, %add3A_288, %lt3A_290 : vector<16xi32>
          %gather3A_292 = tpu.vector_load_idx %arg12[%add3A_288, %broadcast_in_dim3A_155] masked %lt3A_291 : memref<100x512xf32, #tpu.memory_space<vmem>>[vector<16xi32>, vector<16xi32>], vector<16xf32>, vector<16xi1>
          %get3A_293 = arith.index_cast %while3A_152 : i32 to index
          %get3A_294 = arith.constant 64 : index
          %get3A_295 = tpu.vector_load %arg13[%get3A_293, %get3A_294] {strides = array<i32>} : memref<32x128xf32, #tpu.memory_space<vmem>>, vector<16xf32>,
          %get3A_296 = arith.index_cast %while3A_152 : i32 to index
          %get3A_297 = arith.constant 64 : index
          %get3A_298 = tpu.vector_load %arg14[%get3A_296, %get3A_297] {strides = array<i32>} : memref<32x128xf32, #tpu.memory_space<vmem>>, vector<16xf32>,
          %mul3A_299 = arith.constant 0.899999976 : f32
          %mul3A_300 = vector.broadcast %mul3A_299 : f32 to vector<16xf32>
          %mul3A_301 = arith.mulf %mul3A_300, %gather3A_292 : vector<16xf32>
          %mul3A_302 = arith.constant 1.000000e-01 : f32
          %mul3A_303 = vector.broadcast %mul3A_302 : f32 to vector<16xf32>
          %mul3A_304 = arith.mulf %mul3A_303, %get3A_295 : vector<16xf32>
          %add3A_305 = arith.addf %mul3A_301, %mul3A_304 : vector<16xf32>
          tpu.vector_store_idx %arg12[%add3A_288, %broadcast_in_dim3A_155], %add3A_305 masked %lt3A_291 : memref<100x512xf32, #tpu.memory_space<vmem>>[vector<16xi32>, vector<16xi32>], vector<16xf32>, vector<16xi1>
          %mul3A_306 = arith.mulf %add3A_305, %get3A_298 : vector<16xf32>
          %jit3A_307 = arith.constant 1.000000e+00 : f32
          %jit3A_308 = arith.constant 0.000000e+00 : f32
          %broadcast_in_dim3A_309 = vector.broadcast %jit3A_307 : f32 to vector<16xf32>
          %broadcast_in_dim3A_310 = vector.broadcast %jit3A_308 : f32 to vector<16xf32>
          %select_n3A_311 = arith.select %lt3A_291, %broadcast_in_dim3A_309, %broadcast_in_dim3A_310 : vector<16xi1>, vector<16xf32>
          %mul3A_312 = arith.mulf %mul3A_306, %select_n3A_311 : vector<16xf32>
          %add3A_313 = arith.addf %add3A_281, %mul3A_312 : vector<16xf32>
          %jit3A_314 = arith.constant 0xFF800000 : f32
          %broadcast_in_dim3A_315 = vector.broadcast %jit3A_314 : f32 to vector<16xf32>
          %select_n3A_316 = arith.select %lt3A_291, %add3A_305, %broadcast_in_dim3A_315 : vector<16xi1>, vector<16xf32>
          %max3A_317 = arith.maximumf %max3A_285, %select_n3A_316 : vector<16xf32>
          %add3A_318 = arith.constant 80 : i32
          %add3A_319 = vector.broadcast %add3A_318 : i32 to vector<16xi32>
          %add3A_320 = arith.addi %add3A_319, %iota3A : vector<16xi32>
          %lt3A_321 = arith.constant 100 : i32
          %lt3A_322 = vector.broadcast %lt3A_321 : i32 to vector<16xi32>
          %lt3A_323 = arith.cmpi slt, %add3A_320, %lt3A_322 : vector<16xi32>
          %gather3A_324 = tpu.vector_load_idx %arg12[%add3A_320, %broadcast_in_dim3A_155] masked %lt3A_323 : memref<100x512xf32, #tpu.memory_space<vmem>>[vector<16xi32>, vector<16xi32>], vector<16xf32>, vector<16xi1>
          %get3A_325 = arith.index_cast %while3A_152 : i32 to index
          %get3A_326 = arith.constant 80 : index
          %get3A_327 = tpu.vector_load %arg13[%get3A_325, %get3A_326] {strides = array<i32>} : memref<32x128xf32, #tpu.memory_space<vmem>>, vector<16xf32>,
          %get3A_328 = arith.index_cast %while3A_152 : i32 to index
          %get3A_329 = arith.constant 80 : index
          %get3A_330 = tpu.vector_load %arg14[%get3A_328, %get3A_329] {strides = array<i32>} : memref<32x128xf32, #tpu.memory_space<vmem>>, vector<16xf32>,
          %mul3A_331 = arith.constant 0.899999976 : f32
          %mul3A_332 = vector.broadcast %mul3A_331 : f32 to vector<16xf32>
          %mul3A_333 = arith.mulf %mul3A_332, %gather3A_324 : vector<16xf32>
          %mul3A_334 = arith.constant 1.000000e-01 : f32
          %mul3A_335 = vector.broadcast %mul3A_334 : f32 to vector<16xf32>
          %mul3A_336 = arith.mulf %mul3A_335, %get3A_327 : vector<16xf32>
          %add3A_337 = arith.addf %mul3A_333, %mul3A_336 : vector<16xf32>
          tpu.vector_store_idx %arg12[%add3A_320, %broadcast_in_dim3A_155], %add3A_337 masked %lt3A_323 : memref<100x512xf32, #tpu.memory_space<vmem>>[vector<16xi32>, vector<16xi32>], vector<16xf32>, vector<16xi1>
          %mul3A_338 = arith.mulf %add3A_337, %get3A_330 : vector<16xf32>
          %jit3A_339 = arith.constant 1.000000e+00 : f32
          %jit3A_340 = arith.constant 0.000000e+00 : f32
          %broadcast_in_dim3A_341 = vector.broadcast %jit3A_339 : f32 to vector<16xf32>
          %broadcast_in_dim3A_342 = vector.broadcast %jit3A_340 : f32 to vector<16xf32>
          %select_n3A_343 = arith.select %lt3A_323, %broadcast_in_dim3A_341, %broadcast_in_dim3A_342 : vector<16xi1>, vector<16xf32>
          %mul3A_344 = arith.mulf %mul3A_338, %select_n3A_343 : vector<16xf32>
          %add3A_345 = arith.addf %add3A_313, %mul3A_344 : vector<16xf32>
          %jit3A_346 = arith.constant 0xFF800000 : f32
          %broadcast_in_dim3A_347 = vector.broadcast %jit3A_346 : f32 to vector<16xf32>
          %select_n3A_348 = arith.select %lt3A_323, %add3A_337, %broadcast_in_dim3A_347 : vector<16xi1>, vector<16xf32>
          %max3A_349 = arith.maximumf %max3A_317, %select_n3A_348 : vector<16xf32>
          %add3A_350 = arith.constant 96 : i32
          %add3A_351 = vector.broadcast %add3A_350 : i32 to vector<16xi32>
          %add3A_352 = arith.addi %add3A_351, %iota3A : vector<16xi32>
          %lt3A_353 = arith.constant 100 : i32
          %lt3A_354 = vector.broadcast %lt3A_353 : i32 to vector<16xi32>
          %lt3A_355 = arith.cmpi slt, %add3A_352, %lt3A_354 : vector<16xi32>
          %gather3A_356 = tpu.vector_load_idx %arg12[%add3A_352, %broadcast_in_dim3A_155] masked %lt3A_355 : memref<100x512xf32, #tpu.memory_space<vmem>>[vector<16xi32>, vector<16xi32>], vector<16xf32>, vector<16xi1>
          %get3A_357 = arith.index_cast %while3A_152 : i32 to index
          %get3A_358 = arith.constant 96 : index
          %get3A_359 = tpu.vector_load %arg13[%get3A_357, %get3A_358] {strides = array<i32>} : memref<32x128xf32, #tpu.memory_space<vmem>>, vector<16xf32>,
          %get3A_360 = arith.index_cast %while3A_152 : i32 to index
          %get3A_361 = arith.constant 96 : index
          %get3A_362 = tpu.vector_load %arg14[%get3A_360, %get3A_361] {strides = array<i32>} : memref<32x128xf32, #tpu.memory_space<vmem>>, vector<16xf32>,
          %mul3A_363 = arith.constant 0.899999976 : f32
          %mul3A_364 = vector.broadcast %mul3A_363 : f32 to vector<16xf32>
          %mul3A_365 = arith.mulf %mul3A_364, %gather3A_356 : vector<16xf32>
          %mul3A_366 = arith.constant 1.000000e-01 : f32
          %mul3A_367 = vector.broadcast %mul3A_366 : f32 to vector<16xf32>
          %mul3A_368 = arith.mulf %mul3A_367, %get3A_359 : vector<16xf32>
          %add3A_369 = arith.addf %mul3A_365, %mul3A_368 : vector<16xf32>
          tpu.vector_store_idx %arg12[%add3A_352, %broadcast_in_dim3A_155], %add3A_369 masked %lt3A_355 : memref<100x512xf32, #tpu.memory_space<vmem>>[vector<16xi32>, vector<16xi32>], vector<16xf32>, vector<16xi1>
          %mul3A_370 = arith.mulf %add3A_369, %get3A_362 : vector<16xf32>
          %jit3A_371 = arith.constant 1.000000e+00 : f32
          %jit3A_372 = arith.constant 0.000000e+00 : f32
          %broadcast_in_dim3A_373 = vector.broadcast %jit3A_371 : f32 to vector<16xf32>
          %broadcast_in_dim3A_374 = vector.broadcast %jit3A_372 : f32 to vector<16xf32>
          %select_n3A_375 = arith.select %lt3A_355, %broadcast_in_dim3A_373, %broadcast_in_dim3A_374 : vector<16xi1>, vector<16xf32>
          %mul3A_376 = arith.mulf %mul3A_370, %select_n3A_375 : vector<16xf32>
          %add3A_377 = arith.addf %add3A_345, %mul3A_376 : vector<16xf32>
          %jit3A_378 = arith.constant 0xFF800000 : f32
          %broadcast_in_dim3A_379 = vector.broadcast %jit3A_378 : f32 to vector<16xf32>
          %select_n3A_380 = arith.select %lt3A_355, %add3A_369, %broadcast_in_dim3A_379 : vector<16xi1>, vector<16xf32>
          %max3A_381 = arith.maximumf %max3A_349, %select_n3A_380 : vector<16xf32>
          %get3A_382 = arith.constant 0 : index
          %get3A_383 = tpu.vector_load %arg16[%get3A_382] {strides = array<i32>} : memref<16xf32, #tpu.memory_space<vmem>>, vector<16xf32>,
          %eq3A_384 = arith.constant 0 : i32
          %eq3A_385 = vector.broadcast %eq3A_384 : i32 to vector<16xi32>
          %eq3A_386 = arith.cmpi eq, %iota3A, %eq3A_385 : vector<16xi32>
          %reduce_sum3A = arith.constant true
          %reduce_sum3A_387 = vector.broadcast %reduce_sum3A : i1 to vector<16xi1>
          %reduce_sum3A_388 = tpu.scan <sum>, %add3A_377 masked %reduce_sum3A_387 : vector<16xf32>, vector<16xi1> -> vector<16xf32>
          %reduce_sum3A_389 = vector.extract %reduce_sum3A_388[15] : f32 from vector<16xf32>
          %neg3A = arith.constant 0.000000e+00 : f32
          %neg3A_390 = arith.subf %neg3A, %reduce_sum3A_389 : f32
          %jit3A_391 = arith.constant 0.000000e+00 : f32
          %broadcast_in_dim3A_392 = vector.broadcast %neg3A_390 : f32 to vector<16xf32>
          %broadcast_in_dim3A_393 = vector.broadcast %jit3A_391 : f32 to vector<16xf32>
          %select_n3A_394 = arith.select %eq3A_386, %broadcast_in_dim3A_392, %broadcast_in_dim3A_393 : vector<16xi1>, vector<16xf32>
          %add3A_395 = arith.addf %get3A_383, %select_n3A_394 : vector<16xf32>
          %eq3A_396 = arith.constant 1 : i32
          %eq3A_397 = vector.broadcast %eq3A_396 : i32 to vector<16xi32>
          %eq3A_398 = arith.cmpi eq, %iota3A, %eq3A_397 : vector<16xi32>
          %reduce_max3A = arith.constant true
          %reduce_max3A_399 = vector.broadcast %reduce_max3A : i1 to vector<16xi1>
          %reduce_max3A_400 = tpu.scan <max>, %max3A_381 masked %reduce_max3A_399 : vector<16xf32>, vector<16xi1> -> vector<16xf32>
          %reduce_max3A_401 = vector.extract %reduce_max3A_400[15] : f32 from vector<16xf32>
          %jit3A_402 = arith.constant 0.000000e+00 : f32
          %broadcast_in_dim3A_403 = vector.broadcast %reduce_max3A_401 : f32 to vector<16xf32>
          %broadcast_in_dim3A_404 = vector.broadcast %jit3A_402 : f32 to vector<16xf32>
          %select_n3A_405 = arith.select %eq3A_398, %broadcast_in_dim3A_403, %broadcast_in_dim3A_404 : vector<16xi1>, vector<16xf32>
          %add3A_406 = arith.addf %add3A_395, %select_n3A_405 : vector<16xf32>
          %swap3A_407 = arith.constant 0 : index
          %swap3A_408 = tpu.vector_load %arg16[%swap3A_407] {strides = array<i32>} : memref<16xf32, #tpu.memory_space<vmem>>, vector<16xf32>,
          tpu.vector_store %arg16[%swap3A_407], %add3A_406 {strides = array<i32>} : memref<16xf32, #tpu.memory_space<vmem>>, vector<16xf32>,
        }
        %dma_start3A_148 = arith.constant 0 : i32
        %dma_start3A_149 = tpu.memref_slice %arg6[%dma_start3A_148, %mul3A_65] : memref<100x1000000xf32, #tpu.memory_space<hbm>> -> memref<100x512xf32, #tpu.memory_space<hbm>>
        %dma_start3A_150 = arith.constant 0 : i32
        %dma_start3A_151 = tpu.memref_slice %arg6[%dma_start3A_150, %mul3A_65] : memref<100x1000000xf32, #tpu.memory_space<hbm>> -> memref<100x512xf32, #tpu.memory_space<hbm>>
        tpu.enqueue_dma source(%arg12 : memref<100x512xf32, #tpu.memory_space<vmem>>) target(%dma_start3A_151 : memref<100x512xf32, #tpu.memory_space<hbm>>) target_semaphore(%arg19 : memref<!tpu.dma_semaphore, #tpu.memory_space<semaphore_mem>>)
      } else {
      }
    }
    %dma_wait3A = arith.constant 0 : i32
    %dma_wait3A_46 = arith.constant 0 : i32
    %dma_wait3A_47 = tpu.memref_slice %arg2[%dma_wait3A, %dma_wait3A_46] : memref<100x1000000xf32, #tpu.memory_space<hbm>> -> memref<100x512xf32, #tpu.memory_space<hbm>>
    %dma_wait3A_48 = arith.constant 0 : i32
    %dma_wait3A_49 = arith.constant 0 : i32
    %dma_wait3A_50 = tpu.memref_slice %arg2[%dma_wait3A_48, %dma_wait3A_49] : memref<100x1000000xf32, #tpu.memory_space<hbm>> -> memref<100x512xf32, #tpu.memory_space<hbm>>
    tpu.wait_dma2 semaphore(%arg19 : memref<!tpu.dma_semaphore, #tpu.memory_space<semaphore_mem>>) src(%dma_wait3A_50 : memref<100x512xf32, #tpu.memory_space<hbm>>) dst(%arg11 : memref<100x512xf32, #tpu.memory_space<vmem>>)
    %dma_wait3A_51 = arith.constant 0 : i32
    %dma_wait3A_52 = arith.constant 0 : i32
    %dma_wait3A_53 = tpu.memref_slice %arg2[%dma_wait3A_51, %dma_wait3A_52] : memref<100x1000000xf32, #tpu.memory_space<hbm>> -> memref<100x512xf32, #tpu.memory_space<hbm>>
    %dma_wait3A_54 = arith.constant 0 : i32
    %dma_wait3A_55 = arith.constant 0 : i32
    %dma_wait3A_56 = tpu.memref_slice %arg2[%dma_wait3A_54, %dma_wait3A_55] : memref<100x1000000xf32, #tpu.memory_space<hbm>> -> memref<100x512xf32, #tpu.memory_space<hbm>>
    tpu.wait_dma2 semaphore(%arg19 : memref<!tpu.dma_semaphore, #tpu.memory_space<semaphore_mem>>) src(%dma_wait3A_56 : memref<100x512xf32, #tpu.memory_space<hbm>>) dst(%arg11 : memref<100x512xf32, #tpu.memory_space<vmem>>)
    %get3A = arith.constant 0 : index
    %get3A_57 = tpu.vector_load %arg16[%get3A] {strides = array<i32>} : memref<16xf32, #tpu.memory_space<vmem>>, vector<16xf32>,
    %swap3A_58 = arith.constant 0 : index
    %swap3A_59 = tpu.vector_load %arg15[%swap3A_58] {strides = array<i32>} : memref<16xf32, #tpu.memory_space<vmem>>, vector<16xf32>,
    tpu.vector_store %arg15[%swap3A_58], %get3A_57 {strides = array<i32>} : memref<16xf32, #tpu.memory_space<vmem>>, vector<16xf32>,
    "tpu.region"() ({
      %run_scoped3A = tpu.sem_alloc : memref<!tpu.dma_semaphore, #tpu.memory_space<semaphore_mem>>
      %dma_start3A_60 = arith.constant 0 : i32
      %dma_start3A_61 = tpu.memref_slice %arg7[%add3A, %dma_start3A_60] : memref<32x16xf32, #tpu.memory_space<hbm>> -> memref<1x16xf32, #tpu.memory_space<hbm>>
      %dma_start3A_62 = tpu.memref_squeeze %dma_start3A_61 : memref<1x16xf32, #tpu.memory_space<hbm>> -> memref<16xf32, #tpu.memory_space<hbm>>
      %dma_start3A_63 = arith.constant 0 : i32
      %dma_start3A_64 = tpu.memref_slice %arg7[%add3A, %dma_start3A_63] : memref<32x16xf32, #tpu.memory_space<hbm>> -> memref<1x16xf32, #tpu.memory_space<hbm>>
      %dma_start3A_65 = tpu.memref_squeeze %dma_start3A_64 : memref<1x16xf32, #tpu.memory_space<hbm>> -> memref<16xf32, #tpu.memory_space<hbm>>
      tpu.enqueue_dma source(%arg15 : memref<16xf32, #tpu.memory_space<vmem>>) target(%dma_start3A_65 : memref<16xf32, #tpu.memory_space<hbm>>) target_semaphore(%run_scoped3A : memref<!tpu.dma_semaphore, #tpu.memory_space<semaphore_mem>>)
      %dma_wait3A_66 = arith.constant 0 : i32
      %dma_wait3A_67 = tpu.memref_slice %arg7[%add3A, %dma_wait3A_66] : memref<32x16xf32, #tpu.memory_space<hbm>> -> memref<1x16xf32, #tpu.memory_space<hbm>>
      %dma_wait3A_68 = tpu.memref_squeeze %dma_wait3A_67 : memref<1x16xf32, #tpu.memory_space<hbm>> -> memref<16xf32, #tpu.memory_space<hbm>>
      %dma_wait3A_69 = arith.constant 0 : i32
      %dma_wait3A_70 = tpu.memref_slice %arg7[%add3A, %dma_wait3A_69] : memref<32x16xf32, #tpu.memory_space<hbm>> -> memref<1x16xf32, #tpu.memory_space<hbm>>
      %dma_wait3A_71 = tpu.memref_squeeze %dma_wait3A_70 : memref<1x16xf32, #tpu.memory_space<hbm>> -> memref<16xf32, #tpu.memory_space<hbm>>
      tpu.wait_dma2 semaphore(%run_scoped3A : memref<!tpu.dma_semaphore, #tpu.memory_space<semaphore_mem>>) src(%arg15 : memref<16xf32, #tpu.memory_space<vmem>>) dst(%dma_wait3A_71 : memref<16xf32, #tpu.memory_space<hbm>>)
      tpu.yield
    }) : () -> ()
    return
  }
}

module attributes {stable_mosaic.version = 14 : i64} {
  func.func @_tc_pre_body(%arg0: memref<4096x100xf32, #tpu.memory_space<vmem>>, %arg1: memref<4096x128xf32, #tpu.memory_space<vmem>>, %arg2: memref<4096x128xf32, #tpu.memory_space<vmem>>) attributes {dimension_semantics = [], scalar_prefetch = 0 : i64, scratch_operands = 0 : i64, tpu.core_type = #tpu.core_type<tc>} {
    %get3A = arith.constant 0 : index
    %get3A_0 = arith.constant 0 : index
    %get3A_1 = vector.load %arg0[%get3A, %get3A_0] : memref<4096x100xf32, #tpu.memory_space<vmem>>, vector<4096x100xf32>
    %iota3A = tpu.iota {dimensions = array<i32: 1>} : vector<4096x128xi32>
    %jit3A = arith.constant -1.000000e+30 : f32
    %pad3A = vector.broadcast %jit3A : f32 to vector<4096x28xf32>
    %pad3A_2 = tpu.concatenate %get3A_1, %pad3A in 1 : vector<4096x100xf32>, vector<4096x28xf32> -> vector<4096x128xf32>
    %reduce_max3A = arith.constant dense<0xFF800000> : vector<4096xf32>
    %reduce_max3A_3 = vector.multi_reduction <maximumf>, %pad3A_2, %reduce_max3A [1] : vector<4096x128xf32> to vector<4096xf32>
    %broadcast_in_dim3A = vector.shape_cast %reduce_max3A_3 : vector<4096xf32> to vector<4096x1xf32>
    %sub3A = vector.broadcast %broadcast_in_dim3A : vector<4096x1xf32> to vector<4096x128xf32>
    %sub3A_4 = arith.subf %pad3A_2, %sub3A : vector<4096x128xf32>
    %exp3A = math.exp %sub3A_4 : vector<4096x128xf32>
    %reduce_sum3A = arith.constant dense<0.000000e+00> : vector<4096xf32>
    %reduce_sum3A_5 = vector.multi_reduction <add>, %exp3A, %reduce_sum3A [1] : vector<4096x128xf32> to vector<4096xf32>
    %broadcast_in_dim3A_6 = vector.shape_cast %reduce_sum3A_5 : vector<4096xf32> to vector<4096x1xf32>
    %div3A = vector.broadcast %broadcast_in_dim3A_6 : vector<4096x1xf32> to vector<4096x128xf32>
    %div3A_7 = arith.divf %exp3A, %div3A : vector<4096x128xf32>
    %swap3A = arith.constant 0 : index
    %swap3A_8 = arith.constant 0 : index
    %swap3A_9 = vector.load %arg1[%swap3A, %swap3A_8] : memref<4096x128xf32, #tpu.memory_space<vmem>>, vector<4096x128xf32>
    tpu.vector_store %arg1[%swap3A, %swap3A_8], %div3A_7 {strides = array<i32>} : memref<4096x128xf32, #tpu.memory_space<vmem>>, vector<4096x128xf32>,
    %lt3A = arith.constant 100 : i32
    %lt3A_10 = vector.broadcast %lt3A : i32 to vector<4096x128xi32>
    %lt3A_11 = arith.cmpi slt, %iota3A, %lt3A_10 : vector<4096x128xi32>
    %log3A = math.log %broadcast_in_dim3A_6 : vector<4096x1xf32>
    %sub3A_12 = vector.broadcast %log3A : vector<4096x1xf32> to vector<4096x128xf32>
    %sub3A_13 = arith.subf %sub3A_4, %sub3A_12 : vector<4096x128xf32>
    %jit3A_14 = arith.constant 0.000000e+00 : f32
    %broadcast_in_dim3A_15 = vector.broadcast %jit3A_14 : f32 to vector<4096x128xf32>
    %select_n3A = arith.select %lt3A_11, %sub3A_13, %broadcast_in_dim3A_15 : vector<4096x128xi1>, vector<4096x128xf32>
    %swap3A_16 = arith.constant 0 : index
    %swap3A_17 = arith.constant 0 : index
    %swap3A_18 = vector.load %arg2[%swap3A_16, %swap3A_17] : memref<4096x128xf32, #tpu.memory_space<vmem>>, vector<4096x128xf32>
    tpu.vector_store %arg2[%swap3A_16, %swap3A_17], %select_n3A {strides = array<i32>} : memref<4096x128xf32, #tpu.memory_space<vmem>>, vector<4096x128xf32>,
    return
  }
}

module attributes {stable_mosaic.version = 14 : i64} {
  func.func @_tc_tail_body(%arg0: i32, %arg1: memref<100x1000000xf32, #tpu.memory_space<any>>, %arg2: memref<100x128xf32, #tpu.memory_space<vmem>>, %arg3: memref<4096x128xf32, #tpu.memory_space<vmem>>, %arg4: memref<4096x128xf32, #tpu.memory_space<vmem>>, %arg5: memref<4096x1xi32, #tpu.memory_space<vmem>>, %arg6: memref<32x16xf32, #tpu.memory_space<vmem>>, %arg7: memref<100x128xf32, #tpu.memory_space<vmem>>, %arg8: memref<1x1xf32, #tpu.memory_space<vmem>>) attributes {dimension_semantics = [#tpu.dimension_semantics<arbitrary>], iteration_bounds = array<i64: 1>, scalar_prefetch = 0 : i64, scratch_operands = 0 : i64, tpu.core_type = #tpu.core_type<tc>, window_params = [{}, {transform_indices = @transform_1, window_bounds = array<i64: 100, 128>}, {pipeline_mode = #tpu.pipeline_mode<synchronous>, transform_indices = @transform_2, window_bounds = array<i64: 4096, 128>}, {pipeline_mode = #tpu.pipeline_mode<synchronous>, transform_indices = @transform_3, window_bounds = array<i64: 4096, 128>}, {pipeline_mode = #tpu.pipeline_mode<synchronous>, transform_indices = @transform_4, window_bounds = array<i64: 4096, 1>}, {pipeline_mode = #tpu.pipeline_mode<synchronous>, transform_indices = @transform_5, window_bounds = array<i64: 32, 16>}, {transform_indices = @transform_6, window_bounds = array<i64: 100, 128>}, {pipeline_mode = #tpu.pipeline_mode<synchronous>, transform_indices = @transform_7, window_bounds = array<i64: 1, 1>}]} {
    %get3A = arith.constant 0 : index
    %get3A_0 = arith.constant 0 : index
    %get3A_1 = vector.load %arg2[%get3A, %get3A_0] : memref<100x128xf32, #tpu.memory_space<vmem>>, vector<100x128xf32>
    %get3A_2 = arith.constant 0 : index
    %get3A_3 = arith.constant 0 : index
    %get3A_4 = vector.load %arg5[%get3A_2, %get3A_3] : memref<4096x1xi32, #tpu.memory_space<vmem>>, vector<4096x1xi32>
    %iota3A = tpu.iota {dimensions = array<i32: 1>} : vector<1x128xi32>
    %add3A = arith.constant 999936 : i32
    %add3A_5 = vector.broadcast %add3A : i32 to vector<1x128xi32>
    %add3A_6 = arith.addi %iota3A, %add3A_5 : vector<1x128xi32>
    %eq3A = vector.broadcast %get3A_4 : vector<4096x1xi32> to vector<4096x128xi32>
    %eq3A_7 = vector.broadcast %add3A_6 : vector<1x128xi32> to vector<4096x128xi32>
    %eq3A_8 = arith.cmpi eq, %eq3A, %eq3A_7 : vector<4096x128xi32>
    %convert_element_type3A = arith.extui %eq3A_8 : vector<4096x128xi1> to vector<4096x128xi32>
    %convert_element_type3A_9 = arith.sitofp %convert_element_type3A : vector<4096x128xi32> to vector<4096x128xf32>
    %dot_general3A = arith.constant dense<0.000000e+00> : vector<4096x100xf32>
    %dot_general3A_10 = tpu.matmul %convert_element_type3A_9, %get3A_1, %dot_general3A {dimension_numbers = #tpu.dot_dimension_numbers<[1], [1], [0], [0], [0, 0, 1, 0], [], []>, transpose_lhs_hint = false} : vector<4096x128xf32>, vector<100x128xf32>, vector<4096x100xf32> -> vector<4096x100xf32>
    %ge3A = arith.constant 999936 : i32
    %ge3A_11 = vector.broadcast %ge3A : i32 to vector<4096x1xi32>
    %ge3A_12 = arith.cmpi sge, %get3A_4, %ge3A_11 : vector<4096x1xi32>
    %convert_element_type3A_13 = arith.extui %ge3A_12 : vector<4096x1xi1> to vector<4096x1xi32>
    %convert_element_type3A_14 = arith.sitofp %convert_element_type3A_13 : vector<4096x1xi32> to vector<4096x1xf32>
    %mul3A = arith.constant 0.899999976 : f32
    %mul3A_15 = vector.broadcast %mul3A : f32 to vector<4096x100xf32>
    %mul3A_16 = arith.mulf %mul3A_15, %dot_general3A_10 : vector<4096x100xf32>
    %get3A_17 = arith.constant 0 : index
    %get3A_18 = arith.constant 0 : index
    %get3A_19 = vector.load %arg3[%get3A_17, %get3A_18] : memref<4096x128xf32, #tpu.memory_space<vmem>>, vector<4096x100xf32>
    %mul3A_20 = arith.constant 1.000000e-01 : f32
    %mul3A_21 = vector.broadcast %mul3A_20 : f32 to vector<4096x100xf32>
    %mul3A_22 = arith.mulf %mul3A_21, %get3A_19 : vector<4096x100xf32>
    %add3A_23 = arith.addf %mul3A_16, %mul3A_22 : vector<4096x100xf32>
    %dot_general3A_24 = arith.constant dense<0.000000e+00> : vector<100x128xf32>
    %dot_general3A_25 = tpu.matmul %add3A_23, %convert_element_type3A_9, %dot_general3A_24 {dimension_numbers = #tpu.dot_dimension_numbers<[0], [0], [1], [1], [0, 1, 1, 1], [], []>, transpose_lhs_hint = false} : vector<4096x100xf32>, vector<4096x128xf32>, vector<100x128xf32> -> vector<100x128xf32>
    %reduce_max3A = arith.constant dense<0xFF800000> : vector<128xf32>
    %reduce_max3A_26 = vector.multi_reduction <maximumf>, %convert_element_type3A_9, %reduce_max3A [0] : vector<4096x128xf32> to vector<128xf32>
    %broadcast_in_dim3A = vector.shape_cast %reduce_max3A_26 : vector<128xf32> to vector<1x128xf32>
    %gt3A = arith.constant 0.000000e+00 : f32
    %gt3A_27 = vector.broadcast %gt3A : f32 to vector<1x128xf32>
    %gt3A_28 = arith.cmpf ogt, %broadcast_in_dim3A, %gt3A_27 : vector<1x128xf32>
    %broadcast_in_dim3A_29 = vector.shape_cast %gt3A_28 : vector<1x128xi1> to vector<1x128xi1>
    %broadcast_in_dim3A_30 = vector.broadcast %broadcast_in_dim3A_29 : vector<1x128xi1> to vector<100x128xi1>
    %select_n3A = arith.select %broadcast_in_dim3A_30, %dot_general3A_25, %get3A_1 : vector<100x128xi1>, vector<100x128xf32>
    %swap3A = arith.constant 0 : index
    %swap3A_31 = arith.constant 0 : index
    %swap3A_32 = vector.load %arg7[%swap3A, %swap3A_31] : memref<100x128xf32, #tpu.memory_space<vmem>>, vector<100x128xf32>
    tpu.vector_store %arg7[%swap3A, %swap3A_31], %select_n3A {strides = array<i32>} : memref<100x128xf32, #tpu.memory_space<vmem>>, vector<100x128xf32>,
    %get3A_33 = arith.constant 0 : index
    %get3A_34 = arith.constant 0 : index
    %get3A_35 = vector.load %arg4[%get3A_33, %get3A_34] : memref<4096x128xf32, #tpu.memory_space<vmem>>, vector<4096x100xf32>
    %mul3A_36 = arith.mulf %add3A_23, %get3A_35 : vector<4096x100xf32>
    %reduce_sum3A = arith.constant dense<0.000000e+00> : vector<4096xf32>
    %reduce_sum3A_37 = vector.multi_reduction <add>, %mul3A_36, %reduce_sum3A [1] : vector<4096x100xf32> to vector<4096xf32>
    %broadcast_in_dim3A_38 = vector.shape_cast %reduce_sum3A_37 : vector<4096xf32> to vector<4096x1xf32>
    %neg3A = arith.constant 0.000000e+00 : f32
    %neg3A_39 = vector.broadcast %neg3A : f32 to vector<4096x1xf32>
    %neg3A_40 = arith.subf %neg3A_39, %broadcast_in_dim3A_38 : vector<4096x1xf32>
    %reduce_max3A_41 = arith.constant dense<0xFF800000> : vector<4096xf32>
    %reduce_max3A_42 = vector.multi_reduction <maximumf>, %add3A_23, %reduce_max3A_41 [1] : vector<4096x100xf32> to vector<4096xf32>
    %broadcast_in_dim3A_43 = vector.shape_cast %reduce_max3A_42 : vector<4096xf32> to vector<4096x1xf32>
    %get3A_44 = arith.constant 0 : index
    %get3A_45 = arith.constant 0 : index
    %get3A_46 = vector.load %arg6[%get3A_44, %get3A_45] : memref<32x16xf32, #tpu.memory_space<vmem>>, vector<32x1xf32>
    %reduce_sum3A_47 = vector.shape_cast %get3A_46 : vector<32x1xf32> to vector<1x32x1xf32>
    %reduce_sum3A_48 = arith.constant dense<0.000000e+00> : vector<1xf32>
    %reduce_sum3A_49 = vector.multi_reduction <add>, %reduce_sum3A_47, %reduce_sum3A_48 [1, 2] : vector<1x32x1xf32> to vector<1xf32>
    %reduce_sum3A_50 = vector.shape_cast %reduce_sum3A_49 : vector<1xf32> to vector<1x1x1xf32>
    %reduce_sum3A_51 = vector.extract %reduce_sum3A_50[0, 0, 0] : f32 from vector<1x1x1xf32>
    %mul3A_52 = arith.mulf %neg3A_40, %convert_element_type3A_14 : vector<4096x1xf32>
    %reduce_sum3A_53 = vector.shape_cast %mul3A_52 : vector<4096x1xf32> to vector<1x4096x1xf32>
    %reduce_sum3A_54 = arith.constant dense<0.000000e+00> : vector<1xf32>
    %reduce_sum3A_55 = vector.multi_reduction <add>, %reduce_sum3A_53, %reduce_sum3A_54 [1, 2] : vector<1x4096x1xf32> to vector<1xf32>
    %reduce_sum3A_56 = vector.shape_cast %reduce_sum3A_55 : vector<1xf32> to vector<1x1x1xf32>
    %reduce_sum3A_57 = vector.extract %reduce_sum3A_56[0, 0, 0] : f32 from vector<1x1x1xf32>
    %add3A_58 = arith.addf %reduce_sum3A_51, %reduce_sum3A_57 : f32
    %get3A_59 = arith.constant 0 : index
    %get3A_60 = arith.constant 1 : index
    %get3A_61 = vector.load %arg6[%get3A_59, %get3A_60] : memref<32x16xf32, #tpu.memory_space<vmem>>, vector<32x1xf32>
    %reduce_sum3A_62 = vector.shape_cast %get3A_61 : vector<32x1xf32> to vector<1x32x1xf32>
    %reduce_sum3A_63 = arith.constant dense<0.000000e+00> : vector<1xf32>
    %reduce_sum3A_64 = vector.multi_reduction <add>, %reduce_sum3A_62, %reduce_sum3A_63 [1, 2] : vector<1x32x1xf32> to vector<1xf32>
    %reduce_sum3A_65 = vector.shape_cast %reduce_sum3A_64 : vector<1xf32> to vector<1x1x1xf32>
    %reduce_sum3A_66 = vector.extract %reduce_sum3A_65[0, 0, 0] : f32 from vector<1x1x1xf32>
    %mul3A_67 = arith.mulf %broadcast_in_dim3A_43, %convert_element_type3A_14 : vector<4096x1xf32>
    %reduce_sum3A_68 = vector.shape_cast %mul3A_67 : vector<4096x1xf32> to vector<1x4096x1xf32>
    %reduce_sum3A_69 = arith.constant dense<0.000000e+00> : vector<1xf32>
    %reduce_sum3A_70 = vector.multi_reduction <add>, %reduce_sum3A_68, %reduce_sum3A_69 [1, 2] : vector<1x4096x1xf32> to vector<1xf32>
    %reduce_sum3A_71 = vector.shape_cast %reduce_sum3A_70 : vector<1xf32> to vector<1x1x1xf32>
    %reduce_sum3A_72 = vector.extract %reduce_sum3A_71[0, 0, 0] : f32 from vector<1x1x1xf32>
    %add3A_73 = arith.addf %reduce_sum3A_66, %reduce_sum3A_72 : f32
    %div3A = arith.divf %add3A_58, %add3A_73 : f32
    %reshape3A = vector.broadcast %div3A : f32 to vector<1x1xf32>
    %swap3A_74 = arith.constant 0 : index
    %swap3A_75 = arith.constant 0 : index
    %swap3A_76 = vector.load %arg8[%swap3A_74, %swap3A_75] : memref<1x1xf32, #tpu.memory_space<vmem>>, vector<1x1xf32>
    tpu.vector_store %arg8[%swap3A_74, %swap3A_75], %reshape3A {strides = array<i32>} : memref<1x1xf32, #tpu.memory_space<vmem>>, vector<1x1xf32>,
    return
  }
  func.func @transform_1(%arg0: i32) -> (i32, i32) {
    %c0_i32 = arith.constant 0 : i32
    %c7812_i32 = arith.constant 7812 : i32
    %c0_i32_0 = arith.constant 0 : i32
    return %c0_i32, %c7812_i32 : i32, i32
  }
  func.func @transform_2(%arg0: i32) -> (i32, i32) {
    %c0_i32 = arith.constant 0 : i32
    %c0_i32_0 = arith.constant 0 : i32
    %c0_i32_1 = arith.constant 0 : i32
    return %c0_i32, %c0_i32_0 : i32, i32
  }
  func.func @transform_3(%arg0: i32) -> (i32, i32) {
    %c0_i32 = arith.constant 0 : i32
    %c0_i32_0 = arith.constant 0 : i32
    %c0_i32_1 = arith.constant 0 : i32
    return %c0_i32, %c0_i32_0 : i32, i32
  }
  func.func @transform_4(%arg0: i32) -> (i32, i32) {
    %c0_i32 = arith.constant 0 : i32
    %c0_i32_0 = arith.constant 0 : i32
    %c0_i32_1 = arith.constant 0 : i32
    return %c0_i32, %c0_i32_0 : i32, i32
  }
  func.func @transform_5(%arg0: i32) -> (i32, i32) {
    %c0_i32 = arith.constant 0 : i32
    %c0_i32_0 = arith.constant 0 : i32
    %c0_i32_1 = arith.constant 0 : i32
    return %c0_i32, %c0_i32_0 : i32, i32
  }
  func.func @transform_6(%arg0: i32) -> (i32, i32) {
    %c0_i32 = arith.constant 0 : i32
    %c7812_i32 = arith.constant 7812 : i32
    %c0_i32_0 = arith.constant 0 : i32
    return %c0_i32, %c7812_i32 : i32, i32
  }
  func.func @transform_7(%arg0: i32) -> (i32, i32) {
    %c0_i32 = arith.constant 0 : i32
    %c0_i32_0 = arith.constant 0 : i32
    %c0_i32_1 = arith.constant 0 : i32
    return %c0_i32, %c0_i32_0 : i32, i32
  }
}

</mosaic_0001>

<sc_bundles>
// kernel: branch_0_fun.5.cloned.1.call-start
scs
__scs_entry_jumppad:
0x0: {  	(pc) =	sbr.rel $0x88, $3  }
0x1: {  	(tag) =	ssettag $0x0;
	lr =	simm.s32 $0x1  }
0x2: {  	[smem:$0x3F9C] =	sst lr;
	_ =	strace $0xD0000000  }
0x3: {  	_ = 	snop  }
0x4: {  	_ = 	snop  }
0x5: {  	_ = 	snop  }
0x6: {  	_ = 	snop  }
0x7: {  	_ = 	snop  }
__scs_overlays_trampoline_lowered:
0x8: {  	[smem:$0x3FAB] =	sst s0  }
0x9: {  	[smem:$0x3FAC] =	sst s1  }
0xa: {  	[smem:$0x3FAD] =	sst s2  }
0xb: {  	[smem:$0x3FAE] =	sst s3  }
0xc: {  	[smem:$0x3FAF] =	sst s4  }
0xd: {  	[smem:$0x3FB0] =	sst s5  }
0xe: {  	[smem:$0x3FB1] =	sst s6  }
0xf: {  	[smem:$0x3FB2] =	sst s7  }
0x10: {  	[smem:$0x3FB3] =	sst s8  }
0x11: {  	[smem:$0x3FB4] =	sst s9;
	s0 =	simm.s32 @!p0 $0x0  }
0x12: {  	s1 =	sld [smem:$0x3F9A];
	s0 =	simm.s32 @p0 $0x1  }
0x13: {  	[smem:$0x3FB5] =	sst s0;
	s0 =	simm.s32 @!p1 $0x0  }
0x14: {  	s2 =	sld [smem:$0x3F99];
	s0 =	simm.s32 @p1 $0x1  }
0x15: {  	[smem:$0x3FB6] =	sst s0;
	s0 =	simm.s32 @!p2 $0x0  }
0x16: {  	s3 =	sld [smem:$0x3FDB];
	s0 =	simm.s32 @p2 $0x1  }
0x17: {  	s4 =	simm.s32 $0x1BF5;
	[smem:$0x3FB8] =	sst s0  }
0x18: {  	s0 =	sld [smem:$0x3F9B];
	_ =	swait.ge [sflag:s4], $0x0  }
0x19: {  	s7 =	sld [smem:$0x3F9C]  }
0x1a: {  	s8 =	sadd.s32 $0xFFFFE003, lr  }
0x1b: {  	s9 =	sadd.s32 $0xFFFFFEF7, lr;
	s5 =	simm.s32 $0xFFFFFFFF;
	p2 =	slt.u32 s8, $0xFFFFF086  }
0x1c: {  	p1 =	slt.u32 s9, $0xF7A;
	s5 =	simm.s32 @!p2 $0x0  }
0x1d: {  	s5 =	simm.s32 @p1 $0x1;
	p0 =	seq.s32 s7, s2  }
0x1e: {  	s7 =	smul.u32 @!p0 $0xF7A, s2;
	p2 =	seq.s32 @!p0 s5, $0x0  }
0x1f: {  	s9 =	smul.u32 $0xF7A, s1;
	s8 =	simm.s32 @!p0 $0x1BF5;
	p2 =	por !p2, p0  }
0x20: {  	[sflag:s8] =	ssyncset.s32 @!p0 $0xFFFFF086;
	s6 =	sadd.s32 @!p0 s3, s7;
	s7 =	simm.s32 @!p0 $0x108  }
0x21: {  	s3 =	sadd.s32 s3, s9;
	s6 =	sadd.s32 @!p0 $0x88, s6;
	s7 =	simm.s32 @p2 $0x1082  }
0x22: {  	[simem:s7], [sflag:s8] =	dma.local @!p0 [hbm:s6], $0xF7A  }
0x23: {  	s9 =	sor.u32 $0xD0000000, s2;
	s6 =	simm.s32 $0x108;
	_ =	swait.ge @!p0 [sflag:s8], $0x0  }
0x24: {  	s3 =	sadd.s32 $0x88, s3;
	s6 =	simm.s32 @!p1 $0x1082;
	[sflag:s4] =	ssyncset.s32 $0xFFFFF086  }
0x25: {  	[simem:s6], [sflag:s4] =	dma.local [hbm:s3], $0xF7A  }
0x26: {  	[smem:$0x3F9C] =	sst s1;
	(tag) =	ssettag s2;
	_ =	strace s9  }
0x27: {  	s1 =	sld [smem:$0x3FAC]  }
0x28: {  	s2 =	sld [smem:$0x3FAD]  }
0x29: {  	s4 =	sld [smem:$0x3FAF]  }
0x2a: {  	p0 =	seq.s32 s5, $0x0;
	s5 =	sld [smem:$0x3FB0]  }
0x2b: {  	s6 =	sld [smem:$0x3FB1]  }
0x2c: {  	s7 =	sld [smem:$0x3FB2]  }
0x2d: {  	s3 =	simm.s32 $0x108;
	s8 =	sld [smem:$0x3FB3]  }
0x2e: {  	s3 =	simm.s32 @!p0 $0x1082;
	s9 =	sld [smem:$0x3FB4]  }
0x2f: {  	lr =	sadd.s32 s0, s3;
	s0 =	sld [smem:$0x3FAB]  }
0x30: {  	s3 =	sld [smem:$0x3FAE]  }
0x31: {  	[smem:$0x3FB7] =	sst s10  }
0x32: {  	s10 =	sld [smem:$0x3FB5];
	_ =	sdelay $0x3  }
0x33: {  	p0 =	seq.s32 s10, $0x1;
	s10 =	sld [smem:$0x3FB7];
	_ =	sdelay $0x3  }
0x34: {  	[smem:$0x3FB7] =	sst s10  }
0x35: {  	s10 =	sld [smem:$0x3FB6];
	_ =	sdelay $0x3  }
0x36: {  	p1 =	seq.s32 s10, $0x1;
	s10 =	sld [smem:$0x3FB7];
	_ =	sdelay $0x3  }
0x37: {  	[smem:$0x3FB7] =	sst s10  }
0x38: {  	s10 =	sld [smem:$0x3FB8]  }
0x39: {  	_ = 	snop;
	(pc) =	sbr.ind lr, $3  }
0x3a: {  	_ = 	snop  }
0x3b: {  	_ = 	snop  }
0x3c: {  	p2 =	seq.s32 s10, $0x1;
	s10 =	sld [smem:$0x3FB7]  }
0x3d: {  	_ =	shalt  }
0x3e: {  	_ =	shalt  }
0x3f: {  	_ =	shalt  }
0x40: {  	_ =	shalt  }
0x41: {  	_ =	shalt  }
0x42: {  	_ =	shalt  }
0x43: {  	_ =	shalt  }
0x44: {  	_ =	shalt  }
0x45: {  	_ =	shalt  }
0x46: {  	_ =	shalt  }
0x47: {  	_ =	shalt  }
0x48: {  	_ =	shalt  }
0x49: {  	_ =	shalt  }
0x4a: {  	_ =	shalt  }
0x4b: {  	_ =	shalt  }
0x4c: {  	_ =	shalt  }
0x4d: {  	_ =	shalt  }
0x4e: {  	_ =	shalt  }
0x4f: {  	_ =	shalt  }
0x50: {  	_ =	shalt  }
0x51: {  	_ =	shalt  }
0x52: {  	_ =	shalt  }
0x53: {  	_ =	shalt  }
0x54: {  	_ =	shalt  }
0x55: {  	_ =	shalt  }
0x56: {  	_ =	shalt  }
0x57: {  	_ =	shalt  }
0x58: {  	_ =	shalt  }
0x59: {  	_ =	shalt  }
0x5a: {  	_ =	shalt  }
0x5b: {  	_ =	shalt  }
0x5c: {  	_ =	shalt  }
0x5d: {  	_ =	shalt  }
0x5e: {  	_ =	shalt  }
0x5f: {  	_ =	shalt  }
0x60: {  	_ =	shalt  }
0x61: {  	_ =	shalt  }
0x62: {  	_ =	shalt  }
0x63: {  	_ =	shalt  }
0x64: {  	_ =	shalt  }
0x65: {  	_ =	shalt  }
0x66: {  	_ =	shalt  }
0x67: {  	_ =	shalt  }
0x68: {  	_ =	shalt  }
0x69: {  	_ =	shalt  }
0x6a: {  	_ =	shalt  }
0x6b: {  	_ =	shalt  }
0x6c: {  	_ =	shalt  }
0x6d: {  	_ =	shalt  }
0x6e: {  	_ =	shalt  }
0x6f: {  	_ =	shalt  }
0x70: {  	_ =	shalt  }
0x71: {  	_ =	shalt  }
0x72: {  	_ =	shalt  }
0x73: {  	_ =	shalt  }
0x74: {  	_ =	shalt  }
0x75: {  	_ =	shalt  }
0x76: {  	_ =	shalt  }
0x77: {  	_ =	shalt  }
0x78: {  	_ =	shalt  }
0x79: {  	_ =	shalt  }
0x7a: {  	_ =	shalt  }
0x7b: {  	_ =	shalt  }
0x7c: {  	_ =	shalt  }
0x7d: {  	_ =	shalt  }
0x7e: {  	_ =	shalt  }
0x7f: {  	_ =	shalt  }
0x80: {  	_ =	shalt  }
0x81: {  	_ =	shalt  }
0x82: {  	_ =	shalt  }
0x83: {  	_ =	shalt  }
0x84: {  	_ =	shalt  }
0x85: {  	_ =	shalt  }
0x86: {  	_ =	shalt  }
0x87: {  	_ =	shalt  }
.Lfunc_end0:
.L_simem_size_0:
called_computation.1_lowered:
.L_overlay_start_0:
0x88: {  	s2 =	sld [smem:$0x3FD9]  }
0x89: {  	s3 =	sld [smem:$0x3FFE];
	_ =	sdelay $0x1  }
0x8a: {  	s1 =	srdreg.scid  }
0x8b: {  	s0 =	sand.u32 $0x1, s1  }
0x8c: {  	s14 =	sshll.u32 s0, $0xA;
	s2 =	sadd.s32 s3, s2  }
0x8d: {  	s2 =	sadd.s32 s2, s14  }
0x8e: {  	[smem:$0x3FC3] =	sst s2  }
0x8f: {  	_ = 	snop  }
0x90: {  	s2 =	sld [smem:$0x3FD0];
	_ =	sdelay $0x1  }
0x91: {  	s15 =	sld [smem:$0x3FC7]  }
0x92: {  	s5 =	simm.s32 $0xA;
	s6 =	simm.s32 $0x10;
	s4 =	sld [smem:$0x3FC5]  }
0x93: {  	[smem:s6], [sflag:s5] =	dma.local [hbm:s2], $0x1  }
0x94: {  	_ =	swait.eq [sflag:s5], $0x1  }
0x95: {  	[sflag:s5] =	ssyncset.done $0x0  }
0x96: {  	[sflag:s5] =	ssyncadd.s32 $0xFFFFFFFF  }
0x97: {  	s16 =	sld [smem:$0x11];
	(tm) =	ssettm $0x1  }
0x98: {  	s17 =	sld [smem:$0x3FFB];
	_ =	sdelay $0x3  }
0x99: {  	_ =	strace s17  }
0x9a: {  	s5 =	sld [smem:$0x3FFC];
	_ =	sdelay $0x3  }
0x9b: {  	_ =	strace s5  }
0x9c: {  	s5 =	sld [smem:$0x3FFD];
	_ =	sdelay $0x3  }
0x9d: {  	_ =	strace s5  }
0x9e: {  	_ =	strace $0x8FFFFFFF  }
0x9f: {  	s18 =	sld [smem:$0x3FDB];
	_ =	sdelay $0x1  }
0xa0: {  	s19 =	simm.s32 $_scs_section_size  }
0xa1: {  	s7 =	simm.s32 $_size__tile_overlayer_lowered;
	s8 =	simm.s32 $_tile_overlayer_lowered  }
0xa2: {  	s22 =	simm.s32 $0x1BFF;
	s21 =	sshll.u32 s8, $0x1;
	s5 =	sadd.s32 s19, s18  }
0xa3: {  	s9 =	simm.s32 $0x0;
	s20 =	sshll.u32 s7, $0x1;
	s7 =	sadd.s32 s21, s5  }
0xa4: {  	[timem:s9], [sflag:s22] =	dma.local [hbm:s7], s20  }
0xa5: {  	_ =	swait.ge [sflag:s22], s20  }
0xa6: {  	s6 =	ssub.s32 $0x0, s20;
	[sflag:s22] =	ssyncset.done $0x0  }
0xa7: {  	[sflag:s22] =	ssyncadd.s32 s6;
	_ =	sdelay $0x1  }
0xa8: {  	s23 =	simm.s32 $0x1B8B  }
0xa9: {  	_ =	swait.ge [sflag:s23], $0x1  }
0xaa: {  	[sflag:s23] =	ssyncset.done $0x0  }
0xab: {  	s25 =	simm.s32 $0x1B8E;
	s24 =	sld [smem:$0x3FFE];
	[sflag:s23] =	ssyncadd.s32 $0xFFFFFFFF  }
0xac: {  	s26 =	simm.s32 $execute0_lowered;
	[smem:$0x3FD2] =	sst s25  }
0xad: {  	s7 =	sshll.u32 s26, $0x1;
	_ =	strace $0x80000046;
	[dreg:$0x1] =	wrdreg $0xFFFFFFFF  }
0xae: {  	s28 =	simm.s32 $_size_execute0_lowered;
	s5 =	sadd.s32 s5, s7;
	[dreg:$0x0] =	wrdreg $0x0  }
0xaf: {  	s7 =	sshll.u32 s28, $0x1;
	[dreg:$0x2] =	wrdreg s5  }
0xb0: {  	[dreg:$0x3] =	wrdreg s7  }
0xb1: {  	[dreg:$0x4] =	wrdreg $0xC0  }
0xb2: {  	_ =	task [dreg:s9], $0x5FFFF  }
0xb3: {  	[dreg:$0x1] =	wrdreg $0xFFFFFFFF  }
0xb4: {  	[dreg:$0x0] =	wrdreg $0x60  }
0xb5: {  	[dreg:$0x2] =	wrdreg s4  }
0xb6: {  	[dreg:$0x3] =	wrdreg s15  }
0xb7: {  	[dreg:$0x4] =	wrdreg s24  }
0xb8: {  	[dreg:$0x5] =	wrdreg s16  }
0xb9: {  	[dreg:$0x6] =	wrdreg $0x9  }
0xba: {  	_ =	task.clear_ibuf [dreg:s9], $0x7FFFF;
	_ =	strace $0x90000046  }
0xbb: {  	s29 =	simm.s32 $0x9;
	_ =	strace $0x80000048  }
0xbc: {  	_ =	swait.ge [sflag:s29], $0x1  }
0xbd: {  	[sflag:s29] =	ssyncadd.s32 $0xFFFFFFFF  }
0xbe: {  	_ =	strace $0x90000048  }
0xbf: {  	_ =	sfence  }
0xc0: {  	s30 =	sld [smem:$0x0];
	_ =	sdelay $0x2  }
0xc1: {  	s31 =	sshll.u32 s1, $0xD;
	s1 =	sshrl.u32 s1, $0x2  }
0xc2: {  	s3 =	sand.u32 $0x4000, s31;
	s1 =	sadd.s32 s1, s30  }
0xc3: {  	s0 =	sor.u32 s3, s0;
	s1 =	sshll.u32 s1, $0x11  }
0xc4: {  	s0 =	sor.u32 s1, s0  }
0xc5: {  	s0 =	sadd.s32 $0x8F2B, s0  }
0xc6: {  	[sflag:s0] =	ssyncadd.remote.s32 $0x1  }
0xc7: {  	_ =	sfence.sel $0xFFFF  }
0xc8: {  	[dreg:$0x0] =	wrdreg $0xFFFFFFFF;
	(pc) =	sbr.abs _section_cstart, $3  }
0xc9: {  	[dreg:$0x1] =	wrdreg $0xFFFFFFFF  }
0xca: {  	_ =	task.clear_ibuf [dreg:s9], $0x2FFFF;
	_ =	strace $0x9FFFFFFF  }
0xcb: {  	(tm) =	ssettm $0x7FFFFFFF  }
tec
execute0_lowered:
.L_overlay_start_1:
0x0: {  	(tag) =	ssettag $0x1  }
0x1: {  	v0 =	vimm.s32 $0x1380  }
0x2: {  	vm0 =	vcmask $0x300;
	vm1 =	vcmask $0x704;
	vm14 =	vcmask $0xB08  }
0x3: {  	vm13 =	vcmask $0xF0C;
	vm12 =	vcmask $0x1310;
	vm11 =	vcmask $0x1714  }
0x4: {  	vm10 =	vcmask $0x1B18;
	vm9 =	vcmask $0x1F1C;
	vm8 =	vcmask $0x2320  }
0x5: {  	vm7 =	vcmask $0x2724;
	vm6 =	vcmask $0x2B28;
	vm5 =	vcmask $0x2F2C  }
0x6: {  	vm4 =	vcmask $0x3330;
	vm2 =	vcmask $0x3734;
	vm3 =	vcmask $0x3B38  }
0x7: {  	v4 =	vimm.s32 $0x3380;
	v5 =	vimm.s32 $0x5380;
	v6 =	vimm.s32 $0x7380  }
0x8: {  	v7 =	vimm.s32 $0x9380;
	v8 =	vimm.s32 $0xB380;
	v9 =	vimm.s32 $0xD380  }
0x9: {  	vm15 =	vcmask $0xF00;
	v0 =	vsel vm0, $0x0, v0;
	v4 =	vsel vm0, $0x2000, v4  }
0xa: {  	v5 =	vsel vm0, $0x4000, v5;
	v6 =	vsel vm0, $0x6000, v6;
	v7 =	vsel vm0, $0x8000, v7  }
0xb: {  	v8 =	vsel vm0, $0xA000, v8;
	v9 =	vsel vm0, $0xC000, v9;
	v0 =	vsel vm1, $0x80, v0  }
0xc: {  	v4 =	vsel vm1, $0x2080, v4;
	v5 =	vsel vm1, $0x4080, v5;
	v6 =	vsel vm1, $0x6080, v6  }
0xd: {  	v7 =	vsel vm1, $0x8080, v7;
	v8 =	vsel vm1, $0xA080, v8;
	v9 =	vsel vm1, $0xC080, v9  }
0xe: {  	v0 =	vsel vm14, $0x100, v0;
	v4 =	vsel vm14, $0x2100, v4;
	v5 =	vsel vm14, $0x4100, v5  }
0xf: {  	v6 =	vsel vm14, $0x6100, v6;
	v7 =	vsel vm14, $0x8100, v7;
	v8 =	vsel vm14, $0xA100, v8  }
0x10: {  	v9 =	vsel vm14, $0xC100, v9;
	v0 =	vsel vm13, $0x180, v0;
	v4 =	vsel vm13, $0x2180, v4  }
0x11: {  	v5 =	vsel vm13, $0x4180, v5;
	v6 =	vsel vm13, $0x6180, v6;
	v7 =	vsel vm13, $0x8180, v7  }
0x12: {  	v8 =	vsel vm13, $0xA180, v8;
	v9 =	vsel vm13, $0xC180, v9;
	v0 =	vsel vm12, $0x200, v0  }
0x13: {  	v4 =	vsel vm12, $0x2200, v4;
	v5 =	vsel vm12, $0x4200, v5;
	v6 =	vsel vm12, $0x6200, v6  }
0x14: {  	v7 =	vsel vm12, $0x8200, v7;
	v8 =	vsel vm12, $0xA200, v8;
	v9 =	vsel vm12, $0xC200, v9  }
0x15: {  	v0 =	vsel vm11, $0x280, v0;
	v4 =	vsel vm11, $0x2280, v4;
	v5 =	vsel vm11, $0x4280, v5  }
0x16: {  	v6 =	vsel vm11, $0x6280, v6;
	v7 =	vsel vm11, $0x8280, v7;
	v8 =	vsel vm11, $0xA280, v8  }
0x17: {  	v9 =	vsel vm11, $0xC280, v9;
	v0 =	vsel vm10, $0x300, v0;
	v4 =	vsel vm10, $0x2300, v4  }
0x18: {  	v5 =	vsel vm10, $0x4300, v5;
	v6 =	vsel vm10, $0x6300, v6;
	v7 =	vsel vm10, $0x8300, v7  }
0x19: {  	v8 =	vsel vm10, $0xA300, v8;
	v9 =	vsel vm10, $0xC300, v9;
	v0 =	vsel vm9, $0x380, v0  }
0x1a: {  	v4 =	vsel vm9, $0x2380, v4;
	v5 =	vsel vm9, $0x4380, v5;
	v6 =	vsel vm9, $0x6380, v6  }
0x1b: {  	s0 =	srdreg.scid;
	s1 =	stileid.u32;
	v7 =	vsel vm9, $0x8380, v7;
	v8 =	vsel vm9, $0xA380, v8;
	v9 =	vsel vm9, $0xC380, v9  }
0x1c: {  	s2 =	sand.u32 $0x1, s0;
	s28 =	sshll.u32 s1, $0x1;
	v0 =	vsel vm8, $0x1000, v0;
	v4 =	vsel vm8, $0x3000, v4;
	v5 =	vsel vm8, $0x5000, v5  }
0x1d: {  	s0 =	sor.u32 s2, s28;
	v6 =	vsel vm8, $0x7000, v6;
	v7 =	vsel vm8, $0x9000, v7;
	v8 =	vsel vm8, $0xB000, v8  }
0x1e: {  	v9 =	vsel vm8, $0xD000, v9;
	v1 =	vsel vm7, $0x1080, v0;
	v0 =	vmov s0  }
0x1f: {  	v4 =	vsel vm7, $0x3080, v4;
	v5 =	vsel vm7, $0x5080, v5;
	v6 =	vsel vm7, $0x7080, v6  }
0x20: {  	v7 =	vsel vm7, $0x9080, v7;
	v8 =	vsel vm7, $0xB080, v8;
	v9 =	vsel vm7, $0xD080, v9  }
0x21: {  	v2 =	vsel vm6, $0x1100, v1;
	v1 =	vimm.f32 $0.0e+00;
	v4 =	vsel vm6, $0x3100, v4  }
0x22: {  	s3 =	rddreg [dreg:$0x2];
	v5 =	vsel vm6, $0x5100, v5;
	v6 =	vsel vm6, $0x7100, v6;
	v7 =	vsel vm6, $0x9100, v7  }
0x23: {  	s4 =	rddreg [dreg:$0x3];
	v8 =	vsel vm6, $0xB100, v8;
	v9 =	vsel vm6, $0xD100, v9;
	v3 =	vsel vm5, $0x1180, v2  }
0x24: {  	s5 =	simm.s32 $0x0;
	s14 =	simm.s32 $0x1000;
	s16 =	simm.s32 $0x7A1400;
	v2 =	vlaneseq.u32;
	v4 =	vsel vm5, $0x3180, v4;
	v5 =	vsel vm5, $0x5180, v5  }
0x25: {  	s17 =	simm.s32 $0x3180;
	s18 =	simm.s32 $0x10180;
	s19 =	simm.s32 $0x3;
	v6 =	vsel vm5, $0x7180, v6;
	v7 =	vsel vm5, $0x9180, v7;
	v8 =	vsel vm5, $0xB180, v8  }
0x26: {  	s20 =	simm.s32 $0x1;
	s23 =	simm.s32 $0x0;
	s1 =	rddreg [dreg:$0x0];
	v9 =	vsel vm5, $0xD180, v9;
	v10 =	vsel vm15, $0x3F800000, v1;
	v3 =	vsel vm4, $0x1200, v3  }
0x27: {  	[smem:$0x7FF] =	sst s5;
	s6 =	sadd.s32 $0x1800, s3;
	s7 =	sadd.s32 $0x11800, s3;
	v4 =	vsel vm4, $0x3200, v4;
	v5 =	vsel vm4, $0x5200, v5;
	v6 =	vsel vm4, $0x7200, v6  }
0x28: {  	_ =	strace $0x80000047;
	s2 =	ssub.s32 $0x2, s2;
	s8 =	sshll.u32 s0, $0x4;
	v7 =	vsel vm4, $0x9200, v7;
	v8 =	vsel vm4, $0xB200, v8;
	v9 =	vsel vm4, $0xD200, v9  }
.Ltmp0:
0x29: {  	s29 =	sshrl.u32 s2, $0x1;
	s3 =	sadd.s32 s8, s3;
	v3 =	vsel vm2, $0x1280, v3;
	v4 =	vsel vm2, $0x3280, v4;
	v5 =	vsel vm2, $0x5280, v5;
	(pc) =	sbr.rel .LBB2_1-.Ltmp0, $4  }
0x2a: {  	s9 =	ssub.s32 $0x7A0, s0;
	s2 =	ssub.s32 s2, s29;
	s30 =	sadd.s32 $0x21800, s3;
	v6 =	vsel vm2, $0x7280, v6;
	v7 =	vsel vm2, $0x9280, v7;
	v8 =	vsel vm2, $0xB280, v8  }
0x2b: {  	s8 =	sshll.u32 s0, $0x9;
	s31 =	smax.u32 s2, $0x1;
	[dreg:$0x6] =	wrdreg s30;
	v9 =	vsel vm2, $0xD280, v9;
	vm2 =	vmmov $0xf;
	v3 =	vsel vm3, $0x1300, v3  }
0x2c: {  	s9 =	sshrl.u32 s9, $0x5;
	[dreg:$0x7] =	wrdreg s31;
	s0 =	sadd.s32 s1, s8;
	v4 =	vsel vm3, $0x3300, v4;
	v5 =	vsel vm3, $0x5300, v5;
	v6 =	vsel vm3, $0x7300, v6  }
0x2d: {  	s11 =	sor.u32 $0x4000, s8;
	s2 =	simm.s32 $0x4;
	[dreg:$0x5] =	wrdreg s0;
	v7 =	vsel vm3, $0x9300, v7;
	v8 =	vsel vm3, $0xB300, v8;
	v9 =	vsel vm3, $0xD300, v9  }
.LBB2_46:
0x2e: {  	s0 =	simm.s32 $0x2  }
0x2f: {  	_ =	swait.ge [sflag:s0], $0xD000  }
0x30: {  	[sflag:s0] =	ssyncset.done $0x0  }
0x31: {  	[sflag:s0] =	ssyncadd.s32 $0xFFFF3000  }
0x32: {  	_ =	swait.ge [sflag:s0], $0xD000  }
0x33: {  	[sflag:s0] =	ssyncset.done $0x0  }
0x34: {  	[sflag:s0] =	ssyncadd.s32 $0xFFFF3000  }
0x35: {  	v11 =	vld [tilespmem:$0x1F200];
	_ =	sdelay $0x4  }
0x36: {  	s2 =	simm.s32 $0x1F180;
	s30 =	rddreg [dreg:$0x6];
	[tilespmem:$0x1F180] =	vst v11  }
0x37: {  	[hbm4b:s30+s5] =	stream.linear.scatter [tilespmem:s2], [sflag:$0x4], $0x80, $0x38;
	[tilespmem:$0x1F280] =	vst v63  }
0x38: {  	s2 =	simm.s32 $0x4  }
0x39: {  	_ =	swait.ge [sflag:s2], $0x80  }
0x3a: {  	s23 =	sadd.s32 $0x1, s23;
	s31 =	rddreg [dreg:$0x7]  }
0x3b: {  	p0 =	sne.s32 s23, s31  }
.Ltmp1:
0x3c: {  	_ = 	snop;
	(pc) =	sbr.rel @!p0 .LBB2_47-.Ltmp1, $3  }
0x3d: {  	_ =	sdelay $0x1  }
0x3e: {  	[sflag:s2] =	ssyncset.done $0x0  }
0x3f: {  	[sflag:s2] =	ssyncadd.s32 $0xFFFFFF80  }
.LBB2_1:
0x40: {  	[tilespmem:$0x1F200] =	vst v1;
	s0 =	rddreg [dreg:$0x1]  }
0x41: {  	[tilespmem:s5], [sflag:$0x4] =	stream.linear.gather [hbm4b:s0+s5], $0x1000, $0x38;
	[tilespmem:$0x1F280] =	vst v63  }
0x42: {  	_ =	swait.ge [sflag:s2], $0x1000  }
0x43: {  	[sflag:s2] =	ssyncset.done $0x0  }
0x44: {  	[sflag:s2] =	ssyncadd.s32 $0xFFFFF000  }
0x45: {  	v11 =	vld [tilespmem:s5+$0x0];
	_ =	sdelay $0x4  }
0x46: {  	v12 =	vshrl.u32 v11, $0x9  }
0x47: {  	v12 =	vand.u32 $0x1F, v12  }
0x48: {  	vm4 =	vlt.s32 v11, $0xF4200;
	vm3 =	veq.s32 v12, v0  }
0x49: {  	vm3 =	vmand vm4, vm3  }
0x4a: {  	v63 =	vmpcnt.ones.xlane vm3;
	_ =	sdelay $0x1  }
0x4b: {  	v12 =	vxor.u32 $0x80000000, v63  }
0x4c: {  	(xrf0) =	vmax.scan.msk.u32 $0xffff, v12;
	_ =	sdelay $0x2  }
0x4d: {  	[tilespmem:s5+$0x1080] =	vst.msk vm3, v11;
	v11 =	vor.u32 s5, v2;
	_ =	sdelay $0x2  }
0x4e: {  	[tilespmem:s5+$0x2100] =	vst.msk vm3, v11;
	v11, _, _ =	vpop (xrf0)  }
0x4f: {  	s0 =	simm.s32 $0x10;
	(v2sf) =	vpush v11, $0xF  }
0x50: {  	s3 =	simm.s32 $0x20;
	s10 =	simm.s32 $0x10;
	s2 =	simm.s32 $0x0;
	v11 =	vld [tilespmem:s0+$0x0]  }
.LBB2_2:
0x51: {  	p0 =	sne.s32 s3, $0xFF0;
	_ =	sdelay $0x3  }
0x52: {  	v12 =	vshrl.u32 v11, $0x9  }
0x53: {  	v12 =	vand.u32 $0x1F, v12  }
0x54: {  	vm4 =	vlt.s32 v11, $0xF4200;
	vm3 =	veq.s32 v12, v0  }
0x55: {  	vm3 =	vmand vm4, vm3  }
0x56: {  	v12 =	vmpcnt.ones.xlane vm3;
	_ =	sdelay $0x1  }
0x57: {  	v12 =	vxor.u32 $0x80000000, v12  }
0x58: {  	(xrf0) =	vmax.scan.msk.u32 $0xffff, v12;
	_ =	sdelay $0x1  }
0x59: {  	s22 =	spop (v2sf)  }
0x5a: {  	s2 =	sadd.s32 s22, s2  }
.Ltmp2:
0x5b: {  	s2 =	sadd.s32 $0x80000000, s2;
	(pc) =	sbr.rel @p0 .LBB2_2-.Ltmp2, $4  }
0x5c: {  	v12 =	vor.u32 s0, v2;
	s0 =	smov.u32 s3;
	[tilespmem:s2+$0x1080] =	vst.msk vm3, v11  }
0x5d: {  	[tilespmem:s2+$0x2100] =	vst.msk vm3, v12;
	v11, _, _ =	vpop (xrf0)  }
0x5e: {  	s10 =	sadd.s32 $0x10, s10;
	(v2sf) =	vpush v11, $0xF  }
0x5f: {  	s3 =	sadd.s32 $0x10, s3;
	v11 =	vld [tilespmem:s10+$0x0]  }
0x60: {  	_ =	sdelay $0x3  }
0x61: {  	v12 =	vshrl.u32 v11, $0x9  }
0x62: {  	v12 =	vand.u32 $0x1F, v12  }
0x63: {  	vm4 =	vlt.s32 v11, $0xF4200;
	vm3 =	veq.s32 v12, v0  }
0x64: {  	vm3 =	vmand vm4, vm3  }
0x65: {  	v63 =	vmpcnt.ones.xlane vm3;
	_ =	sdelay $0x1  }
0x66: {  	v12 =	vxor.u32 $0x80000000, v63  }
0x67: {  	(xrf0) =	vmax.scan.msk.u32 $0xffff, v12;
	_ =	sdelay $0x5  }
0x68: {  	v12, _, _ =	vpop (xrf0)  }
0x69: {  	(v2sf) =	vpush v12, $0xF;
	_ =	sdelay $0x8  }
0x6a: {  	s3 =	spop (v2sf)  }
0x6b: {  	s2 =	sadd.s32 s3, s2  }
0x6c: {  	s2 =	sadd.s32 $0x80000000, s2  }
0x6d: {  	[tilespmem:s2+$0x1080] =	vst.msk vm3, v11;
	v11 =	vor.u32 s0, v2  }
0x6e: {  	s31 =	rddreg [dreg:$0x5];
	[tilespmem:s2+$0x2100] =	vst.msk vm3, v11  }
0x6f: {  	[tilespmem:s17], [sflag:$0x1] =	stream.strided.gather [hbm4b:s31+s14], $0xD000, s16, s14, $0x38;
	[tilespmem:$0x1F280] =	vst v63  }
0x70: {  	s28 =	spop (v2sf)  }
.Ltmp3:
0x71: {  	s3 =	sadd.s32 s28, s2;
	(pc) =	sbr.rel .LBB2_4-.Ltmp3, $4  }
0x72: {  	s29 =	sadd.s32 $0x80000000, s3  }
0x73: {  	s30 =	sadd.s32 $0xF, s29  }
0x74: {  	s24 =	sshra.s32 s30, $0x4  }
0x75: {  	s25 =	simm.s32 $0x0;
	v11 =	vmov s29;
	p0 =	slt.s32 s24, $0x1  }
.LBB2_39:
0x76: {  	s3 =	simm.s32 $0x1E1B0;
	s22 =	simm.s32 $0x1D1B0  }
.LBB2_43:
0x77: {  	_ =	sdelay $0x2  }
0x78: {  	[tilespmem:$0x1F200] =	vst @p1 v14;
	s0 =	sadd.s32 @p1 $0x80, s22  }
0x79: {  	v14 =	vld.idx.msk [tilespmem:v13+s18+$0x0], $0xffff;
	s30 =	smov.u32 @p1 s0  }
0x7a: {  	v15 =	vld [tilespmem:s30+$0xFFFFFFD0];
	_ =	sdelay $0x4  }
0x7b: {  	v16 =	vadd.s32 v4, v12;
	v14 =	vmul.f32 $8.999999760e-01, v14;
	v15 =	vmul.f32 $1.000000010e-01, v15;
	_ =	sdelay $0x1  }
0x7c: {  	s0 =	sadd.s32 @p1 $0x80, s3;
	v14 =	vadd.f32 v15, v14  }
0x7d: {  	s29 =	smov.u32 @p1 s0  }
0x7e: {  	v48 =	vld [tilespmem:s29+$0xFFFFFFD0];
	[tilespmem:v13+s18+$0x0] =	vst.idx.msk $0xffff, v14  }
0x7f: {  	v13 =	vld.idx.msk [tilespmem:v16+s18+$0x0], $0xffff  }
0x80: {  	v17 =	vld [tilespmem:s30+$0xFFFFFFE0];
	_ =	sdelay $0x4  }
0x81: {  	v18 =	vadd.s32 v5, v12;
	v13 =	vmul.f32 $8.999999760e-01, v13;
	v17 =	vmul.f32 $1.000000010e-01, v17;
	_ =	sdelay $0x1  }
0x82: {  	v13 =	vadd.f32 v17, v13;
	_ =	sdelay $0x1  }
0x83: {  	v49 =	vld [tilespmem:s29+$0xFFFFFFE0];
	[tilespmem:v16+s18+$0x0] =	vst.idx.msk $0xffff, v13  }
0x84: {  	v16 =	vld.idx.msk [tilespmem:v18+s18+$0x0], $0xffff  }
0x85: {  	v19 =	vld [tilespmem:s30+$0xFFFFFFF0];
	_ =	sdelay $0x4  }
0x86: {  	v20 =	vadd.s32 v6, v12;
	v16 =	vmul.f32 $8.999999760e-01, v16;
	v19 =	vmul.f32 $1.000000010e-01, v19;
	_ =	sdelay $0x1  }
0x87: {  	v16 =	vadd.f32 v19, v16;
	_ =	sdelay $0x1  }
0x88: {  	v50 =	vld [tilespmem:s29+$0xFFFFFFF0];
	[tilespmem:v18+s18+$0x0] =	vst.idx.msk $0xffff, v16  }
0x89: {  	v18 =	vld.idx.msk [tilespmem:v20+s18+$0x0], $0xffff  }
0x8a: {  	v21 =	vld [tilespmem:s30+$0x0];
	_ =	sdelay $0x4  }
0x8b: {  	v22 =	vadd.s32 v7, v12;
	v18 =	vmul.f32 $8.999999760e-01, v18;
	v21 =	vmul.f32 $1.000000010e-01, v21;
	_ =	sdelay $0x1  }
0x8c: {  	v18 =	vadd.f32 v21, v18;
	_ =	sdelay $0x1  }
0x8d: {  	v51 =	vld [tilespmem:s29+$0x0];
	[tilespmem:v20+s18+$0x0] =	vst.idx.msk $0xffff, v18  }
0x8e: {  	v20 =	vld.idx.msk [tilespmem:v22+s18+$0x0], $0xffff  }
0x8f: {  	v23 =	vld [tilespmem:s30+$0x10];
	_ =	sdelay $0x4  }
0x90: {  	v24 =	vadd.s32 v8, v12;
	v20 =	vmul.f32 $8.999999760e-01, v20;
	v23 =	vmul.f32 $1.000000010e-01, v23;
	_ =	sdelay $0x1  }
0x91: {  	v20 =	vadd.f32 v23, v20;
	_ =	sdelay $0x1  }
0x92: {  	v52 =	vld [tilespmem:s29+$0x10];
	[tilespmem:v22+s18+$0x0] =	vst.idx.msk $0xffff, v20  }
0x93: {  	v22 =	vld.idx.msk [tilespmem:v24+s18+$0x0], $0xffff  }
0x94: {  	v25 =	vld [tilespmem:s30+$0x20];
	_ =	sdelay $0x4  }
0x95: {  	v53 =	vadd.s32 v9, v12;
	v22 =	vmul.f32 $8.999999760e-01, v22;
	v25 =	vmul.f32 $1.000000010e-01, v25;
	_ =	sdelay $0x1  }
0x96: {  	v22 =	vadd.f32 v25, v22;
	_ =	sdelay $0x1  }
0x97: {  	v54 =	vld [tilespmem:s29+$0x20];
	[tilespmem:v24+s18+$0x0] =	vst.idx.msk $0xffff, v22  }
0x98: {  	v15 =	vmul.f32 v14, v48;
	v24 =	vld.idx.msk [tilespmem:v53+s18+$0x0], $0xf  }
0x99: {  	v26 =	vld [tilespmem:s30+$0x30]  }
0x9a: {  	v15 =	vadd.f32 $0.0e+00, v15;
	v17 =	vmul.f32 v13, v49;
	_ =	sdelay $0x1  }
0x9b: {  	v15 =	vadd.f32 v17, v15;
	v19 =	vmul.f32 v16, v50  }
0x9c: {  	v55 =	vmul.f32 v18, v51;
	v56 =	vld [tilespmem:s29+$0x30]  }
0x9d: {  	v15 =	vadd.f32 v19, v15;
	v57 =	vmul.f32 $8.999999760e-01, v24;
	v58 =	vmul.f32 $1.000000010e-01, v26;
	_ =	sdelay $0x1  }
0x9e: {  	v15 =	vadd.f32 v55, v15;
	v23 =	vmul.f32 v20, v52;
	v59 =	vadd.f32 v58, v57;
	_ =	sdelay $0x1  }
0x9f: {  	v15 =	vadd.f32 v23, v15;
	v60 =	vmul.f32 v22, v54;
	v21 =	vmul.f32 v59, v56;
	_ =	sdelay $0x1  }
0xa0: {  	v15 =	vadd.f32 v60, v15;
	v61 =	vmul.f32 v10, v21;
	_ =	sdelay $0x1  }
0xa1: {  	v15 =	vadd.f32 v61, v15;
	_ =	sdelay $0x1  }
0xa2: {  	(xrf2) =	vadd.scan.msk.f32 $0xffff, v15;
	_ =	sdelay $0x9  }
0xa3: {  	v15, _, _ =	vpop (xrf2)  }
0xa4: {  	(v2sf) =	vpush v15, $0xF;
	_ =	sdelay $0x5  }
0xa5: {  	v13 =	vmax.f32 v14, v13  }
0xa6: {  	v13 =	vmax.f32 v13, v16  }
0xa7: {  	v13 =	vmax.f32 v13, v18  }
0xa8: {  	v13 =	vmax.f32 v13, v20  }
0xa9: {  	v13 =	vmax.f32 v13, v22;
	v62 =	vnsel vm2, $0xFF800000, v59  }
0xaa: {  	v13 =	vmax.f32 v13, v62  }
0xab: {  	(xrf0) =	vmax.scan.msk.f32 $0xffff, v13;
	_ =	sdelay $0x1  }
0xac: {  	[tilespmem:v53+s18+$0x0] =	vst.idx.msk $0xf, v59  }
0xad: {  	v12 =	vld [tilespmem:$0x1F200];
	s31 =	spop (v2sf)  }
0xae: {  	s0 =	ssub.f32 $0.0e+00, s31;
	_ =	sdelay $0x1  }
0xaf: {  	v13, _, _ =	vpop (xrf0);
	v63 =	vmov s0  }
0xb0: {  	v13 =	vbroadcast v13, $0xF;
	v14 =	vnsel vm0, $0x0, v63  }
0xb1: {  	v12 =	vadd.f32 v14, v12  }
0xb2: {  	v13 =	vnsel vm1, $0x0, v13  }
0xb3: {  	v12 =	vadd.f32 v12, v13;
	_ =	sdelay $0x1  }
0xb4: {  	[tilespmem:$0x1F200] =	vst v12  }
.LBB2_44:
0xb5: {  	s0 =	sadd.s32 s4, s26  }
0xb6: {  	[hbm4b:s0+s14] =	stream.strided.scatter [tilespmem:s18], [sflag:$0x2], $0xD000, s16, s14, $0x38;
	[tilespmem:$0x1F280] =	vst v63  }
.LBB2_45:
0xb7: {  	p1 =	sne.s32 s25, s9  }
.Ltmp4:
0xb8: {  	_ = 	snop;
	(pc) =	sbr.rel @!p1 .LBB2_46-.Ltmp4, $3  }
0xb9: {  	_ =	sdelay $0x1  }
0xba: {  	s0 =	sadd.s32 $0x1, s25  }
0xbb: {  	s25 =	smov.u32 s0  }
.LBB2_4:
.Ltmp5:
0xbc: {  	(pc) =	sbr.rel @p0 .LBB2_19-.Ltmp5, $3  }
0xbd: {  	_ =	sdelay $0x1  }
0xbe: {  	s0 =	sshll.u32 s25, $0xE  }
0xbf: {  	s28 =	simm.s32 $0x0;
	s26 =	sor.u32 s8, s0  }
.Ltmp6:
0xc0: {  	(pc) =	sbr.rel .LBB2_6-.Ltmp6, $3  }
0xc1: {  	_ =	sdelay $0x1  }
0xc2: {  	s0 =	sadd.s32 $0x200, s26  }
0xc3: {  	v12 =	vmov s26;
	s29 =	simm.s32 $0x0;
	v13 =	vmov s0;
	s0 =	simm.s32 $0x0  }
.LBB2_7:
0xc4: {  	s28 =	smov.u32 s0  }
.LBB2_18:
0xc5: {  	s29 =	sadd.s32 $0x1, s29  }
0xc6: {  	p1 =	sne.s32 s29, s24  }
.Ltmp7:
0xc7: {  	_ = 	snop;
	(pc) =	sbr.rel @!p1 .LBB2_19-.Ltmp7, $1  }
0xc8: {  	_ =	sdelay $0x3  }
.LBB2_6:
0xc9: {  	s3 =	sshll.u32 s29, $0x4  }
0xca: {  	v14 =	vld [tilespmem:s3+$0x1080];
	_ =	sdelay $0x3  }
0xcb: {  	v15 =	vor.u32 s3, v2  }
0xcc: {  	vm3 =	vlt.s32 v15, v11;
	vm4 =	vlt.s32 v14, v13  }
0xcd: {  	vm5 =	vge.s32 v14, v12;
	vm3 =	vmand vm4, vm3  }
0xce: {  	vm3 =	vmand vm3, vm5  }
0xcf: {  	v15 =	vmpcnt.ones.xlane vm3;
	_ =	sdelay $0x1  }
0xd0: {  	v15 =	vxor.u32 $0x80000000, v15  }
0xd1: {  	(xrf0) =	vmax.scan.msk.u32 $0xffff, v15;
	_ =	sdelay $0x5  }
0xd2: {  	v15, _, _ =	vpop (xrf0)  }
0xd3: {  	(v2sf) =	vpush v15, $0xF;
	_ =	sdelay $0xe  }
0xd4: {  	s2 =	spop (v2sf)  }
0xd5: {  	p1 =	slt.u32 s2, $0x80000001  }
.Ltmp8:
0xd6: {  	_ = 	snop;
	(pc) =	sbr.rel @p1 .LBB2_7-.Ltmp8, $2  }
0xd7: {  	_ =	sdelay $0x2  }
0xd8: {  	v15 =	vld [tilespmem:s3+$0x2100]  }
0xd9: {  	s2 =	sand.u32 $0x7FFFFFFF, s2  }
0xda: {  	p4 =	sne.s32 s2, $0x1  }
.Ltmp9:
0xdb: {  	_ = 	snop;
	(pc) =	sbr.rel @!p4 .LBB2_9-.Ltmp9, $4  }
0xdc: {  	s3 =	sshll.u32 s0, $0x9;
	s22 =	sshll.u32 s0, $0x2  }
0xdd: {  	p1 =	por $0x0, $0x0;
	p2 =	por $0x0, $0x0;
	p3 =	por $0x0, $0x0  }
0xde: {  	s28 =	sadd.s32 s0, s2;
	s10 =	sshra.s32 s3, $0x2;
	s30 =	sshra.s32 s22, $0x2  }
0xdf: {  	s0 =	sadd.s32 $0xFFFFFFFF, s2;
	s3 =	sadd.s32 $0x1D180, s10;
	s31 =	sadd.s32 $0x1E180, s10  }
0xe0: {  	p4 =	sne.s32 s0, $0x1  }
.Ltmp10:
0xe1: {  	_ = 	snop;
	(pc) =	sbr.rel @!p4 .LBB2_11-.Ltmp10, $2  }
0xe2: {  	_ =	sdelay $0x2  }
0xe3: {  	v16 =	vmctz.xlane vm3;
	s0 =	sadd.s32 $0xFFFFFFFF, s0;
	p1 =	por $0x1, $0x1  }
0xe4: {  	_ = 	snop  }
0xe5: {  	v16 =	vxor.u32 $0x80000000, v16  }
0xe6: {  	(xrf0) =	vmax.scan.msk.u32 $0xffff, v16;
	_ =	sdelay $0x5  }
0xe7: {  	v16, _, _ =	vpop (xrf0)  }
0xe8: {  	(v2sf) =	vpush v16, $0xF;
	_ =	sdelay $0xe  }
0xe9: {  	s2 =	spop (v2sf)  }
0xea: {  	p4 =	sne.s32 s0, $0x1;
	s2 =	sxor.u32 $0x80000000, s2  }
.Ltmp11:
0xeb: {  	v16 =	vmov s2;
	(pc) =	sbr.rel @!p4 .LBB2_13-.Ltmp11, $4  }
0xec: {  	vm4 =	veq.s32 v16, v2  }
0xed: {  	vm5 =	vne.s32 v16, v2;
	v16 =	vnsel vm4, $0x0, v15  }
0xee: {  	v17 =	vnsel vm4, $0x0, v14;
	vm4 =	vmand vm3, vm5;
	(xrf0) =	vadd.scan.msk.s32 $0xffff, v16  }
0xef: {  	s0 =	sadd.s32 $0xFFFFFFFF, s0;
	p2 =	por $0x1, $0x1;
	v16 =	vmctz.xlane vm4;
	(xrf0) =	vadd.scan.msk.s32 $0xffff, v17  }
0xf0: {  	_ = 	snop  }
0xf1: {  	v16 =	vxor.u32 $0x80000000, v16  }
0xf2: {  	(xrf0) =	vmax.scan.msk.u32 $0xffff, v16;
	_ =	sdelay $0x2  }
0xf3: {  	v16, _, _ =	vpop (xrf0)  }
0xf4: {  	(v2sf) =	vpush v16, $0xF  }
0xf5: {  	v17, _, _ =	vpop (xrf0)  }
0xf6: {  	(v2sf) =	vpush v17, $0xF;
	v16, _, _ =	vpop (xrf0)  }
0xf7: {  	(v2sf) =	vpush v16, $0xF;
	_ =	sdelay $0xb  }
0xf8: {  	s2 =	spop (v2sf)  }
0xf9: {  	s2 =	sshll.u32 s2, $0x4  }
0xfa: {  	s10 =	spop (v2sf);
	s2 =	sand.u32 $0x1FFFFFF0, s2  }
0xfb: {  	s12 =	sadd.s32 s6, s2;
	s22 =	spop (v2sf)  }
0xfc: {  	[tilespmem:s3], [sflag:$0x3] =	stream.linear.gather [hbm4b:s12+s5], $0x80, $0x38;
	[tilespmem:$0x1F280] =	vst v63  }
0xfd: {  	p4 =	sne.s32 s0, $0x1;
	s22 =	sxor.u32 $0x80000000, s22  }
.Ltmp12:
0xfe: {  	v16 =	vmov s22;
	(pc) =	sbr.rel @!p4 .LBB2_15-.Ltmp12, $4  }
0xff: {  	p3 =	por $0x1, $0x1;
	s2 =	sadd.s32 s7, s2;
	vm5 =	veq.s32 v16, v2;
	vm6 =	vne.s32 v16, v2  }
0x100: {  	[tilespmem:s31], [sflag:$0x3] =	stream.linear.gather [hbm4b:s2+s5], $0x80, $0x38;
	v16 =	vnsel vm5, $0x0, v15;
	vm4 =	vmand vm4, vm6;
	[tilespmem:$0x1F280] =	vst v63  }
0x101: {  	s22 =	ssub.s32 s10, s26;
	s10 =	sadd.s32 $0xFFFFFFFF, s0;
	s0 =	smov.u32 s30;
	v17 =	vnsel vm5, $0x0, v14;
	(xrf0) =	vadd.scan.msk.s32 $0xffff, v16;
	v16 =	vmctz.xlane vm4  }
0x102: {  	s2 =	smov.u32 s31;
	[smem:s30] =	sst s22;
	s22 =	smov.u32 s3;
	(xrf0) =	vadd.scan.msk.s32 $0xffff, v17  }
.LBB2_16:
0x103: {  	p4 =	sne.s32 s10, $0x1;
	v16 =	vxor.u32 $0x80000000, v16  }
0x104: {  	(xrf0) =	vmax.scan.msk.u32 $0xffff, v16;
	_ =	sdelay $0x2  }
0x105: {  	v16, _, _ =	vpop (xrf0)  }
0x106: {  	v17, _, _ =	vpop (xrf0);
	(v2sf) =	vpush v16, $0xF  }
0x107: {  	(v2sf) =	vpush v17, $0xF  }
0x108: {  	v16, _, _ =	vpop (xrf0)  }
0x109: {  	(v2sf) =	vpush v16, $0xF;
	_ =	sdelay $0xb  }
0x10a: {  	s12 =	spop (v2sf)  }
0x10b: {  	s12 =	sshll.u32 s12, $0x4;
	s13 =	spop (v2sf)  }
0x10c: {  	s0 =	sadd.s32 $0x1, s0;
	s12 =	sand.u32 $0x1FFFFFF0, s12;
	s13 =	ssub.s32 s13, s26  }
0x10d: {  	s15 =	spop (v2sf);
	s21 =	sadd.s32 s6, s12;
	s12 =	sadd.s32 s7, s12  }
0x10e: {  	s22 =	sadd.s32 $0x80, s22;
	s15 =	sxor.u32 $0x80000000, s15;
	[smem:s0] =	sst s13  }
0x10f: {  	[tilespmem:s22], [sflag:$0x3] =	stream.linear.gather [hbm4b:s21+s5], $0x80, $0x38;
	[tilespmem:$0x1F280] =	vst v63  }
.Ltmp13:
0x110: {  	v16 =	vmov s15;
	(pc) =	sbr.rel @p4 .LBB2_16-.Ltmp13, $4  }
0x111: {  	s2 =	sadd.s32 $0x80, s2;
	vm5 =	veq.s32 v16, v2;
	vm6 =	vne.s32 v16, v2  }
0x112: {  	v17 =	vnsel vm5, $0x0, v14;
	v18 =	vnsel vm5, $0x0, v15;
	vm4 =	vmand vm4, vm6;
	[tilespmem:s2], [sflag:$0x3] =	stream.linear.gather [hbm4b:s12+s5], $0x80, $0x38;
	[tilespmem:$0x1F280] =	vst v63  }
0x113: {  	v16 =	vmctz.xlane vm4;
	(xrf0) =	vadd.scan.msk.s32 $0xffff, v18  }
0x114: {  	s10 =	sadd.s32 $0xFFFFFFFF, s10;
	(xrf0) =	vadd.scan.msk.s32 $0xffff, v17  }
.LBB2_17:
0x115: {  	v16 =	vxor.u32 @p1 $0x80000000, v16  }
0x116: {  	(xrf0) =	vmax.scan.msk.u32 @p1 $0xffff, v16;
	_ =	sdelay $0x3  }
0x117: {  	v16, _, _ =	vpop @p2 (xrf0)  }
0x118: {  	v17, _, _ =	vpop @p2 (xrf0);
	(v2sf) =	vpush @p2 v16, $0xF  }
0x119: {  	(v2sf) =	vpush @p2 v17, $0xF;
	v16, _, _ =	vpop @p1 (xrf0)  }
0x11a: {  	(v2sf) =	vpush @p1 v16, $0xF;
	_ =	sdelay $0xc  }
0x11b: {  	s10 =	spop @p2 (v2sf)  }
0x11c: {  	s12 =	spop @p2 (v2sf)  }
0x11d: {  	s13 =	spop @p1 (v2sf)  }
0x11e: {  	s13 =	sxor.u32 @p1 $0x80000000, s13  }
0x11f: {  	v16 =	vmov @p1 s13  }
0x120: {  	vm5 =	vne.s32 @p1 v16, v2  }
0x121: {  	vm4 =	vmand @p1 vm4, vm5  }
0x122: {  	vm5 =	veq.s32 @p1 v16, v2;
	vm3 =	vmmov @p1 vm4  }
0x123: {  	v16 =	vnsel @p1 vm5, $0x0, v15;
	v60 =	vmctz.xlane vm3  }
0x124: {  	v18 =	vnsel @p1 vm5, $0x0, v14;
	(xrf0) =	vadd.scan.msk.s32 @p1 $0xffff, v16  }
0x125: {  	(xrf0) =	vadd.scan.msk.s32 @p1 $0xffff, v18;
	v61 =	vxor.u32 $0x80000000, v60  }
0x126: {  	(xrf0) =	vmax.scan.msk.u32 $0xffff, v61;
	_ =	sdelay $0x3  }
0x127: {  	v16, _, _ =	vpop @p1 (xrf0)  }
0x128: {  	v17, _, _ =	vpop @p1 (xrf0);
	(v2sf) =	vpush @p1 v16, $0xF  }
0x129: {  	(v2sf) =	vpush @p1 v17, $0xF;
	v62, _, _ =	vpop (xrf0)  }
0x12a: {  	(v2sf) =	vpush v62, $0xF;
	_ =	sdelay $0xc  }
0x12b: {  	s13 =	spop @p1 (v2sf)  }
0x12c: {  	s15 =	spop @p1 (v2sf)  }
0x12d: {  	s21 =	spop (v2sf)  }
0x12e: {  	s21 =	sxor.u32 $0x80000000, s21  }
0x12f: {  	v63 =	vmov s21  }
0x130: {  	vm3 =	veq.s32 v63, v2  }
0x131: {  	v15 =	vnsel vm3, $0x0, v15  }
0x132: {  	(xrf0) =	vadd.scan.msk.s32 $0xffff, v15  }
0x133: {  	v14 =	vnsel vm3, $0x0, v14  }
0x134: {  	(xrf0) =	vadd.scan.msk.s32 $0xffff, v14;
	_ =	sdelay $0x3  }
0x135: {  	v14, _, _ =	vpop (xrf0)  }
0x136: {  	(v2sf) =	vpush v14, $0xF  }
0x137: {  	s10 =	sshll.u32 @p2 s10, $0x4;
	v14, _, _ =	vpop (xrf0)  }
0x138: {  	s10 =	sand.u32 @p2 $0x1FFFFFF0, s10;
	s21 =	sadd.s32 @p3 $0x80, s22;
	s22 =	smov.u32 s3;
	(v2sf) =	vpush v14, $0xF  }
0x139: {  	s22 =	smov.u32 @p3 s21;
	s21 =	sadd.s32 @p2 s6, s10  }
0x13a: {  	[tilespmem:s22], [sflag:$0x3] =	stream.linear.gather @p2 [hbm4b:s21+s5], $0x80, $0x38;
	[tilespmem:$0x1F280] =	vst v63  }
0x13b: {  	s2 =	sadd.s32 @p3 $0x80, s2;
	s21 =	smov.u32 s31  }
0x13c: {  	s10 =	sadd.s32 @p2 s7, s10;
	s21 =	smov.u32 @p3 s2;
	s2 =	sshll.u32 @p1 s13, $0x4  }
0x13d: {  	[tilespmem:s21], [sflag:$0x3] =	stream.linear.gather @p2 [hbm4b:s10+s5], $0x80, $0x38;
	[tilespmem:$0x1F280] =	vst v63  }
0x13e: {  	s0 =	sadd.s32 @p3 $0x1, s0;
	s2 =	sand.u32 @p1 $0x1FFFFFF0, s2  }
0x13f: {  	s13 =	smov.u32 s3;
	s10 =	sadd.s32 @p2 $0x80, s22;
	s22 =	sadd.s32 @p1 s6, s2  }
0x140: {  	s13 =	smov.u32 @p2 s10;
	s10 =	sadd.s32 @p2 $0x80, s21;
	s21 =	smov.u32 s31  }
0x141: {  	[tilespmem:s13], [sflag:$0x3] =	stream.linear.gather @p1 [hbm4b:s22+s5], $0x80, $0x38;
	[tilespmem:$0x1F280] =	vst v63  }
0x142: {  	s2 =	sadd.s32 @p1 s7, s2;
	s21 =	smov.u32 @p2 s10;
	s10 =	smov.u32 s30  }
0x143: {  	[tilespmem:s21], [sflag:$0x3] =	stream.linear.gather @p1 [hbm4b:s2+s5], $0x80, $0x38;
	[tilespmem:$0x1F280] =	vst v63  }
0x144: {  	s10 =	smov.u32 @p3 s0;
	s2 =	ssub.s32 @p2 s12, s26  }
0x145: {  	[smem:s10] =	sst @p2 s2;
	s12 =	spop (v2sf)  }
0x146: {  	s2 =	ssub.s32 @p1 s15, s26;
	s10 =	sadd.s32 @p2 $0x1, s10;
	s0 =	sshll.u32 s12, $0x4  }
0x147: {  	s12 =	sadd.s32 @p1 $0x80, s13;
	s22 =	spop (v2sf);
	s0 =	sand.u32 $0x1FFFFFF0, s0  }
0x148: {  	s3 =	smov.u32 @p1 s12;
	s12 =	smov.u32 s30;
	s15 =	sadd.s32 s6, s0  }
0x149: {  	[tilespmem:s3], [sflag:$0x3] =	stream.linear.gather [hbm4b:s15+s5], $0x80, $0x38;
	[tilespmem:$0x1F280] =	vst v63  }
.Ltmp14:
0x14a: {  	s12 =	smov.u32 @p2 s10;
	s10 =	sadd.s32 @p1 $0x80, s21;
	(pc) =	sbr.rel .LBB2_18-.Ltmp14, $4  }
0x14b: {  	s0 =	sadd.s32 s7, s0;
	s13 =	sadd.s32 @p1 $0x1, s12;
	s31 =	smov.u32 @p1 s10  }
0x14c: {  	[tilespmem:s31], [sflag:$0x3] =	stream.linear.gather [hbm4b:s0+s5], $0x80, $0x38;
	[tilespmem:$0x1F280] =	vst v63  }
0x14d: {  	[smem:s12] =	sst @p1 s2;
	s30 =	smov.u32 @p1 s13;
	s31 =	ssub.s32 s22, s26  }
0x14e: {  	s0 =	smov.u32 s28;
	[smem:s30] =	sst s31  }
.LBB2_9:
.Ltmp15:
0x14f: {  	(pc) =	sbr.rel .LBB2_17-.Ltmp15, $2  }
0x150: {  	_ =	sdelay $0x2  }
0x151: {  	s0 =	smov.u32 s30;
	s22 =	smov.u32 s3;
	s2 =	smov.u32 s31;
	vm4 =	vmmov vm3  }
.LBB2_11:
.Ltmp16:
0x152: {  	(pc) =	sbr.rel .LBB2_17-.Ltmp16, $2  }
0x153: {  	_ =	sdelay $0x2  }
0x154: {  	s0 =	smov.u32 s30;
	s22 =	smov.u32 s3;
	s2 =	smov.u32 s31;
	vm4 =	vmmov vm3  }
.LBB2_13:
.Ltmp17:
0x155: {  	(pc) =	sbr.rel .LBB2_17-.Ltmp17, $2  }
0x156: {  	_ =	sdelay $0x2  }
0x157: {  	s0 =	smov.u32 s30;
	s22 =	smov.u32 s3;
	s2 =	smov.u32 s31  }
.LBB2_15:
.Ltmp18:
0x158: {  	(pc) =	sbr.rel .LBB2_17-.Ltmp18, $2  }
0x159: {  	_ =	sdelay $0x2  }
0x15a: {  	s0 =	smov.u32 s30;
	s22 =	smov.u32 s3;
	s2 =	smov.u32 s31  }
.LBB2_19:
0x15b: {  	p1 =	sge.u32 s25, s9  }
.Ltmp19:
0x15c: {  	_ = 	snop;
	(pc) =	sbr.rel @p1 .LBB2_24-.Ltmp19, $1  }
0x15d: {  	_ =	sdelay $0x3  }
0x15e: {  	p1 =	seq.s32 s25, $0x0  }
0x15f: {  	s0 =	sand.u32 @!p1 $0x1, s25  }
0x160: {  	p2 =	seq.s32 @!p1 s0, $0x0  }
0x161: {  	p2 =	por p1, p2  }
.Ltmp20:
0x162: {  	_ = 	snop;
	(pc) =	sbr.rel @p2 .LBB2_22-.Ltmp20, $4  }
0x163: {  	s2 =	simm.s32 @!p1 $0x2  }
0x164: {  	_ =	swait.ge @!p1 [sflag:s2], $0xD000  }
0x165: {  	[sflag:s2] =	ssyncset.done @!p1 $0x0  }
0x166: {  	[sflag:s2] =	ssyncadd.s32 @!p1 $0xFFFF3000;
	s2 =	sadd.s32 @!p1 $0x4000, s26  }
.Ltmp21:
0x167: {  	(pc) =	sbr.rel .LBB2_23-.Ltmp21, $2  }
0x168: {  	_ =	sdelay $0x2  }
0x169: {  	s2 =	sadd.s32 s1, s2  }
.LBB2_22:
0x16a: {  	s0 =	simm.s32 @p1 $0x0  }
0x16b: {  	s2 =	smov.u32 @p1 s11;
	p1 =	seq.s32 s0, $0x0  }
.Ltmp22:
0x16c: {  	_ = 	snop;
	(pc) =	sbr.rel @p1 .LBB2_24-.Ltmp22, $3  }
0x16d: {  	_ =	sdelay $0x1  }
0x16e: {  	s2 =	sadd.s32 s1, s2  }
0x16f: {  	[tilespmem:s18], [sflag:$0x1] =	stream.strided.gather [hbm4b:s2+s14], $0xD000, s16, s14, $0x38;
	[tilespmem:$0x1F280] =	vst v63  }
.LBB2_23:
0x170: {  	[tilespmem:s17], [sflag:$0x1] =	stream.strided.gather [hbm4b:s2+s14], $0xD000, s16, s14, $0x38;
	[tilespmem:$0x1F280] =	vst v63  }
.LBB2_24:
0x171: {  	p1 =	slt.s32 s28, $0x1  }
.Ltmp23:
0x172: {  	_ = 	snop;
	(pc) =	sbr.rel @p1 .LBB2_28-.Ltmp23, $1  }
0x173: {  	_ =	sdelay $0x3  }
0x174: {  	p2 =	sne.s32 s28, $0x1  }
.Ltmp24:
0x175: {  	_ =	swait.ge [sflag:s19], $0x80;
	(pc) =	sbr.rel @!p2 .LBB2_27-.Ltmp24, $4  }
0x176: {  	[sflag:s19] =	ssyncset.done $0x0  }
0x177: {  	[sflag:s19] =	ssyncadd.s32 $0xFFFFFF80  }
0x178: {  	_ =	swait.ge [sflag:s19], $0x80  }
0x179: {  	s0 =	sadd.s32 $0xFFFFFFFF, s28;
	[sflag:s19] =	ssyncset.done $0x0  }
.LBB2_26:
0x17a: {  	p2 =	sne.s32 s0, $0x1;
	s0 =	sadd.s32 $0xFFFFFFFF, s0;
	[sflag:s19] =	ssyncadd.s32 $0xFFFFFF80  }
.Ltmp25:
0x17b: {  	_ =	swait.ge [sflag:s19], $0x80;
	(pc) =	sbr.rel @p2 .LBB2_26-.Ltmp25, $4  }
0x17c: {  	[sflag:s19] =	ssyncset.done $0x0  }
0x17d: {  	[sflag:s19] =	ssyncadd.s32 $0xFFFFFF80  }
0x17e: {  	_ =	swait.ge [sflag:s19], $0x80  }
0x17f: {  	[sflag:s19] =	ssyncset.done $0x0  }
.LBB2_27:
0x180: {  	[sflag:s19] =	ssyncadd.s32 $0xFFFFFF80  }
.LBB2_28:
0x181: {  	s29 =	sand.u32 $0x1, s25  }
0x182: {  	p2 =	seq.s32 s29, $0x1  }
.Ltmp26:
0x183: {  	_ = 	snop;
	(pc) =	sbr.rel @p2 .LBB2_37-.Ltmp26, $4  }
0x184: {  	_ = 	snop  }
0x185: {  	_ =	swait.ge [sflag:s20], $0xD000  }
0x186: {  	[sflag:s20] =	ssyncset.done $0x0  }
0x187: {  	[sflag:s20] =	ssyncadd.s32 $0xFFFF3000  }
.Ltmp27:
0x188: {  	(pc) =	sbr.rel @p1 .LBB2_36-.Ltmp27, $1  }
0x189: {  	_ =	sdelay $0x3  }
0x18a: {  	s0 =	sld [smem:$0x0];
	_ =	sdelay $0x1  }
0x18b: {  	p3 =	sne.s32 s28, $0x1  }
.Ltmp28:
0x18c: {  	v12 =	vmov s0;
	(pc) =	sbr.rel @!p3 .LBB2_31-.Ltmp28, $4  }
0x18d: {  	v13 =	vshll.u32 v12, $0x3  }
0x18e: {  	v12 =	vand.u32 $0x7F, v12;
	v13 =	vand.u32 $0xFFFFFC00, v13  }
0x18f: {  	s30 =	simm.s32 $0x1E1B0;
	v12 =	vor.u32 v12, v13  }
0x190: {  	s31 =	simm.s32 $0x1D1B0;
	p2 =	por $0x0, $0x0;
	s0 =	sadd.s32 $0xFFFFFFFF, s28;
	v13 =	vadd.s32 v3, v12  }
0x191: {  	_ =	sdelay $0x3  }
0x192: {  	v14 =	vld.idx.msk [tilespmem:v13+s17+$0x0], $0xffff  }
0x193: {  	v15 =	vld [tilespmem:s31+$0xFFFFFFD0];
	_ =	sdelay $0x4  }
0x194: {  	v16 =	vadd.s32 v4, v12;
	v14 =	vmul.f32 $8.999999760e-01, v14;
	v15 =	vmul.f32 $1.000000010e-01, v15;
	_ =	sdelay $0x1  }
0x195: {  	v14 =	vadd.f32 v15, v14;
	_ =	sdelay $0x1  }
0x196: {  	v15 =	vld [tilespmem:s30+$0xFFFFFFD0];
	[tilespmem:v13+s17+$0x0] =	vst.idx.msk $0xffff, v14  }
0x197: {  	v13 =	vld.idx.msk [tilespmem:v16+s17+$0x0], $0xffff  }
0x198: {  	v17 =	vld [tilespmem:s31+$0xFFFFFFE0];
	_ =	sdelay $0x4  }
0x199: {  	v18 =	vadd.s32 v5, v12;
	v13 =	vmul.f32 $8.999999760e-01, v13;
	v17 =	vmul.f32 $1.000000010e-01, v17;
	_ =	sdelay $0x1  }
0x19a: {  	v13 =	vadd.f32 v17, v13;
	_ =	sdelay $0x1  }
0x19b: {  	v51 =	vld [tilespmem:s30+$0xFFFFFFE0];
	[tilespmem:v16+s17+$0x0] =	vst.idx.msk $0xffff, v13  }
0x19c: {  	v16 =	vld.idx.msk [tilespmem:v18+s17+$0x0], $0xffff  }
0x19d: {  	v19 =	vld [tilespmem:s31+$0xFFFFFFF0];
	_ =	sdelay $0x4  }
0x19e: {  	v20 =	vadd.s32 v6, v12;
	v16 =	vmul.f32 $8.999999760e-01, v16;
	v19 =	vmul.f32 $1.000000010e-01, v19;
	_ =	sdelay $0x1  }
0x19f: {  	v16 =	vadd.f32 v19, v16;
	_ =	sdelay $0x1  }
0x1a0: {  	v52 =	vld [tilespmem:s30+$0xFFFFFFF0];
	[tilespmem:v18+s17+$0x0] =	vst.idx.msk $0xffff, v16  }
0x1a1: {  	v18 =	vld.idx.msk [tilespmem:v20+s17+$0x0], $0xffff  }
0x1a2: {  	v21 =	vld [tilespmem:s31+$0x0];
	_ =	sdelay $0x4  }
0x1a3: {  	v22 =	vadd.s32 v7, v12;
	v18 =	vmul.f32 $8.999999760e-01, v18;
	v21 =	vmul.f32 $1.000000010e-01, v21;
	_ =	sdelay $0x1  }
0x1a4: {  	v18 =	vadd.f32 v21, v18;
	_ =	sdelay $0x1  }
0x1a5: {  	v53 =	vld [tilespmem:s30+$0x0];
	[tilespmem:v20+s17+$0x0] =	vst.idx.msk $0xffff, v18  }
0x1a6: {  	v20 =	vld.idx.msk [tilespmem:v22+s17+$0x0], $0xffff  }
0x1a7: {  	v23 =	vld [tilespmem:s31+$0x10];
	_ =	sdelay $0x4  }
0x1a8: {  	v24 =	vadd.s32 v8, v12;
	v20 =	vmul.f32 $8.999999760e-01, v20;
	v23 =	vmul.f32 $1.000000010e-01, v23;
	_ =	sdelay $0x1  }
0x1a9: {  	v20 =	vadd.f32 v23, v20;
	_ =	sdelay $0x1  }
0x1aa: {  	v54 =	vld [tilespmem:s30+$0x10];
	[tilespmem:v22+s17+$0x0] =	vst.idx.msk $0xffff, v20  }
0x1ab: {  	v22 =	vld.idx.msk [tilespmem:v24+s17+$0x0], $0xffff  }
0x1ac: {  	v25 =	vld [tilespmem:s31+$0x20];
	_ =	sdelay $0x4  }
0x1ad: {  	v12 =	vadd.s32 v9, v12;
	v22 =	vmul.f32 $8.999999760e-01, v22;
	v25 =	vmul.f32 $1.000000010e-01, v25;
	_ =	sdelay $0x1  }
0x1ae: {  	v22 =	vadd.f32 v25, v22;
	_ =	sdelay $0x1  }
0x1af: {  	v55 =	vld [tilespmem:s30+$0x20];
	[tilespmem:v24+s17+$0x0] =	vst.idx.msk $0xffff, v22  }
0x1b0: {  	v15 =	vmul.f32 v14, v15;
	v24 =	vld.idx.msk [tilespmem:v12+s17+$0x0], $0xf  }
0x1b1: {  	v26 =	vld [tilespmem:s31+$0x30]  }
0x1b2: {  	v15 =	vadd.f32 $0.0e+00, v15;
	v17 =	vmul.f32 v13, v51;
	_ =	sdelay $0x1  }
0x1b3: {  	v15 =	vadd.f32 v17, v15;
	v19 =	vmul.f32 v16, v52  }
0x1b4: {  	v56 =	vmul.f32 v18, v53;
	v57 =	vld [tilespmem:s30+$0x30]  }
0x1b5: {  	v15 =	vadd.f32 v19, v15;
	v58 =	vmul.f32 $8.999999760e-01, v24;
	v59 =	vmul.f32 $1.000000010e-01, v26;
	_ =	sdelay $0x1  }
0x1b6: {  	v15 =	vadd.f32 v56, v15;
	v23 =	vmul.f32 v20, v54;
	v60 =	vadd.f32 v59, v58;
	_ =	sdelay $0x1  }
0x1b7: {  	v15 =	vadd.f32 v23, v15;
	v61 =	vmul.f32 v22, v55;
	v21 =	vmul.f32 v60, v57;
	_ =	sdelay $0x1  }
0x1b8: {  	v15 =	vadd.f32 v61, v15;
	v62 =	vmul.f32 v10, v21;
	_ =	sdelay $0x1  }
0x1b9: {  	v15 =	vadd.f32 v62, v15;
	_ =	sdelay $0x1  }
0x1ba: {  	(xrf2) =	vadd.scan.msk.f32 $0xffff, v15;
	_ =	sdelay $0x9  }
0x1bb: {  	v15, _, _ =	vpop (xrf2)  }
0x1bc: {  	(v2sf) =	vpush v15, $0xF  }
0x1bd: {  	v13 =	vmax.f32 v14, v13  }
0x1be: {  	v13 =	vmax.f32 v13, v16  }
0x1bf: {  	v13 =	vmax.f32 v13, v18  }
0x1c0: {  	v13 =	vmax.f32 v13, v20  }
0x1c1: {  	v13 =	vmax.f32 v13, v22;
	v14 =	vnsel vm2, $0xFF800000, v60  }
0x1c2: {  	v13 =	vmax.f32 v13, v14  }
0x1c3: {  	(xrf0) =	vmax.scan.msk.f32 $0xffff, v13;
	_ =	sdelay $0x5  }
0x1c4: {  	[tilespmem:v12+s17+$0x0] =	vst.idx.msk $0xf, v60;
	v13, _, _ =	vpop (xrf0)  }
0x1c5: {  	v12 =	vld [tilespmem:$0x1F200];
	s2 =	sld [smem:$0x1]  }
0x1c6: {  	s3 =	spop (v2sf)  }
0x1c7: {  	s3 =	ssub.f32 $0.0e+00, s3  }
0x1c8: {  	v14 =	vmov s2  }
0x1c9: {  	p3 =	sne.s32 s0, $0x1;
	v13 =	vbroadcast v13, $0xF;
	v63 =	vshll.u32 v14, $0x3;
	v15 =	vmov s3  }
.Ltmp29:
0x1ca: {  	v14 =	vand.u32 $0x7F, v14;
	v16 =	vand.u32 $0xFFFFFC00, v63;
	v15 =	vnsel vm0, $0x0, v15;
	(pc) =	sbr.rel @!p3 .LBB2_33-.Ltmp29, $4  }
0x1cb: {  	v15 =	vadd.f32 v15, v12;
	v12 =	vor.u32 v14, v16  }
0x1cc: {  	v14 =	vnsel vm1, $0x0, v13;
	v13 =	vadd.s32 v3, v12  }
0x1cd: {  	s0 =	sadd.s32 $0xFFFFFFFF, s0;
	p2 =	por $0x1, $0x1  }
0x1ce: {  	s22 =	simm.s32 $0x1D1B0;
	s2 =	simm.s32 $0x1;
	s3 =	simm.s32 $0x1E1B0;
	v14 =	vadd.f32 v15, v14  }
.LBB2_34:
0x1cf: {  	_ = 	snop  }
0x1d0: {  	p3 =	sne.s32 s0, $0x1;
	s3 =	sadd.s32 $0x80, s3;
	s22 =	sadd.s32 $0x80, s22;
	[tilespmem:$0x1F200] =	vst v14  }
0x1d1: {  	s0 =	sadd.s32 $0xFFFFFFFF, s0;
	v14 =	vld.idx.msk [tilespmem:v13+s17+$0x0], $0xffff  }
0x1d2: {  	v15 =	vld [tilespmem:s22+$0xFFFFFFD0];
	_ =	sdelay $0x4  }
0x1d3: {  	v16 =	vadd.s32 v4, v12;
	v14 =	vmul.f32 $8.999999760e-01, v14;
	v15 =	vmul.f32 $1.000000010e-01, v15;
	_ =	sdelay $0x1  }
0x1d4: {  	v14 =	vadd.f32 v15, v14  }
0x1d5: {  	v15 =	vld [tilespmem:s3+$0xFFFFFFD0]  }
0x1d6: {  	[tilespmem:v13+s17+$0x0] =	vst.idx.msk $0xffff, v14  }
0x1d7: {  	v13 =	vld.idx.msk [tilespmem:v16+s17+$0x0], $0xffff  }
0x1d8: {  	v17 =	vld [tilespmem:s22+$0xFFFFFFE0];
	_ =	sdelay $0x1  }
0x1d9: {  	v15 =	vmul.f32 v14, v15;
	_ =	sdelay $0x2  }
0x1da: {  	v18 =	vadd.s32 v5, v12;
	v13 =	vmul.f32 $8.999999760e-01, v13;
	v17 =	vmul.f32 $1.000000010e-01, v17;
	_ =	sdelay $0x1  }
0x1db: {  	v13 =	vadd.f32 v17, v13  }
0x1dc: {  	v17 =	vld [tilespmem:s3+$0xFFFFFFE0]  }
0x1dd: {  	[tilespmem:v16+s17+$0x0] =	vst.idx.msk $0xffff, v13;
	v14 =	vmax.f32 v14, v13  }
0x1de: {  	v16 =	vld.idx.msk [tilespmem:v18+s17+$0x0], $0xffff  }
0x1df: {  	v19 =	vld [tilespmem:s22+$0xFFFFFFF0];
	_ =	sdelay $0x1  }
0x1e0: {  	v13 =	vmul.f32 v13, v17;
	_ =	sdelay $0x2  }
0x1e1: {  	v16 =	vmul.f32 $8.999999760e-01, v16;
	v17 =	vmul.f32 $1.000000010e-01, v19;
	v19 =	vadd.s32 v6, v12;
	_ =	sdelay $0x1  }
0x1e2: {  	v16 =	vadd.f32 v17, v16  }
0x1e3: {  	v17 =	vld [tilespmem:s3+$0xFFFFFFF0]  }
0x1e4: {  	[tilespmem:v18+s17+$0x0] =	vst.idx.msk $0xffff, v16;
	v14 =	vmax.f32 v14, v16  }
0x1e5: {  	v18 =	vld.idx.msk [tilespmem:v19+s17+$0x0], $0xffff  }
0x1e6: {  	v20 =	vld [tilespmem:s22+$0x0];
	_ =	sdelay $0x1  }
0x1e7: {  	v16 =	vmul.f32 v16, v17;
	_ =	sdelay $0x2  }
0x1e8: {  	v17 =	vmul.f32 $8.999999760e-01, v18;
	v18 =	vmul.f32 $1.000000010e-01, v20;
	v20 =	vadd.s32 v7, v12;
	_ =	sdelay $0x1  }
0x1e9: {  	v17 =	vadd.f32 v18, v17  }
0x1ea: {  	v18 =	vld [tilespmem:s3+$0x0]  }
0x1eb: {  	[tilespmem:v19+s17+$0x0] =	vst.idx.msk $0xffff, v17  }
0x1ec: {  	v19 =	vld.idx.msk [tilespmem:v20+s17+$0x0], $0xffff  }
0x1ed: {  	v21 =	vld [tilespmem:s22+$0x10]  }
0x1ee: {  	v22 =	vld [tilespmem:s3+$0x10]  }
0x1ef: {  	v18 =	vmul.f32 v17, v18;
	_ =	sdelay $0x2  }
0x1f0: {  	v23 =	vadd.s32 v8, v12;
	v19 =	vmul.f32 $8.999999760e-01, v19;
	v21 =	vmul.f32 $1.000000010e-01, v21;
	_ =	sdelay $0x1  }
0x1f1: {  	v19 =	vadd.f32 v21, v19;
	_ =	sdelay $0x1  }
0x1f2: {  	[tilespmem:v20+s17+$0x0] =	vst.idx.msk $0xffff, v19;
	v20 =	vmul.f32 v19, v22  }
0x1f3: {  	v21 =	vld.idx.msk [tilespmem:v23+s17+$0x0], $0xffff  }
0x1f4: {  	v22 =	vld [tilespmem:s22+$0x20]  }
0x1f5: {  	v24 =	vld [tilespmem:s3+$0x20];
	_ =	sdelay $0x3  }
0x1f6: {  	v12 =	vadd.s32 v9, v12;
	v21 =	vmul.f32 $8.999999760e-01, v21;
	v22 =	vmul.f32 $1.000000010e-01, v22;
	_ =	sdelay $0x1  }
0x1f7: {  	v21 =	vadd.f32 v22, v21;
	_ =	sdelay $0x1  }
0x1f8: {  	[tilespmem:v23+s17+$0x0] =	vst.idx.msk $0xffff, v21;
	v22 =	vmul.f32 v21, v24  }
0x1f9: {  	v23 =	vld.idx.msk [tilespmem:v12+s17+$0x0], $0xf  }
0x1fa: {  	v24 =	vld [tilespmem:s22+$0x30]  }
0x1fb: {  	v15 =	vadd.f32 $0.0e+00, v15;
	v25 =	vld [tilespmem:s3+$0x30];
	_ =	sdelay $0x1  }
0x1fc: {  	v13 =	vadd.f32 v13, v15;
	_ =	sdelay $0x1  }
0x1fd: {  	v13 =	vadd.f32 v16, v13;
	v15 =	vmul.f32 $8.999999760e-01, v23;
	v16 =	vmul.f32 $1.000000010e-01, v24  }
0x1fe: {  	v14 =	vmax.f32 v14, v17  }
0x1ff: {  	v13 =	vadd.f32 v18, v13;
	v14 =	vmax.f32 v14, v19;
	v15 =	vadd.f32 v16, v15  }
0x200: {  	v14 =	vmax.f32 v14, v21  }
0x201: {  	v13 =	vadd.f32 v20, v13;
	[tilespmem:v12+s17+$0x0] =	vst.idx.msk $0xf, v15;
	v12 =	vmul.f32 v15, v25;
	v15 =	vnsel vm2, $0xFF800000, v15  }
0x202: {  	v14 =	vmax.f32 v14, v15;
	v15 =	vld [tilespmem:$0x1F200]  }
0x203: {  	v13 =	vadd.f32 v22, v13;
	v12 =	vmul.f32 v10, v12;
	(xrf0) =	vmax.scan.msk.f32 $0xffff, v14;
	_ =	sdelay $0x1  }
0x204: {  	v12 =	vadd.f32 v12, v13;
	_ =	sdelay $0x1  }
0x205: {  	(xrf2) =	vadd.scan.msk.f32 $0xffff, v12;
	_ =	sdelay $0x1  }
0x206: {  	v12, _, _ =	vpop (xrf0)  }
0x207: {  	v14 =	vbroadcast v12, $0xF;
	_ =	sdelay $0x6  }
0x208: {  	v12, _, _ =	vpop (xrf2)  }
0x209: {  	(v2sf) =	vpush v12, $0xF;
	_ =	sdelay $0xb  }
0x20a: {  	s2 =	sadd.s32 $0x1, s2  }
0x20b: {  	s10 =	sld [smem:s2+$0x0];
	_ =	sdelay $0x1  }
0x20c: {  	s12 =	spop (v2sf)  }
0x20d: {  	v12 =	vmov s10;
	s10 =	ssub.f32 $0.0e+00, s12  }
0x20e: {  	v13 =	vshll.u32 v12, $0x3  }
.Ltmp30:
0x20f: {  	v12 =	vand.u32 $0x7F, v12;
	v13 =	vand.u32 $0xFFFFFC00, v13;
	v16 =	vmov s10;
	(pc) =	sbr.rel @p3 .LBB2_34-.Ltmp30, $4  }
0x210: {  	v12 =	vor.u32 v12, v13;
	v16 =	vnsel vm0, $0x0, v16  }
0x211: {  	v13 =	vadd.s32 v3, v12;
	v15 =	vadd.f32 v16, v15  }
0x212: {  	v14 =	vnsel vm1, $0x0, v14  }
0x213: {  	v14 =	vadd.f32 v15, v14  }
.LBB2_35:
0x214: {  	_ =	sdelay $0x2  }
0x215: {  	s0 =	sadd.s32 @p2 $0x80, s22;
	[tilespmem:$0x1F200] =	vst @p2 v14  }
0x216: {  	s31 =	smov.u32 @p2 s0;
	v14 =	vld.idx.msk [tilespmem:v13+s17+$0x0], $0xffff  }
0x217: {  	v15 =	vld [tilespmem:s31+$0xFFFFFFD0];
	_ =	sdelay $0x4  }
0x218: {  	v16 =	vadd.s32 v4, v12;
	v14 =	vmul.f32 $8.999999760e-01, v14;
	v15 =	vmul.f32 $1.000000010e-01, v15;
	_ =	sdelay $0x1  }
0x219: {  	s0 =	sadd.s32 @p2 $0x80, s3;
	v14 =	vadd.f32 v15, v14  }
0x21a: {  	s30 =	smov.u32 @p2 s0  }
0x21b: {  	v48 =	vld [tilespmem:s30+$0xFFFFFFD0];
	[tilespmem:v13+s17+$0x0] =	vst.idx.msk $0xffff, v14  }
0x21c: {  	v13 =	vld.idx.msk [tilespmem:v16+s17+$0x0], $0xffff  }
0x21d: {  	v17 =	vld [tilespmem:s31+$0xFFFFFFE0];
	_ =	sdelay $0x4  }
0x21e: {  	v18 =	vadd.s32 v5, v12;
	v13 =	vmul.f32 $8.999999760e-01, v13;
	v17 =	vmul.f32 $1.000000010e-01, v17;
	_ =	sdelay $0x1  }
0x21f: {  	v13 =	vadd.f32 v17, v13;
	_ =	sdelay $0x1  }
0x220: {  	v49 =	vld [tilespmem:s30+$0xFFFFFFE0];
	[tilespmem:v16+s17+$0x0] =	vst.idx.msk $0xffff, v13  }
0x221: {  	v16 =	vld.idx.msk [tilespmem:v18+s17+$0x0], $0xffff  }
0x222: {  	v19 =	vld [tilespmem:s31+$0xFFFFFFF0];
	_ =	sdelay $0x4  }
0x223: {  	v20 =	vadd.s32 v6, v12;
	v16 =	vmul.f32 $8.999999760e-01, v16;
	v19 =	vmul.f32 $1.000000010e-01, v19;
	_ =	sdelay $0x1  }
0x224: {  	v16 =	vadd.f32 v19, v16;
	_ =	sdelay $0x1  }
0x225: {  	v50 =	vld [tilespmem:s30+$0xFFFFFFF0];
	[tilespmem:v18+s17+$0x0] =	vst.idx.msk $0xffff, v16  }
0x226: {  	v18 =	vld.idx.msk [tilespmem:v20+s17+$0x0], $0xffff  }
0x227: {  	v21 =	vld [tilespmem:s31+$0x0];
	_ =	sdelay $0x4  }
0x228: {  	v22 =	vadd.s32 v7, v12;
	v18 =	vmul.f32 $8.999999760e-01, v18;
	v21 =	vmul.f32 $1.000000010e-01, v21;
	_ =	sdelay $0x1  }
0x229: {  	v18 =	vadd.f32 v21, v18;
	_ =	sdelay $0x1  }
0x22a: {  	v51 =	vld [tilespmem:s30+$0x0];
	[tilespmem:v20+s17+$0x0] =	vst.idx.msk $0xffff, v18  }
0x22b: {  	v20 =	vld.idx.msk [tilespmem:v22+s17+$0x0], $0xffff  }
0x22c: {  	v23 =	vld [tilespmem:s31+$0x10];
	_ =	sdelay $0x4  }
0x22d: {  	v24 =	vadd.s32 v8, v12;
	v20 =	vmul.f32 $8.999999760e-01, v20;
	v23 =	vmul.f32 $1.000000010e-01, v23;
	_ =	sdelay $0x1  }
0x22e: {  	v20 =	vadd.f32 v23, v20;
	_ =	sdelay $0x1  }
0x22f: {  	v52 =	vld [tilespmem:s30+$0x10];
	[tilespmem:v22+s17+$0x0] =	vst.idx.msk $0xffff, v20  }
0x230: {  	v22 =	vld.idx.msk [tilespmem:v24+s17+$0x0], $0xffff  }
0x231: {  	v25 =	vld [tilespmem:s31+$0x20];
	_ =	sdelay $0x4  }
0x232: {  	v53 =	vadd.s32 v9, v12;
	v22 =	vmul.f32 $8.999999760e-01, v22;
	v25 =	vmul.f32 $1.000000010e-01, v25;
	_ =	sdelay $0x1  }
0x233: {  	v22 =	vadd.f32 v25, v22;
	_ =	sdelay $0x1  }
0x234: {  	v54 =	vld [tilespmem:s30+$0x20];
	[tilespmem:v24+s17+$0x0] =	vst.idx.msk $0xffff, v22  }
0x235: {  	v15 =	vmul.f32 v14, v48;
	v24 =	vld.idx.msk [tilespmem:v53+s17+$0x0], $0xf  }
0x236: {  	v26 =	vld [tilespmem:s31+$0x30]  }
0x237: {  	v15 =	vadd.f32 $0.0e+00, v15;
	v17 =	vmul.f32 v13, v49;
	_ =	sdelay $0x1  }
0x238: {  	v15 =	vadd.f32 v17, v15;
	v19 =	vmul.f32 v16, v50  }
0x239: {  	v55 =	vmul.f32 v18, v51;
	v56 =	vld [tilespmem:s30+$0x30]  }
0x23a: {  	v15 =	vadd.f32 v19, v15;
	v57 =	vmul.f32 $8.999999760e-01, v24;
	v58 =	vmul.f32 $1.000000010e-01, v26;
	_ =	sdelay $0x1  }
0x23b: {  	v15 =	vadd.f32 v55, v15;
	v23 =	vmul.f32 v20, v52;
	v59 =	vadd.f32 v58, v57;
	_ =	sdelay $0x1  }
0x23c: {  	v15 =	vadd.f32 v23, v15;
	v60 =	vmul.f32 v22, v54;
	v21 =	vmul.f32 v59, v56;
	_ =	sdelay $0x1  }
0x23d: {  	v15 =	vadd.f32 v60, v15;
	v61 =	vmul.f32 v10, v21;
	_ =	sdelay $0x1  }
0x23e: {  	v15 =	vadd.f32 v61, v15;
	_ =	sdelay $0x1  }
0x23f: {  	(xrf2) =	vadd.scan.msk.f32 $0xffff, v15;
	_ =	sdelay $0x9  }
0x240: {  	v15, _, _ =	vpop (xrf2)  }
0x241: {  	(v2sf) =	vpush v15, $0xF;
	_ =	sdelay $0x5  }
0x242: {  	v13 =	vmax.f32 v14, v13  }
0x243: {  	v13 =	vmax.f32 v13, v16  }
0x244: {  	v13 =	vmax.f32 v13, v18  }
0x245: {  	v13 =	vmax.f32 v13, v20  }
0x246: {  	v13 =	vmax.f32 v13, v22;
	v62 =	vnsel vm2, $0xFF800000, v59  }
0x247: {  	v13 =	vmax.f32 v13, v62  }
0x248: {  	(xrf0) =	vmax.scan.msk.f32 $0xffff, v13;
	_ =	sdelay $0x1  }
0x249: {  	[tilespmem:v53+s17+$0x0] =	vst.idx.msk $0xf, v59  }
0x24a: {  	v12 =	vld [tilespmem:$0x1F200];
	s31 =	spop (v2sf)  }
0x24b: {  	s0 =	ssub.f32 $0.0e+00, s31;
	_ =	sdelay $0x1  }
0x24c: {  	v13, _, _ =	vpop (xrf0);
	v63 =	vmov s0  }
0x24d: {  	v13 =	vbroadcast v13, $0xF;
	v14 =	vnsel vm0, $0x0, v63  }
0x24e: {  	v12 =	vadd.f32 v14, v12  }
0x24f: {  	v13 =	vnsel vm1, $0x0, v13  }
0x250: {  	v12 =	vadd.f32 v12, v13;
	_ =	sdelay $0x1  }
0x251: {  	[tilespmem:$0x1F200] =	vst v12  }
.LBB2_36:
0x252: {  	p2 =	seq.s32 s29, $0x0  }
.Ltmp31:
0x253: {  	_ = 	snop;
	(pc) =	sbr.rel @p2 .LBB2_45-.Ltmp31, $3  }
0x254: {  	_ =	sdelay $0x1  }
0x255: {  	s0 =	sadd.s32 s4, s26  }
0x256: {  	[hbm4b:s0+s14] =	stream.strided.scatter [tilespmem:s17], [sflag:$0x2], $0xD000, s16, s14, $0x38;
	[tilespmem:$0x1F280] =	vst v63  }
.LBB2_37:
.Ltmp32:
0x257: {  	(pc) =	sbr.rel @p1 .LBB2_44-.Ltmp32, $1  }
0x258: {  	_ =	sdelay $0x3  }
0x259: {  	s0 =	sld [smem:$0x0];
	_ =	sdelay $0x1  }
0x25a: {  	p2 =	sne.s32 s28, $0x1  }
.Ltmp33:
0x25b: {  	v12 =	vmov s0;
	(pc) =	sbr.rel @!p2 .LBB2_39-.Ltmp33, $4  }
0x25c: {  	v13 =	vshll.u32 v12, $0x3  }
0x25d: {  	v12 =	vand.u32 $0x7F, v12;
	v13 =	vand.u32 $0xFFFFFC00, v13  }
0x25e: {  	s29 =	simm.s32 $0x1E1B0;
	v12 =	vor.u32 v12, v13  }
0x25f: {  	s30 =	simm.s32 $0x1D1B0;
	p1 =	por $0x0, $0x0;
	s0 =	sadd.s32 $0xFFFFFFFF, s28;
	v13 =	vadd.s32 v3, v12  }
0x260: {  	_ =	sdelay $0x3  }
0x261: {  	v14 =	vld.idx.msk [tilespmem:v13+s18+$0x0], $0xffff  }
0x262: {  	v15 =	vld [tilespmem:s30+$0xFFFFFFD0];
	_ =	sdelay $0x4  }
0x263: {  	v16 =	vadd.s32 v4, v12;
	v14 =	vmul.f32 $8.999999760e-01, v14;
	v15 =	vmul.f32 $1.000000010e-01, v15;
	_ =	sdelay $0x1  }
0x264: {  	v14 =	vadd.f32 v15, v14;
	_ =	sdelay $0x1  }
0x265: {  	v15 =	vld [tilespmem:s29+$0xFFFFFFD0];
	[tilespmem:v13+s18+$0x0] =	vst.idx.msk $0xffff, v14  }
0x266: {  	v13 =	vld.idx.msk [tilespmem:v16+s18+$0x0], $0xffff  }
0x267: {  	v17 =	vld [tilespmem:s30+$0xFFFFFFE0];
	_ =	sdelay $0x4  }
0x268: {  	v18 =	vadd.s32 v5, v12;
	v13 =	vmul.f32 $8.999999760e-01, v13;
	v17 =	vmul.f32 $1.000000010e-01, v17;
	_ =	sdelay $0x1  }
0x269: {  	v13 =	vadd.f32 v17, v13;
	_ =	sdelay $0x1  }
0x26a: {  	v51 =	vld [tilespmem:s29+$0xFFFFFFE0];
	[tilespmem:v16+s18+$0x0] =	vst.idx.msk $0xffff, v13  }
0x26b: {  	v16 =	vld.idx.msk [tilespmem:v18+s18+$0x0], $0xffff  }
0x26c: {  	v19 =	vld [tilespmem:s30+$0xFFFFFFF0];
	_ =	sdelay $0x4  }
0x26d: {  	v20 =	vadd.s32 v6, v12;
	v16 =	vmul.f32 $8.999999760e-01, v16;
	v19 =	vmul.f32 $1.000000010e-01, v19;
	_ =	sdelay $0x1  }
0x26e: {  	v16 =	vadd.f32 v19, v16;
	_ =	sdelay $0x1  }
0x26f: {  	v52 =	vld [tilespmem:s29+$0xFFFFFFF0];
	[tilespmem:v18+s18+$0x0] =	vst.idx.msk $0xffff, v16  }
0x270: {  	v18 =	vld.idx.msk [tilespmem:v20+s18+$0x0], $0xffff  }
0x271: {  	v21 =	vld [tilespmem:s30+$0x0];
	_ =	sdelay $0x4  }
0x272: {  	v22 =	vadd.s32 v7, v12;
	v18 =	vmul.f32 $8.999999760e-01, v18;
	v21 =	vmul.f32 $1.000000010e-01, v21;
	_ =	sdelay $0x1  }
0x273: {  	v18 =	vadd.f32 v21, v18;
	_ =	sdelay $0x1  }
0x274: {  	v53 =	vld [tilespmem:s29+$0x0];
	[tilespmem:v20+s18+$0x0] =	vst.idx.msk $0xffff, v18  }
0x275: {  	v20 =	vld.idx.msk [tilespmem:v22+s18+$0x0], $0xffff  }
0x276: {  	v23 =	vld [tilespmem:s30+$0x10];
	_ =	sdelay $0x4  }
0x277: {  	v24 =	vadd.s32 v8, v12;
	v20 =	vmul.f32 $8.999999760e-01, v20;
	v23 =	vmul.f32 $1.000000010e-01, v23;
	_ =	sdelay $0x1  }
0x278: {  	v20 =	vadd.f32 v23, v20;
	_ =	sdelay $0x1  }
0x279: {  	v54 =	vld [tilespmem:s29+$0x10];
	[tilespmem:v22+s18+$0x0] =	vst.idx.msk $0xffff, v20  }
0x27a: {  	v22 =	vld.idx.msk [tilespmem:v24+s18+$0x0], $0xffff  }
0x27b: {  	v25 =	vld [tilespmem:s30+$0x20];
	_ =	sdelay $0x4  }
0x27c: {  	v12 =	vadd.s32 v9, v12;
	v22 =	vmul.f32 $8.999999760e-01, v22;
	v25 =	vmul.f32 $1.000000010e-01, v25;
	_ =	sdelay $0x1  }
0x27d: {  	v22 =	vadd.f32 v25, v22;
	_ =	sdelay $0x1  }
0x27e: {  	v55 =	vld [tilespmem:s29+$0x20];
	[tilespmem:v24+s18+$0x0] =	vst.idx.msk $0xffff, v22  }
0x27f: {  	v15 =	vmul.f32 v14, v15;
	v24 =	vld.idx.msk [tilespmem:v12+s18+$0x0], $0xf  }
0x280: {  	v26 =	vld [tilespmem:s30+$0x30]  }
0x281: {  	v15 =	vadd.f32 $0.0e+00, v15;
	v17 =	vmul.f32 v13, v51;
	_ =	sdelay $0x1  }
0x282: {  	v15 =	vadd.f32 v17, v15;
	v19 =	vmul.f32 v16, v52  }
0x283: {  	v56 =	vmul.f32 v18, v53;
	v57 =	vld [tilespmem:s29+$0x30]  }
0x284: {  	v15 =	vadd.f32 v19, v15;
	v58 =	vmul.f32 $8.999999760e-01, v24;
	v59 =	vmul.f32 $1.000000010e-01, v26;
	_ =	sdelay $0x1  }
0x285: {  	v15 =	vadd.f32 v56, v15;
	v23 =	vmul.f32 v20, v54;
	v60 =	vadd.f32 v59, v58;
	_ =	sdelay $0x1  }
0x286: {  	v15 =	vadd.f32 v23, v15;
	v61 =	vmul.f32 v22, v55;
	v21 =	vmul.f32 v60, v57;
	_ =	sdelay $0x1  }
0x287: {  	v15 =	vadd.f32 v61, v15;
	v62 =	vmul.f32 v10, v21;
	_ =	sdelay $0x1  }
0x288: {  	v15 =	vadd.f32 v62, v15;
	_ =	sdelay $0x1  }
0x289: {  	(xrf2) =	vadd.scan.msk.f32 $0xffff, v15;
	_ =	sdelay $0x9  }
0x28a: {  	v15, _, _ =	vpop (xrf2)  }
0x28b: {  	(v2sf) =	vpush v15, $0xF  }
0x28c: {  	v13 =	vmax.f32 v14, v13  }
0x28d: {  	v13 =	vmax.f32 v13, v16  }
0x28e: {  	v13 =	vmax.f32 v13, v18  }
0x28f: {  	v13 =	vmax.f32 v13, v20  }
0x290: {  	v13 =	vmax.f32 v13, v22;
	v14 =	vnsel vm2, $0xFF800000, v60  }
0x291: {  	v13 =	vmax.f32 v13, v14  }
0x292: {  	(xrf0) =	vmax.scan.msk.f32 $0xffff, v13;
	_ =	sdelay $0x5  }
0x293: {  	[tilespmem:v12+s18+$0x0] =	vst.idx.msk $0xf, v60;
	v13, _, _ =	vpop (xrf0)  }
0x294: {  	v12 =	vld [tilespmem:$0x1F200];
	s2 =	sld [smem:$0x1]  }
0x295: {  	s3 =	spop (v2sf)  }
0x296: {  	s3 =	ssub.f32 $0.0e+00, s3  }
0x297: {  	v14 =	vmov s2  }
0x298: {  	v13 =	vbroadcast v13, $0xF;
	v63 =	vshll.u32 v14, $0x3;
	v15 =	vmov s3  }
0x299: {  	p2 =	sne.s32 s0, $0x1;
	v14 =	vand.u32 $0x7F, v14;
	v16 =	vand.u32 $0xFFFFFC00, v63;
	v15 =	vnsel vm0, $0x0, v15  }
.Ltmp34:
0x29a: {  	v15 =	vadd.f32 v15, v12;
	v12 =	vor.u32 v14, v16;
	(pc) =	sbr.rel @!p2 .LBB2_41-.Ltmp34, $3  }
0x29b: {  	v14 =	vnsel vm1, $0x0, v13;
	v13 =	vadd.s32 v3, v12;
	_ =	sdelay $0x1  }
0x29c: {  	s0 =	sadd.s32 $0xFFFFFFFF, s0;
	p1 =	por $0x1, $0x1;
	v14 =	vadd.f32 v15, v14  }
0x29d: {  	s22 =	simm.s32 $0x1D1B0;
	s2 =	simm.s32 $0x1;
	s3 =	simm.s32 $0x1E1B0  }
.LBB2_42:
0x29e: {  	p2 =	sne.s32 s0, $0x1;
	[tilespmem:$0x1F200] =	vst v14;
	s3 =	sadd.s32 $0x80, s3;
	s22 =	sadd.s32 $0x80, s22  }
0x29f: {  	s0 =	sadd.s32 $0xFFFFFFFF, s0;
	v14 =	vld.idx.msk [tilespmem:v13+s18+$0x0], $0xffff  }
0x2a0: {  	v15 =	vld [tilespmem:s22+$0xFFFFFFD0];
	_ =	sdelay $0x4  }
0x2a1: {  	v16 =	vadd.s32 v4, v12;
	v14 =	vmul.f32 $8.999999760e-01, v14;
	v15 =	vmul.f32 $1.000000010e-01, v15;
	_ =	sdelay $0x1  }
0x2a2: {  	v14 =	vadd.f32 v15, v14  }
0x2a3: {  	v15 =	vld [tilespmem:s3+$0xFFFFFFD0]  }
0x2a4: {  	[tilespmem:v13+s18+$0x0] =	vst.idx.msk $0xffff, v14  }
0x2a5: {  	v13 =	vld.idx.msk [tilespmem:v16+s18+$0x0], $0xffff  }
0x2a6: {  	v17 =	vld [tilespmem:s22+$0xFFFFFFE0];
	_ =	sdelay $0x1  }
0x2a7: {  	v15 =	vmul.f32 v14, v15;
	_ =	sdelay $0x2  }
0x2a8: {  	v18 =	vadd.s32 v5, v12;
	v13 =	vmul.f32 $8.999999760e-01, v13;
	v17 =	vmul.f32 $1.000000010e-01, v17;
	_ =	sdelay $0x1  }
0x2a9: {  	v13 =	vadd.f32 v17, v13  }
0x2aa: {  	v17 =	vld [tilespmem:s3+$0xFFFFFFE0]  }
0x2ab: {  	[tilespmem:v16+s18+$0x0] =	vst.idx.msk $0xffff, v13;
	v14 =	vmax.f32 v14, v13  }
0x2ac: {  	v16 =	vld.idx.msk [tilespmem:v18+s18+$0x0], $0xffff  }
0x2ad: {  	v19 =	vld [tilespmem:s22+$0xFFFFFFF0];
	_ =	sdelay $0x1  }
0x2ae: {  	v13 =	vmul.f32 v13, v17;
	_ =	sdelay $0x2  }
0x2af: {  	v16 =	vmul.f32 $8.999999760e-01, v16;
	v17 =	vmul.f32 $1.000000010e-01, v19;
	v19 =	vadd.s32 v6, v12;
	_ =	sdelay $0x1  }
0x2b0: {  	v16 =	vadd.f32 v17, v16  }
0x2b1: {  	v17 =	vld [tilespmem:s3+$0xFFFFFFF0]  }
0x2b2: {  	[tilespmem:v18+s18+$0x0] =	vst.idx.msk $0xffff, v16;
	v14 =	vmax.f32 v14, v16  }
0x2b3: {  	v18 =	vld.idx.msk [tilespmem:v19+s18+$0x0], $0xffff  }
0x2b4: {  	v20 =	vld [tilespmem:s22+$0x0];
	_ =	sdelay $0x1  }
0x2b5: {  	v16 =	vmul.f32 v16, v17;
	_ =	sdelay $0x2  }
0x2b6: {  	v17 =	vmul.f32 $8.999999760e-01, v18;
	v18 =	vmul.f32 $1.000000010e-01, v20;
	v20 =	vadd.s32 v7, v12;
	_ =	sdelay $0x1  }
0x2b7: {  	v17 =	vadd.f32 v18, v17  }
0x2b8: {  	v18 =	vld [tilespmem:s3+$0x0]  }
0x2b9: {  	[tilespmem:v19+s18+$0x0] =	vst.idx.msk $0xffff, v17  }
0x2ba: {  	v19 =	vld.idx.msk [tilespmem:v20+s18+$0x0], $0xffff  }
0x2bb: {  	v21 =	vld [tilespmem:s22+$0x10]  }
0x2bc: {  	v22 =	vld [tilespmem:s3+$0x10]  }
0x2bd: {  	v18 =	vmul.f32 v17, v18;
	_ =	sdelay $0x2  }
0x2be: {  	v23 =	vadd.s32 v8, v12;
	v19 =	vmul.f32 $8.999999760e-01, v19;
	v21 =	vmul.f32 $1.000000010e-01, v21;
	_ =	sdelay $0x1  }
0x2bf: {  	v19 =	vadd.f32 v21, v19;
	_ =	sdelay $0x1  }
0x2c0: {  	[tilespmem:v20+s18+$0x0] =	vst.idx.msk $0xffff, v19;
	v20 =	vmul.f32 v19, v22  }
0x2c1: {  	v21 =	vld.idx.msk [tilespmem:v23+s18+$0x0], $0xffff  }
0x2c2: {  	v22 =	vld [tilespmem:s22+$0x20]  }
0x2c3: {  	v24 =	vld [tilespmem:s3+$0x20];
	_ =	sdelay $0x3  }
0x2c4: {  	v12 =	vadd.s32 v9, v12;
	v21 =	vmul.f32 $8.999999760e-01, v21;
	v22 =	vmul.f32 $1.000000010e-01, v22;
	_ =	sdelay $0x1  }
0x2c5: {  	v21 =	vadd.f32 v22, v21;
	_ =	sdelay $0x1  }
0x2c6: {  	[tilespmem:v23+s18+$0x0] =	vst.idx.msk $0xffff, v21;
	v22 =	vmul.f32 v21, v24  }
0x2c7: {  	v23 =	vld.idx.msk [tilespmem:v12+s18+$0x0], $0xf  }
0x2c8: {  	v24 =	vld [tilespmem:s22+$0x30]  }
0x2c9: {  	v15 =	vadd.f32 $0.0e+00, v15;
	v25 =	vld [tilespmem:s3+$0x30];
	_ =	sdelay $0x1  }
0x2ca: {  	v13 =	vadd.f32 v13, v15;
	_ =	sdelay $0x1  }
0x2cb: {  	v13 =	vadd.f32 v16, v13;
	v15 =	vmul.f32 $8.999999760e-01, v23;
	v16 =	vmul.f32 $1.000000010e-01, v24  }
0x2cc: {  	v14 =	vmax.f32 v14, v17  }
0x2cd: {  	v13 =	vadd.f32 v18, v13;
	v14 =	vmax.f32 v14, v19;
	v15 =	vadd.f32 v16, v15  }
0x2ce: {  	v14 =	vmax.f32 v14, v21  }
0x2cf: {  	v13 =	vadd.f32 v20, v13;
	[tilespmem:v12+s18+$0x0] =	vst.idx.msk $0xf, v15;
	v12 =	vmul.f32 v15, v25;
	v15 =	vnsel vm2, $0xFF800000, v15  }
0x2d0: {  	v14 =	vmax.f32 v14, v15;
	v15 =	vld [tilespmem:$0x1F200]  }
0x2d1: {  	v13 =	vadd.f32 v22, v13;
	v12 =	vmul.f32 v10, v12;
	(xrf0) =	vmax.scan.msk.f32 $0xffff, v14;
	_ =	sdelay $0x1  }
0x2d2: {  	v12 =	vadd.f32 v12, v13;
	_ =	sdelay $0x1  }
0x2d3: {  	(xrf2) =	vadd.scan.msk.f32 $0xffff, v12;
	_ =	sdelay $0x1  }
0x2d4: {  	v12, _, _ =	vpop (xrf0)  }
0x2d5: {  	v14 =	vbroadcast v12, $0xF;
	_ =	sdelay $0x6  }
0x2d6: {  	v12, _, _ =	vpop (xrf2)  }
0x2d7: {  	(v2sf) =	vpush v12, $0xF;
	_ =	sdelay $0xb  }
0x2d8: {  	s2 =	sadd.s32 $0x1, s2  }
0x2d9: {  	s10 =	sld [smem:s2+$0x0];
	_ =	sdelay $0x1  }
0x2da: {  	s12 =	spop (v2sf)  }
0x2db: {  	v12 =	vmov s10;
	s10 =	ssub.f32 $0.0e+00, s12  }
0x2dc: {  	v13 =	vshll.u32 v12, $0x3  }
.Ltmp35:
0x2dd: {  	v12 =	vand.u32 $0x7F, v12;
	v13 =	vand.u32 $0xFFFFFC00, v13;
	v16 =	vmov s10;
	(pc) =	sbr.rel @p2 .LBB2_42-.Ltmp35, $4  }
0x2de: {  	v12 =	vor.u32 v12, v13;
	v16 =	vnsel vm0, $0x0, v16  }
0x2df: {  	v13 =	vadd.s32 v3, v12;
	v15 =	vadd.f32 v16, v15  }
0x2e0: {  	v14 =	vnsel vm1, $0x0, v14  }
0x2e1: {  	v14 =	vadd.f32 v15, v14  }
.Ltmp36:
0x2e2: {  	_ = 	snop;
	(pc) =	sbr.rel .LBB2_43-.Ltmp36, $1  }
0x2e3: {  	_ =	sdelay $0x3  }
.LBB2_41:
.Ltmp37:
0x2e4: {  	(pc) =	sbr.rel .LBB2_43-.Ltmp37, $2  }
0x2e5: {  	_ =	sdelay $0x2  }
0x2e6: {  	s3 =	simm.s32 $0x1E1B0;
	s22 =	simm.s32 $0x1D1B0  }
.LBB2_31:
.Ltmp38:
0x2e7: {  	(pc) =	sbr.rel .LBB2_35-.Ltmp38, $2  }
0x2e8: {  	_ =	sdelay $0x2  }
0x2e9: {  	s3 =	simm.s32 $0x1E1B0;
	s22 =	simm.s32 $0x1D1B0  }
.LBB2_33:
.Ltmp39:
0x2ea: {  	(pc) =	sbr.rel .LBB2_35-.Ltmp39, $2  }
0x2eb: {  	_ =	sdelay $0x2  }
0x2ec: {  	s3 =	simm.s32 $0x1E1B0;
	s22 =	simm.s32 $0x1D1B0  }
.LBB2_47:
0x2ed: {  	_ =	sfence.sel $0x180000  }
0x2ee: {  	[bflag:$0x0] =	sbarrier.arrive $0xFFFF  }
0x2ef: {  	_ =	strace $0x90000047  }
0x2f0: {  	s0 =	stileid.u32;
	[bflag:$0x2] =	sbarrier.arrive $0xFFFF  }
0x2f1: {  	p0 =	sne.s32 s0, $0x0;
	s0 =	rddreg [dreg:$0x4]  }
0x2f2: {  	s0 =	sadd.s32 @!p0 $0x100000, s0  }
0x2f3: {  	[sflag:s0] =	ssyncadd.tile.s32 @!p0 $0x1;
	_ =	shalt  }
.Lfunc_end2:
_tile_overlayer_lowered:
.L_overlay_start_2:
0x2f4: {  	(tag) =	ssettag $0x2  }
0x2f5: {  	s0 =	rddreg [dreg:$0x0];
	s2 =	stileid.u32  }
0x2f6: {  	s1 =	rddreg [dreg:$0x1];
	p0 =	sne.s32 s2, $0x0  }
0x2f7: {  	s3 =	rddreg [dreg:$0x2];
	[bflag:$0x3] =	sbarrier.arrive $0xFFFF;
	s2 =	simm.s32 @!p0 $0x1C04  }
0x2f8: {  	[timem:s3], [sflag:s2] =	dma.local @!p0 [hbm:s0], s1  }
0x2f9: {  	s0 =	simm.s32 @!p0 $0x4  }
0x2fa: {  	_ =	swait.ge @!p0 [sflag:s0], s1  }
0x2fb: {  	s1 =	ssub.s32 @!p0 $0x0, s1;
	[sflag:s0] =	ssyncset.done @!p0 $0x0  }
0x2fc: {  	[sflag:s0] =	ssyncadd.s32 @!p0 s1  }
0x2fd: {  	[bflag:$0x3] =	sbarrier.arrive $0xFFFF  }
0x2fe: {  	_ =	shalt  }

// kernel: gather_offload_async_start
scs
__scs_entry_jumppad:
0x0: {  	(pc) =	sbr.rel $0x88, $3  }
0x1: {  	(tag) =	ssettag $0x0;
	lr =	simm.s32 $0x1  }
0x2: {  	[smem:$0x3F9C] =	sst lr;
	_ =	strace $0xD0000000  }
0x3: {  	_ = 	snop  }
0x4: {  	_ = 	snop  }
0x5: {  	_ = 	snop  }
0x6: {  	_ = 	snop  }
0x7: {  	_ = 	snop  }
__scs_overlays_trampoline_lowered:
0x8: {  	[smem:$0x3FAB] =	sst s0  }
0x9: {  	[smem:$0x3FAC] =	sst s1  }
0xa: {  	[smem:$0x3FAD] =	sst s2  }
0xb: {  	[smem:$0x3FAE] =	sst s3  }
0xc: {  	[smem:$0x3FAF] =	sst s4  }
0xd: {  	[smem:$0x3FB0] =	sst s5  }
0xe: {  	[smem:$0x3FB1] =	sst s6  }
0xf: {  	[smem:$0x3FB2] =	sst s7  }
0x10: {  	[smem:$0x3FB3] =	sst s8  }
0x11: {  	[smem:$0x3FB4] =	sst s9;
	s0 =	simm.s32 @!p0 $0x0  }
0x12: {  	s1 =	sld [smem:$0x3F9A];
	s0 =	simm.s32 @p0 $0x1  }
0x13: {  	[smem:$0x3FB5] =	sst s0;
	s0 =	simm.s32 @!p1 $0x0  }
0x14: {  	s2 =	sld [smem:$0x3F99];
	s0 =	simm.s32 @p1 $0x1  }
0x15: {  	[smem:$0x3FB6] =	sst s0;
	s0 =	simm.s32 @!p2 $0x0  }
0x16: {  	s3 =	sld [smem:$0x3FDB];
	s0 =	simm.s32 @p2 $0x1  }
0x17: {  	s4 =	simm.s32 $0x1BF5;
	[smem:$0x3FB8] =	sst s0  }
0x18: {  	s0 =	sld [smem:$0x3F9B];
	_ =	swait.ge [sflag:s4], $0x0  }
0x19: {  	s7 =	sld [smem:$0x3F9C]  }
0x1a: {  	s8 =	sadd.s32 $0xFFFFE003, lr  }
0x1b: {  	s9 =	sadd.s32 $0xFFFFFEF7, lr;
	s5 =	simm.s32 $0xFFFFFFFF;
	p2 =	slt.u32 s8, $0xFFFFF086  }
0x1c: {  	p1 =	slt.u32 s9, $0xF7A;
	s5 =	simm.s32 @!p2 $0x0  }
0x1d: {  	s5 =	simm.s32 @p1 $0x1;
	p0 =	seq.s32 s7, s2  }
0x1e: {  	s7 =	smul.u32 @!p0 $0xF7A, s2;
	p2 =	seq.s32 @!p0 s5, $0x0  }
0x1f: {  	s9 =	smul.u32 $0xF7A, s1;
	s8 =	simm.s32 @!p0 $0x1BF5;
	p2 =	por !p2, p0  }
0x20: {  	[sflag:s8] =	ssyncset.s32 @!p0 $0xFFFFF086;
	s6 =	sadd.s32 @!p0 s3, s7;
	s7 =	simm.s32 @!p0 $0x108  }
0x21: {  	s3 =	sadd.s32 s3, s9;
	s6 =	sadd.s32 @!p0 $0x88, s6;
	s7 =	simm.s32 @p2 $0x1082  }
0x22: {  	[simem:s7], [sflag:s8] =	dma.local @!p0 [hbm:s6], $0xF7A  }
0x23: {  	s9 =	sor.u32 $0xD0000000, s2;
	s6 =	simm.s32 $0x108;
	_ =	swait.ge @!p0 [sflag:s8], $0x0  }
0x24: {  	s3 =	sadd.s32 $0x88, s3;
	s6 =	simm.s32 @!p1 $0x1082;
	[sflag:s4] =	ssyncset.s32 $0xFFFFF086  }
0x25: {  	[simem:s6], [sflag:s4] =	dma.local [hbm:s3], $0xF7A  }
0x26: {  	[smem:$0x3F9C] =	sst s1;
	(tag) =	ssettag s2;
	_ =	strace s9  }
0x27: {  	s1 =	sld [smem:$0x3FAC]  }
0x28: {  	s2 =	sld [smem:$0x3FAD]  }
0x29: {  	s4 =	sld [smem:$0x3FAF]  }
0x2a: {  	p0 =	seq.s32 s5, $0x0;
	s5 =	sld [smem:$0x3FB0]  }
0x2b: {  	s6 =	sld [smem:$0x3FB1]  }
0x2c: {  	s7 =	sld [smem:$0x3FB2]  }
0x2d: {  	s3 =	simm.s32 $0x108;
	s8 =	sld [smem:$0x3FB3]  }
0x2e: {  	s3 =	simm.s32 @!p0 $0x1082;
	s9 =	sld [smem:$0x3FB4]  }
0x2f: {  	lr =	sadd.s32 s0, s3;
	s0 =	sld [smem:$0x3FAB]  }
0x30: {  	s3 =	sld [smem:$0x3FAE]  }
0x31: {  	[smem:$0x3FB7] =	sst s10  }
0x32: {  	s10 =	sld [smem:$0x3FB5];
	_ =	sdelay $0x3  }
0x33: {  	p0 =	seq.s32 s10, $0x1;
	s10 =	sld [smem:$0x3FB7];
	_ =	sdelay $0x3  }
0x34: {  	[smem:$0x3FB7] =	sst s10  }
0x35: {  	s10 =	sld [smem:$0x3FB6];
	_ =	sdelay $0x3  }
0x36: {  	p1 =	seq.s32 s10, $0x1;
	s10 =	sld [smem:$0x3FB7];
	_ =	sdelay $0x3  }
0x37: {  	[smem:$0x3FB7] =	sst s10  }
0x38: {  	s10 =	sld [smem:$0x3FB8]  }
0x39: {  	_ = 	snop;
	(pc) =	sbr.ind lr, $3  }
0x3a: {  	_ = 	snop  }
0x3b: {  	_ = 	snop  }
0x3c: {  	p2 =	seq.s32 s10, $0x1;
	s10 =	sld [smem:$0x3FB7]  }
0x3d: {  	_ =	shalt  }
0x3e: {  	_ =	shalt  }
0x3f: {  	_ =	shalt  }
0x40: {  	_ =	shalt  }
0x41: {  	_ =	shalt  }
0x42: {  	_ =	shalt  }
0x43: {  	_ =	shalt  }
0x44: {  	_ =	shalt  }
0x45: {  	_ =	shalt  }
0x46: {  	_ =	shalt  }
0x47: {  	_ =	shalt  }
0x48: {  	_ =	shalt  }
0x49: {  	_ =	shalt  }
0x4a: {  	_ =	shalt  }
0x4b: {  	_ =	shalt  }
0x4c: {  	_ =	shalt  }
0x4d: {  	_ =	shalt  }
0x4e: {  	_ =	shalt  }
0x4f: {  	_ =	shalt  }
0x50: {  	_ =	shalt  }
0x51: {  	_ =	shalt  }
0x52: {  	_ =	shalt  }
0x53: {  	_ =	shalt  }
0x54: {  	_ =	shalt  }
0x55: {  	_ =	shalt  }
0x56: {  	_ =	shalt  }
0x57: {  	_ =	shalt  }
0x58: {  	_ =	shalt  }
0x59: {  	_ =	shalt  }
0x5a: {  	_ =	shalt  }
0x5b: {  	_ =	shalt  }
0x5c: {  	_ =	shalt  }
0x5d: {  	_ =	shalt  }
0x5e: {  	_ =	shalt  }
0x5f: {  	_ =	shalt  }
0x60: {  	_ =	shalt  }
0x61: {  	_ =	shalt  }
0x62: {  	_ =	shalt  }
0x63: {  	_ =	shalt  }
0x64: {  	_ =	shalt  }
0x65: {  	_ =	shalt  }
0x66: {  	_ =	shalt  }
0x67: {  	_ =	shalt  }
0x68: {  	_ =	shalt  }
0x69: {  	_ =	shalt  }
0x6a: {  	_ =	shalt  }
0x6b: {  	_ =	shalt  }
0x6c: {  	_ =	shalt  }
0x6d: {  	_ =	shalt  }
0x6e: {  	_ =	shalt  }
0x6f: {  	_ =	shalt  }
0x70: {  	_ =	shalt  }
0x71: {  	_ =	shalt  }
0x72: {  	_ =	shalt  }
0x73: {  	_ =	shalt  }
0x74: {  	_ =	shalt  }
0x75: {  	_ =	shalt  }
0x76: {  	_ =	shalt  }
0x77: {  	_ =	shalt  }
0x78: {  	_ =	shalt  }
0x79: {  	_ =	shalt  }
0x7a: {  	_ =	shalt  }
0x7b: {  	_ =	shalt  }
0x7c: {  	_ =	shalt  }
0x7d: {  	_ =	shalt  }
0x7e: {  	_ =	shalt  }
0x7f: {  	_ =	shalt  }
0x80: {  	_ =	shalt  }
0x81: {  	_ =	shalt  }
0x82: {  	_ =	shalt  }
0x83: {  	_ =	shalt  }
0x84: {  	_ =	shalt  }
0x85: {  	_ =	shalt  }
0x86: {  	_ =	shalt  }
0x87: {  	_ =	shalt  }
.Lfunc_end0:
.L_simem_size_0:
called_computation_lowered:
.L_overlay_start_0:
0x88: {  	s2 =	sld [smem:$0x3FD9]  }
0x89: {  	s3 =	sld [smem:$0x3FFE];
	_ =	sdelay $0x1  }
0x8a: {  	s1 =	srdreg.scid  }
0x8b: {  	s0 =	sand.u32 $0x1, s1  }
0x8c: {  	s16 =	sshll.u32 s0, $0xA;
	s2 =	sadd.s32 s3, s2  }
0x8d: {  	s2 =	sadd.s32 s2, s16  }
0x8e: {  	[smem:$0x3FC3] =	sst s2  }
0x8f: {  	_ = 	snop  }
0x90: {  	(tm) =	ssettm $0x1  }
0x91: {  	s17 =	sld [smem:$0x3FFB];
	_ =	sdelay $0x3  }
0x92: {  	_ =	strace s17  }
0x93: {  	s2 =	sld [smem:$0x3FFC];
	_ =	sdelay $0x3  }
0x94: {  	_ =	strace s2  }
0x95: {  	s2 =	sld [smem:$0x3FFD];
	_ =	sdelay $0x3  }
0x96: {  	_ =	strace s2  }
0x97: {  	_ =	strace $0x8FFFFFFF  }
0x98: {  	s18 =	sld [smem:$0x3FDB];
	_ =	sdelay $0x1  }
0x99: {  	s19 =	simm.s32 $_scs_section_size  }
0x9a: {  	s4 =	simm.s32 $_size__tile_overlayer_lowered;
	s5 =	simm.s32 $_tile_overlayer_lowered  }
0x9b: {  	s22 =	simm.s32 $0x1BFF;
	s21 =	sshll.u32 s5, $0x1;
	s2 =	sadd.s32 s19, s18  }
0x9c: {  	s6 =	simm.s32 $0x0;
	s20 =	sshll.u32 s4, $0x1;
	s4 =	sadd.s32 s21, s2  }
0x9d: {  	[timem:s6], [sflag:s22] =	dma.local [hbm:s4], s20  }
0x9e: {  	_ =	swait.ge [sflag:s22], s20  }
0x9f: {  	s3 =	ssub.s32 $0x0, s20;
	[sflag:s22] =	ssyncset.done $0x0  }
0xa0: {  	[sflag:s22] =	ssyncadd.s32 s3;
	_ =	sdelay $0x1  }
0xa1: {  	s23 =	simm.s32 $0x1B8B  }
0xa2: {  	_ =	swait.ge [sflag:s23], $0x1  }
0xa3: {  	[sflag:s23] =	ssyncset.done $0x0  }
0xa4: {  	s25 =	simm.s32 $0x1B8E;
	s24 =	sld [smem:$0x3FFE];
	[sflag:s23] =	ssyncadd.s32 $0xFFFFFFFF  }
0xa5: {  	s26 =	simm.s32 $execute0_lowered;
	[smem:$0x3FD2] =	sst s25  }
0xa6: {  	s4 =	sshll.u32 s26, $0x1;
	_ =	strace $0x80000049;
	[dreg:$0x1] =	wrdreg $0xFFFFFFFF  }
0xa7: {  	s28 =	simm.s32 $_size_execute0_lowered;
	s2 =	sadd.s32 s2, s4;
	[dreg:$0x0] =	wrdreg $0x0  }
0xa8: {  	s4 =	sshll.u32 s28, $0x1;
	[dreg:$0x2] =	wrdreg s2  }
0xa9: {  	[dreg:$0x3] =	wrdreg s4  }
0xaa: {  	[dreg:$0x4] =	wrdreg $0xC0  }
0xab: {  	_ =	task [dreg:s6], $0x5FFFF  }
0xac: {  	[dreg:$0x1] =	wrdreg $0xFFFFFFFF  }
0xad: {  	[dreg:$0x0] =	wrdreg $0x60  }
0xae: {  	[dreg:$0x2] =	wrdreg s24  }
0xaf: {  	[dreg:$0x3] =	wrdreg $0x9  }
0xb0: {  	_ =	task.clear_ibuf [dreg:s6], $0x4FFFF;
	_ =	strace $0x90000049  }
0xb1: {  	s29 =	simm.s32 $0x9;
	_ =	strace $0x8000004B  }
0xb2: {  	_ =	swait.ge [sflag:s29], $0x1  }
0xb3: {  	[sflag:s29] =	ssyncadd.s32 $0xFFFFFFFF  }
0xb4: {  	_ =	strace $0x9000004B  }
0xb5: {  	_ =	sfence  }
0xb6: {  	s30 =	sld [smem:$0x0];
	_ =	sdelay $0x2  }
0xb7: {  	s31 =	sshll.u32 s1, $0xD;
	s1 =	sshrl.u32 s1, $0x2  }
0xb8: {  	s3 =	sand.u32 $0x4000, s31;
	s1 =	sadd.s32 s1, s30  }
0xb9: {  	s0 =	sor.u32 s3, s0;
	s1 =	sshll.u32 s1, $0x11  }
0xba: {  	s0 =	sor.u32 s1, s0  }
0xbb: {  	s0 =	sadd.s32 $0x8F2B, s0  }
0xbc: {  	[sflag:s0] =	ssyncadd.remote.s32 $0x1  }
0xbd: {  	_ =	sfence.sel $0xFFFF  }
0xbe: {  	[dreg:$0x0] =	wrdreg $0xFFFFFFFF;
	(pc) =	sbr.abs _section_cstart, $3  }
0xbf: {  	[dreg:$0x1] =	wrdreg $0xFFFFFFFF  }
0xc0: {  	_ =	task.clear_ibuf [dreg:s6], $0x2FFFF;
	_ =	strace $0x9FFFFFFF  }
0xc1: {  	(tm) =	ssettm $0x7FFFFFFF  }
tec
execute0_lowered:
.L_overlay_start_1:
0x0: {  	(tag) =	ssettag $0x1  }
0x1: {  	s0 =	srdreg.scid;
	s5 =	rddreg [dreg:$0x0]  }
0x2: {  	s1 =	stileid.u32;
	s6 =	simm.s32 $0x1;
	s9 =	simm.s32 $0x1  }
0x3: {  	s10 =	simm.s32 $0x3;
	s13 =	simm.s32 $0x0;
	s2 =	sshll.u32 s0, $0x6  }
0x4: {  	s12 =	simm.s32 $0x0;
	s3 =	sshll.u32 s1, $0x7;
	s2 =	sand.u32 $0x40, s2  }
0x5: {  	s0 =	rddreg [dreg:$0x1];
	_ =	strace $0x8000004A;
	s2 =	sor.u32 s3, s2  }
0x6: {  	s4 =	sadd.s32 $0x1800, s5;
	[sflag:s6] =	ssyncpa.u1 $0x0;
	s8 =	ssub.s32 $0x1000, s2  }
.Ltmp0:
0x7: {  	s3 =	sadd.s32 $0x1A00, s5;
	s7 =	sand.u32 $0x7C0, s8;
	(pc) =	sbr.rel .LBB2_1-.Ltmp0, $4  }
0x8: {  	s5 =	sadd.s32 $0x11A00, s5;
	s11 =	smov.u32 s2;
	p0 =	sne.s32 s7, $0x0  }
0x9: {  	s8 =	sshrl.u32 s8, $0xB;
	s7 =	simm.s32 $0x2;
	s9 =	simm.s32 @!p0 $0x0  }
0xa: {  	[sflag:s7] =	ssyncpa.u1 $0x0;
	p0 =	por $0x0, $0x0;
	s8 =	sadd.s32 s9, s8  }
0xb: {  	vm0 =	vmmov $0xffff;
	[sflag:s10] =	ssyncpa.u1 $0x0;
	s10 =	simm.s32 $0x0;
	s9 =	sadd.s32 $0x1, s8  }
.LBB2_4:
0xc: {  	v5 =	vshrl.u32 v1, $0xC;
	v6 =	vshll.u32 v1, $0x7  }
0xd: {  	vm1 =	veq.s32 v1, $0x80000000;
	v58 =	vand.u32 $0x7F, v5;
	v59 =	vand.u32 $0x7FF80, v6  }
0xe: {  	v1 =	vsel vm1, $0xFFFFFFFF, v58;
	v5 =	vsel vm1, $0xFFFFFF80, v59  }
0xf: {  	v3 =	vor.u32 v4, v3;
	v60 =	vand.u32 $0xFFFFFC00, v5;
	v61 =	vand.u32 $0xFFFFFC00, v1  }
0x10: {  	v2 =	vor.u32 v2, v3;
	v63 =	vand.u32 $0x380, v5;
	v62 =	vadd.s32 v61, v60  }
0x11: {  	v1 =	vand.u32 $0x7F, v1;
	v3 =	vor.u32 v63, v62  }
0x12: {  	v1 =	vor.u32 v1, v3  }
0x13: {  	[tilespmem:s15], [sflag:$0x1] =	stream.indirect_vreg.gather [hbm4b:s3+s10], $0x1, v0, vm0, $0x4038;
	[tilespmem:$0x100] =	vst v63  }
0x14: {  	(ifvalue) =	ssetifvalue $0x7FFFFFFF  }
0x15: {  	[tilespmem:s16], [sflag:$0x1] =	stream.indirect_vreg.gather [hbm4b:s3+s10], $0x1, v2, vm0, $0x4038;
	[tilespmem:$0x100] =	vst v63  }
0x16: {  	s29 =	sadd.s32 $0x10, s16;
	(ifvalue) =	ssetifvalue $0x7FFFFFFF  }
0x17: {  	[tilespmem:s29], [sflag:$0x1] =	stream.indirect_vreg.gather [hbm4b:s3+s10], $0x1, v1, vm0, $0x4038;
	[tilespmem:$0x100] =	vst v63  }
0x18: {  	_ =	swait.ge [sflag:s6], $0x40  }
0x19: {  	s30 =	sshrl.u32 s13, $0x3;
	[sflag:s6] =	ssyncset.done $0x0  }
0x1a: {  	s31 =	sand.u32 $0x7, s13;
	s15 =	sadd.s32 s5, s30;
	[sflag:s6] =	ssyncadd.s32 $0xFFFFFFC0  }
0x1b: {  	[hbm4b:s15+s31] =	stream.linear.scatter [tilespmem:s14], [sflag:$0x3], $0x40, $0x38;
	[tilespmem:$0x100] =	vst v63  }
.LBB2_5:
0x1c: {  	s15 =	sadd.s32 $0x800, s11  }
0x1d: {  	p2 =	sgt.s32 s15, $0xFFF  }
0x1e: {  	s15 =	smov.u32 @p2 s2;
	p2 =	sne.s32 s12, s9  }
.Ltmp1:
0x1f: {  	p1 =	slt.u32 s12, $0x2;
	(pc) =	sbr.rel @!p2 .LBB2_6-.Ltmp1, $4  }
0x20: {  	s14 =	simm.s32 @!p1 $0x3  }
0x21: {  	s16 =	sadd.s32 $0x1, s12;
	_ =	swait.ge @!p1 [sflag:s14], $0x40  }
0x22: {  	s13 =	smov.u32 s11;
	p0 =	por !p0, !p0;
	[sflag:s14] =	ssyncset.done @!p1 $0x0  }
0x23: {  	s12 =	smov.u32 s16;
	s11 =	smov.u32 s15;
	[sflag:s14] =	ssyncadd.s32 @!p1 $0xFFFFFFC0  }
.LBB2_1:
0x24: {  	p1 =	sge.u32 s12, s8  }
0x25: {  	s14 =	sxor.u32 @!p1 $0xFFFFFFFF, s12  }
0x26: {  	s31 =	sadd.s32 $0xFFFFFFFF, s12;
	s15 =	sshrl.u32 @!p1 s11, $0x3;
	s14 =	sshll.u32 @!p1 s14, $0x6  }
0x27: {  	s16 =	sand.u32 @!p1 $0x7, s11;
	s15 =	sadd.s32 @!p1 s4, s15;
	s14 =	sand.u32 @!p1 $0x40, s14  }
0x28: {  	[tilespmem:s14], [sflag:$0x2] =	stream.linear.gather @!p1 [hbm4b:s15+s16], $0x40, $0x38;
	[tilespmem:$0x100] =	vst v63  }
0x29: {  	p1 =	sge.u32 s31, s8  }
.Ltmp2:
0x2a: {  	_ = 	snop;
	(pc) =	sbr.rel @p1 .LBB2_5-.Ltmp2, $1  }
0x2b: {  	_ =	sdelay $0x3  }
0x2c: {  	s14 =	simm.s32 $0x1  }
0x2d: {  	_ =	swait.ge [sflag:s7], $0x40;
	s14 =	simm.s32 @!p0 $0x0  }
0x2e: {  	[sflag:s7] =	ssyncset.done $0x0;
	s14 =	sshll.u32 s14, $0x6  }
0x2f: {  	[sflag:s7] =	ssyncadd.s32 $0xFFFFFFC0;
	(ifvalue) =	ssetifvalue $0x7FFFFFFF;
	v0 =	vld.msk [tilespmem:s14+$0x0 ss:$0x1], $0xffff;
	_ =	sdelay $0x4  }
0x30: {  	s15 =	sadd.s32 $0x10, s14;
	v2 =	vshrl.u32 v0, $0xC;
	v3 =	vshll.u32 v0, $0x7  }
0x31: {  	v1 =	vld.msk [tilespmem:s15+$0x0 ss:$0x1], $0xffff;
	vm1 =	veq.s32 v0, $0x80000000;
	v0 =	vand.u32 $0x7F, v2;
	v2 =	vand.u32 $0x7FF80, v3  }
0x32: {  	v0 =	vsel vm1, $0xFFFFFFFF, v0;
	v2 =	vsel vm1, $0xFFFFFF80, v2  }
0x33: {  	v3 =	vand.u32 $0xFFFFFC00, v2;
	v4 =	vand.u32 $0xFFFFFC00, v0  }
0x34: {  	v2 =	vand.u32 $0x380, v2;
	v3 =	vadd.s32 v4, v3  }
0x35: {  	v0 =	vand.u32 $0x7F, v0;
	v2 =	vor.u32 v2, v3  }
0x36: {  	v5 =	vshll.u32 v1, $0x7;
	v4 =	vshrl.u32 v1, $0xC;
	v0 =	vor.u32 v0, v2  }
0x37: {  	s16 =	sshll.u32 s12, $0x6;
	vm1 =	veq.s32 v1, $0x80000000;
	v1 =	vand.u32 $0x7F, v4;
	v4 =	vand.u32 $0x7FF80, v5  }
0x38: {  	s16 =	sand.u32 $0x40, s16;
	s18 =	sadd.s32 $0x10, s15;
	v3 =	vsel vm1, $0xFFFFFFFF, v1;
	v4 =	vsel vm1, $0xFFFFFF80, v4  }
0x39: {  	s17 =	simm.s32 $0x20;
	s15 =	sor.u32 $0x80, s14;
	s14 =	sor.u32 $0x80, s16;
	v1 =	vld.msk [tilespmem:s18+$0x0 ss:$0x1], $0xffff;
	v5 =	vand.u32 $0xFFFFFC00, v4;
	v6 =	vand.u32 $0xFFFFFC00, v3  }
0x3a: {  	s16 =	sadd.s32 $0x10, s15;
	s18 =	sadd.s32 $0x10, s18;
	(ifvalue) =	ssetifvalue $0x7FFFFFFF;
	v2 =	vand.u32 $0x7F, v3;
	v4 =	vand.u32 $0x380, v4;
	v3 =	vadd.s32 v6, v5  }
.LBB2_3:
0x3b: {  	[tilespmem:s15], [sflag:$0x1] =	stream.indirect_vreg.gather [hbm4b:s3+s10], $0x1, v0, vm0, $0x4038;
	[tilespmem:$0x100] =	vst v63  }
0x3c: {  	s17 =	sadd.s32 $0x10, s17  }
0x3d: {  	v3 =	vor.u32 v4, v3;
	p1 =	slt.u32 s17, $0x30  }
.Ltmp3:
0x3e: {  	v4 =	vshrl.u32 v1, $0xC;
	v5 =	vshll.u32 v1, $0x7;
	s15 =	smov.u32 s16;
	v0 =	vor.u32 v2, v3;
	v2 =	vmovc v1;
	v1 =	vld.msk [tilespmem:s18+$0x0 ss:$0x1], $0xffff;
	(pc) =	sbr.rel @p1 .LBB2_3-.Ltmp3, $4  }
0x3f: {  	v3 =	vand.u32 $0x7FF80, v5;
	vm1 =	veq.s32 v2, $0x80000000;
	v2 =	vand.u32 $0x7F, v4  }
0x40: {  	v4 =	vsel vm1, $0xFFFFFFFF, v2;
	v5 =	vsel vm1, $0xFFFFFF80, v3  }
0x41: {  	v2 =	vand.u32 $0x7F, v4;
	v3 =	vand.u32 $0xFFFFFC00, v5;
	v4 =	vand.u32 $0xFFFFFC00, v4  }
0x42: {  	s16 =	sadd.s32 $0x10, s16;
	s18 =	sadd.s32 $0x10, s18;
	v3 =	vadd.s32 v4, v3;
	v4 =	vand.u32 $0x380, v5;
	(ifvalue) =	ssetifvalue $0x7FFFFFFF  }
.Ltmp4:
0x43: {  	_ = 	snop;
	(pc) =	sbr.rel .LBB2_4-.Ltmp4, $1  }
0x44: {  	_ =	sdelay $0x3  }
.LBB2_6:
0x45: {  	_ =	sfence.sel $0x180000  }
0x46: {  	s2 =	simm.s32 $0x2;
	[bflag:$0x0] =	sbarrier.arrive $0xFFFF  }
0x47: {  	s30 =	simm.s32 $0x3;
	[sflag:s2] =	ssyncpa.u1 $0x1  }
0x48: {  	s31 =	simm.s32 $0x1;
	[sflag:s30] =	ssyncpa.u1 $0x1  }
0x49: {  	[sflag:s31] =	ssyncpa.u1 $0x1  }
0x4a: {  	p0 =	sne.s32 s1, $0x0;
	_ =	strace $0x9000004A  }
0x4b: {  	s0 =	sadd.s32 @!p0 $0x100000, s0;
	[bflag:$0x2] =	sbarrier.arrive $0xFFFF  }
0x4c: {  	[sflag:s0] =	ssyncadd.tile.s32 @!p0 $0x1;
	_ =	shalt  }
.Lfunc_end2:
_tile_overlayer_lowered:
.L_overlay_start_2:
0x4d: {  	(tag) =	ssettag $0x2  }
0x4e: {  	s0 =	rddreg [dreg:$0x0];
	s2 =	stileid.u32  }
0x4f: {  	s1 =	rddreg [dreg:$0x1];
	p0 =	sne.s32 s2, $0x0  }
0x50: {  	s3 =	rddreg [dreg:$0x2];
	[bflag:$0x3] =	sbarrier.arrive $0xFFFF;
	s2 =	simm.s32 @!p0 $0x1C01  }
0x51: {  	[timem:s3], [sflag:s2] =	dma.local @!p0 [hbm:s0], s1  }
0x52: {  	s0 =	simm.s32 @!p0 $0x1  }
0x53: {  	_ =	swait.ge @!p0 [sflag:s0], s1  }
0x54: {  	s1 =	ssub.s32 @!p0 $0x0, s1;
	[sflag:s0] =	ssyncset.done @!p0 $0x0  }
0x55: {  	[sflag:s0] =	ssyncadd.s32 @!p0 s1  }
0x56: {  	[bflag:$0x3] =	sbarrier.arrive $0xFFFF  }
0x57: {  	_ =	shalt  }

</sc_bundles>
